<compile_context>
chip_gen: v7x
topology: tpu7x:2x2x1
jax: 0.10.2.dev20260603
libtpu: 0.0.44.dev20260713+nightly
codegen_flags: <defaults>
</compile_context>

<pallas_src>
import functools

import jax
import jax.numpy as jnp
from jax import lax
from jax.experimental import pallas as pl
from jax.experimental.pallas import tpu as pltpu
from jax.experimental.pallas import tpu_sc as plsc

DIM = 1024
NC, NS, L = 2, 16, 16
NW = NC * NS
R = 32


def _sc_body(x_hbm, t_hbm, emb_hbm, out_hbm,
             embv, tv, xb0, xb1, si0, si1, so0, so1):
    wid = lax.axis_index("s") * NC + lax.axis_index("c")
    rows_per_w = x_hbm.shape[0] // NW
    nchunks = rows_per_w // R
    base = wid * rows_per_w

    pltpu.sync_copy(emb_hbm, embv)
    pltpu.sync_copy(t_hbm.at[pl.ds(base, rows_per_w)],
                    tv.at[pl.ds(0, rows_per_w)])

    bufs, si, so = [xb0, xb1], [si0, si1], [so0, so1]
    in_d, out_d = {}, {}

    def start_in(g):
        in_d[g] = pltpu.async_copy(
            x_hbm.at[pl.ds(base + g * R, R)], bufs[g & 1], si[g & 1])

    def start_out(g):
        out_d[g] = pltpu.async_copy(
            bufs[g & 1], out_hbm.at[pl.ds(base + g * R, R)], so[g & 1])

    start_in(0)
    for g in range(nchunks):
        buf = bufs[g & 1]
        if g + 1 < nchunks:
            if g >= 1:
                out_d[g - 1].wait()
            start_in(g + 1)
        in_d[g].wait()

        g0 = g * R

        @plsc.parallel_loop(0, R, step=1, unroll=2)
        def row_body(r, buf=buf, g0=g0):
            tval = tv[pl.ds(g0 + r, L)][0]

            @plsc.parallel_loop(0, DIM, step=L, unroll=8)
            def dim_body(cc):
                buf[r, pl.ds(cc, L)] = (
                    buf[r, pl.ds(cc, L)] + embv[tval, pl.ds(cc, L)])

        start_out(g)

    out_d[nchunks - 2].wait()
    out_d[nchunks - 1].wait()


def _sc_call(x2, t1, emb):
    rows = x2.shape[0]
    return pl.kernel(
        _sc_body,
        out_type=jax.ShapeDtypeStruct((rows, DIM), jnp.float32),
        mesh=plsc.VectorSubcoreMesh(core_axis_name="c", subcore_axis_name="s"),
        scratch_types=[
            pltpu.VMEM((3, DIM), jnp.float32),
            pltpu.VMEM((rows // NW + L,), jnp.int32),
            pltpu.VMEM((R, DIM), jnp.float32),
            pltpu.VMEM((R, DIM), jnp.float32),
            pltpu.SemaphoreType.DMA,
            pltpu.SemaphoreType.DMA,
            pltpu.SemaphoreType.DMA,
            pltpu.SemaphoreType.DMA,
        ],
    )(x2, t1, emb)


def kernel(x, t, emb):
    b, s, d = x.shape
    rows = b * s
    x2 = x.reshape(rows, d)
    t1 = t.astype(jnp.int32).reshape(rows)
    out = _sc_call(x2, t1, emb)
    return out.reshape(b, s, d)

# --- scband reference (transcript-rebuilt; emitter-appended) ---
"""Pipeline reference for scband-modality-type-embedding-37641093382389 (READ-ONLY COPY).

The authoritative reference and input builder live on the scoring server;
editing this copy changes nothing except your own understanding.
"""

import jax, jax.numpy as jnp
import numpy as np

DIM = 1024
NUM_TYPES = 3
B, S = 4, 8192

def setup_inputs(seed: int = 0) -> dict:
    key = jax.random.key(seed)
    k1, k2, k3 = jax.random.split(key, 3)
    x = jax.random.normal(k1, (B, S, DIM), dtype=jnp.float32)
    t = jax.random.randint(k2, (B, S), 0, NUM_TYPES, dtype=jnp.int64 if jax.config.jax_enable_x64 else jnp.int32)
    emb = jax.random.normal(k3, (NUM_TYPES, DIM), dtype=jnp.float32)
    return {"x": x, "t": t, "emb": emb}

def reference(x, t, emb):
    # x + embedding_lookup(t): gather rows of emb by token type and add
    return x + jnp.take(emb, t, axis=0)

if __name__ == "__main__":
    import jax
    _d = setup_inputs()
    print(jax.jit(kernel)(*tuple(_d.values())))

</pallas_src>

<mosaic_0001>
#map = affine_map<(d0, d1) -> (0, 0)>
#map1 = affine_map<(d0, d1) -> (0)>
module attributes {stable_mosaic.version = 14 : i64} {
  func.func @_sc_body(%arg0: i32, %arg1: i32, %arg2: memref<32768x1024xf32, #tpu.memory_space<hbm>>, %arg3: memref<32768xi32, #tpu.memory_space<hbm>>, %arg4: memref<3x1024xf32, #tpu.memory_space<hbm>>, %arg5: memref<32768x1024xf32, #tpu.memory_space<hbm>>, %arg6: memref<3x1024xf32, #tpu.memory_space<vmem>>, %arg7: memref<1040xi32, #tpu.memory_space<vmem>>, %arg8: memref<32x1024xf32, #tpu.memory_space<vmem>>, %arg9: memref<32x1024xf32, #tpu.memory_space<vmem>>, %arg10: memref<!tpu.dma_semaphore, #tpu.memory_space<semaphore_mem>>, %arg11: memref<!tpu.dma_semaphore, #tpu.memory_space<semaphore_mem>>, %arg12: memref<!tpu.dma_semaphore, #tpu.memory_space<semaphore_mem>>, %arg13: memref<!tpu.dma_semaphore, #tpu.memory_space<semaphore_mem>>) attributes {dimension_semantics = [#tpu.dimension_semantics<core_parallel>, #tpu.dimension_semantics<subcore_parallel>], iteration_bounds = array<i64: 2, 16>, scalar_prefetch = 0 : i64, scratch_operands = 8 : i64, tpu.core_type = #tpu.core_type<sc_vector_subcore>, window_params = [{transform_indices = #map}, {transform_indices = #map1}, {transform_indices = #map}, {transform_indices = #map}]} {
    %mul3A = arith.constant 2 : i32
    %mul3A_0 = arith.muli %arg1, %mul3A : i32
    %add3A = arith.addi %mul3A_0, %arg0 : i32
    %mul3A_1 = arith.constant 1024 : i32
    %mul3A_2 = arith.muli %add3A, %mul3A_1 : i32
    "tpu.region"() ({
      %run_scoped3A = tpu.sem_alloc : memref<!tpu.dma_semaphore, #tpu.memory_space<semaphore_mem>>
      tpu.enqueue_dma source(%arg4 : memref<3x1024xf32, #tpu.memory_space<hbm>>) target(%arg6 : memref<3x1024xf32, #tpu.memory_space<vmem>>) target_semaphore(%run_scoped3A : memref<!tpu.dma_semaphore, #tpu.memory_space<semaphore_mem>>)
      tpu.wait_dma2 semaphore(%run_scoped3A : memref<!tpu.dma_semaphore, #tpu.memory_space<semaphore_mem>>) src(%arg4 : memref<3x1024xf32, #tpu.memory_space<hbm>>) dst(%arg6 : memref<3x1024xf32, #tpu.memory_space<vmem>>)
      tpu.yield
    }) : () -> ()
    "tpu.region"() ({
      %run_scoped3A = tpu.sem_alloc : memref<!tpu.dma_semaphore, #tpu.memory_space<semaphore_mem>>
      %dma_start3A_736 = arith.constant 0 : i32
      %dma_start3A_737 = tpu.memref_slice %arg7[%dma_start3A_736] : memref<1040xi32, #tpu.memory_space<vmem>> -> memref<1024xi32, #tpu.memory_space<vmem>>
      %dma_start3A_738 = tpu.memref_slice %arg3[%mul3A_2] : memref<32768xi32, #tpu.memory_space<hbm>> -> memref<1024xi32, #tpu.memory_space<hbm>>
      %dma_start3A_739 = arith.constant 0 : i32
      %dma_start3A_740 = tpu.memref_slice %arg7[%dma_start3A_739] : memref<1040xi32, #tpu.memory_space<vmem>> -> memref<1024xi32, #tpu.memory_space<vmem>>
      %dma_start3A_741 = tpu.memref_slice %arg3[%mul3A_2] : memref<32768xi32, #tpu.memory_space<hbm>> -> memref<1024xi32, #tpu.memory_space<hbm>>
      tpu.enqueue_dma source(%dma_start3A_741 : memref<1024xi32, #tpu.memory_space<hbm>>) target(%dma_start3A_740 : memref<1024xi32, #tpu.memory_space<vmem>>) target_semaphore(%run_scoped3A : memref<!tpu.dma_semaphore, #tpu.memory_space<semaphore_mem>>)
      %dma_wait3A_742 = arith.constant 0 : i32
      %dma_wait3A_743 = tpu.memref_slice %arg7[%dma_wait3A_742] : memref<1040xi32, #tpu.memory_space<vmem>> -> memref<1024xi32, #tpu.memory_space<vmem>>
      %dma_wait3A_744 = tpu.memref_slice %arg3[%mul3A_2] : memref<32768xi32, #tpu.memory_space<hbm>> -> memref<1024xi32, #tpu.memory_space<hbm>>
      %dma_wait3A_745 = arith.constant 0 : i32
      %dma_wait3A_746 = tpu.memref_slice %arg7[%dma_wait3A_745] : memref<1040xi32, #tpu.memory_space<vmem>> -> memref<1024xi32, #tpu.memory_space<vmem>>
      %dma_wait3A_747 = tpu.memref_slice %arg3[%mul3A_2] : memref<32768xi32, #tpu.memory_space<hbm>> -> memref<1024xi32, #tpu.memory_space<hbm>>
      tpu.wait_dma2 semaphore(%run_scoped3A : memref<!tpu.dma_semaphore, #tpu.memory_space<semaphore_mem>>) src(%dma_wait3A_747 : memref<1024xi32, #tpu.memory_space<hbm>>) dst(%dma_wait3A_746 : memref<1024xi32, #tpu.memory_space<vmem>>)
      tpu.yield
    }) : () -> ()
    %add3A_3 = arith.constant 0 : i32
    %add3A_4 = arith.addi %mul3A_2, %add3A_3 : i32
    %dma_start3A = arith.constant 0 : i32
    %dma_start3A_5 = tpu.memref_slice %arg2[%add3A_4, %dma_start3A] : memref<32768x1024xf32, #tpu.memory_space<hbm>> -> memref<32x1024xf32, #tpu.memory_space<hbm>>
    %dma_start3A_6 = arith.constant 0 : i32
    %dma_start3A_7 = tpu.memref_slice %arg2[%add3A_4, %dma_start3A_6] : memref<32768x1024xf32, #tpu.memory_space<hbm>> -> memref<32x1024xf32, #tpu.memory_space<hbm>>
    tpu.enqueue_dma source(%dma_start3A_7 : memref<32x1024xf32, #tpu.memory_space<hbm>>) target(%arg8 : memref<32x1024xf32, #tpu.memory_space<vmem>>) target_semaphore(%arg10 : memref<!tpu.dma_semaphore, #tpu.memory_space<semaphore_mem>>)
    %add3A_8 = arith.constant 32 : i32
    %add3A_9 = arith.addi %mul3A_2, %add3A_8 : i32
    %dma_start3A_10 = arith.constant 0 : i32
    %dma_start3A_11 = tpu.memref_slice %arg2[%add3A_9, %dma_start3A_10] : memref<32768x1024xf32, #tpu.memory_space<hbm>> -> memref<32x1024xf32, #tpu.memory_space<hbm>>
    %dma_start3A_12 = arith.constant 0 : i32
    %dma_start3A_13 = tpu.memref_slice %arg2[%add3A_9, %dma_start3A_12] : memref<32768x1024xf32, #tpu.memory_space<hbm>> -> memref<32x1024xf32, #tpu.memory_space<hbm>>
    tpu.enqueue_dma source(%dma_start3A_13 : memref<32x1024xf32, #tpu.memory_space<hbm>>) target(%arg9 : memref<32x1024xf32, #tpu.memory_space<vmem>>) target_semaphore(%arg11 : memref<!tpu.dma_semaphore, #tpu.memory_space<semaphore_mem>>)
    %dma_wait3A = arith.constant 0 : i32
    %dma_wait3A_14 = tpu.memref_slice %arg2[%add3A_4, %dma_wait3A] : memref<32768x1024xf32, #tpu.memory_space<hbm>> -> memref<32x1024xf32, #tpu.memory_space<hbm>>
    %dma_wait3A_15 = arith.constant 0 : i32
    %dma_wait3A_16 = tpu.memref_slice %arg2[%add3A_4, %dma_wait3A_15] : memref<32768x1024xf32, #tpu.memory_space<hbm>> -> memref<32x1024xf32, #tpu.memory_space<hbm>>
    tpu.wait_dma2 semaphore(%arg10 : memref<!tpu.dma_semaphore, #tpu.memory_space<semaphore_mem>>) src(%dma_wait3A_16 : memref<32x1024xf32, #tpu.memory_space<hbm>>) dst(%arg8 : memref<32x1024xf32, #tpu.memory_space<vmem>>)
    %parallel_loop3A = arith.constant 0 : i32
    %parallel_loop3A_17 = arith.constant 32 : i32
    %parallel_loop3A_18 = arith.constant 1 : i32
    scf.for %parallel_loop3A_736 = %parallel_loop3A to %parallel_loop3A_17 step %parallel_loop3A_18  : i32 {
      %parallel_loop3A_737 = arith.constant 0 : i32
      %parallel_loop3A_738 = arith.addi %parallel_loop3A_737, %parallel_loop3A_736 : i32
      %parallel_loop3A_739 = arith.index_cast %parallel_loop3A_738 : i32 to index
      %parallel_loop3A_740 = tpu.vector_load %arg7[%parallel_loop3A_739] {strides = array<i32>} : memref<1040xi32, #tpu.memory_space<vmem>>, vector<16xi32>,
      %parallel_loop3A_741 = vector.shape_cast %parallel_loop3A_740 : vector<16xi32> to vector<16xi32>
      %parallel_loop3A_742 = vector.extract_strided_slice %parallel_loop3A_741 {offsets = [0], sizes = [1], strides = [1]} : vector<16xi32> to vector<1xi32>
      %parallel_loop3A_743 = vector.extract %parallel_loop3A_742[0] : i32 from vector<1xi32>
      %parallel_loop3A_744 = arith.constant 0 : i32
      %parallel_loop3A_745 = arith.constant 1024 : i32
      %parallel_loop3A_746 = arith.constant 16 : i32
      scf.for %parallel_loop3A_747 = %parallel_loop3A_744 to %parallel_loop3A_745 step %parallel_loop3A_746  : i32 {
        %parallel_loop3A_748 = arith.index_cast %parallel_loop3A_736 : i32 to index
        %parallel_loop3A_749 = arith.index_cast %parallel_loop3A_747 : i32 to index
        %parallel_loop3A_750 = tpu.vector_load %arg8[%parallel_loop3A_748, %parallel_loop3A_749] {strides = array<i32>} : memref<32x1024xf32, #tpu.memory_space<vmem>>, vector<1x16xf32>,
        %parallel_loop3A_751 = vector.shape_cast %parallel_loop3A_750 : vector<1x16xf32> to vector<16xf32>
        %parallel_loop3A_752 = arith.index_cast %parallel_loop3A_743 : i32 to index
        %parallel_loop3A_753 = arith.index_cast %parallel_loop3A_747 : i32 to index
        %parallel_loop3A_754 = tpu.vector_load %arg6[%parallel_loop3A_752, %parallel_loop3A_753] {strides = array<i32>} : memref<3x1024xf32, #tpu.memory_space<vmem>>, vector<1x16xf32>,
        %parallel_loop3A_755 = vector.shape_cast %parallel_loop3A_754 : vector<1x16xf32> to vector<16xf32>
        %parallel_loop3A_756 = arith.addf %parallel_loop3A_751, %parallel_loop3A_755 : vector<16xf32>
        %parallel_loop3A_757 = arith.index_cast %parallel_loop3A_736 : i32 to index
        %parallel_loop3A_758 = arith.index_cast %parallel_loop3A_747 : i32 to index
        %parallel_loop3A_759 = tpu.vector_load %arg8[%parallel_loop3A_757, %parallel_loop3A_758] {strides = array<i32>} : memref<32x1024xf32, #tpu.memory_space<vmem>>, vector<1x16xf32>,
        %parallel_loop3A_760 = vector.shape_cast %parallel_loop3A_759 : vector<1x16xf32> to vector<16xf32>
        %parallel_loop3A_761 = vector.shape_cast %parallel_loop3A_756 : vector<16xf32> to vector<1x16xf32>
        tpu.vector_store %arg8[%parallel_loop3A_757, %parallel_loop3A_758], %parallel_loop3A_761 {strides = array<i32>} : memref<32x1024xf32, #tpu.memory_space<vmem>>, vector<1x16xf32>,
      } {sc.loop_unroll_factor = 8 : i64, sc.parallel_access}
    } {sc.loop_unroll_factor = 2 : i64, sc.parallel_access}
    %add3A_19 = arith.constant 0 : i32
    %add3A_20 = arith.addi %mul3A_2, %add3A_19 : i32
    %dma_start3A_21 = arith.constant 0 : i32
    %dma_start3A_22 = tpu.memref_slice %arg5[%add3A_20, %dma_start3A_21] : memref<32768x1024xf32, #tpu.memory_space<hbm>> -> memref<32x1024xf32, #tpu.memory_space<hbm>>
    %dma_start3A_23 = arith.constant 0 : i32
    %dma_start3A_24 = tpu.memref_slice %arg5[%add3A_20, %dma_start3A_23] : memref<32768x1024xf32, #tpu.memory_space<hbm>> -> memref<32x1024xf32, #tpu.memory_space<hbm>>
    tpu.enqueue_dma source(%arg8 : memref<32x1024xf32, #tpu.memory_space<vmem>>) target(%dma_start3A_24 : memref<32x1024xf32, #tpu.memory_space<hbm>>) target_semaphore(%arg12 : memref<!tpu.dma_semaphore, #tpu.memory_space<semaphore_mem>>)
    %dma_wait3A_25 = arith.constant 0 : i32
    %dma_wait3A_26 = tpu.memref_slice %arg5[%add3A_20, %dma_wait3A_25] : memref<32768x1024xf32, #tpu.memory_space<hbm>> -> memref<32x1024xf32, #tpu.memory_space<hbm>>
    %dma_wait3A_27 = arith.constant 0 : i32
    %dma_wait3A_28 = tpu.memref_slice %arg5[%add3A_20, %dma_wait3A_27] : memref<32768x1024xf32, #tpu.memory_space<hbm>> -> memref<32x1024xf32, #tpu.memory_space<hbm>>
    tpu.wait_dma2 semaphore(%arg12 : memref<!tpu.dma_semaphore, #tpu.memory_space<semaphore_mem>>) src(%arg8 : memref<32x1024xf32, #tpu.memory_space<vmem>>) dst(%dma_wait3A_28 : memref<32x1024xf32, #tpu.memory_space<hbm>>)
    %add3A_29 = arith.constant 64 : i32
    %add3A_30 = arith.addi %mul3A_2, %add3A_29 : i32
    %dma_start3A_31 = arith.constant 0 : i32
    %dma_start3A_32 = tpu.memref_slice %arg2[%add3A_30, %dma_start3A_31] : memref<32768x1024xf32, #tpu.memory_space<hbm>> -> memref<32x1024xf32, #tpu.memory_space<hbm>>
    %dma_start3A_33 = arith.constant 0 : i32
    %dma_start3A_34 = tpu.memref_slice %arg2[%add3A_30, %dma_start3A_33] : memref<32768x1024xf32, #tpu.memory_space<hbm>> -> memref<32x1024xf32, #tpu.memory_space<hbm>>
    tpu.enqueue_dma source(%dma_start3A_34 : memref<32x1024xf32, #tpu.memory_space<hbm>>) target(%arg8 : memref<32x1024xf32, #tpu.memory_space<vmem>>) target_semaphore(%arg10 : memref<!tpu.dma_semaphore, #tpu.memory_space<semaphore_mem>>)
    %dma_wait3A_35 = arith.constant 0 : i32
    %dma_wait3A_36 = tpu.memref_slice %arg2[%add3A_9, %dma_wait3A_35] : memref<32768x1024xf32, #tpu.memory_space<hbm>> -> memref<32x1024xf32, #tpu.memory_space<hbm>>
    %dma_wait3A_37 = arith.constant 0 : i32
    %dma_wait3A_38 = tpu.memref_slice %arg2[%add3A_9, %dma_wait3A_37] : memref<32768x1024xf32, #tpu.memory_space<hbm>> -> memref<32x1024xf32, #tpu.memory_space<hbm>>
    tpu.wait_dma2 semaphore(%arg11 : memref<!tpu.dma_semaphore, #tpu.memory_space<semaphore_mem>>) src(%dma_wait3A_38 : memref<32x1024xf32, #tpu.memory_space<hbm>>) dst(%arg9 : memref<32x1024xf32, #tpu.memory_space<vmem>>)
    %parallel_loop3A_39 = arith.constant 0 : i32
    %parallel_loop3A_40 = arith.constant 32 : i32
    %parallel_loop3A_41 = arith.constant 1 : i32
    scf.for %parallel_loop3A_736 = %parallel_loop3A_39 to %parallel_loop3A_40 step %parallel_loop3A_41  : i32 {
      %parallel_loop3A_737 = arith.constant 32 : i32
      %parallel_loop3A_738 = arith.addi %parallel_loop3A_737, %parallel_loop3A_736 : i32
      %parallel_loop3A_739 = arith.index_cast %parallel_loop3A_738 : i32 to index
      %parallel_loop3A_740 = tpu.vector_load %arg7[%parallel_loop3A_739] {strides = array<i32>} : memref<1040xi32, #tpu.memory_space<vmem>>, vector<16xi32>,
      %parallel_loop3A_741 = vector.shape_cast %parallel_loop3A_740 : vector<16xi32> to vector<16xi32>
      %parallel_loop3A_742 = vector.extract_strided_slice %parallel_loop3A_741 {offsets = [0], sizes = [1], strides = [1]} : vector<16xi32> to vector<1xi32>
      %parallel_loop3A_743 = vector.extract %parallel_loop3A_742[0] : i32 from vector<1xi32>
      %parallel_loop3A_744 = arith.constant 0 : i32
      %parallel_loop3A_745 = arith.constant 1024 : i32
      %parallel_loop3A_746 = arith.constant 16 : i32
      scf.for %parallel_loop3A_747 = %parallel_loop3A_744 to %parallel_loop3A_745 step %parallel_loop3A_746  : i32 {
        %parallel_loop3A_748 = arith.index_cast %parallel_loop3A_736 : i32 to index
        %parallel_loop3A_749 = arith.index_cast %parallel_loop3A_747 : i32 to index
        %parallel_loop3A_750 = tpu.vector_load %arg9[%parallel_loop3A_748, %parallel_loop3A_749] {strides = array<i32>} : memref<32x1024xf32, #tpu.memory_space<vmem>>, vector<1x16xf32>,
        %parallel_loop3A_751 = vector.shape_cast %parallel_loop3A_750 : vector<1x16xf32> to vector<16xf32>
        %parallel_loop3A_752 = arith.index_cast %parallel_loop3A_743 : i32 to index
        %parallel_loop3A_753 = arith.index_cast %parallel_loop3A_747 : i32 to index
        %parallel_loop3A_754 = tpu.vector_load %arg6[%parallel_loop3A_752, %parallel_loop3A_753] {strides = array<i32>} : memref<3x1024xf32, #tpu.memory_space<vmem>>, vector<1x16xf32>,
        %parallel_loop3A_755 = vector.shape_cast %parallel_loop3A_754 : vector<1x16xf32> to vector<16xf32>
        %parallel_loop3A_756 = arith.addf %parallel_loop3A_751, %parallel_loop3A_755 : vector<16xf32>
        %parallel_loop3A_757 = arith.index_cast %parallel_loop3A_736 : i32 to index
        %parallel_loop3A_758 = arith.index_cast %parallel_loop3A_747 : i32 to index
        %parallel_loop3A_759 = tpu.vector_load %arg9[%parallel_loop3A_757, %parallel_loop3A_758] {strides = array<i32>} : memref<32x1024xf32, #tpu.memory_space<vmem>>, vector<1x16xf32>,
        %parallel_loop3A_760 = vector.shape_cast %parallel_loop3A_759 : vector<1x16xf32> to vector<16xf32>
        %parallel_loop3A_761 = vector.shape_cast %parallel_loop3A_756 : vector<16xf32> to vector<1x16xf32>
        tpu.vector_store %arg9[%parallel_loop3A_757, %parallel_loop3A_758], %parallel_loop3A_761 {strides = array<i32>} : memref<32x1024xf32, #tpu.memory_space<vmem>>, vector<1x16xf32>,
      } {sc.loop_unroll_factor = 8 : i64, sc.parallel_access}
    } {sc.loop_unroll_factor = 2 : i64, sc.parallel_access}
    %add3A_42 = arith.constant 32 : i32
    %add3A_43 = arith.addi %mul3A_2, %add3A_42 : i32
    %dma_start3A_44 = arith.constant 0 : i32
    %dma_start3A_45 = tpu.memref_slice %arg5[%add3A_43, %dma_start3A_44] : memref<32768x1024xf32, #tpu.memory_space<hbm>> -> memref<32x1024xf32, #tpu.memory_space<hbm>>
    %dma_start3A_46 = arith.constant 0 : i32
    %dma_start3A_47 = tpu.memref_slice %arg5[%add3A_43, %dma_start3A_46] : memref<32768x1024xf32, #tpu.memory_space<hbm>> -> memref<32x1024xf32, #tpu.memory_space<hbm>>
    tpu.enqueue_dma source(%arg9 : memref<32x1024xf32, #tpu.memory_space<vmem>>) target(%dma_start3A_47 : memref<32x1024xf32, #tpu.memory_space<hbm>>) target_semaphore(%arg13 : memref<!tpu.dma_semaphore, #tpu.memory_space<semaphore_mem>>)
    %dma_wait3A_48 = arith.constant 0 : i32
    %dma_wait3A_49 = tpu.memref_slice %arg5[%add3A_43, %dma_wait3A_48] : memref<32768x1024xf32, #tpu.memory_space<hbm>> -> memref<32x1024xf32, #tpu.memory_space<hbm>>
    %dma_wait3A_50 = arith.constant 0 : i32
    %dma_wait3A_51 = tpu.memref_slice %arg5[%add3A_43, %dma_wait3A_50] : memref<32768x1024xf32, #tpu.memory_space<hbm>> -> memref<32x1024xf32, #tpu.memory_space<hbm>>
    tpu.wait_dma2 semaphore(%arg13 : memref<!tpu.dma_semaphore, #tpu.memory_space<semaphore_mem>>) src(%arg9 : memref<32x1024xf32, #tpu.memory_space<vmem>>) dst(%dma_wait3A_51 : memref<32x1024xf32, #tpu.memory_space<hbm>>)
    %add3A_52 = arith.constant 96 : i32
    %add3A_53 = arith.addi %mul3A_2, %add3A_52 : i32
    %dma_start3A_54 = arith.constant 0 : i32
    %dma_start3A_55 = tpu.memref_slice %arg2[%add3A_53, %dma_start3A_54] : memref<32768x1024xf32, #tpu.memory_space<hbm>> -> memref<32x1024xf32, #tpu.memory_space<hbm>>
    %dma_start3A_56 = arith.constant 0 : i32
    %dma_start3A_57 = tpu.memref_slice %arg2[%add3A_53, %dma_start3A_56] : memref<32768x1024xf32, #tpu.memory_space<hbm>> -> memref<32x1024xf32, #tpu.memory_space<hbm>>
    tpu.enqueue_dma source(%dma_start3A_57 : memref<32x1024xf32, #tpu.memory_space<hbm>>) target(%arg9 : memref<32x1024xf32, #tpu.memory_space<vmem>>) target_semaphore(%arg11 : memref<!tpu.dma_semaphore, #tpu.memory_space<semaphore_mem>>)
    %dma_wait3A_58 = arith.constant 0 : i32
    %dma_wait3A_59 = tpu.memref_slice %arg2[%add3A_30, %dma_wait3A_58] : memref<32768x1024xf32, #tpu.memory_space<hbm>> -> memref<32x1024xf32, #tpu.memory_space<hbm>>
    %dma_wait3A_60 = arith.constant 0 : i32
    %dma_wait3A_61 = tpu.memref_slice %arg2[%add3A_30, %dma_wait3A_60] : memref<32768x1024xf32, #tpu.memory_space<hbm>> -> memref<32x1024xf32, #tpu.memory_space<hbm>>
    tpu.wait_dma2 semaphore(%arg10 : memref<!tpu.dma_semaphore, #tpu.memory_space<semaphore_mem>>) src(%dma_wait3A_61 : memref<32x1024xf32, #tpu.memory_space<hbm>>) dst(%arg8 : memref<32x1024xf32, #tpu.memory_space<vmem>>)
    %parallel_loop3A_62 = arith.constant 0 : i32
    %parallel_loop3A_63 = arith.constant 32 : i32
    %parallel_loop3A_64 = arith.constant 1 : i32
    scf.for %parallel_loop3A_736 = %parallel_loop3A_62 to %parallel_loop3A_63 step %parallel_loop3A_64  : i32 {
      %parallel_loop3A_737 = arith.constant 64 : i32
      %parallel_loop3A_738 = arith.addi %parallel_loop3A_737, %parallel_loop3A_736 : i32
      %parallel_loop3A_739 = arith.index_cast %parallel_loop3A_738 : i32 to index
      %parallel_loop3A_740 = tpu.vector_load %arg7[%parallel_loop3A_739] {strides = array<i32>} : memref<1040xi32, #tpu.memory_space<vmem>>, vector<16xi32>,
      %parallel_loop3A_741 = vector.shape_cast %parallel_loop3A_740 : vector<16xi32> to vector<16xi32>
      %parallel_loop3A_742 = vector.extract_strided_slice %parallel_loop3A_741 {offsets = [0], sizes = [1], strides = [1]} : vector<16xi32> to vector<1xi32>
      %parallel_loop3A_743 = vector.extract %parallel_loop3A_742[0] : i32 from vector<1xi32>
      %parallel_loop3A_744 = arith.constant 0 : i32
      %parallel_loop3A_745 = arith.constant 1024 : i32
      %parallel_loop3A_746 = arith.constant 16 : i32
      scf.for %parallel_loop3A_747 = %parallel_loop3A_744 to %parallel_loop3A_745 step %parallel_loop3A_746  : i32 {
        %parallel_loop3A_748 = arith.index_cast %parallel_loop3A_736 : i32 to index
        %parallel_loop3A_749 = arith.index_cast %parallel_loop3A_747 : i32 to index
        %parallel_loop3A_750 = tpu.vector_load %arg8[%parallel_loop3A_748, %parallel_loop3A_749] {strides = array<i32>} : memref<32x1024xf32, #tpu.memory_space<vmem>>, vector<1x16xf32>,
        %parallel_loop3A_751 = vector.shape_cast %parallel_loop3A_750 : vector<1x16xf32> to vector<16xf32>
        %parallel_loop3A_752 = arith.index_cast %parallel_loop3A_743 : i32 to index
        %parallel_loop3A_753 = arith.index_cast %parallel_loop3A_747 : i32 to index
        %parallel_loop3A_754 = tpu.vector_load %arg6[%parallel_loop3A_752, %parallel_loop3A_753] {strides = array<i32>} : memref<3x1024xf32, #tpu.memory_space<vmem>>, vector<1x16xf32>,
        %parallel_loop3A_755 = vector.shape_cast %parallel_loop3A_754 : vector<1x16xf32> to vector<16xf32>
        %parallel_loop3A_756 = arith.addf %parallel_loop3A_751, %parallel_loop3A_755 : vector<16xf32>
        %parallel_loop3A_757 = arith.index_cast %parallel_loop3A_736 : i32 to index
        %parallel_loop3A_758 = arith.index_cast %parallel_loop3A_747 : i32 to index
        %parallel_loop3A_759 = tpu.vector_load %arg8[%parallel_loop3A_757, %parallel_loop3A_758] {strides = array<i32>} : memref<32x1024xf32, #tpu.memory_space<vmem>>, vector<1x16xf32>,
        %parallel_loop3A_760 = vector.shape_cast %parallel_loop3A_759 : vector<1x16xf32> to vector<16xf32>
        %parallel_loop3A_761 = vector.shape_cast %parallel_loop3A_756 : vector<16xf32> to vector<1x16xf32>
        tpu.vector_store %arg8[%parallel_loop3A_757, %parallel_loop3A_758], %parallel_loop3A_761 {strides = array<i32>} : memref<32x1024xf32, #tpu.memory_space<vmem>>, vector<1x16xf32>,
      } {sc.loop_unroll_factor = 8 : i64, sc.parallel_access}
    } {sc.loop_unroll_factor = 2 : i64, sc.parallel_access}
    %add3A_65 = arith.constant 64 : i32
    %add3A_66 = arith.addi %mul3A_2, %add3A_65 : i32
    %dma_start3A_67 = arith.constant 0 : i32
    %dma_start3A_68 = tpu.memref_slice %arg5[%add3A_66, %dma_start3A_67] : memref<32768x1024xf32, #tpu.memory_space<hbm>> -> memref<32x1024xf32, #tpu.memory_space<hbm>>
    %dma_start3A_69 = arith.constant 0 : i32
    %dma_start3A_70 = tpu.memref_slice %arg5[%add3A_66, %dma_start3A_69] : memref<32768x1024xf32, #tpu.memory_space<hbm>> -> memref<32x1024xf32, #tpu.memory_space<hbm>>
    tpu.enqueue_dma source(%arg8 : memref<32x1024xf32, #tpu.memory_space<vmem>>) target(%dma_start3A_70 : memref<32x1024xf32, #tpu.memory_space<hbm>>) target_semaphore(%arg12 : memref<!tpu.dma_semaphore, #tpu.memory_space<semaphore_mem>>)
    %dma_wait3A_71 = arith.constant 0 : i32
    %dma_wait3A_72 = tpu.memref_slice %arg5[%add3A_66, %dma_wait3A_71] : memref<32768x1024xf32, #tpu.memory_space<hbm>> -> memref<32x1024xf32, #tpu.memory_space<hbm>>
    %dma_wait3A_73 = arith.constant 0 : i32
    %dma_wait3A_74 = tpu.memref_slice %arg5[%add3A_66, %dma_wait3A_73] : memref<32768x1024xf32, #tpu.memory_space<hbm>> -> memref<32x1024xf32, #tpu.memory_space<hbm>>
    tpu.wait_dma2 semaphore(%arg12 : memref<!tpu.dma_semaphore, #tpu.memory_space<semaphore_mem>>) src(%arg8 : memref<32x1024xf32, #tpu.memory_space<vmem>>) dst(%dma_wait3A_74 : memref<32x1024xf32, #tpu.memory_space<hbm>>)
    %add3A_75 = arith.constant 128 : i32
    %add3A_76 = arith.addi %mul3A_2, %add3A_75 : i32
    %dma_start3A_77 = arith.constant 0 : i32
    %dma_start3A_78 = tpu.memref_slice %arg2[%add3A_76, %dma_start3A_77] : memref<32768x1024xf32, #tpu.memory_space<hbm>> -> memref<32x1024xf32, #tpu.memory_space<hbm>>
    %dma_start3A_79 = arith.constant 0 : i32
    %dma_start3A_80 = tpu.memref_slice %arg2[%add3A_76, %dma_start3A_79] : memref<32768x1024xf32, #tpu.memory_space<hbm>> -> memref<32x1024xf32, #tpu.memory_space<hbm>>
    tpu.enqueue_dma source(%dma_start3A_80 : memref<32x1024xf32, #tpu.memory_space<hbm>>) target(%arg8 : memref<32x1024xf32, #tpu.memory_space<vmem>>) target_semaphore(%arg10 : memref<!tpu.dma_semaphore, #tpu.memory_space<semaphore_mem>>)
    %dma_wait3A_81 = arith.constant 0 : i32
    %dma_wait3A_82 = tpu.memref_slice %arg2[%add3A_53, %dma_wait3A_81] : memref<32768x1024xf32, #tpu.memory_space<hbm>> -> memref<32x1024xf32, #tpu.memory_space<hbm>>
    %dma_wait3A_83 = arith.constant 0 : i32
    %dma_wait3A_84 = tpu.memref_slice %arg2[%add3A_53, %dma_wait3A_83] : memref<32768x1024xf32, #tpu.memory_space<hbm>> -> memref<32x1024xf32, #tpu.memory_space<hbm>>
    tpu.wait_dma2 semaphore(%arg11 : memref<!tpu.dma_semaphore, #tpu.memory_space<semaphore_mem>>) src(%dma_wait3A_84 : memref<32x1024xf32, #tpu.memory_space<hbm>>) dst(%arg9 : memref<32x1024xf32, #tpu.memory_space<vmem>>)
    %parallel_loop3A_85 = arith.constant 0 : i32
    %parallel_loop3A_86 = arith.constant 32 : i32
    %parallel_loop3A_87 = arith.constant 1 : i32
    scf.for %parallel_loop3A_736 = %parallel_loop3A_85 to %parallel_loop3A_86 step %parallel_loop3A_87  : i32 {
      %parallel_loop3A_737 = arith.constant 96 : i32
      %parallel_loop3A_738 = arith.addi %parallel_loop3A_737, %parallel_loop3A_736 : i32
      %parallel_loop3A_739 = arith.index_cast %parallel_loop3A_738 : i32 to index
      %parallel_loop3A_740 = tpu.vector_load %arg7[%parallel_loop3A_739] {strides = array<i32>} : memref<1040xi32, #tpu.memory_space<vmem>>, vector<16xi32>,
      %parallel_loop3A_741 = vector.shape_cast %parallel_loop3A_740 : vector<16xi32> to vector<16xi32>
      %parallel_loop3A_742 = vector.extract_strided_slice %parallel_loop3A_741 {offsets = [0], sizes = [1], strides = [1]} : vector<16xi32> to vector<1xi32>
      %parallel_loop3A_743 = vector.extract %parallel_loop3A_742[0] : i32 from vector<1xi32>
      %parallel_loop3A_744 = arith.constant 0 : i32
      %parallel_loop3A_745 = arith.constant 1024 : i32
      %parallel_loop3A_746 = arith.constant 16 : i32
      scf.for %parallel_loop3A_747 = %parallel_loop3A_744 to %parallel_loop3A_745 step %parallel_loop3A_746  : i32 {
        %parallel_loop3A_748 = arith.index_cast %parallel_loop3A_736 : i32 to index
        %parallel_loop3A_749 = arith.index_cast %parallel_loop3A_747 : i32 to index
        %parallel_loop3A_750 = tpu.vector_load %arg9[%parallel_loop3A_748, %parallel_loop3A_749] {strides = array<i32>} : memref<32x1024xf32, #tpu.memory_space<vmem>>, vector<1x16xf32>,
        %parallel_loop3A_751 = vector.shape_cast %parallel_loop3A_750 : vector<1x16xf32> to vector<16xf32>
        %parallel_loop3A_752 = arith.index_cast %parallel_loop3A_743 : i32 to index
        %parallel_loop3A_753 = arith.index_cast %parallel_loop3A_747 : i32 to index
        %parallel_loop3A_754 = tpu.vector_load %arg6[%parallel_loop3A_752, %parallel_loop3A_753] {strides = array<i32>} : memref<3x1024xf32, #tpu.memory_space<vmem>>, vector<1x16xf32>,
        %parallel_loop3A_755 = vector.shape_cast %parallel_loop3A_754 : vector<1x16xf32> to vector<16xf32>
        %parallel_loop3A_756 = arith.addf %parallel_loop3A_751, %parallel_loop3A_755 : vector<16xf32>
        %parallel_loop3A_757 = arith.index_cast %parallel_loop3A_736 : i32 to index
        %parallel_loop3A_758 = arith.index_cast %parallel_loop3A_747 : i32 to index
        %parallel_loop3A_759 = tpu.vector_load %arg9[%parallel_loop3A_757, %parallel_loop3A_758] {strides = array<i32>} : memref<32x1024xf32, #tpu.memory_space<vmem>>, vector<1x16xf32>,
        %parallel_loop3A_760 = vector.shape_cast %parallel_loop3A_759 : vector<1x16xf32> to vector<16xf32>
        %parallel_loop3A_761 = vector.shape_cast %parallel_loop3A_756 : vector<16xf32> to vector<1x16xf32>
        tpu.vector_store %arg9[%parallel_loop3A_757, %parallel_loop3A_758], %parallel_loop3A_761 {strides = array<i32>} : memref<32x1024xf32, #tpu.memory_space<vmem>>, vector<1x16xf32>,
      } {sc.loop_unroll_factor = 8 : i64, sc.parallel_access}
    } {sc.loop_unroll_factor = 2 : i64, sc.parallel_access}
    %add3A_88 = arith.constant 96 : i32
    %add3A_89 = arith.addi %mul3A_2, %add3A_88 : i32
    %dma_start3A_90 = arith.constant 0 : i32
    %dma_start3A_91 = tpu.memref_slice %arg5[%add3A_89, %dma_start3A_90] : memref<32768x1024xf32, #tpu.memory_space<hbm>> -> memref<32x1024xf32, #tpu.memory_space<hbm>>
    %dma_start3A_92 = arith.constant 0 : i32
    %dma_start3A_93 = tpu.memref_slice %arg5[%add3A_89, %dma_start3A_92] : memref<32768x1024xf32, #tpu.memory_space<hbm>> -> memref<32x1024xf32, #tpu.memory_space<hbm>>
    tpu.enqueue_dma source(%arg9 : memref<32x1024xf32, #tpu.memory_space<vmem>>) target(%dma_start3A_93 : memref<32x1024xf32, #tpu.memory_space<hbm>>) target_semaphore(%arg13 : memref<!tpu.dma_semaphore, #tpu.memory_space<semaphore_mem>>)
    %dma_wait3A_94 = arith.constant 0 : i32
    %dma_wait3A_95 = tpu.memref_slice %arg5[%add3A_89, %dma_wait3A_94] : memref<32768x1024xf32, #tpu.memory_space<hbm>> -> memref<32x1024xf32, #tpu.memory_space<hbm>>
    %dma_wait3A_96 = arith.constant 0 : i32
    %dma_wait3A_97 = tpu.memref_slice %arg5[%add3A_89, %dma_wait3A_96] : memref<32768x1024xf32, #tpu.memory_space<hbm>> -> memref<32x1024xf32, #tpu.memory_space<hbm>>
    tpu.wait_dma2 semaphore(%arg13 : memref<!tpu.dma_semaphore, #tpu.memory_space<semaphore_mem>>) src(%arg9 : memref<32x1024xf32, #tpu.memory_space<vmem>>) dst(%dma_wait3A_97 : memref<32x1024xf32, #tpu.memory_space<hbm>>)
    %add3A_98 = arith.constant 160 : i32
    %add3A_99 = arith.addi %mul3A_2, %add3A_98 : i32
    %dma_start3A_100 = arith.constant 0 : i32
    %dma_start3A_101 = tpu.memref_slice %arg2[%add3A_99, %dma_start3A_100] : memref<32768x1024xf32, #tpu.memory_space<hbm>> -> memref<32x1024xf32, #tpu.memory_space<hbm>>
    %dma_start3A_102 = arith.constant 0 : i32
    %dma_start3A_103 = tpu.memref_slice %arg2[%add3A_99, %dma_start3A_102] : memref<32768x1024xf32, #tpu.memory_space<hbm>> -> memref<32x1024xf32, #tpu.memory_space<hbm>>
    tpu.enqueue_dma source(%dma_start3A_103 : memref<32x1024xf32, #tpu.memory_space<hbm>>) target(%arg9 : memref<32x1024xf32, #tpu.memory_space<vmem>>) target_semaphore(%arg11 : memref<!tpu.dma_semaphore, #tpu.memory_space<semaphore_mem>>)
    %dma_wait3A_104 = arith.constant 0 : i32
    %dma_wait3A_105 = tpu.memref_slice %arg2[%add3A_76, %dma_wait3A_104] : memref<32768x1024xf32, #tpu.memory_space<hbm>> -> memref<32x1024xf32, #tpu.memory_space<hbm>>
    %dma_wait3A_106 = arith.constant 0 : i32
    %dma_wait3A_107 = tpu.memref_slice %arg2[%add3A_76, %dma_wait3A_106] : memref<32768x1024xf32, #tpu.memory_space<hbm>> -> memref<32x1024xf32, #tpu.memory_space<hbm>>
    tpu.wait_dma2 semaphore(%arg10 : memref<!tpu.dma_semaphore, #tpu.memory_space<semaphore_mem>>) src(%dma_wait3A_107 : memref<32x1024xf32, #tpu.memory_space<hbm>>) dst(%arg8 : memref<32x1024xf32, #tpu.memory_space<vmem>>)
    %parallel_loop3A_108 = arith.constant 0 : i32
    %parallel_loop3A_109 = arith.constant 32 : i32
    %parallel_loop3A_110 = arith.constant 1 : i32
    scf.for %parallel_loop3A_736 = %parallel_loop3A_108 to %parallel_loop3A_109 step %parallel_loop3A_110  : i32 {
      %parallel_loop3A_737 = arith.constant 128 : i32
      %parallel_loop3A_738 = arith.addi %parallel_loop3A_737, %parallel_loop3A_736 : i32
      %parallel_loop3A_739 = arith.index_cast %parallel_loop3A_738 : i32 to index
      %parallel_loop3A_740 = tpu.vector_load %arg7[%parallel_loop3A_739] {strides = array<i32>} : memref<1040xi32, #tpu.memory_space<vmem>>, vector<16xi32>,
      %parallel_loop3A_741 = vector.shape_cast %parallel_loop3A_740 : vector<16xi32> to vector<16xi32>
      %parallel_loop3A_742 = vector.extract_strided_slice %parallel_loop3A_741 {offsets = [0], sizes = [1], strides = [1]} : vector<16xi32> to vector<1xi32>
      %parallel_loop3A_743 = vector.extract %parallel_loop3A_742[0] : i32 from vector<1xi32>
      %parallel_loop3A_744 = arith.constant 0 : i32
      %parallel_loop3A_745 = arith.constant 1024 : i32
      %parallel_loop3A_746 = arith.constant 16 : i32
      scf.for %parallel_loop3A_747 = %parallel_loop3A_744 to %parallel_loop3A_745 step %parallel_loop3A_746  : i32 {
        %parallel_loop3A_748 = arith.index_cast %parallel_loop3A_736 : i32 to index
        %parallel_loop3A_749 = arith.index_cast %parallel_loop3A_747 : i32 to index
        %parallel_loop3A_750 = tpu.vector_load %arg8[%parallel_loop3A_748, %parallel_loop3A_749] {strides = array<i32>} : memref<32x1024xf32, #tpu.memory_space<vmem>>, vector<1x16xf32>,
        %parallel_loop3A_751 = vector.shape_cast %parallel_loop3A_750 : vector<1x16xf32> to vector<16xf32>
        %parallel_loop3A_752 = arith.index_cast %parallel_loop3A_743 : i32 to index
        %parallel_loop3A_753 = arith.index_cast %parallel_loop3A_747 : i32 to index
        %parallel_loop3A_754 = tpu.vector_load %arg6[%parallel_loop3A_752, %parallel_loop3A_753] {strides = array<i32>} : memref<3x1024xf32, #tpu.memory_space<vmem>>, vector<1x16xf32>,
        %parallel_loop3A_755 = vector.shape_cast %parallel_loop3A_754 : vector<1x16xf32> to vector<16xf32>
        %parallel_loop3A_756 = arith.addf %parallel_loop3A_751, %parallel_loop3A_755 : vector<16xf32>
        %parallel_loop3A_757 = arith.index_cast %parallel_loop3A_736 : i32 to index
        %parallel_loop3A_758 = arith.index_cast %parallel_loop3A_747 : i32 to index
        %parallel_loop3A_759 = tpu.vector_load %arg8[%parallel_loop3A_757, %parallel_loop3A_758] {strides = array<i32>} : memref<32x1024xf32, #tpu.memory_space<vmem>>, vector<1x16xf32>,
        %parallel_loop3A_760 = vector.shape_cast %parallel_loop3A_759 : vector<1x16xf32> to vector<16xf32>
        %parallel_loop3A_761 = vector.shape_cast %parallel_loop3A_756 : vector<16xf32> to vector<1x16xf32>
        tpu.vector_store %arg8[%parallel_loop3A_757, %parallel_loop3A_758], %parallel_loop3A_761 {strides = array<i32>} : memref<32x1024xf32, #tpu.memory_space<vmem>>, vector<1x16xf32>,
      } {sc.loop_unroll_factor = 8 : i64, sc.parallel_access}
    } {sc.loop_unroll_factor = 2 : i64, sc.parallel_access}
    %add3A_111 = arith.constant 128 : i32
    %add3A_112 = arith.addi %mul3A_2, %add3A_111 : i32
    %dma_start3A_113 = arith.constant 0 : i32
    %dma_start3A_114 = tpu.memref_slice %arg5[%add3A_112, %dma_start3A_113] : memref<32768x1024xf32, #tpu.memory_space<hbm>> -> memref<32x1024xf32, #tpu.memory_space<hbm>>
    %dma_start3A_115 = arith.constant 0 : i32
    %dma_start3A_116 = tpu.memref_slice %arg5[%add3A_112, %dma_start3A_115] : memref<32768x1024xf32, #tpu.memory_space<hbm>> -> memref<32x1024xf32, #tpu.memory_space<hbm>>
    tpu.enqueue_dma source(%arg8 : memref<32x1024xf32, #tpu.memory_space<vmem>>) target(%dma_start3A_116 : memref<32x1024xf32, #tpu.memory_space<hbm>>) target_semaphore(%arg12 : memref<!tpu.dma_semaphore, #tpu.memory_space<semaphore_mem>>)
    %dma_wait3A_117 = arith.constant 0 : i32
    %dma_wait3A_118 = tpu.memref_slice %arg5[%add3A_112, %dma_wait3A_117] : memref<32768x1024xf32, #tpu.memory_space<hbm>> -> memref<32x1024xf32, #tpu.memory_space<hbm>>
    %dma_wait3A_119 = arith.constant 0 : i32
    %dma_wait3A_120 = tpu.memref_slice %arg5[%add3A_112, %dma_wait3A_119] : memref<32768x1024xf32, #tpu.memory_space<hbm>> -> memref<32x1024xf32, #tpu.memory_space<hbm>>
    tpu.wait_dma2 semaphore(%arg12 : memref<!tpu.dma_semaphore, #tpu.memory_space<semaphore_mem>>) src(%arg8 : memref<32x1024xf32, #tpu.memory_space<vmem>>) dst(%dma_wait3A_120 : memref<32x1024xf32, #tpu.memory_space<hbm>>)
    %add3A_121 = arith.constant 192 : i32
    %add3A_122 = arith.addi %mul3A_2, %add3A_121 : i32
    %dma_start3A_123 = arith.constant 0 : i32
    %dma_start3A_124 = tpu.memref_slice %arg2[%add3A_122, %dma_start3A_123] : memref<32768x1024xf32, #tpu.memory_space<hbm>> -> memref<32x1024xf32, #tpu.memory_space<hbm>>
    %dma_start3A_125 = arith.constant 0 : i32
    %dma_start3A_126 = tpu.memref_slice %arg2[%add3A_122, %dma_start3A_125] : memref<32768x1024xf32, #tpu.memory_space<hbm>> -> memref<32x1024xf32, #tpu.memory_space<hbm>>
    tpu.enqueue_dma source(%dma_start3A_126 : memref<32x1024xf32, #tpu.memory_space<hbm>>) target(%arg8 : memref<32x1024xf32, #tpu.memory_space<vmem>>) target_semaphore(%arg10 : memref<!tpu.dma_semaphore, #tpu.memory_space<semaphore_mem>>)
    %dma_wait3A_127 = arith.constant 0 : i32
    %dma_wait3A_128 = tpu.memref_slice %arg2[%add3A_99, %dma_wait3A_127] : memref<32768x1024xf32, #tpu.memory_space<hbm>> -> memref<32x1024xf32, #tpu.memory_space<hbm>>
    %dma_wait3A_129 = arith.constant 0 : i32
    %dma_wait3A_130 = tpu.memref_slice %arg2[%add3A_99, %dma_wait3A_129] : memref<32768x1024xf32, #tpu.memory_space<hbm>> -> memref<32x1024xf32, #tpu.memory_space<hbm>>
    tpu.wait_dma2 semaphore(%arg11 : memref<!tpu.dma_semaphore, #tpu.memory_space<semaphore_mem>>) src(%dma_wait3A_130 : memref<32x1024xf32, #tpu.memory_space<hbm>>) dst(%arg9 : memref<32x1024xf32, #tpu.memory_space<vmem>>)
    %parallel_loop3A_131 = arith.constant 0 : i32
    %parallel_loop3A_132 = arith.constant 32 : i32
    %parallel_loop3A_133 = arith.constant 1 : i32
    scf.for %parallel_loop3A_736 = %parallel_loop3A_131 to %parallel_loop3A_132 step %parallel_loop3A_133  : i32 {
      %parallel_loop3A_737 = arith.constant 160 : i32
      %parallel_loop3A_738 = arith.addi %parallel_loop3A_737, %parallel_loop3A_736 : i32
      %parallel_loop3A_739 = arith.index_cast %parallel_loop3A_738 : i32 to index
      %parallel_loop3A_740 = tpu.vector_load %arg7[%parallel_loop3A_739] {strides = array<i32>} : memref<1040xi32, #tpu.memory_space<vmem>>, vector<16xi32>,
      %parallel_loop3A_741 = vector.shape_cast %parallel_loop3A_740 : vector<16xi32> to vector<16xi32>
      %parallel_loop3A_742 = vector.extract_strided_slice %parallel_loop3A_741 {offsets = [0], sizes = [1], strides = [1]} : vector<16xi32> to vector<1xi32>
      %parallel_loop3A_743 = vector.extract %parallel_loop3A_742[0] : i32 from vector<1xi32>
      %parallel_loop3A_744 = arith.constant 0 : i32
      %parallel_loop3A_745 = arith.constant 1024 : i32
      %parallel_loop3A_746 = arith.constant 16 : i32
      scf.for %parallel_loop3A_747 = %parallel_loop3A_744 to %parallel_loop3A_745 step %parallel_loop3A_746  : i32 {
        %parallel_loop3A_748 = arith.index_cast %parallel_loop3A_736 : i32 to index
        %parallel_loop3A_749 = arith.index_cast %parallel_loop3A_747 : i32 to index
        %parallel_loop3A_750 = tpu.vector_load %arg9[%parallel_loop3A_748, %parallel_loop3A_749] {strides = array<i32>} : memref<32x1024xf32, #tpu.memory_space<vmem>>, vector<1x16xf32>,
        %parallel_loop3A_751 = vector.shape_cast %parallel_loop3A_750 : vector<1x16xf32> to vector<16xf32>
        %parallel_loop3A_752 = arith.index_cast %parallel_loop3A_743 : i32 to index
        %parallel_loop3A_753 = arith.index_cast %parallel_loop3A_747 : i32 to index
        %parallel_loop3A_754 = tpu.vector_load %arg6[%parallel_loop3A_752, %parallel_loop3A_753] {strides = array<i32>} : memref<3x1024xf32, #tpu.memory_space<vmem>>, vector<1x16xf32>,
        %parallel_loop3A_755 = vector.shape_cast %parallel_loop3A_754 : vector<1x16xf32> to vector<16xf32>
        %parallel_loop3A_756 = arith.addf %parallel_loop3A_751, %parallel_loop3A_755 : vector<16xf32>
        %parallel_loop3A_757 = arith.index_cast %parallel_loop3A_736 : i32 to index
        %parallel_loop3A_758 = arith.index_cast %parallel_loop3A_747 : i32 to index
        %parallel_loop3A_759 = tpu.vector_load %arg9[%parallel_loop3A_757, %parallel_loop3A_758] {strides = array<i32>} : memref<32x1024xf32, #tpu.memory_space<vmem>>, vector<1x16xf32>,
        %parallel_loop3A_760 = vector.shape_cast %parallel_loop3A_759 : vector<1x16xf32> to vector<16xf32>
        %parallel_loop3A_761 = vector.shape_cast %parallel_loop3A_756 : vector<16xf32> to vector<1x16xf32>
        tpu.vector_store %arg9[%parallel_loop3A_757, %parallel_loop3A_758], %parallel_loop3A_761 {strides = array<i32>} : memref<32x1024xf32, #tpu.memory_space<vmem>>, vector<1x16xf32>,
      } {sc.loop_unroll_factor = 8 : i64, sc.parallel_access}
    } {sc.loop_unroll_factor = 2 : i64, sc.parallel_access}
    %add3A_134 = arith.constant 160 : i32
    %add3A_135 = arith.addi %mul3A_2, %add3A_134 : i32
    %dma_start3A_136 = arith.constant 0 : i32
    %dma_start3A_137 = tpu.memref_slice %arg5[%add3A_135, %dma_start3A_136] : memref<32768x1024xf32, #tpu.memory_space<hbm>> -> memref<32x1024xf32, #tpu.memory_space<hbm>>
    %dma_start3A_138 = arith.constant 0 : i32
    %dma_start3A_139 = tpu.memref_slice %arg5[%add3A_135, %dma_start3A_138] : memref<32768x1024xf32, #tpu.memory_space<hbm>> -> memref<32x1024xf32, #tpu.memory_space<hbm>>
    tpu.enqueue_dma source(%arg9 : memref<32x1024xf32, #tpu.memory_space<vmem>>) target(%dma_start3A_139 : memref<32x1024xf32, #tpu.memory_space<hbm>>) target_semaphore(%arg13 : memref<!tpu.dma_semaphore, #tpu.memory_space<semaphore_mem>>)
    %dma_wait3A_140 = arith.constant 0 : i32
    %dma_wait3A_141 = tpu.memref_slice %arg5[%add3A_135, %dma_wait3A_140] : memref<32768x1024xf32, #tpu.memory_space<hbm>> -> memref<32x1024xf32, #tpu.memory_space<hbm>>
    %dma_wait3A_142 = arith.constant 0 : i32
    %dma_wait3A_143 = tpu.memref_slice %arg5[%add3A_135, %dma_wait3A_142] : memref<32768x1024xf32, #tpu.memory_space<hbm>> -> memref<32x1024xf32, #tpu.memory_space<hbm>>
    tpu.wait_dma2 semaphore(%arg13 : memref<!tpu.dma_semaphore, #tpu.memory_space<semaphore_mem>>) src(%arg9 : memref<32x1024xf32, #tpu.memory_space<vmem>>) dst(%dma_wait3A_143 : memref<32x1024xf32, #tpu.memory_space<hbm>>)
    %add3A_144 = arith.constant 224 : i32
    %add3A_145 = arith.addi %mul3A_2, %add3A_144 : i32
    %dma_start3A_146 = arith.constant 0 : i32
    %dma_start3A_147 = tpu.memref_slice %arg2[%add3A_145, %dma_start3A_146] : memref<32768x1024xf32, #tpu.memory_space<hbm>> -> memref<32x1024xf32, #tpu.memory_space<hbm>>
    %dma_start3A_148 = arith.constant 0 : i32
    %dma_start3A_149 = tpu.memref_slice %arg2[%add3A_145, %dma_start3A_148] : memref<32768x1024xf32, #tpu.memory_space<hbm>> -> memref<32x1024xf32, #tpu.memory_space<hbm>>
    tpu.enqueue_dma source(%dma_start3A_149 : memref<32x1024xf32, #tpu.memory_space<hbm>>) target(%arg9 : memref<32x1024xf32, #tpu.memory_space<vmem>>) target_semaphore(%arg11 : memref<!tpu.dma_semaphore, #tpu.memory_space<semaphore_mem>>)
    %dma_wait3A_150 = arith.constant 0 : i32
    %dma_wait3A_151 = tpu.memref_slice %arg2[%add3A_122, %dma_wait3A_150] : memref<32768x1024xf32, #tpu.memory_space<hbm>> -> memref<32x1024xf32, #tpu.memory_space<hbm>>
    %dma_wait3A_152 = arith.constant 0 : i32
    %dma_wait3A_153 = tpu.memref_slice %arg2[%add3A_122, %dma_wait3A_152] : memref<32768x1024xf32, #tpu.memory_space<hbm>> -> memref<32x1024xf32, #tpu.memory_space<hbm>>
    tpu.wait_dma2 semaphore(%arg10 : memref<!tpu.dma_semaphore, #tpu.memory_space<semaphore_mem>>) src(%dma_wait3A_153 : memref<32x1024xf32, #tpu.memory_space<hbm>>) dst(%arg8 : memref<32x1024xf32, #tpu.memory_space<vmem>>)
    %parallel_loop3A_154 = arith.constant 0 : i32
    %parallel_loop3A_155 = arith.constant 32 : i32
    %parallel_loop3A_156 = arith.constant 1 : i32
    scf.for %parallel_loop3A_736 = %parallel_loop3A_154 to %parallel_loop3A_155 step %parallel_loop3A_156  : i32 {
      %parallel_loop3A_737 = arith.constant 192 : i32
      %parallel_loop3A_738 = arith.addi %parallel_loop3A_737, %parallel_loop3A_736 : i32
      %parallel_loop3A_739 = arith.index_cast %parallel_loop3A_738 : i32 to index
      %parallel_loop3A_740 = tpu.vector_load %arg7[%parallel_loop3A_739] {strides = array<i32>} : memref<1040xi32, #tpu.memory_space<vmem>>, vector<16xi32>,
      %parallel_loop3A_741 = vector.shape_cast %parallel_loop3A_740 : vector<16xi32> to vector<16xi32>
      %parallel_loop3A_742 = vector.extract_strided_slice %parallel_loop3A_741 {offsets = [0], sizes = [1], strides = [1]} : vector<16xi32> to vector<1xi32>
      %parallel_loop3A_743 = vector.extract %parallel_loop3A_742[0] : i32 from vector<1xi32>
      %parallel_loop3A_744 = arith.constant 0 : i32
      %parallel_loop3A_745 = arith.constant 1024 : i32
      %parallel_loop3A_746 = arith.constant 16 : i32
      scf.for %parallel_loop3A_747 = %parallel_loop3A_744 to %parallel_loop3A_745 step %parallel_loop3A_746  : i32 {
        %parallel_loop3A_748 = arith.index_cast %parallel_loop3A_736 : i32 to index
        %parallel_loop3A_749 = arith.index_cast %parallel_loop3A_747 : i32 to index
        %parallel_loop3A_750 = tpu.vector_load %arg8[%parallel_loop3A_748, %parallel_loop3A_749] {strides = array<i32>} : memref<32x1024xf32, #tpu.memory_space<vmem>>, vector<1x16xf32>,
        %parallel_loop3A_751 = vector.shape_cast %parallel_loop3A_750 : vector<1x16xf32> to vector<16xf32>
        %parallel_loop3A_752 = arith.index_cast %parallel_loop3A_743 : i32 to index
        %parallel_loop3A_753 = arith.index_cast %parallel_loop3A_747 : i32 to index
        %parallel_loop3A_754 = tpu.vector_load %arg6[%parallel_loop3A_752, %parallel_loop3A_753] {strides = array<i32>} : memref<3x1024xf32, #tpu.memory_space<vmem>>, vector<1x16xf32>,
        %parallel_loop3A_755 = vector.shape_cast %parallel_loop3A_754 : vector<1x16xf32> to vector<16xf32>
        %parallel_loop3A_756 = arith.addf %parallel_loop3A_751, %parallel_loop3A_755 : vector<16xf32>
        %parallel_loop3A_757 = arith.index_cast %parallel_loop3A_736 : i32 to index
        %parallel_loop3A_758 = arith.index_cast %parallel_loop3A_747 : i32 to index
        %parallel_loop3A_759 = tpu.vector_load %arg8[%parallel_loop3A_757, %parallel_loop3A_758] {strides = array<i32>} : memref<32x1024xf32, #tpu.memory_space<vmem>>, vector<1x16xf32>,
        %parallel_loop3A_760 = vector.shape_cast %parallel_loop3A_759 : vector<1x16xf32> to vector<16xf32>
        %parallel_loop3A_761 = vector.shape_cast %parallel_loop3A_756 : vector<16xf32> to vector<1x16xf32>
        tpu.vector_store %arg8[%parallel_loop3A_757, %parallel_loop3A_758], %parallel_loop3A_761 {strides = array<i32>} : memref<32x1024xf32, #tpu.memory_space<vmem>>, vector<1x16xf32>,
      } {sc.loop_unroll_factor = 8 : i64, sc.parallel_access}
    } {sc.loop_unroll_factor = 2 : i64, sc.parallel_access}
    %add3A_157 = arith.constant 192 : i32
    %add3A_158 = arith.addi %mul3A_2, %add3A_157 : i32
    %dma_start3A_159 = arith.constant 0 : i32
    %dma_start3A_160 = tpu.memref_slice %arg5[%add3A_158, %dma_start3A_159] : memref<32768x1024xf32, #tpu.memory_space<hbm>> -> memref<32x1024xf32, #tpu.memory_space<hbm>>
    %dma_start3A_161 = arith.constant 0 : i32
    %dma_start3A_162 = tpu.memref_slice %arg5[%add3A_158, %dma_start3A_161] : memref<32768x1024xf32, #tpu.memory_space<hbm>> -> memref<32x1024xf32, #tpu.memory_space<hbm>>
    tpu.enqueue_dma source(%arg8 : memref<32x1024xf32, #tpu.memory_space<vmem>>) target(%dma_start3A_162 : memref<32x1024xf32, #tpu.memory_space<hbm>>) target_semaphore(%arg12 : memref<!tpu.dma_semaphore, #tpu.memory_space<semaphore_mem>>)
    %dma_wait3A_163 = arith.constant 0 : i32
    %dma_wait3A_164 = tpu.memref_slice %arg5[%add3A_158, %dma_wait3A_163] : memref<32768x1024xf32, #tpu.memory_space<hbm>> -> memref<32x1024xf32, #tpu.memory_space<hbm>>
    %dma_wait3A_165 = arith.constant 0 : i32
    %dma_wait3A_166 = tpu.memref_slice %arg5[%add3A_158, %dma_wait3A_165] : memref<32768x1024xf32, #tpu.memory_space<hbm>> -> memref<32x1024xf32, #tpu.memory_space<hbm>>
    tpu.wait_dma2 semaphore(%arg12 : memref<!tpu.dma_semaphore, #tpu.memory_space<semaphore_mem>>) src(%arg8 : memref<32x1024xf32, #tpu.memory_space<vmem>>) dst(%dma_wait3A_166 : memref<32x1024xf32, #tpu.memory_space<hbm>>)
    %add3A_167 = arith.constant 256 : i32
    %add3A_168 = arith.addi %mul3A_2, %add3A_167 : i32
    %dma_start3A_169 = arith.constant 0 : i32
    %dma_start3A_170 = tpu.memref_slice %arg2[%add3A_168, %dma_start3A_169] : memref<32768x1024xf32, #tpu.memory_space<hbm>> -> memref<32x1024xf32, #tpu.memory_space<hbm>>
    %dma_start3A_171 = arith.constant 0 : i32
    %dma_start3A_172 = tpu.memref_slice %arg2[%add3A_168, %dma_start3A_171] : memref<32768x1024xf32, #tpu.memory_space<hbm>> -> memref<32x1024xf32, #tpu.memory_space<hbm>>
    tpu.enqueue_dma source(%dma_start3A_172 : memref<32x1024xf32, #tpu.memory_space<hbm>>) target(%arg8 : memref<32x1024xf32, #tpu.memory_space<vmem>>) target_semaphore(%arg10 : memref<!tpu.dma_semaphore, #tpu.memory_space<semaphore_mem>>)
    %dma_wait3A_173 = arith.constant 0 : i32
    %dma_wait3A_174 = tpu.memref_slice %arg2[%add3A_145, %dma_wait3A_173] : memref<32768x1024xf32, #tpu.memory_space<hbm>> -> memref<32x1024xf32, #tpu.memory_space<hbm>>
    %dma_wait3A_175 = arith.constant 0 : i32
    %dma_wait3A_176 = tpu.memref_slice %arg2[%add3A_145, %dma_wait3A_175] : memref<32768x1024xf32, #tpu.memory_space<hbm>> -> memref<32x1024xf32, #tpu.memory_space<hbm>>
    tpu.wait_dma2 semaphore(%arg11 : memref<!tpu.dma_semaphore, #tpu.memory_space<semaphore_mem>>) src(%dma_wait3A_176 : memref<32x1024xf32, #tpu.memory_space<hbm>>) dst(%arg9 : memref<32x1024xf32, #tpu.memory_space<vmem>>)
    %parallel_loop3A_177 = arith.constant 0 : i32
    %parallel_loop3A_178 = arith.constant 32 : i32
    %parallel_loop3A_179 = arith.constant 1 : i32
    scf.for %parallel_loop3A_736 = %parallel_loop3A_177 to %parallel_loop3A_178 step %parallel_loop3A_179  : i32 {
      %parallel_loop3A_737 = arith.constant 224 : i32
      %parallel_loop3A_738 = arith.addi %parallel_loop3A_737, %parallel_loop3A_736 : i32
      %parallel_loop3A_739 = arith.index_cast %parallel_loop3A_738 : i32 to index
      %parallel_loop3A_740 = tpu.vector_load %arg7[%parallel_loop3A_739] {strides = array<i32>} : memref<1040xi32, #tpu.memory_space<vmem>>, vector<16xi32>,
      %parallel_loop3A_741 = vector.shape_cast %parallel_loop3A_740 : vector<16xi32> to vector<16xi32>
      %parallel_loop3A_742 = vector.extract_strided_slice %parallel_loop3A_741 {offsets = [0], sizes = [1], strides = [1]} : vector<16xi32> to vector<1xi32>
      %parallel_loop3A_743 = vector.extract %parallel_loop3A_742[0] : i32 from vector<1xi32>
      %parallel_loop3A_744 = arith.constant 0 : i32
      %parallel_loop3A_745 = arith.constant 1024 : i32
      %parallel_loop3A_746 = arith.constant 16 : i32
      scf.for %parallel_loop3A_747 = %parallel_loop3A_744 to %parallel_loop3A_745 step %parallel_loop3A_746  : i32 {
        %parallel_loop3A_748 = arith.index_cast %parallel_loop3A_736 : i32 to index
        %parallel_loop3A_749 = arith.index_cast %parallel_loop3A_747 : i32 to index
        %parallel_loop3A_750 = tpu.vector_load %arg9[%parallel_loop3A_748, %parallel_loop3A_749] {strides = array<i32>} : memref<32x1024xf32, #tpu.memory_space<vmem>>, vector<1x16xf32>,
        %parallel_loop3A_751 = vector.shape_cast %parallel_loop3A_750 : vector<1x16xf32> to vector<16xf32>
        %parallel_loop3A_752 = arith.index_cast %parallel_loop3A_743 : i32 to index
        %parallel_loop3A_753 = arith.index_cast %parallel_loop3A_747 : i32 to index
        %parallel_loop3A_754 = tpu.vector_load %arg6[%parallel_loop3A_752, %parallel_loop3A_753] {strides = array<i32>} : memref<3x1024xf32, #tpu.memory_space<vmem>>, vector<1x16xf32>,
        %parallel_loop3A_755 = vector.shape_cast %parallel_loop3A_754 : vector<1x16xf32> to vector<16xf32>
        %parallel_loop3A_756 = arith.addf %parallel_loop3A_751, %parallel_loop3A_755 : vector<16xf32>
        %parallel_loop3A_757 = arith.index_cast %parallel_loop3A_736 : i32 to index
        %parallel_loop3A_758 = arith.index_cast %parallel_loop3A_747 : i32 to index
        %parallel_loop3A_759 = tpu.vector_load %arg9[%parallel_loop3A_757, %parallel_loop3A_758] {strides = array<i32>} : memref<32x1024xf32, #tpu.memory_space<vmem>>, vector<1x16xf32>,
        %parallel_loop3A_760 = vector.shape_cast %parallel_loop3A_759 : vector<1x16xf32> to vector<16xf32>
        %parallel_loop3A_761 = vector.shape_cast %parallel_loop3A_756 : vector<16xf32> to vector<1x16xf32>
        tpu.vector_store %arg9[%parallel_loop3A_757, %parallel_loop3A_758], %parallel_loop3A_761 {strides = array<i32>} : memref<32x1024xf32, #tpu.memory_space<vmem>>, vector<1x16xf32>,
      } {sc.loop_unroll_factor = 8 : i64, sc.parallel_access}
    } {sc.loop_unroll_factor = 2 : i64, sc.parallel_access}
    %add3A_180 = arith.constant 224 : i32
    %add3A_181 = arith.addi %mul3A_2, %add3A_180 : i32
    %dma_start3A_182 = arith.constant 0 : i32
    %dma_start3A_183 = tpu.memref_slice %arg5[%add3A_181, %dma_start3A_182] : memref<32768x1024xf32, #tpu.memory_space<hbm>> -> memref<32x1024xf32, #tpu.memory_space<hbm>>
    %dma_start3A_184 = arith.constant 0 : i32
    %dma_start3A_185 = tpu.memref_slice %arg5[%add3A_181, %dma_start3A_184] : memref<32768x1024xf32, #tpu.memory_space<hbm>> -> memref<32x1024xf32, #tpu.memory_space<hbm>>
    tpu.enqueue_dma source(%arg9 : memref<32x1024xf32, #tpu.memory_space<vmem>>) target(%dma_start3A_185 : memref<32x1024xf32, #tpu.memory_space<hbm>>) target_semaphore(%arg13 : memref<!tpu.dma_semaphore, #tpu.memory_space<semaphore_mem>>)
    %dma_wait3A_186 = arith.constant 0 : i32
    %dma_wait3A_187 = tpu.memref_slice %arg5[%add3A_181, %dma_wait3A_186] : memref<32768x1024xf32, #tpu.memory_space<hbm>> -> memref<32x1024xf32, #tpu.memory_space<hbm>>
    %dma_wait3A_188 = arith.constant 0 : i32
    %dma_wait3A_189 = tpu.memref_slice %arg5[%add3A_181, %dma_wait3A_188] : memref<32768x1024xf32, #tpu.memory_space<hbm>> -> memref<32x1024xf32, #tpu.memory_space<hbm>>
    tpu.wait_dma2 semaphore(%arg13 : memref<!tpu.dma_semaphore, #tpu.memory_space<semaphore_mem>>) src(%arg9 : memref<32x1024xf32, #tpu.memory_space<vmem>>) dst(%dma_wait3A_189 : memref<32x1024xf32, #tpu.memory_space<hbm>>)
    %add3A_190 = arith.constant 288 : i32
    %add3A_191 = arith.addi %mul3A_2, %add3A_190 : i32
    %dma_start3A_192 = arith.constant 0 : i32
    %dma_start3A_193 = tpu.memref_slice %arg2[%add3A_191, %dma_start3A_192] : memref<32768x1024xf32, #tpu.memory_space<hbm>> -> memref<32x1024xf32, #tpu.memory_space<hbm>>
    %dma_start3A_194 = arith.constant 0 : i32
    %dma_start3A_195 = tpu.memref_slice %arg2[%add3A_191, %dma_start3A_194] : memref<32768x1024xf32, #tpu.memory_space<hbm>> -> memref<32x1024xf32, #tpu.memory_space<hbm>>
    tpu.enqueue_dma source(%dma_start3A_195 : memref<32x1024xf32, #tpu.memory_space<hbm>>) target(%arg9 : memref<32x1024xf32, #tpu.memory_space<vmem>>) target_semaphore(%arg11 : memref<!tpu.dma_semaphore, #tpu.memory_space<semaphore_mem>>)
    %dma_wait3A_196 = arith.constant 0 : i32
    %dma_wait3A_197 = tpu.memref_slice %arg2[%add3A_168, %dma_wait3A_196] : memref<32768x1024xf32, #tpu.memory_space<hbm>> -> memref<32x1024xf32, #tpu.memory_space<hbm>>
    %dma_wait3A_198 = arith.constant 0 : i32
    %dma_wait3A_199 = tpu.memref_slice %arg2[%add3A_168, %dma_wait3A_198] : memref<32768x1024xf32, #tpu.memory_space<hbm>> -> memref<32x1024xf32, #tpu.memory_space<hbm>>
    tpu.wait_dma2 semaphore(%arg10 : memref<!tpu.dma_semaphore, #tpu.memory_space<semaphore_mem>>) src(%dma_wait3A_199 : memref<32x1024xf32, #tpu.memory_space<hbm>>) dst(%arg8 : memref<32x1024xf32, #tpu.memory_space<vmem>>)
    %parallel_loop3A_200 = arith.constant 0 : i32
    %parallel_loop3A_201 = arith.constant 32 : i32
    %parallel_loop3A_202 = arith.constant 1 : i32
    scf.for %parallel_loop3A_736 = %parallel_loop3A_200 to %parallel_loop3A_201 step %parallel_loop3A_202  : i32 {
      %parallel_loop3A_737 = arith.constant 256 : i32
      %parallel_loop3A_738 = arith.addi %parallel_loop3A_737, %parallel_loop3A_736 : i32
      %parallel_loop3A_739 = arith.index_cast %parallel_loop3A_738 : i32 to index
      %parallel_loop3A_740 = tpu.vector_load %arg7[%parallel_loop3A_739] {strides = array<i32>} : memref<1040xi32, #tpu.memory_space<vmem>>, vector<16xi32>,
      %parallel_loop3A_741 = vector.shape_cast %parallel_loop3A_740 : vector<16xi32> to vector<16xi32>
      %parallel_loop3A_742 = vector.extract_strided_slice %parallel_loop3A_741 {offsets = [0], sizes = [1], strides = [1]} : vector<16xi32> to vector<1xi32>
      %parallel_loop3A_743 = vector.extract %parallel_loop3A_742[0] : i32 from vector<1xi32>
      %parallel_loop3A_744 = arith.constant 0 : i32
      %parallel_loop3A_745 = arith.constant 1024 : i32
      %parallel_loop3A_746 = arith.constant 16 : i32
      scf.for %parallel_loop3A_747 = %parallel_loop3A_744 to %parallel_loop3A_745 step %parallel_loop3A_746  : i32 {
        %parallel_loop3A_748 = arith.index_cast %parallel_loop3A_736 : i32 to index
        %parallel_loop3A_749 = arith.index_cast %parallel_loop3A_747 : i32 to index
        %parallel_loop3A_750 = tpu.vector_load %arg8[%parallel_loop3A_748, %parallel_loop3A_749] {strides = array<i32>} : memref<32x1024xf32, #tpu.memory_space<vmem>>, vector<1x16xf32>,
        %parallel_loop3A_751 = vector.shape_cast %parallel_loop3A_750 : vector<1x16xf32> to vector<16xf32>
        %parallel_loop3A_752 = arith.index_cast %parallel_loop3A_743 : i32 to index
        %parallel_loop3A_753 = arith.index_cast %parallel_loop3A_747 : i32 to index
        %parallel_loop3A_754 = tpu.vector_load %arg6[%parallel_loop3A_752, %parallel_loop3A_753] {strides = array<i32>} : memref<3x1024xf32, #tpu.memory_space<vmem>>, vector<1x16xf32>,
        %parallel_loop3A_755 = vector.shape_cast %parallel_loop3A_754 : vector<1x16xf32> to vector<16xf32>
        %parallel_loop3A_756 = arith.addf %parallel_loop3A_751, %parallel_loop3A_755 : vector<16xf32>
        %parallel_loop3A_757 = arith.index_cast %parallel_loop3A_736 : i32 to index
        %parallel_loop3A_758 = arith.index_cast %parallel_loop3A_747 : i32 to index
        %parallel_loop3A_759 = tpu.vector_load %arg8[%parallel_loop3A_757, %parallel_loop3A_758] {strides = array<i32>} : memref<32x1024xf32, #tpu.memory_space<vmem>>, vector<1x16xf32>,
        %parallel_loop3A_760 = vector.shape_cast %parallel_loop3A_759 : vector<1x16xf32> to vector<16xf32>
        %parallel_loop3A_761 = vector.shape_cast %parallel_loop3A_756 : vector<16xf32> to vector<1x16xf32>
        tpu.vector_store %arg8[%parallel_loop3A_757, %parallel_loop3A_758], %parallel_loop3A_761 {strides = array<i32>} : memref<32x1024xf32, #tpu.memory_space<vmem>>, vector<1x16xf32>,
      } {sc.loop_unroll_factor = 8 : i64, sc.parallel_access}
    } {sc.loop_unroll_factor = 2 : i64, sc.parallel_access}
    %add3A_203 = arith.constant 256 : i32
    %add3A_204 = arith.addi %mul3A_2, %add3A_203 : i32
    %dma_start3A_205 = arith.constant 0 : i32
    %dma_start3A_206 = tpu.memref_slice %arg5[%add3A_204, %dma_start3A_205] : memref<32768x1024xf32, #tpu.memory_space<hbm>> -> memref<32x1024xf32, #tpu.memory_space<hbm>>
    %dma_start3A_207 = arith.constant 0 : i32
    %dma_start3A_208 = tpu.memref_slice %arg5[%add3A_204, %dma_start3A_207] : memref<32768x1024xf32, #tpu.memory_space<hbm>> -> memref<32x1024xf32, #tpu.memory_space<hbm>>
    tpu.enqueue_dma source(%arg8 : memref<32x1024xf32, #tpu.memory_space<vmem>>) target(%dma_start3A_208 : memref<32x1024xf32, #tpu.memory_space<hbm>>) target_semaphore(%arg12 : memref<!tpu.dma_semaphore, #tpu.memory_space<semaphore_mem>>)
    %dma_wait3A_209 = arith.constant 0 : i32
    %dma_wait3A_210 = tpu.memref_slice %arg5[%add3A_204, %dma_wait3A_209] : memref<32768x1024xf32, #tpu.memory_space<hbm>> -> memref<32x1024xf32, #tpu.memory_space<hbm>>
    %dma_wait3A_211 = arith.constant 0 : i32
    %dma_wait3A_212 = tpu.memref_slice %arg5[%add3A_204, %dma_wait3A_211] : memref<32768x1024xf32, #tpu.memory_space<hbm>> -> memref<32x1024xf32, #tpu.memory_space<hbm>>
    tpu.wait_dma2 semaphore(%arg12 : memref<!tpu.dma_semaphore, #tpu.memory_space<semaphore_mem>>) src(%arg8 : memref<32x1024xf32, #tpu.memory_space<vmem>>) dst(%dma_wait3A_212 : memref<32x1024xf32, #tpu.memory_space<hbm>>)
    %add3A_213 = arith.constant 320 : i32
    %add3A_214 = arith.addi %mul3A_2, %add3A_213 : i32
    %dma_start3A_215 = arith.constant 0 : i32
    %dma_start3A_216 = tpu.memref_slice %arg2[%add3A_214, %dma_start3A_215] : memref<32768x1024xf32, #tpu.memory_space<hbm>> -> memref<32x1024xf32, #tpu.memory_space<hbm>>
    %dma_start3A_217 = arith.constant 0 : i32
    %dma_start3A_218 = tpu.memref_slice %arg2[%add3A_214, %dma_start3A_217] : memref<32768x1024xf32, #tpu.memory_space<hbm>> -> memref<32x1024xf32, #tpu.memory_space<hbm>>
    tpu.enqueue_dma source(%dma_start3A_218 : memref<32x1024xf32, #tpu.memory_space<hbm>>) target(%arg8 : memref<32x1024xf32, #tpu.memory_space<vmem>>) target_semaphore(%arg10 : memref<!tpu.dma_semaphore, #tpu.memory_space<semaphore_mem>>)
    %dma_wait3A_219 = arith.constant 0 : i32
    %dma_wait3A_220 = tpu.memref_slice %arg2[%add3A_191, %dma_wait3A_219] : memref<32768x1024xf32, #tpu.memory_space<hbm>> -> memref<32x1024xf32, #tpu.memory_space<hbm>>
    %dma_wait3A_221 = arith.constant 0 : i32
    %dma_wait3A_222 = tpu.memref_slice %arg2[%add3A_191, %dma_wait3A_221] : memref<32768x1024xf32, #tpu.memory_space<hbm>> -> memref<32x1024xf32, #tpu.memory_space<hbm>>
    tpu.wait_dma2 semaphore(%arg11 : memref<!tpu.dma_semaphore, #tpu.memory_space<semaphore_mem>>) src(%dma_wait3A_222 : memref<32x1024xf32, #tpu.memory_space<hbm>>) dst(%arg9 : memref<32x1024xf32, #tpu.memory_space<vmem>>)
    %parallel_loop3A_223 = arith.constant 0 : i32
    %parallel_loop3A_224 = arith.constant 32 : i32
    %parallel_loop3A_225 = arith.constant 1 : i32
    scf.for %parallel_loop3A_736 = %parallel_loop3A_223 to %parallel_loop3A_224 step %parallel_loop3A_225  : i32 {
      %parallel_loop3A_737 = arith.constant 288 : i32
      %parallel_loop3A_738 = arith.addi %parallel_loop3A_737, %parallel_loop3A_736 : i32
      %parallel_loop3A_739 = arith.index_cast %parallel_loop3A_738 : i32 to index
      %parallel_loop3A_740 = tpu.vector_load %arg7[%parallel_loop3A_739] {strides = array<i32>} : memref<1040xi32, #tpu.memory_space<vmem>>, vector<16xi32>,
      %parallel_loop3A_741 = vector.shape_cast %parallel_loop3A_740 : vector<16xi32> to vector<16xi32>
      %parallel_loop3A_742 = vector.extract_strided_slice %parallel_loop3A_741 {offsets = [0], sizes = [1], strides = [1]} : vector<16xi32> to vector<1xi32>
      %parallel_loop3A_743 = vector.extract %parallel_loop3A_742[0] : i32 from vector<1xi32>
      %parallel_loop3A_744 = arith.constant 0 : i32
      %parallel_loop3A_745 = arith.constant 1024 : i32
      %parallel_loop3A_746 = arith.constant 16 : i32
      scf.for %parallel_loop3A_747 = %parallel_loop3A_744 to %parallel_loop3A_745 step %parallel_loop3A_746  : i32 {
        %parallel_loop3A_748 = arith.index_cast %parallel_loop3A_736 : i32 to index
        %parallel_loop3A_749 = arith.index_cast %parallel_loop3A_747 : i32 to index
        %parallel_loop3A_750 = tpu.vector_load %arg9[%parallel_loop3A_748, %parallel_loop3A_749] {strides = array<i32>} : memref<32x1024xf32, #tpu.memory_space<vmem>>, vector<1x16xf32>,
        %parallel_loop3A_751 = vector.shape_cast %parallel_loop3A_750 : vector<1x16xf32> to vector<16xf32>
        %parallel_loop3A_752 = arith.index_cast %parallel_loop3A_743 : i32 to index
        %parallel_loop3A_753 = arith.index_cast %parallel_loop3A_747 : i32 to index
        %parallel_loop3A_754 = tpu.vector_load %arg6[%parallel_loop3A_752, %parallel_loop3A_753] {strides = array<i32>} : memref<3x1024xf32, #tpu.memory_space<vmem>>, vector<1x16xf32>,
        %parallel_loop3A_755 = vector.shape_cast %parallel_loop3A_754 : vector<1x16xf32> to vector<16xf32>
        %parallel_loop3A_756 = arith.addf %parallel_loop3A_751, %parallel_loop3A_755 : vector<16xf32>
        %parallel_loop3A_757 = arith.index_cast %parallel_loop3A_736 : i32 to index
        %parallel_loop3A_758 = arith.index_cast %parallel_loop3A_747 : i32 to index
        %parallel_loop3A_759 = tpu.vector_load %arg9[%parallel_loop3A_757, %parallel_loop3A_758] {strides = array<i32>} : memref<32x1024xf32, #tpu.memory_space<vmem>>, vector<1x16xf32>,
        %parallel_loop3A_760 = vector.shape_cast %parallel_loop3A_759 : vector<1x16xf32> to vector<16xf32>
        %parallel_loop3A_761 = vector.shape_cast %parallel_loop3A_756 : vector<16xf32> to vector<1x16xf32>
        tpu.vector_store %arg9[%parallel_loop3A_757, %parallel_loop3A_758], %parallel_loop3A_761 {strides = array<i32>} : memref<32x1024xf32, #tpu.memory_space<vmem>>, vector<1x16xf32>,
      } {sc.loop_unroll_factor = 8 : i64, sc.parallel_access}
    } {sc.loop_unroll_factor = 2 : i64, sc.parallel_access}
    %add3A_226 = arith.constant 288 : i32
    %add3A_227 = arith.addi %mul3A_2, %add3A_226 : i32
    %dma_start3A_228 = arith.constant 0 : i32
    %dma_start3A_229 = tpu.memref_slice %arg5[%add3A_227, %dma_start3A_228] : memref<32768x1024xf32, #tpu.memory_space<hbm>> -> memref<32x1024xf32, #tpu.memory_space<hbm>>
    %dma_start3A_230 = arith.constant 0 : i32
    %dma_start3A_231 = tpu.memref_slice %arg5[%add3A_227, %dma_start3A_230] : memref<32768x1024xf32, #tpu.memory_space<hbm>> -> memref<32x1024xf32, #tpu.memory_space<hbm>>
    tpu.enqueue_dma source(%arg9 : memref<32x1024xf32, #tpu.memory_space<vmem>>) target(%dma_start3A_231 : memref<32x1024xf32, #tpu.memory_space<hbm>>) target_semaphore(%arg13 : memref<!tpu.dma_semaphore, #tpu.memory_space<semaphore_mem>>)
    %dma_wait3A_232 = arith.constant 0 : i32
    %dma_wait3A_233 = tpu.memref_slice %arg5[%add3A_227, %dma_wait3A_232] : memref<32768x1024xf32, #tpu.memory_space<hbm>> -> memref<32x1024xf32, #tpu.memory_space<hbm>>
    %dma_wait3A_234 = arith.constant 0 : i32
    %dma_wait3A_235 = tpu.memref_slice %arg5[%add3A_227, %dma_wait3A_234] : memref<32768x1024xf32, #tpu.memory_space<hbm>> -> memref<32x1024xf32, #tpu.memory_space<hbm>>
    tpu.wait_dma2 semaphore(%arg13 : memref<!tpu.dma_semaphore, #tpu.memory_space<semaphore_mem>>) src(%arg9 : memref<32x1024xf32, #tpu.memory_space<vmem>>) dst(%dma_wait3A_235 : memref<32x1024xf32, #tpu.memory_space<hbm>>)
    %add3A_236 = arith.constant 352 : i32
    %add3A_237 = arith.addi %mul3A_2, %add3A_236 : i32
    %dma_start3A_238 = arith.constant 0 : i32
    %dma_start3A_239 = tpu.memref_slice %arg2[%add3A_237, %dma_start3A_238] : memref<32768x1024xf32, #tpu.memory_space<hbm>> -> memref<32x1024xf32, #tpu.memory_space<hbm>>
    %dma_start3A_240 = arith.constant 0 : i32
    %dma_start3A_241 = tpu.memref_slice %arg2[%add3A_237, %dma_start3A_240] : memref<32768x1024xf32, #tpu.memory_space<hbm>> -> memref<32x1024xf32, #tpu.memory_space<hbm>>
    tpu.enqueue_dma source(%dma_start3A_241 : memref<32x1024xf32, #tpu.memory_space<hbm>>) target(%arg9 : memref<32x1024xf32, #tpu.memory_space<vmem>>) target_semaphore(%arg11 : memref<!tpu.dma_semaphore, #tpu.memory_space<semaphore_mem>>)
    %dma_wait3A_242 = arith.constant 0 : i32
    %dma_wait3A_243 = tpu.memref_slice %arg2[%add3A_214, %dma_wait3A_242] : memref<32768x1024xf32, #tpu.memory_space<hbm>> -> memref<32x1024xf32, #tpu.memory_space<hbm>>
    %dma_wait3A_244 = arith.constant 0 : i32
    %dma_wait3A_245 = tpu.memref_slice %arg2[%add3A_214, %dma_wait3A_244] : memref<32768x1024xf32, #tpu.memory_space<hbm>> -> memref<32x1024xf32, #tpu.memory_space<hbm>>
    tpu.wait_dma2 semaphore(%arg10 : memref<!tpu.dma_semaphore, #tpu.memory_space<semaphore_mem>>) src(%dma_wait3A_245 : memref<32x1024xf32, #tpu.memory_space<hbm>>) dst(%arg8 : memref<32x1024xf32, #tpu.memory_space<vmem>>)
    %parallel_loop3A_246 = arith.constant 0 : i32
    %parallel_loop3A_247 = arith.constant 32 : i32
    %parallel_loop3A_248 = arith.constant 1 : i32
    scf.for %parallel_loop3A_736 = %parallel_loop3A_246 to %parallel_loop3A_247 step %parallel_loop3A_248  : i32 {
      %parallel_loop3A_737 = arith.constant 320 : i32
      %parallel_loop3A_738 = arith.addi %parallel_loop3A_737, %parallel_loop3A_736 : i32
      %parallel_loop3A_739 = arith.index_cast %parallel_loop3A_738 : i32 to index
      %parallel_loop3A_740 = tpu.vector_load %arg7[%parallel_loop3A_739] {strides = array<i32>} : memref<1040xi32, #tpu.memory_space<vmem>>, vector<16xi32>,
      %parallel_loop3A_741 = vector.shape_cast %parallel_loop3A_740 : vector<16xi32> to vector<16xi32>
      %parallel_loop3A_742 = vector.extract_strided_slice %parallel_loop3A_741 {offsets = [0], sizes = [1], strides = [1]} : vector<16xi32> to vector<1xi32>
      %parallel_loop3A_743 = vector.extract %parallel_loop3A_742[0] : i32 from vector<1xi32>
      %parallel_loop3A_744 = arith.constant 0 : i32
      %parallel_loop3A_745 = arith.constant 1024 : i32
      %parallel_loop3A_746 = arith.constant 16 : i32
      scf.for %parallel_loop3A_747 = %parallel_loop3A_744 to %parallel_loop3A_745 step %parallel_loop3A_746  : i32 {
        %parallel_loop3A_748 = arith.index_cast %parallel_loop3A_736 : i32 to index
        %parallel_loop3A_749 = arith.index_cast %parallel_loop3A_747 : i32 to index
        %parallel_loop3A_750 = tpu.vector_load %arg8[%parallel_loop3A_748, %parallel_loop3A_749] {strides = array<i32>} : memref<32x1024xf32, #tpu.memory_space<vmem>>, vector<1x16xf32>,
        %parallel_loop3A_751 = vector.shape_cast %parallel_loop3A_750 : vector<1x16xf32> to vector<16xf32>
        %parallel_loop3A_752 = arith.index_cast %parallel_loop3A_743 : i32 to index
        %parallel_loop3A_753 = arith.index_cast %parallel_loop3A_747 : i32 to index
        %parallel_loop3A_754 = tpu.vector_load %arg6[%parallel_loop3A_752, %parallel_loop3A_753] {strides = array<i32>} : memref<3x1024xf32, #tpu.memory_space<vmem>>, vector<1x16xf32>,
        %parallel_loop3A_755 = vector.shape_cast %parallel_loop3A_754 : vector<1x16xf32> to vector<16xf32>
        %parallel_loop3A_756 = arith.addf %parallel_loop3A_751, %parallel_loop3A_755 : vector<16xf32>
        %parallel_loop3A_757 = arith.index_cast %parallel_loop3A_736 : i32 to index
        %parallel_loop3A_758 = arith.index_cast %parallel_loop3A_747 : i32 to index
        %parallel_loop3A_759 = tpu.vector_load %arg8[%parallel_loop3A_757, %parallel_loop3A_758] {strides = array<i32>} : memref<32x1024xf32, #tpu.memory_space<vmem>>, vector<1x16xf32>,
        %parallel_loop3A_760 = vector.shape_cast %parallel_loop3A_759 : vector<1x16xf32> to vector<16xf32>
        %parallel_loop3A_761 = vector.shape_cast %parallel_loop3A_756 : vector<16xf32> to vector<1x16xf32>
        tpu.vector_store %arg8[%parallel_loop3A_757, %parallel_loop3A_758], %parallel_loop3A_761 {strides = array<i32>} : memref<32x1024xf32, #tpu.memory_space<vmem>>, vector<1x16xf32>,
      } {sc.loop_unroll_factor = 8 : i64, sc.parallel_access}
    } {sc.loop_unroll_factor = 2 : i64, sc.parallel_access}
    %add3A_249 = arith.constant 320 : i32
    %add3A_250 = arith.addi %mul3A_2, %add3A_249 : i32
    %dma_start3A_251 = arith.constant 0 : i32
    %dma_start3A_252 = tpu.memref_slice %arg5[%add3A_250, %dma_start3A_251] : memref<32768x1024xf32, #tpu.memory_space<hbm>> -> memref<32x1024xf32, #tpu.memory_space<hbm>>
    %dma_start3A_253 = arith.constant 0 : i32
    %dma_start3A_254 = tpu.memref_slice %arg5[%add3A_250, %dma_start3A_253] : memref<32768x1024xf32, #tpu.memory_space<hbm>> -> memref<32x1024xf32, #tpu.memory_space<hbm>>
    tpu.enqueue_dma source(%arg8 : memref<32x1024xf32, #tpu.memory_space<vmem>>) target(%dma_start3A_254 : memref<32x1024xf32, #tpu.memory_space<hbm>>) target_semaphore(%arg12 : memref<!tpu.dma_semaphore, #tpu.memory_space<semaphore_mem>>)
    %dma_wait3A_255 = arith.constant 0 : i32
    %dma_wait3A_256 = tpu.memref_slice %arg5[%add3A_250, %dma_wait3A_255] : memref<32768x1024xf32, #tpu.memory_space<hbm>> -> memref<32x1024xf32, #tpu.memory_space<hbm>>
    %dma_wait3A_257 = arith.constant 0 : i32
    %dma_wait3A_258 = tpu.memref_slice %arg5[%add3A_250, %dma_wait3A_257] : memref<32768x1024xf32, #tpu.memory_space<hbm>> -> memref<32x1024xf32, #tpu.memory_space<hbm>>
    tpu.wait_dma2 semaphore(%arg12 : memref<!tpu.dma_semaphore, #tpu.memory_space<semaphore_mem>>) src(%arg8 : memref<32x1024xf32, #tpu.memory_space<vmem>>) dst(%dma_wait3A_258 : memref<32x1024xf32, #tpu.memory_space<hbm>>)
    %add3A_259 = arith.constant 384 : i32
    %add3A_260 = arith.addi %mul3A_2, %add3A_259 : i32
    %dma_start3A_261 = arith.constant 0 : i32
    %dma_start3A_262 = tpu.memref_slice %arg2[%add3A_260, %dma_start3A_261] : memref<32768x1024xf32, #tpu.memory_space<hbm>> -> memref<32x1024xf32, #tpu.memory_space<hbm>>
    %dma_start3A_263 = arith.constant 0 : i32
    %dma_start3A_264 = tpu.memref_slice %arg2[%add3A_260, %dma_start3A_263] : memref<32768x1024xf32, #tpu.memory_space<hbm>> -> memref<32x1024xf32, #tpu.memory_space<hbm>>
    tpu.enqueue_dma source(%dma_start3A_264 : memref<32x1024xf32, #tpu.memory_space<hbm>>) target(%arg8 : memref<32x1024xf32, #tpu.memory_space<vmem>>) target_semaphore(%arg10 : memref<!tpu.dma_semaphore, #tpu.memory_space<semaphore_mem>>)
    %dma_wait3A_265 = arith.constant 0 : i32
    %dma_wait3A_266 = tpu.memref_slice %arg2[%add3A_237, %dma_wait3A_265] : memref<32768x1024xf32, #tpu.memory_space<hbm>> -> memref<32x1024xf32, #tpu.memory_space<hbm>>
    %dma_wait3A_267 = arith.constant 0 : i32
    %dma_wait3A_268 = tpu.memref_slice %arg2[%add3A_237, %dma_wait3A_267] : memref<32768x1024xf32, #tpu.memory_space<hbm>> -> memref<32x1024xf32, #tpu.memory_space<hbm>>
    tpu.wait_dma2 semaphore(%arg11 : memref<!tpu.dma_semaphore, #tpu.memory_space<semaphore_mem>>) src(%dma_wait3A_268 : memref<32x1024xf32, #tpu.memory_space<hbm>>) dst(%arg9 : memref<32x1024xf32, #tpu.memory_space<vmem>>)
    %parallel_loop3A_269 = arith.constant 0 : i32
    %parallel_loop3A_270 = arith.constant 32 : i32
    %parallel_loop3A_271 = arith.constant 1 : i32
    scf.for %parallel_loop3A_736 = %parallel_loop3A_269 to %parallel_loop3A_270 step %parallel_loop3A_271  : i32 {
      %parallel_loop3A_737 = arith.constant 352 : i32
      %parallel_loop3A_738 = arith.addi %parallel_loop3A_737, %parallel_loop3A_736 : i32
      %parallel_loop3A_739 = arith.index_cast %parallel_loop3A_738 : i32 to index
      %parallel_loop3A_740 = tpu.vector_load %arg7[%parallel_loop3A_739] {strides = array<i32>} : memref<1040xi32, #tpu.memory_space<vmem>>, vector<16xi32>,
      %parallel_loop3A_741 = vector.shape_cast %parallel_loop3A_740 : vector<16xi32> to vector<16xi32>
      %parallel_loop3A_742 = vector.extract_strided_slice %parallel_loop3A_741 {offsets = [0], sizes = [1], strides = [1]} : vector<16xi32> to vector<1xi32>
      %parallel_loop3A_743 = vector.extract %parallel_loop3A_742[0] : i32 from vector<1xi32>
      %parallel_loop3A_744 = arith.constant 0 : i32
      %parallel_loop3A_745 = arith.constant 1024 : i32
      %parallel_loop3A_746 = arith.constant 16 : i32
      scf.for %parallel_loop3A_747 = %parallel_loop3A_744 to %parallel_loop3A_745 step %parallel_loop3A_746  : i32 {
        %parallel_loop3A_748 = arith.index_cast %parallel_loop3A_736 : i32 to index
        %parallel_loop3A_749 = arith.index_cast %parallel_loop3A_747 : i32 to index
        %parallel_loop3A_750 = tpu.vector_load %arg9[%parallel_loop3A_748, %parallel_loop3A_749] {strides = array<i32>} : memref<32x1024xf32, #tpu.memory_space<vmem>>, vector<1x16xf32>,
        %parallel_loop3A_751 = vector.shape_cast %parallel_loop3A_750 : vector<1x16xf32> to vector<16xf32>
        %parallel_loop3A_752 = arith.index_cast %parallel_loop3A_743 : i32 to index
        %parallel_loop3A_753 = arith.index_cast %parallel_loop3A_747 : i32 to index
        %parallel_loop3A_754 = tpu.vector_load %arg6[%parallel_loop3A_752, %parallel_loop3A_753] {strides = array<i32>} : memref<3x1024xf32, #tpu.memory_space<vmem>>, vector<1x16xf32>,
        %parallel_loop3A_755 = vector.shape_cast %parallel_loop3A_754 : vector<1x16xf32> to vector<16xf32>
        %parallel_loop3A_756 = arith.addf %parallel_loop3A_751, %parallel_loop3A_755 : vector<16xf32>
        %parallel_loop3A_757 = arith.index_cast %parallel_loop3A_736 : i32 to index
        %parallel_loop3A_758 = arith.index_cast %parallel_loop3A_747 : i32 to index
        %parallel_loop3A_759 = tpu.vector_load %arg9[%parallel_loop3A_757, %parallel_loop3A_758] {strides = array<i32>} : memref<32x1024xf32, #tpu.memory_space<vmem>>, vector<1x16xf32>,
        %parallel_loop3A_760 = vector.shape_cast %parallel_loop3A_759 : vector<1x16xf32> to vector<16xf32>
        %parallel_loop3A_761 = vector.shape_cast %parallel_loop3A_756 : vector<16xf32> to vector<1x16xf32>
        tpu.vector_store %arg9[%parallel_loop3A_757, %parallel_loop3A_758], %parallel_loop3A_761 {strides = array<i32>} : memref<32x1024xf32, #tpu.memory_space<vmem>>, vector<1x16xf32>,
      } {sc.loop_unroll_factor = 8 : i64, sc.parallel_access}
    } {sc.loop_unroll_factor = 2 : i64, sc.parallel_access}
    %add3A_272 = arith.constant 352 : i32
    %add3A_273 = arith.addi %mul3A_2, %add3A_272 : i32
    %dma_start3A_274 = arith.constant 0 : i32
    %dma_start3A_275 = tpu.memref_slice %arg5[%add3A_273, %dma_start3A_274] : memref<32768x1024xf32, #tpu.memory_space<hbm>> -> memref<32x1024xf32, #tpu.memory_space<hbm>>
    %dma_start3A_276 = arith.constant 0 : i32
    %dma_start3A_277 = tpu.memref_slice %arg5[%add3A_273, %dma_start3A_276] : memref<32768x1024xf32, #tpu.memory_space<hbm>> -> memref<32x1024xf32, #tpu.memory_space<hbm>>
    tpu.enqueue_dma source(%arg9 : memref<32x1024xf32, #tpu.memory_space<vmem>>) target(%dma_start3A_277 : memref<32x1024xf32, #tpu.memory_space<hbm>>) target_semaphore(%arg13 : memref<!tpu.dma_semaphore, #tpu.memory_space<semaphore_mem>>)
    %dma_wait3A_278 = arith.constant 0 : i32
    %dma_wait3A_279 = tpu.memref_slice %arg5[%add3A_273, %dma_wait3A_278] : memref<32768x1024xf32, #tpu.memory_space<hbm>> -> memref<32x1024xf32, #tpu.memory_space<hbm>>
    %dma_wait3A_280 = arith.constant 0 : i32
    %dma_wait3A_281 = tpu.memref_slice %arg5[%add3A_273, %dma_wait3A_280] : memref<32768x1024xf32, #tpu.memory_space<hbm>> -> memref<32x1024xf32, #tpu.memory_space<hbm>>
    tpu.wait_dma2 semaphore(%arg13 : memref<!tpu.dma_semaphore, #tpu.memory_space<semaphore_mem>>) src(%arg9 : memref<32x1024xf32, #tpu.memory_space<vmem>>) dst(%dma_wait3A_281 : memref<32x1024xf32, #tpu.memory_space<hbm>>)
    %add3A_282 = arith.constant 416 : i32
    %add3A_283 = arith.addi %mul3A_2, %add3A_282 : i32
    %dma_start3A_284 = arith.constant 0 : i32
    %dma_start3A_285 = tpu.memref_slice %arg2[%add3A_283, %dma_start3A_284] : memref<32768x1024xf32, #tpu.memory_space<hbm>> -> memref<32x1024xf32, #tpu.memory_space<hbm>>
    %dma_start3A_286 = arith.constant 0 : i32
    %dma_start3A_287 = tpu.memref_slice %arg2[%add3A_283, %dma_start3A_286] : memref<32768x1024xf32, #tpu.memory_space<hbm>> -> memref<32x1024xf32, #tpu.memory_space<hbm>>
    tpu.enqueue_dma source(%dma_start3A_287 : memref<32x1024xf32, #tpu.memory_space<hbm>>) target(%arg9 : memref<32x1024xf32, #tpu.memory_space<vmem>>) target_semaphore(%arg11 : memref<!tpu.dma_semaphore, #tpu.memory_space<semaphore_mem>>)
    %dma_wait3A_288 = arith.constant 0 : i32
    %dma_wait3A_289 = tpu.memref_slice %arg2[%add3A_260, %dma_wait3A_288] : memref<32768x1024xf32, #tpu.memory_space<hbm>> -> memref<32x1024xf32, #tpu.memory_space<hbm>>
    %dma_wait3A_290 = arith.constant 0 : i32
    %dma_wait3A_291 = tpu.memref_slice %arg2[%add3A_260, %dma_wait3A_290] : memref<32768x1024xf32, #tpu.memory_space<hbm>> -> memref<32x1024xf32, #tpu.memory_space<hbm>>
    tpu.wait_dma2 semaphore(%arg10 : memref<!tpu.dma_semaphore, #tpu.memory_space<semaphore_mem>>) src(%dma_wait3A_291 : memref<32x1024xf32, #tpu.memory_space<hbm>>) dst(%arg8 : memref<32x1024xf32, #tpu.memory_space<vmem>>)
    %parallel_loop3A_292 = arith.constant 0 : i32
    %parallel_loop3A_293 = arith.constant 32 : i32
    %parallel_loop3A_294 = arith.constant 1 : i32
    scf.for %parallel_loop3A_736 = %parallel_loop3A_292 to %parallel_loop3A_293 step %parallel_loop3A_294  : i32 {
      %parallel_loop3A_737 = arith.constant 384 : i32
      %parallel_loop3A_738 = arith.addi %parallel_loop3A_737, %parallel_loop3A_736 : i32
      %parallel_loop3A_739 = arith.index_cast %parallel_loop3A_738 : i32 to index
      %parallel_loop3A_740 = tpu.vector_load %arg7[%parallel_loop3A_739] {strides = array<i32>} : memref<1040xi32, #tpu.memory_space<vmem>>, vector<16xi32>,
      %parallel_loop3A_741 = vector.shape_cast %parallel_loop3A_740 : vector<16xi32> to vector<16xi32>
      %parallel_loop3A_742 = vector.extract_strided_slice %parallel_loop3A_741 {offsets = [0], sizes = [1], strides = [1]} : vector<16xi32> to vector<1xi32>
      %parallel_loop3A_743 = vector.extract %parallel_loop3A_742[0] : i32 from vector<1xi32>
      %parallel_loop3A_744 = arith.constant 0 : i32
      %parallel_loop3A_745 = arith.constant 1024 : i32
      %parallel_loop3A_746 = arith.constant 16 : i32
      scf.for %parallel_loop3A_747 = %parallel_loop3A_744 to %parallel_loop3A_745 step %parallel_loop3A_746  : i32 {
        %parallel_loop3A_748 = arith.index_cast %parallel_loop3A_736 : i32 to index
        %parallel_loop3A_749 = arith.index_cast %parallel_loop3A_747 : i32 to index
        %parallel_loop3A_750 = tpu.vector_load %arg8[%parallel_loop3A_748, %parallel_loop3A_749] {strides = array<i32>} : memref<32x1024xf32, #tpu.memory_space<vmem>>, vector<1x16xf32>,
        %parallel_loop3A_751 = vector.shape_cast %parallel_loop3A_750 : vector<1x16xf32> to vector<16xf32>
        %parallel_loop3A_752 = arith.index_cast %parallel_loop3A_743 : i32 to index
        %parallel_loop3A_753 = arith.index_cast %parallel_loop3A_747 : i32 to index
        %parallel_loop3A_754 = tpu.vector_load %arg6[%parallel_loop3A_752, %parallel_loop3A_753] {strides = array<i32>} : memref<3x1024xf32, #tpu.memory_space<vmem>>, vector<1x16xf32>,
        %parallel_loop3A_755 = vector.shape_cast %parallel_loop3A_754 : vector<1x16xf32> to vector<16xf32>
        %parallel_loop3A_756 = arith.addf %parallel_loop3A_751, %parallel_loop3A_755 : vector<16xf32>
        %parallel_loop3A_757 = arith.index_cast %parallel_loop3A_736 : i32 to index
        %parallel_loop3A_758 = arith.index_cast %parallel_loop3A_747 : i32 to index
        %parallel_loop3A_759 = tpu.vector_load %arg8[%parallel_loop3A_757, %parallel_loop3A_758] {strides = array<i32>} : memref<32x1024xf32, #tpu.memory_space<vmem>>, vector<1x16xf32>,
        %parallel_loop3A_760 = vector.shape_cast %parallel_loop3A_759 : vector<1x16xf32> to vector<16xf32>
        %parallel_loop3A_761 = vector.shape_cast %parallel_loop3A_756 : vector<16xf32> to vector<1x16xf32>
        tpu.vector_store %arg8[%parallel_loop3A_757, %parallel_loop3A_758], %parallel_loop3A_761 {strides = array<i32>} : memref<32x1024xf32, #tpu.memory_space<vmem>>, vector<1x16xf32>,
      } {sc.loop_unroll_factor = 8 : i64, sc.parallel_access}
    } {sc.loop_unroll_factor = 2 : i64, sc.parallel_access}
    %add3A_295 = arith.constant 384 : i32
    %add3A_296 = arith.addi %mul3A_2, %add3A_295 : i32
    %dma_start3A_297 = arith.constant 0 : i32
    %dma_start3A_298 = tpu.memref_slice %arg5[%add3A_296, %dma_start3A_297] : memref<32768x1024xf32, #tpu.memory_space<hbm>> -> memref<32x1024xf32, #tpu.memory_space<hbm>>
    %dma_start3A_299 = arith.constant 0 : i32
    %dma_start3A_300 = tpu.memref_slice %arg5[%add3A_296, %dma_start3A_299] : memref<32768x1024xf32, #tpu.memory_space<hbm>> -> memref<32x1024xf32, #tpu.memory_space<hbm>>
    tpu.enqueue_dma source(%arg8 : memref<32x1024xf32, #tpu.memory_space<vmem>>) target(%dma_start3A_300 : memref<32x1024xf32, #tpu.memory_space<hbm>>) target_semaphore(%arg12 : memref<!tpu.dma_semaphore, #tpu.memory_space<semaphore_mem>>)
    %dma_wait3A_301 = arith.constant 0 : i32
    %dma_wait3A_302 = tpu.memref_slice %arg5[%add3A_296, %dma_wait3A_301] : memref<32768x1024xf32, #tpu.memory_space<hbm>> -> memref<32x1024xf32, #tpu.memory_space<hbm>>
    %dma_wait3A_303 = arith.constant 0 : i32
    %dma_wait3A_304 = tpu.memref_slice %arg5[%add3A_296, %dma_wait3A_303] : memref<32768x1024xf32, #tpu.memory_space<hbm>> -> memref<32x1024xf32, #tpu.memory_space<hbm>>
    tpu.wait_dma2 semaphore(%arg12 : memref<!tpu.dma_semaphore, #tpu.memory_space<semaphore_mem>>) src(%arg8 : memref<32x1024xf32, #tpu.memory_space<vmem>>) dst(%dma_wait3A_304 : memref<32x1024xf32, #tpu.memory_space<hbm>>)
    %add3A_305 = arith.constant 448 : i32
    %add3A_306 = arith.addi %mul3A_2, %add3A_305 : i32
    %dma_start3A_307 = arith.constant 0 : i32
    %dma_start3A_308 = tpu.memref_slice %arg2[%add3A_306, %dma_start3A_307] : memref<32768x1024xf32, #tpu.memory_space<hbm>> -> memref<32x1024xf32, #tpu.memory_space<hbm>>
    %dma_start3A_309 = arith.constant 0 : i32
    %dma_start3A_310 = tpu.memref_slice %arg2[%add3A_306, %dma_start3A_309] : memref<32768x1024xf32, #tpu.memory_space<hbm>> -> memref<32x1024xf32, #tpu.memory_space<hbm>>
    tpu.enqueue_dma source(%dma_start3A_310 : memref<32x1024xf32, #tpu.memory_space<hbm>>) target(%arg8 : memref<32x1024xf32, #tpu.memory_space<vmem>>) target_semaphore(%arg10 : memref<!tpu.dma_semaphore, #tpu.memory_space<semaphore_mem>>)
    %dma_wait3A_311 = arith.constant 0 : i32
    %dma_wait3A_312 = tpu.memref_slice %arg2[%add3A_283, %dma_wait3A_311] : memref<32768x1024xf32, #tpu.memory_space<hbm>> -> memref<32x1024xf32, #tpu.memory_space<hbm>>
    %dma_wait3A_313 = arith.constant 0 : i32
    %dma_wait3A_314 = tpu.memref_slice %arg2[%add3A_283, %dma_wait3A_313] : memref<32768x1024xf32, #tpu.memory_space<hbm>> -> memref<32x1024xf32, #tpu.memory_space<hbm>>
    tpu.wait_dma2 semaphore(%arg11 : memref<!tpu.dma_semaphore, #tpu.memory_space<semaphore_mem>>) src(%dma_wait3A_314 : memref<32x1024xf32, #tpu.memory_space<hbm>>) dst(%arg9 : memref<32x1024xf32, #tpu.memory_space<vmem>>)
    %parallel_loop3A_315 = arith.constant 0 : i32
    %parallel_loop3A_316 = arith.constant 32 : i32
    %parallel_loop3A_317 = arith.constant 1 : i32
    scf.for %parallel_loop3A_736 = %parallel_loop3A_315 to %parallel_loop3A_316 step %parallel_loop3A_317  : i32 {
      %parallel_loop3A_737 = arith.constant 416 : i32
      %parallel_loop3A_738 = arith.addi %parallel_loop3A_737, %parallel_loop3A_736 : i32
      %parallel_loop3A_739 = arith.index_cast %parallel_loop3A_738 : i32 to index
      %parallel_loop3A_740 = tpu.vector_load %arg7[%parallel_loop3A_739] {strides = array<i32>} : memref<1040xi32, #tpu.memory_space<vmem>>, vector<16xi32>,
      %parallel_loop3A_741 = vector.shape_cast %parallel_loop3A_740 : vector<16xi32> to vector<16xi32>
      %parallel_loop3A_742 = vector.extract_strided_slice %parallel_loop3A_741 {offsets = [0], sizes = [1], strides = [1]} : vector<16xi32> to vector<1xi32>
      %parallel_loop3A_743 = vector.extract %parallel_loop3A_742[0] : i32 from vector<1xi32>
      %parallel_loop3A_744 = arith.constant 0 : i32
      %parallel_loop3A_745 = arith.constant 1024 : i32
      %parallel_loop3A_746 = arith.constant 16 : i32
      scf.for %parallel_loop3A_747 = %parallel_loop3A_744 to %parallel_loop3A_745 step %parallel_loop3A_746  : i32 {
        %parallel_loop3A_748 = arith.index_cast %parallel_loop3A_736 : i32 to index
        %parallel_loop3A_749 = arith.index_cast %parallel_loop3A_747 : i32 to index
        %parallel_loop3A_750 = tpu.vector_load %arg9[%parallel_loop3A_748, %parallel_loop3A_749] {strides = array<i32>} : memref<32x1024xf32, #tpu.memory_space<vmem>>, vector<1x16xf32>,
        %parallel_loop3A_751 = vector.shape_cast %parallel_loop3A_750 : vector<1x16xf32> to vector<16xf32>
        %parallel_loop3A_752 = arith.index_cast %parallel_loop3A_743 : i32 to index
        %parallel_loop3A_753 = arith.index_cast %parallel_loop3A_747 : i32 to index
        %parallel_loop3A_754 = tpu.vector_load %arg6[%parallel_loop3A_752, %parallel_loop3A_753] {strides = array<i32>} : memref<3x1024xf32, #tpu.memory_space<vmem>>, vector<1x16xf32>,
        %parallel_loop3A_755 = vector.shape_cast %parallel_loop3A_754 : vector<1x16xf32> to vector<16xf32>
        %parallel_loop3A_756 = arith.addf %parallel_loop3A_751, %parallel_loop3A_755 : vector<16xf32>
        %parallel_loop3A_757 = arith.index_cast %parallel_loop3A_736 : i32 to index
        %parallel_loop3A_758 = arith.index_cast %parallel_loop3A_747 : i32 to index
        %parallel_loop3A_759 = tpu.vector_load %arg9[%parallel_loop3A_757, %parallel_loop3A_758] {strides = array<i32>} : memref<32x1024xf32, #tpu.memory_space<vmem>>, vector<1x16xf32>,
        %parallel_loop3A_760 = vector.shape_cast %parallel_loop3A_759 : vector<1x16xf32> to vector<16xf32>
        %parallel_loop3A_761 = vector.shape_cast %parallel_loop3A_756 : vector<16xf32> to vector<1x16xf32>
        tpu.vector_store %arg9[%parallel_loop3A_757, %parallel_loop3A_758], %parallel_loop3A_761 {strides = array<i32>} : memref<32x1024xf32, #tpu.memory_space<vmem>>, vector<1x16xf32>,
      } {sc.loop_unroll_factor = 8 : i64, sc.parallel_access}
    } {sc.loop_unroll_factor = 2 : i64, sc.parallel_access}
    %add3A_318 = arith.constant 416 : i32
    %add3A_319 = arith.addi %mul3A_2, %add3A_318 : i32
    %dma_start3A_320 = arith.constant 0 : i32
    %dma_start3A_321 = tpu.memref_slice %arg5[%add3A_319, %dma_start3A_320] : memref<32768x1024xf32, #tpu.memory_space<hbm>> -> memref<32x1024xf32, #tpu.memory_space<hbm>>
    %dma_start3A_322 = arith.constant 0 : i32
    %dma_start3A_323 = tpu.memref_slice %arg5[%add3A_319, %dma_start3A_322] : memref<32768x1024xf32, #tpu.memory_space<hbm>> -> memref<32x1024xf32, #tpu.memory_space<hbm>>
    tpu.enqueue_dma source(%arg9 : memref<32x1024xf32, #tpu.memory_space<vmem>>) target(%dma_start3A_323 : memref<32x1024xf32, #tpu.memory_space<hbm>>) target_semaphore(%arg13 : memref<!tpu.dma_semaphore, #tpu.memory_space<semaphore_mem>>)
    %dma_wait3A_324 = arith.constant 0 : i32
    %dma_wait3A_325 = tpu.memref_slice %arg5[%add3A_319, %dma_wait3A_324] : memref<32768x1024xf32, #tpu.memory_space<hbm>> -> memref<32x1024xf32, #tpu.memory_space<hbm>>
    %dma_wait3A_326 = arith.constant 0 : i32
    %dma_wait3A_327 = tpu.memref_slice %arg5[%add3A_319, %dma_wait3A_326] : memref<32768x1024xf32, #tpu.memory_space<hbm>> -> memref<32x1024xf32, #tpu.memory_space<hbm>>
    tpu.wait_dma2 semaphore(%arg13 : memref<!tpu.dma_semaphore, #tpu.memory_space<semaphore_mem>>) src(%arg9 : memref<32x1024xf32, #tpu.memory_space<vmem>>) dst(%dma_wait3A_327 : memref<32x1024xf32, #tpu.memory_space<hbm>>)
    %add3A_328 = arith.constant 480 : i32
    %add3A_329 = arith.addi %mul3A_2, %add3A_328 : i32
    %dma_start3A_330 = arith.constant 0 : i32
    %dma_start3A_331 = tpu.memref_slice %arg2[%add3A_329, %dma_start3A_330] : memref<32768x1024xf32, #tpu.memory_space<hbm>> -> memref<32x1024xf32, #tpu.memory_space<hbm>>
    %dma_start3A_332 = arith.constant 0 : i32
    %dma_start3A_333 = tpu.memref_slice %arg2[%add3A_329, %dma_start3A_332] : memref<32768x1024xf32, #tpu.memory_space<hbm>> -> memref<32x1024xf32, #tpu.memory_space<hbm>>
    tpu.enqueue_dma source(%dma_start3A_333 : memref<32x1024xf32, #tpu.memory_space<hbm>>) target(%arg9 : memref<32x1024xf32, #tpu.memory_space<vmem>>) target_semaphore(%arg11 : memref<!tpu.dma_semaphore, #tpu.memory_space<semaphore_mem>>)
    %dma_wait3A_334 = arith.constant 0 : i32
    %dma_wait3A_335 = tpu.memref_slice %arg2[%add3A_306, %dma_wait3A_334] : memref<32768x1024xf32, #tpu.memory_space<hbm>> -> memref<32x1024xf32, #tpu.memory_space<hbm>>
    %dma_wait3A_336 = arith.constant 0 : i32
    %dma_wait3A_337 = tpu.memref_slice %arg2[%add3A_306, %dma_wait3A_336] : memref<32768x1024xf32, #tpu.memory_space<hbm>> -> memref<32x1024xf32, #tpu.memory_space<hbm>>
    tpu.wait_dma2 semaphore(%arg10 : memref<!tpu.dma_semaphore, #tpu.memory_space<semaphore_mem>>) src(%dma_wait3A_337 : memref<32x1024xf32, #tpu.memory_space<hbm>>) dst(%arg8 : memref<32x1024xf32, #tpu.memory_space<vmem>>)
    %parallel_loop3A_338 = arith.constant 0 : i32
    %parallel_loop3A_339 = arith.constant 32 : i32
    %parallel_loop3A_340 = arith.constant 1 : i32
    scf.for %parallel_loop3A_736 = %parallel_loop3A_338 to %parallel_loop3A_339 step %parallel_loop3A_340  : i32 {
      %parallel_loop3A_737 = arith.constant 448 : i32
      %parallel_loop3A_738 = arith.addi %parallel_loop3A_737, %parallel_loop3A_736 : i32
      %parallel_loop3A_739 = arith.index_cast %parallel_loop3A_738 : i32 to index
      %parallel_loop3A_740 = tpu.vector_load %arg7[%parallel_loop3A_739] {strides = array<i32>} : memref<1040xi32, #tpu.memory_space<vmem>>, vector<16xi32>,
      %parallel_loop3A_741 = vector.shape_cast %parallel_loop3A_740 : vector<16xi32> to vector<16xi32>
      %parallel_loop3A_742 = vector.extract_strided_slice %parallel_loop3A_741 {offsets = [0], sizes = [1], strides = [1]} : vector<16xi32> to vector<1xi32>
      %parallel_loop3A_743 = vector.extract %parallel_loop3A_742[0] : i32 from vector<1xi32>
      %parallel_loop3A_744 = arith.constant 0 : i32
      %parallel_loop3A_745 = arith.constant 1024 : i32
      %parallel_loop3A_746 = arith.constant 16 : i32
      scf.for %parallel_loop3A_747 = %parallel_loop3A_744 to %parallel_loop3A_745 step %parallel_loop3A_746  : i32 {
        %parallel_loop3A_748 = arith.index_cast %parallel_loop3A_736 : i32 to index
        %parallel_loop3A_749 = arith.index_cast %parallel_loop3A_747 : i32 to index
        %parallel_loop3A_750 = tpu.vector_load %arg8[%parallel_loop3A_748, %parallel_loop3A_749] {strides = array<i32>} : memref<32x1024xf32, #tpu.memory_space<vmem>>, vector<1x16xf32>,
        %parallel_loop3A_751 = vector.shape_cast %parallel_loop3A_750 : vector<1x16xf32> to vector<16xf32>
        %parallel_loop3A_752 = arith.index_cast %parallel_loop3A_743 : i32 to index
        %parallel_loop3A_753 = arith.index_cast %parallel_loop3A_747 : i32 to index
        %parallel_loop3A_754 = tpu.vector_load %arg6[%parallel_loop3A_752, %parallel_loop3A_753] {strides = array<i32>} : memref<3x1024xf32, #tpu.memory_space<vmem>>, vector<1x16xf32>,
        %parallel_loop3A_755 = vector.shape_cast %parallel_loop3A_754 : vector<1x16xf32> to vector<16xf32>
        %parallel_loop3A_756 = arith.addf %parallel_loop3A_751, %parallel_loop3A_755 : vector<16xf32>
        %parallel_loop3A_757 = arith.index_cast %parallel_loop3A_736 : i32 to index
        %parallel_loop3A_758 = arith.index_cast %parallel_loop3A_747 : i32 to index
        %parallel_loop3A_759 = tpu.vector_load %arg8[%parallel_loop3A_757, %parallel_loop3A_758] {strides = array<i32>} : memref<32x1024xf32, #tpu.memory_space<vmem>>, vector<1x16xf32>,
        %parallel_loop3A_760 = vector.shape_cast %parallel_loop3A_759 : vector<1x16xf32> to vector<16xf32>
        %parallel_loop3A_761 = vector.shape_cast %parallel_loop3A_756 : vector<16xf32> to vector<1x16xf32>
        tpu.vector_store %arg8[%parallel_loop3A_757, %parallel_loop3A_758], %parallel_loop3A_761 {strides = array<i32>} : memref<32x1024xf32, #tpu.memory_space<vmem>>, vector<1x16xf32>,
      } {sc.loop_unroll_factor = 8 : i64, sc.parallel_access}
    } {sc.loop_unroll_factor = 2 : i64, sc.parallel_access}
    %add3A_341 = arith.constant 448 : i32
    %add3A_342 = arith.addi %mul3A_2, %add3A_341 : i32
    %dma_start3A_343 = arith.constant 0 : i32
    %dma_start3A_344 = tpu.memref_slice %arg5[%add3A_342, %dma_start3A_343] : memref<32768x1024xf32, #tpu.memory_space<hbm>> -> memref<32x1024xf32, #tpu.memory_space<hbm>>
    %dma_start3A_345 = arith.constant 0 : i32
    %dma_start3A_346 = tpu.memref_slice %arg5[%add3A_342, %dma_start3A_345] : memref<32768x1024xf32, #tpu.memory_space<hbm>> -> memref<32x1024xf32, #tpu.memory_space<hbm>>
    tpu.enqueue_dma source(%arg8 : memref<32x1024xf32, #tpu.memory_space<vmem>>) target(%dma_start3A_346 : memref<32x1024xf32, #tpu.memory_space<hbm>>) target_semaphore(%arg12 : memref<!tpu.dma_semaphore, #tpu.memory_space<semaphore_mem>>)
    %dma_wait3A_347 = arith.constant 0 : i32
    %dma_wait3A_348 = tpu.memref_slice %arg5[%add3A_342, %dma_wait3A_347] : memref<32768x1024xf32, #tpu.memory_space<hbm>> -> memref<32x1024xf32, #tpu.memory_space<hbm>>
    %dma_wait3A_349 = arith.constant 0 : i32
    %dma_wait3A_350 = tpu.memref_slice %arg5[%add3A_342, %dma_wait3A_349] : memref<32768x1024xf32, #tpu.memory_space<hbm>> -> memref<32x1024xf32, #tpu.memory_space<hbm>>
    tpu.wait_dma2 semaphore(%arg12 : memref<!tpu.dma_semaphore, #tpu.memory_space<semaphore_mem>>) src(%arg8 : memref<32x1024xf32, #tpu.memory_space<vmem>>) dst(%dma_wait3A_350 : memref<32x1024xf32, #tpu.memory_space<hbm>>)
    %add3A_351 = arith.constant 512 : i32
    %add3A_352 = arith.addi %mul3A_2, %add3A_351 : i32
    %dma_start3A_353 = arith.constant 0 : i32
    %dma_start3A_354 = tpu.memref_slice %arg2[%add3A_352, %dma_start3A_353] : memref<32768x1024xf32, #tpu.memory_space<hbm>> -> memref<32x1024xf32, #tpu.memory_space<hbm>>
    %dma_start3A_355 = arith.constant 0 : i32
    %dma_start3A_356 = tpu.memref_slice %arg2[%add3A_352, %dma_start3A_355] : memref<32768x1024xf32, #tpu.memory_space<hbm>> -> memref<32x1024xf32, #tpu.memory_space<hbm>>
    tpu.enqueue_dma source(%dma_start3A_356 : memref<32x1024xf32, #tpu.memory_space<hbm>>) target(%arg8 : memref<32x1024xf32, #tpu.memory_space<vmem>>) target_semaphore(%arg10 : memref<!tpu.dma_semaphore, #tpu.memory_space<semaphore_mem>>)
    %dma_wait3A_357 = arith.constant 0 : i32
    %dma_wait3A_358 = tpu.memref_slice %arg2[%add3A_329, %dma_wait3A_357] : memref<32768x1024xf32, #tpu.memory_space<hbm>> -> memref<32x1024xf32, #tpu.memory_space<hbm>>
    %dma_wait3A_359 = arith.constant 0 : i32
    %dma_wait3A_360 = tpu.memref_slice %arg2[%add3A_329, %dma_wait3A_359] : memref<32768x1024xf32, #tpu.memory_space<hbm>> -> memref<32x1024xf32, #tpu.memory_space<hbm>>
    tpu.wait_dma2 semaphore(%arg11 : memref<!tpu.dma_semaphore, #tpu.memory_space<semaphore_mem>>) src(%dma_wait3A_360 : memref<32x1024xf32, #tpu.memory_space<hbm>>) dst(%arg9 : memref<32x1024xf32, #tpu.memory_space<vmem>>)
    %parallel_loop3A_361 = arith.constant 0 : i32
    %parallel_loop3A_362 = arith.constant 32 : i32
    %parallel_loop3A_363 = arith.constant 1 : i32
    scf.for %parallel_loop3A_736 = %parallel_loop3A_361 to %parallel_loop3A_362 step %parallel_loop3A_363  : i32 {
      %parallel_loop3A_737 = arith.constant 480 : i32
      %parallel_loop3A_738 = arith.addi %parallel_loop3A_737, %parallel_loop3A_736 : i32
      %parallel_loop3A_739 = arith.index_cast %parallel_loop3A_738 : i32 to index
      %parallel_loop3A_740 = tpu.vector_load %arg7[%parallel_loop3A_739] {strides = array<i32>} : memref<1040xi32, #tpu.memory_space<vmem>>, vector<16xi32>,
      %parallel_loop3A_741 = vector.shape_cast %parallel_loop3A_740 : vector<16xi32> to vector<16xi32>
      %parallel_loop3A_742 = vector.extract_strided_slice %parallel_loop3A_741 {offsets = [0], sizes = [1], strides = [1]} : vector<16xi32> to vector<1xi32>
      %parallel_loop3A_743 = vector.extract %parallel_loop3A_742[0] : i32 from vector<1xi32>
      %parallel_loop3A_744 = arith.constant 0 : i32
      %parallel_loop3A_745 = arith.constant 1024 : i32
      %parallel_loop3A_746 = arith.constant 16 : i32
      scf.for %parallel_loop3A_747 = %parallel_loop3A_744 to %parallel_loop3A_745 step %parallel_loop3A_746  : i32 {
        %parallel_loop3A_748 = arith.index_cast %parallel_loop3A_736 : i32 to index
        %parallel_loop3A_749 = arith.index_cast %parallel_loop3A_747 : i32 to index
        %parallel_loop3A_750 = tpu.vector_load %arg9[%parallel_loop3A_748, %parallel_loop3A_749] {strides = array<i32>} : memref<32x1024xf32, #tpu.memory_space<vmem>>, vector<1x16xf32>,
        %parallel_loop3A_751 = vector.shape_cast %parallel_loop3A_750 : vector<1x16xf32> to vector<16xf32>
        %parallel_loop3A_752 = arith.index_cast %parallel_loop3A_743 : i32 to index
        %parallel_loop3A_753 = arith.index_cast %parallel_loop3A_747 : i32 to index
        %parallel_loop3A_754 = tpu.vector_load %arg6[%parallel_loop3A_752, %parallel_loop3A_753] {strides = array<i32>} : memref<3x1024xf32, #tpu.memory_space<vmem>>, vector<1x16xf32>,
        %parallel_loop3A_755 = vector.shape_cast %parallel_loop3A_754 : vector<1x16xf32> to vector<16xf32>
        %parallel_loop3A_756 = arith.addf %parallel_loop3A_751, %parallel_loop3A_755 : vector<16xf32>
        %parallel_loop3A_757 = arith.index_cast %parallel_loop3A_736 : i32 to index
        %parallel_loop3A_758 = arith.index_cast %parallel_loop3A_747 : i32 to index
        %parallel_loop3A_759 = tpu.vector_load %arg9[%parallel_loop3A_757, %parallel_loop3A_758] {strides = array<i32>} : memref<32x1024xf32, #tpu.memory_space<vmem>>, vector<1x16xf32>,
        %parallel_loop3A_760 = vector.shape_cast %parallel_loop3A_759 : vector<1x16xf32> to vector<16xf32>
        %parallel_loop3A_761 = vector.shape_cast %parallel_loop3A_756 : vector<16xf32> to vector<1x16xf32>
        tpu.vector_store %arg9[%parallel_loop3A_757, %parallel_loop3A_758], %parallel_loop3A_761 {strides = array<i32>} : memref<32x1024xf32, #tpu.memory_space<vmem>>, vector<1x16xf32>,
      } {sc.loop_unroll_factor = 8 : i64, sc.parallel_access}
    } {sc.loop_unroll_factor = 2 : i64, sc.parallel_access}
    %add3A_364 = arith.constant 480 : i32
    %add3A_365 = arith.addi %mul3A_2, %add3A_364 : i32
    %dma_start3A_366 = arith.constant 0 : i32
    %dma_start3A_367 = tpu.memref_slice %arg5[%add3A_365, %dma_start3A_366] : memref<32768x1024xf32, #tpu.memory_space<hbm>> -> memref<32x1024xf32, #tpu.memory_space<hbm>>
    %dma_start3A_368 = arith.constant 0 : i32
    %dma_start3A_369 = tpu.memref_slice %arg5[%add3A_365, %dma_start3A_368] : memref<32768x1024xf32, #tpu.memory_space<hbm>> -> memref<32x1024xf32, #tpu.memory_space<hbm>>
    tpu.enqueue_dma source(%arg9 : memref<32x1024xf32, #tpu.memory_space<vmem>>) target(%dma_start3A_369 : memref<32x1024xf32, #tpu.memory_space<hbm>>) target_semaphore(%arg13 : memref<!tpu.dma_semaphore, #tpu.memory_space<semaphore_mem>>)
    %dma_wait3A_370 = arith.constant 0 : i32
    %dma_wait3A_371 = tpu.memref_slice %arg5[%add3A_365, %dma_wait3A_370] : memref<32768x1024xf32, #tpu.memory_space<hbm>> -> memref<32x1024xf32, #tpu.memory_space<hbm>>
    %dma_wait3A_372 = arith.constant 0 : i32
    %dma_wait3A_373 = tpu.memref_slice %arg5[%add3A_365, %dma_wait3A_372] : memref<32768x1024xf32, #tpu.memory_space<hbm>> -> memref<32x1024xf32, #tpu.memory_space<hbm>>
    tpu.wait_dma2 semaphore(%arg13 : memref<!tpu.dma_semaphore, #tpu.memory_space<semaphore_mem>>) src(%arg9 : memref<32x1024xf32, #tpu.memory_space<vmem>>) dst(%dma_wait3A_373 : memref<32x1024xf32, #tpu.memory_space<hbm>>)
    %add3A_374 = arith.constant 544 : i32
    %add3A_375 = arith.addi %mul3A_2, %add3A_374 : i32
    %dma_start3A_376 = arith.constant 0 : i32
    %dma_start3A_377 = tpu.memref_slice %arg2[%add3A_375, %dma_start3A_376] : memref<32768x1024xf32, #tpu.memory_space<hbm>> -> memref<32x1024xf32, #tpu.memory_space<hbm>>
    %dma_start3A_378 = arith.constant 0 : i32
    %dma_start3A_379 = tpu.memref_slice %arg2[%add3A_375, %dma_start3A_378] : memref<32768x1024xf32, #tpu.memory_space<hbm>> -> memref<32x1024xf32, #tpu.memory_space<hbm>>
    tpu.enqueue_dma source(%dma_start3A_379 : memref<32x1024xf32, #tpu.memory_space<hbm>>) target(%arg9 : memref<32x1024xf32, #tpu.memory_space<vmem>>) target_semaphore(%arg11 : memref<!tpu.dma_semaphore, #tpu.memory_space<semaphore_mem>>)
    %dma_wait3A_380 = arith.constant 0 : i32
    %dma_wait3A_381 = tpu.memref_slice %arg2[%add3A_352, %dma_wait3A_380] : memref<32768x1024xf32, #tpu.memory_space<hbm>> -> memref<32x1024xf32, #tpu.memory_space<hbm>>
    %dma_wait3A_382 = arith.constant 0 : i32
    %dma_wait3A_383 = tpu.memref_slice %arg2[%add3A_352, %dma_wait3A_382] : memref<32768x1024xf32, #tpu.memory_space<hbm>> -> memref<32x1024xf32, #tpu.memory_space<hbm>>
    tpu.wait_dma2 semaphore(%arg10 : memref<!tpu.dma_semaphore, #tpu.memory_space<semaphore_mem>>) src(%dma_wait3A_383 : memref<32x1024xf32, #tpu.memory_space<hbm>>) dst(%arg8 : memref<32x1024xf32, #tpu.memory_space<vmem>>)
    %parallel_loop3A_384 = arith.constant 0 : i32
    %parallel_loop3A_385 = arith.constant 32 : i32
    %parallel_loop3A_386 = arith.constant 1 : i32
    scf.for %parallel_loop3A_736 = %parallel_loop3A_384 to %parallel_loop3A_385 step %parallel_loop3A_386  : i32 {
      %parallel_loop3A_737 = arith.constant 512 : i32
      %parallel_loop3A_738 = arith.addi %parallel_loop3A_737, %parallel_loop3A_736 : i32
      %parallel_loop3A_739 = arith.index_cast %parallel_loop3A_738 : i32 to index
      %parallel_loop3A_740 = tpu.vector_load %arg7[%parallel_loop3A_739] {strides = array<i32>} : memref<1040xi32, #tpu.memory_space<vmem>>, vector<16xi32>,
      %parallel_loop3A_741 = vector.shape_cast %parallel_loop3A_740 : vector<16xi32> to vector<16xi32>
      %parallel_loop3A_742 = vector.extract_strided_slice %parallel_loop3A_741 {offsets = [0], sizes = [1], strides = [1]} : vector<16xi32> to vector<1xi32>
      %parallel_loop3A_743 = vector.extract %parallel_loop3A_742[0] : i32 from vector<1xi32>
      %parallel_loop3A_744 = arith.constant 0 : i32
      %parallel_loop3A_745 = arith.constant 1024 : i32
      %parallel_loop3A_746 = arith.constant 16 : i32
      scf.for %parallel_loop3A_747 = %parallel_loop3A_744 to %parallel_loop3A_745 step %parallel_loop3A_746  : i32 {
        %parallel_loop3A_748 = arith.index_cast %parallel_loop3A_736 : i32 to index
        %parallel_loop3A_749 = arith.index_cast %parallel_loop3A_747 : i32 to index
        %parallel_loop3A_750 = tpu.vector_load %arg8[%parallel_loop3A_748, %parallel_loop3A_749] {strides = array<i32>} : memref<32x1024xf32, #tpu.memory_space<vmem>>, vector<1x16xf32>,
        %parallel_loop3A_751 = vector.shape_cast %parallel_loop3A_750 : vector<1x16xf32> to vector<16xf32>
        %parallel_loop3A_752 = arith.index_cast %parallel_loop3A_743 : i32 to index
        %parallel_loop3A_753 = arith.index_cast %parallel_loop3A_747 : i32 to index
        %parallel_loop3A_754 = tpu.vector_load %arg6[%parallel_loop3A_752, %parallel_loop3A_753] {strides = array<i32>} : memref<3x1024xf32, #tpu.memory_space<vmem>>, vector<1x16xf32>,
        %parallel_loop3A_755 = vector.shape_cast %parallel_loop3A_754 : vector<1x16xf32> to vector<16xf32>
        %parallel_loop3A_756 = arith.addf %parallel_loop3A_751, %parallel_loop3A_755 : vector<16xf32>
        %parallel_loop3A_757 = arith.index_cast %parallel_loop3A_736 : i32 to index
        %parallel_loop3A_758 = arith.index_cast %parallel_loop3A_747 : i32 to index
        %parallel_loop3A_759 = tpu.vector_load %arg8[%parallel_loop3A_757, %parallel_loop3A_758] {strides = array<i32>} : memref<32x1024xf32, #tpu.memory_space<vmem>>, vector<1x16xf32>,
        %parallel_loop3A_760 = vector.shape_cast %parallel_loop3A_759 : vector<1x16xf32> to vector<16xf32>
        %parallel_loop3A_761 = vector.shape_cast %parallel_loop3A_756 : vector<16xf32> to vector<1x16xf32>
        tpu.vector_store %arg8[%parallel_loop3A_757, %parallel_loop3A_758], %parallel_loop3A_761 {strides = array<i32>} : memref<32x1024xf32, #tpu.memory_space<vmem>>, vector<1x16xf32>,
      } {sc.loop_unroll_factor = 8 : i64, sc.parallel_access}
    } {sc.loop_unroll_factor = 2 : i64, sc.parallel_access}
    %add3A_387 = arith.constant 512 : i32
    %add3A_388 = arith.addi %mul3A_2, %add3A_387 : i32
    %dma_start3A_389 = arith.constant 0 : i32
    %dma_start3A_390 = tpu.memref_slice %arg5[%add3A_388, %dma_start3A_389] : memref<32768x1024xf32, #tpu.memory_space<hbm>> -> memref<32x1024xf32, #tpu.memory_space<hbm>>
    %dma_start3A_391 = arith.constant 0 : i32
    %dma_start3A_392 = tpu.memref_slice %arg5[%add3A_388, %dma_start3A_391] : memref<32768x1024xf32, #tpu.memory_space<hbm>> -> memref<32x1024xf32, #tpu.memory_space<hbm>>
    tpu.enqueue_dma source(%arg8 : memref<32x1024xf32, #tpu.memory_space<vmem>>) target(%dma_start3A_392 : memref<32x1024xf32, #tpu.memory_space<hbm>>) target_semaphore(%arg12 : memref<!tpu.dma_semaphore, #tpu.memory_space<semaphore_mem>>)
    %dma_wait3A_393 = arith.constant 0 : i32
    %dma_wait3A_394 = tpu.memref_slice %arg5[%add3A_388, %dma_wait3A_393] : memref<32768x1024xf32, #tpu.memory_space<hbm>> -> memref<32x1024xf32, #tpu.memory_space<hbm>>
    %dma_wait3A_395 = arith.constant 0 : i32
    %dma_wait3A_396 = tpu.memref_slice %arg5[%add3A_388, %dma_wait3A_395] : memref<32768x1024xf32, #tpu.memory_space<hbm>> -> memref<32x1024xf32, #tpu.memory_space<hbm>>
    tpu.wait_dma2 semaphore(%arg12 : memref<!tpu.dma_semaphore, #tpu.memory_space<semaphore_mem>>) src(%arg8 : memref<32x1024xf32, #tpu.memory_space<vmem>>) dst(%dma_wait3A_396 : memref<32x1024xf32, #tpu.memory_space<hbm>>)
    %add3A_397 = arith.constant 576 : i32
    %add3A_398 = arith.addi %mul3A_2, %add3A_397 : i32
    %dma_start3A_399 = arith.constant 0 : i32
    %dma_start3A_400 = tpu.memref_slice %arg2[%add3A_398, %dma_start3A_399] : memref<32768x1024xf32, #tpu.memory_space<hbm>> -> memref<32x1024xf32, #tpu.memory_space<hbm>>
    %dma_start3A_401 = arith.constant 0 : i32
    %dma_start3A_402 = tpu.memref_slice %arg2[%add3A_398, %dma_start3A_401] : memref<32768x1024xf32, #tpu.memory_space<hbm>> -> memref<32x1024xf32, #tpu.memory_space<hbm>>
    tpu.enqueue_dma source(%dma_start3A_402 : memref<32x1024xf32, #tpu.memory_space<hbm>>) target(%arg8 : memref<32x1024xf32, #tpu.memory_space<vmem>>) target_semaphore(%arg10 : memref<!tpu.dma_semaphore, #tpu.memory_space<semaphore_mem>>)
    %dma_wait3A_403 = arith.constant 0 : i32
    %dma_wait3A_404 = tpu.memref_slice %arg2[%add3A_375, %dma_wait3A_403] : memref<32768x1024xf32, #tpu.memory_space<hbm>> -> memref<32x1024xf32, #tpu.memory_space<hbm>>
    %dma_wait3A_405 = arith.constant 0 : i32
    %dma_wait3A_406 = tpu.memref_slice %arg2[%add3A_375, %dma_wait3A_405] : memref<32768x1024xf32, #tpu.memory_space<hbm>> -> memref<32x1024xf32, #tpu.memory_space<hbm>>
    tpu.wait_dma2 semaphore(%arg11 : memref<!tpu.dma_semaphore, #tpu.memory_space<semaphore_mem>>) src(%dma_wait3A_406 : memref<32x1024xf32, #tpu.memory_space<hbm>>) dst(%arg9 : memref<32x1024xf32, #tpu.memory_space<vmem>>)
    %parallel_loop3A_407 = arith.constant 0 : i32
    %parallel_loop3A_408 = arith.constant 32 : i32
    %parallel_loop3A_409 = arith.constant 1 : i32
    scf.for %parallel_loop3A_736 = %parallel_loop3A_407 to %parallel_loop3A_408 step %parallel_loop3A_409  : i32 {
      %parallel_loop3A_737 = arith.constant 544 : i32
      %parallel_loop3A_738 = arith.addi %parallel_loop3A_737, %parallel_loop3A_736 : i32
      %parallel_loop3A_739 = arith.index_cast %parallel_loop3A_738 : i32 to index
      %parallel_loop3A_740 = tpu.vector_load %arg7[%parallel_loop3A_739] {strides = array<i32>} : memref<1040xi32, #tpu.memory_space<vmem>>, vector<16xi32>,
      %parallel_loop3A_741 = vector.shape_cast %parallel_loop3A_740 : vector<16xi32> to vector<16xi32>
      %parallel_loop3A_742 = vector.extract_strided_slice %parallel_loop3A_741 {offsets = [0], sizes = [1], strides = [1]} : vector<16xi32> to vector<1xi32>
      %parallel_loop3A_743 = vector.extract %parallel_loop3A_742[0] : i32 from vector<1xi32>
      %parallel_loop3A_744 = arith.constant 0 : i32
      %parallel_loop3A_745 = arith.constant 1024 : i32
      %parallel_loop3A_746 = arith.constant 16 : i32
      scf.for %parallel_loop3A_747 = %parallel_loop3A_744 to %parallel_loop3A_745 step %parallel_loop3A_746  : i32 {
        %parallel_loop3A_748 = arith.index_cast %parallel_loop3A_736 : i32 to index
        %parallel_loop3A_749 = arith.index_cast %parallel_loop3A_747 : i32 to index
        %parallel_loop3A_750 = tpu.vector_load %arg9[%parallel_loop3A_748, %parallel_loop3A_749] {strides = array<i32>} : memref<32x1024xf32, #tpu.memory_space<vmem>>, vector<1x16xf32>,
        %parallel_loop3A_751 = vector.shape_cast %parallel_loop3A_750 : vector<1x16xf32> to vector<16xf32>
        %parallel_loop3A_752 = arith.index_cast %parallel_loop3A_743 : i32 to index
        %parallel_loop3A_753 = arith.index_cast %parallel_loop3A_747 : i32 to index
        %parallel_loop3A_754 = tpu.vector_load %arg6[%parallel_loop3A_752, %parallel_loop3A_753] {strides = array<i32>} : memref<3x1024xf32, #tpu.memory_space<vmem>>, vector<1x16xf32>,
        %parallel_loop3A_755 = vector.shape_cast %parallel_loop3A_754 : vector<1x16xf32> to vector<16xf32>
        %parallel_loop3A_756 = arith.addf %parallel_loop3A_751, %parallel_loop3A_755 : vector<16xf32>
        %parallel_loop3A_757 = arith.index_cast %parallel_loop3A_736 : i32 to index
        %parallel_loop3A_758 = arith.index_cast %parallel_loop3A_747 : i32 to index
        %parallel_loop3A_759 = tpu.vector_load %arg9[%parallel_loop3A_757, %parallel_loop3A_758] {strides = array<i32>} : memref<32x1024xf32, #tpu.memory_space<vmem>>, vector<1x16xf32>,
        %parallel_loop3A_760 = vector.shape_cast %parallel_loop3A_759 : vector<1x16xf32> to vector<16xf32>
        %parallel_loop3A_761 = vector.shape_cast %parallel_loop3A_756 : vector<16xf32> to vector<1x16xf32>
        tpu.vector_store %arg9[%parallel_loop3A_757, %parallel_loop3A_758], %parallel_loop3A_761 {strides = array<i32>} : memref<32x1024xf32, #tpu.memory_space<vmem>>, vector<1x16xf32>,
      } {sc.loop_unroll_factor = 8 : i64, sc.parallel_access}
    } {sc.loop_unroll_factor = 2 : i64, sc.parallel_access}
    %add3A_410 = arith.constant 544 : i32
    %add3A_411 = arith.addi %mul3A_2, %add3A_410 : i32
    %dma_start3A_412 = arith.constant 0 : i32
    %dma_start3A_413 = tpu.memref_slice %arg5[%add3A_411, %dma_start3A_412] : memref<32768x1024xf32, #tpu.memory_space<hbm>> -> memref<32x1024xf32, #tpu.memory_space<hbm>>
    %dma_start3A_414 = arith.constant 0 : i32
    %dma_start3A_415 = tpu.memref_slice %arg5[%add3A_411, %dma_start3A_414] : memref<32768x1024xf32, #tpu.memory_space<hbm>> -> memref<32x1024xf32, #tpu.memory_space<hbm>>
    tpu.enqueue_dma source(%arg9 : memref<32x1024xf32, #tpu.memory_space<vmem>>) target(%dma_start3A_415 : memref<32x1024xf32, #tpu.memory_space<hbm>>) target_semaphore(%arg13 : memref<!tpu.dma_semaphore, #tpu.memory_space<semaphore_mem>>)
    %dma_wait3A_416 = arith.constant 0 : i32
    %dma_wait3A_417 = tpu.memref_slice %arg5[%add3A_411, %dma_wait3A_416] : memref<32768x1024xf32, #tpu.memory_space<hbm>> -> memref<32x1024xf32, #tpu.memory_space<hbm>>
    %dma_wait3A_418 = arith.constant 0 : i32
    %dma_wait3A_419 = tpu.memref_slice %arg5[%add3A_411, %dma_wait3A_418] : memref<32768x1024xf32, #tpu.memory_space<hbm>> -> memref<32x1024xf32, #tpu.memory_space<hbm>>
    tpu.wait_dma2 semaphore(%arg13 : memref<!tpu.dma_semaphore, #tpu.memory_space<semaphore_mem>>) src(%arg9 : memref<32x1024xf32, #tpu.memory_space<vmem>>) dst(%dma_wait3A_419 : memref<32x1024xf32, #tpu.memory_space<hbm>>)
    %add3A_420 = arith.constant 608 : i32
    %add3A_421 = arith.addi %mul3A_2, %add3A_420 : i32
    %dma_start3A_422 = arith.constant 0 : i32
    %dma_start3A_423 = tpu.memref_slice %arg2[%add3A_421, %dma_start3A_422] : memref<32768x1024xf32, #tpu.memory_space<hbm>> -> memref<32x1024xf32, #tpu.memory_space<hbm>>
    %dma_start3A_424 = arith.constant 0 : i32
    %dma_start3A_425 = tpu.memref_slice %arg2[%add3A_421, %dma_start3A_424] : memref<32768x1024xf32, #tpu.memory_space<hbm>> -> memref<32x1024xf32, #tpu.memory_space<hbm>>
    tpu.enqueue_dma source(%dma_start3A_425 : memref<32x1024xf32, #tpu.memory_space<hbm>>) target(%arg9 : memref<32x1024xf32, #tpu.memory_space<vmem>>) target_semaphore(%arg11 : memref<!tpu.dma_semaphore, #tpu.memory_space<semaphore_mem>>)
    %dma_wait3A_426 = arith.constant 0 : i32
    %dma_wait3A_427 = tpu.memref_slice %arg2[%add3A_398, %dma_wait3A_426] : memref<32768x1024xf32, #tpu.memory_space<hbm>> -> memref<32x1024xf32, #tpu.memory_space<hbm>>
    %dma_wait3A_428 = arith.constant 0 : i32
    %dma_wait3A_429 = tpu.memref_slice %arg2[%add3A_398, %dma_wait3A_428] : memref<32768x1024xf32, #tpu.memory_space<hbm>> -> memref<32x1024xf32, #tpu.memory_space<hbm>>
    tpu.wait_dma2 semaphore(%arg10 : memref<!tpu.dma_semaphore, #tpu.memory_space<semaphore_mem>>) src(%dma_wait3A_429 : memref<32x1024xf32, #tpu.memory_space<hbm>>) dst(%arg8 : memref<32x1024xf32, #tpu.memory_space<vmem>>)
    %parallel_loop3A_430 = arith.constant 0 : i32
    %parallel_loop3A_431 = arith.constant 32 : i32
    %parallel_loop3A_432 = arith.constant 1 : i32
    scf.for %parallel_loop3A_736 = %parallel_loop3A_430 to %parallel_loop3A_431 step %parallel_loop3A_432  : i32 {
      %parallel_loop3A_737 = arith.constant 576 : i32
      %parallel_loop3A_738 = arith.addi %parallel_loop3A_737, %parallel_loop3A_736 : i32
      %parallel_loop3A_739 = arith.index_cast %parallel_loop3A_738 : i32 to index
      %parallel_loop3A_740 = tpu.vector_load %arg7[%parallel_loop3A_739] {strides = array<i32>} : memref<1040xi32, #tpu.memory_space<vmem>>, vector<16xi32>,
      %parallel_loop3A_741 = vector.shape_cast %parallel_loop3A_740 : vector<16xi32> to vector<16xi32>
      %parallel_loop3A_742 = vector.extract_strided_slice %parallel_loop3A_741 {offsets = [0], sizes = [1], strides = [1]} : vector<16xi32> to vector<1xi32>
      %parallel_loop3A_743 = vector.extract %parallel_loop3A_742[0] : i32 from vector<1xi32>
      %parallel_loop3A_744 = arith.constant 0 : i32
      %parallel_loop3A_745 = arith.constant 1024 : i32
      %parallel_loop3A_746 = arith.constant 16 : i32
      scf.for %parallel_loop3A_747 = %parallel_loop3A_744 to %parallel_loop3A_745 step %parallel_loop3A_746  : i32 {
        %parallel_loop3A_748 = arith.index_cast %parallel_loop3A_736 : i32 to index
        %parallel_loop3A_749 = arith.index_cast %parallel_loop3A_747 : i32 to index
        %parallel_loop3A_750 = tpu.vector_load %arg8[%parallel_loop3A_748, %parallel_loop3A_749] {strides = array<i32>} : memref<32x1024xf32, #tpu.memory_space<vmem>>, vector<1x16xf32>,
        %parallel_loop3A_751 = vector.shape_cast %parallel_loop3A_750 : vector<1x16xf32> to vector<16xf32>
        %parallel_loop3A_752 = arith.index_cast %parallel_loop3A_743 : i32 to index
        %parallel_loop3A_753 = arith.index_cast %parallel_loop3A_747 : i32 to index
        %parallel_loop3A_754 = tpu.vector_load %arg6[%parallel_loop3A_752, %parallel_loop3A_753] {strides = array<i32>} : memref<3x1024xf32, #tpu.memory_space<vmem>>, vector<1x16xf32>,
        %parallel_loop3A_755 = vector.shape_cast %parallel_loop3A_754 : vector<1x16xf32> to vector<16xf32>
        %parallel_loop3A_756 = arith.addf %parallel_loop3A_751, %parallel_loop3A_755 : vector<16xf32>
        %parallel_loop3A_757 = arith.index_cast %parallel_loop3A_736 : i32 to index
        %parallel_loop3A_758 = arith.index_cast %parallel_loop3A_747 : i32 to index
        %parallel_loop3A_759 = tpu.vector_load %arg8[%parallel_loop3A_757, %parallel_loop3A_758] {strides = array<i32>} : memref<32x1024xf32, #tpu.memory_space<vmem>>, vector<1x16xf32>,
        %parallel_loop3A_760 = vector.shape_cast %parallel_loop3A_759 : vector<1x16xf32> to vector<16xf32>
        %parallel_loop3A_761 = vector.shape_cast %parallel_loop3A_756 : vector<16xf32> to vector<1x16xf32>
        tpu.vector_store %arg8[%parallel_loop3A_757, %parallel_loop3A_758], %parallel_loop3A_761 {strides = array<i32>} : memref<32x1024xf32, #tpu.memory_space<vmem>>, vector<1x16xf32>,
      } {sc.loop_unroll_factor = 8 : i64, sc.parallel_access}
    } {sc.loop_unroll_factor = 2 : i64, sc.parallel_access}
    %add3A_433 = arith.constant 576 : i32
    %add3A_434 = arith.addi %mul3A_2, %add3A_433 : i32
    %dma_start3A_435 = arith.constant 0 : i32
    %dma_start3A_436 = tpu.memref_slice %arg5[%add3A_434, %dma_start3A_435] : memref<32768x1024xf32, #tpu.memory_space<hbm>> -> memref<32x1024xf32, #tpu.memory_space<hbm>>
    %dma_start3A_437 = arith.constant 0 : i32
    %dma_start3A_438 = tpu.memref_slice %arg5[%add3A_434, %dma_start3A_437] : memref<32768x1024xf32, #tpu.memory_space<hbm>> -> memref<32x1024xf32, #tpu.memory_space<hbm>>
    tpu.enqueue_dma source(%arg8 : memref<32x1024xf32, #tpu.memory_space<vmem>>) target(%dma_start3A_438 : memref<32x1024xf32, #tpu.memory_space<hbm>>) target_semaphore(%arg12 : memref<!tpu.dma_semaphore, #tpu.memory_space<semaphore_mem>>)
    %dma_wait3A_439 = arith.constant 0 : i32
    %dma_wait3A_440 = tpu.memref_slice %arg5[%add3A_434, %dma_wait3A_439] : memref<32768x1024xf32, #tpu.memory_space<hbm>> -> memref<32x1024xf32, #tpu.memory_space<hbm>>
    %dma_wait3A_441 = arith.constant 0 : i32
    %dma_wait3A_442 = tpu.memref_slice %arg5[%add3A_434, %dma_wait3A_441] : memref<32768x1024xf32, #tpu.memory_space<hbm>> -> memref<32x1024xf32, #tpu.memory_space<hbm>>
    tpu.wait_dma2 semaphore(%arg12 : memref<!tpu.dma_semaphore, #tpu.memory_space<semaphore_mem>>) src(%arg8 : memref<32x1024xf32, #tpu.memory_space<vmem>>) dst(%dma_wait3A_442 : memref<32x1024xf32, #tpu.memory_space<hbm>>)
    %add3A_443 = arith.constant 640 : i32
    %add3A_444 = arith.addi %mul3A_2, %add3A_443 : i32
    %dma_start3A_445 = arith.constant 0 : i32
    %dma_start3A_446 = tpu.memref_slice %arg2[%add3A_444, %dma_start3A_445] : memref<32768x1024xf32, #tpu.memory_space<hbm>> -> memref<32x1024xf32, #tpu.memory_space<hbm>>
    %dma_start3A_447 = arith.constant 0 : i32
    %dma_start3A_448 = tpu.memref_slice %arg2[%add3A_444, %dma_start3A_447] : memref<32768x1024xf32, #tpu.memory_space<hbm>> -> memref<32x1024xf32, #tpu.memory_space<hbm>>
    tpu.enqueue_dma source(%dma_start3A_448 : memref<32x1024xf32, #tpu.memory_space<hbm>>) target(%arg8 : memref<32x1024xf32, #tpu.memory_space<vmem>>) target_semaphore(%arg10 : memref<!tpu.dma_semaphore, #tpu.memory_space<semaphore_mem>>)
    %dma_wait3A_449 = arith.constant 0 : i32
    %dma_wait3A_450 = tpu.memref_slice %arg2[%add3A_421, %dma_wait3A_449] : memref<32768x1024xf32, #tpu.memory_space<hbm>> -> memref<32x1024xf32, #tpu.memory_space<hbm>>
    %dma_wait3A_451 = arith.constant 0 : i32
    %dma_wait3A_452 = tpu.memref_slice %arg2[%add3A_421, %dma_wait3A_451] : memref<32768x1024xf32, #tpu.memory_space<hbm>> -> memref<32x1024xf32, #tpu.memory_space<hbm>>
    tpu.wait_dma2 semaphore(%arg11 : memref<!tpu.dma_semaphore, #tpu.memory_space<semaphore_mem>>) src(%dma_wait3A_452 : memref<32x1024xf32, #tpu.memory_space<hbm>>) dst(%arg9 : memref<32x1024xf32, #tpu.memory_space<vmem>>)
    %parallel_loop3A_453 = arith.constant 0 : i32
    %parallel_loop3A_454 = arith.constant 32 : i32
    %parallel_loop3A_455 = arith.constant 1 : i32
    scf.for %parallel_loop3A_736 = %parallel_loop3A_453 to %parallel_loop3A_454 step %parallel_loop3A_455  : i32 {
      %parallel_loop3A_737 = arith.constant 608 : i32
      %parallel_loop3A_738 = arith.addi %parallel_loop3A_737, %parallel_loop3A_736 : i32
      %parallel_loop3A_739 = arith.index_cast %parallel_loop3A_738 : i32 to index
      %parallel_loop3A_740 = tpu.vector_load %arg7[%parallel_loop3A_739] {strides = array<i32>} : memref<1040xi32, #tpu.memory_space<vmem>>, vector<16xi32>,
      %parallel_loop3A_741 = vector.shape_cast %parallel_loop3A_740 : vector<16xi32> to vector<16xi32>
      %parallel_loop3A_742 = vector.extract_strided_slice %parallel_loop3A_741 {offsets = [0], sizes = [1], strides = [1]} : vector<16xi32> to vector<1xi32>
      %parallel_loop3A_743 = vector.extract %parallel_loop3A_742[0] : i32 from vector<1xi32>
      %parallel_loop3A_744 = arith.constant 0 : i32
      %parallel_loop3A_745 = arith.constant 1024 : i32
      %parallel_loop3A_746 = arith.constant 16 : i32
      scf.for %parallel_loop3A_747 = %parallel_loop3A_744 to %parallel_loop3A_745 step %parallel_loop3A_746  : i32 {
        %parallel_loop3A_748 = arith.index_cast %parallel_loop3A_736 : i32 to index
        %parallel_loop3A_749 = arith.index_cast %parallel_loop3A_747 : i32 to index
        %parallel_loop3A_750 = tpu.vector_load %arg9[%parallel_loop3A_748, %parallel_loop3A_749] {strides = array<i32>} : memref<32x1024xf32, #tpu.memory_space<vmem>>, vector<1x16xf32>,
        %parallel_loop3A_751 = vector.shape_cast %parallel_loop3A_750 : vector<1x16xf32> to vector<16xf32>
        %parallel_loop3A_752 = arith.index_cast %parallel_loop3A_743 : i32 to index
        %parallel_loop3A_753 = arith.index_cast %parallel_loop3A_747 : i32 to index
        %parallel_loop3A_754 = tpu.vector_load %arg6[%parallel_loop3A_752, %parallel_loop3A_753] {strides = array<i32>} : memref<3x1024xf32, #tpu.memory_space<vmem>>, vector<1x16xf32>,
        %parallel_loop3A_755 = vector.shape_cast %parallel_loop3A_754 : vector<1x16xf32> to vector<16xf32>
        %parallel_loop3A_756 = arith.addf %parallel_loop3A_751, %parallel_loop3A_755 : vector<16xf32>
        %parallel_loop3A_757 = arith.index_cast %parallel_loop3A_736 : i32 to index
        %parallel_loop3A_758 = arith.index_cast %parallel_loop3A_747 : i32 to index
        %parallel_loop3A_759 = tpu.vector_load %arg9[%parallel_loop3A_757, %parallel_loop3A_758] {strides = array<i32>} : memref<32x1024xf32, #tpu.memory_space<vmem>>, vector<1x16xf32>,
        %parallel_loop3A_760 = vector.shape_cast %parallel_loop3A_759 : vector<1x16xf32> to vector<16xf32>
        %parallel_loop3A_761 = vector.shape_cast %parallel_loop3A_756 : vector<16xf32> to vector<1x16xf32>
        tpu.vector_store %arg9[%parallel_loop3A_757, %parallel_loop3A_758], %parallel_loop3A_761 {strides = array<i32>} : memref<32x1024xf32, #tpu.memory_space<vmem>>, vector<1x16xf32>,
      } {sc.loop_unroll_factor = 8 : i64, sc.parallel_access}
    } {sc.loop_unroll_factor = 2 : i64, sc.parallel_access}
    %add3A_456 = arith.constant 608 : i32
    %add3A_457 = arith.addi %mul3A_2, %add3A_456 : i32
    %dma_start3A_458 = arith.constant 0 : i32
    %dma_start3A_459 = tpu.memref_slice %arg5[%add3A_457, %dma_start3A_458] : memref<32768x1024xf32, #tpu.memory_space<hbm>> -> memref<32x1024xf32, #tpu.memory_space<hbm>>
    %dma_start3A_460 = arith.constant 0 : i32
    %dma_start3A_461 = tpu.memref_slice %arg5[%add3A_457, %dma_start3A_460] : memref<32768x1024xf32, #tpu.memory_space<hbm>> -> memref<32x1024xf32, #tpu.memory_space<hbm>>
    tpu.enqueue_dma source(%arg9 : memref<32x1024xf32, #tpu.memory_space<vmem>>) target(%dma_start3A_461 : memref<32x1024xf32, #tpu.memory_space<hbm>>) target_semaphore(%arg13 : memref<!tpu.dma_semaphore, #tpu.memory_space<semaphore_mem>>)
    %dma_wait3A_462 = arith.constant 0 : i32
    %dma_wait3A_463 = tpu.memref_slice %arg5[%add3A_457, %dma_wait3A_462] : memref<32768x1024xf32, #tpu.memory_space<hbm>> -> memref<32x1024xf32, #tpu.memory_space<hbm>>
    %dma_wait3A_464 = arith.constant 0 : i32
    %dma_wait3A_465 = tpu.memref_slice %arg5[%add3A_457, %dma_wait3A_464] : memref<32768x1024xf32, #tpu.memory_space<hbm>> -> memref<32x1024xf32, #tpu.memory_space<hbm>>
    tpu.wait_dma2 semaphore(%arg13 : memref<!tpu.dma_semaphore, #tpu.memory_space<semaphore_mem>>) src(%arg9 : memref<32x1024xf32, #tpu.memory_space<vmem>>) dst(%dma_wait3A_465 : memref<32x1024xf32, #tpu.memory_space<hbm>>)
    %add3A_466 = arith.constant 672 : i32
    %add3A_467 = arith.addi %mul3A_2, %add3A_466 : i32
    %dma_start3A_468 = arith.constant 0 : i32
    %dma_start3A_469 = tpu.memref_slice %arg2[%add3A_467, %dma_start3A_468] : memref<32768x1024xf32, #tpu.memory_space<hbm>> -> memref<32x1024xf32, #tpu.memory_space<hbm>>
    %dma_start3A_470 = arith.constant 0 : i32
    %dma_start3A_471 = tpu.memref_slice %arg2[%add3A_467, %dma_start3A_470] : memref<32768x1024xf32, #tpu.memory_space<hbm>> -> memref<32x1024xf32, #tpu.memory_space<hbm>>
    tpu.enqueue_dma source(%dma_start3A_471 : memref<32x1024xf32, #tpu.memory_space<hbm>>) target(%arg9 : memref<32x1024xf32, #tpu.memory_space<vmem>>) target_semaphore(%arg11 : memref<!tpu.dma_semaphore, #tpu.memory_space<semaphore_mem>>)
    %dma_wait3A_472 = arith.constant 0 : i32
    %dma_wait3A_473 = tpu.memref_slice %arg2[%add3A_444, %dma_wait3A_472] : memref<32768x1024xf32, #tpu.memory_space<hbm>> -> memref<32x1024xf32, #tpu.memory_space<hbm>>
    %dma_wait3A_474 = arith.constant 0 : i32
    %dma_wait3A_475 = tpu.memref_slice %arg2[%add3A_444, %dma_wait3A_474] : memref<32768x1024xf32, #tpu.memory_space<hbm>> -> memref<32x1024xf32, #tpu.memory_space<hbm>>
    tpu.wait_dma2 semaphore(%arg10 : memref<!tpu.dma_semaphore, #tpu.memory_space<semaphore_mem>>) src(%dma_wait3A_475 : memref<32x1024xf32, #tpu.memory_space<hbm>>) dst(%arg8 : memref<32x1024xf32, #tpu.memory_space<vmem>>)
    %parallel_loop3A_476 = arith.constant 0 : i32
    %parallel_loop3A_477 = arith.constant 32 : i32
    %parallel_loop3A_478 = arith.constant 1 : i32
    scf.for %parallel_loop3A_736 = %parallel_loop3A_476 to %parallel_loop3A_477 step %parallel_loop3A_478  : i32 {
      %parallel_loop3A_737 = arith.constant 640 : i32
      %parallel_loop3A_738 = arith.addi %parallel_loop3A_737, %parallel_loop3A_736 : i32
      %parallel_loop3A_739 = arith.index_cast %parallel_loop3A_738 : i32 to index
      %parallel_loop3A_740 = tpu.vector_load %arg7[%parallel_loop3A_739] {strides = array<i32>} : memref<1040xi32, #tpu.memory_space<vmem>>, vector<16xi32>,
      %parallel_loop3A_741 = vector.shape_cast %parallel_loop3A_740 : vector<16xi32> to vector<16xi32>
      %parallel_loop3A_742 = vector.extract_strided_slice %parallel_loop3A_741 {offsets = [0], sizes = [1], strides = [1]} : vector<16xi32> to vector<1xi32>
      %parallel_loop3A_743 = vector.extract %parallel_loop3A_742[0] : i32 from vector<1xi32>
      %parallel_loop3A_744 = arith.constant 0 : i32
      %parallel_loop3A_745 = arith.constant 1024 : i32
      %parallel_loop3A_746 = arith.constant 16 : i32
      scf.for %parallel_loop3A_747 = %parallel_loop3A_744 to %parallel_loop3A_745 step %parallel_loop3A_746  : i32 {
        %parallel_loop3A_748 = arith.index_cast %parallel_loop3A_736 : i32 to index
        %parallel_loop3A_749 = arith.index_cast %parallel_loop3A_747 : i32 to index
        %parallel_loop3A_750 = tpu.vector_load %arg8[%parallel_loop3A_748, %parallel_loop3A_749] {strides = array<i32>} : memref<32x1024xf32, #tpu.memory_space<vmem>>, vector<1x16xf32>,
        %parallel_loop3A_751 = vector.shape_cast %parallel_loop3A_750 : vector<1x16xf32> to vector<16xf32>
        %parallel_loop3A_752 = arith.index_cast %parallel_loop3A_743 : i32 to index
        %parallel_loop3A_753 = arith.index_cast %parallel_loop3A_747 : i32 to index
        %parallel_loop3A_754 = tpu.vector_load %arg6[%parallel_loop3A_752, %parallel_loop3A_753] {strides = array<i32>} : memref<3x1024xf32, #tpu.memory_space<vmem>>, vector<1x16xf32>,
        %parallel_loop3A_755 = vector.shape_cast %parallel_loop3A_754 : vector<1x16xf32> to vector<16xf32>
        %parallel_loop3A_756 = arith.addf %parallel_loop3A_751, %parallel_loop3A_755 : vector<16xf32>
        %parallel_loop3A_757 = arith.index_cast %parallel_loop3A_736 : i32 to index
        %parallel_loop3A_758 = arith.index_cast %parallel_loop3A_747 : i32 to index
        %parallel_loop3A_759 = tpu.vector_load %arg8[%parallel_loop3A_757, %parallel_loop3A_758] {strides = array<i32>} : memref<32x1024xf32, #tpu.memory_space<vmem>>, vector<1x16xf32>,
        %parallel_loop3A_760 = vector.shape_cast %parallel_loop3A_759 : vector<1x16xf32> to vector<16xf32>
        %parallel_loop3A_761 = vector.shape_cast %parallel_loop3A_756 : vector<16xf32> to vector<1x16xf32>
        tpu.vector_store %arg8[%parallel_loop3A_757, %parallel_loop3A_758], %parallel_loop3A_761 {strides = array<i32>} : memref<32x1024xf32, #tpu.memory_space<vmem>>, vector<1x16xf32>,
      } {sc.loop_unroll_factor = 8 : i64, sc.parallel_access}
    } {sc.loop_unroll_factor = 2 : i64, sc.parallel_access}
    %add3A_479 = arith.constant 640 : i32
    %add3A_480 = arith.addi %mul3A_2, %add3A_479 : i32
    %dma_start3A_481 = arith.constant 0 : i32
    %dma_start3A_482 = tpu.memref_slice %arg5[%add3A_480, %dma_start3A_481] : memref<32768x1024xf32, #tpu.memory_space<hbm>> -> memref<32x1024xf32, #tpu.memory_space<hbm>>
    %dma_start3A_483 = arith.constant 0 : i32
    %dma_start3A_484 = tpu.memref_slice %arg5[%add3A_480, %dma_start3A_483] : memref<32768x1024xf32, #tpu.memory_space<hbm>> -> memref<32x1024xf32, #tpu.memory_space<hbm>>
    tpu.enqueue_dma source(%arg8 : memref<32x1024xf32, #tpu.memory_space<vmem>>) target(%dma_start3A_484 : memref<32x1024xf32, #tpu.memory_space<hbm>>) target_semaphore(%arg12 : memref<!tpu.dma_semaphore, #tpu.memory_space<semaphore_mem>>)
    %dma_wait3A_485 = arith.constant 0 : i32
    %dma_wait3A_486 = tpu.memref_slice %arg5[%add3A_480, %dma_wait3A_485] : memref<32768x1024xf32, #tpu.memory_space<hbm>> -> memref<32x1024xf32, #tpu.memory_space<hbm>>
    %dma_wait3A_487 = arith.constant 0 : i32
    %dma_wait3A_488 = tpu.memref_slice %arg5[%add3A_480, %dma_wait3A_487] : memref<32768x1024xf32, #tpu.memory_space<hbm>> -> memref<32x1024xf32, #tpu.memory_space<hbm>>
    tpu.wait_dma2 semaphore(%arg12 : memref<!tpu.dma_semaphore, #tpu.memory_space<semaphore_mem>>) src(%arg8 : memref<32x1024xf32, #tpu.memory_space<vmem>>) dst(%dma_wait3A_488 : memref<32x1024xf32, #tpu.memory_space<hbm>>)
    %add3A_489 = arith.constant 704 : i32
    %add3A_490 = arith.addi %mul3A_2, %add3A_489 : i32
    %dma_start3A_491 = arith.constant 0 : i32
    %dma_start3A_492 = tpu.memref_slice %arg2[%add3A_490, %dma_start3A_491] : memref<32768x1024xf32, #tpu.memory_space<hbm>> -> memref<32x1024xf32, #tpu.memory_space<hbm>>
    %dma_start3A_493 = arith.constant 0 : i32
    %dma_start3A_494 = tpu.memref_slice %arg2[%add3A_490, %dma_start3A_493] : memref<32768x1024xf32, #tpu.memory_space<hbm>> -> memref<32x1024xf32, #tpu.memory_space<hbm>>
    tpu.enqueue_dma source(%dma_start3A_494 : memref<32x1024xf32, #tpu.memory_space<hbm>>) target(%arg8 : memref<32x1024xf32, #tpu.memory_space<vmem>>) target_semaphore(%arg10 : memref<!tpu.dma_semaphore, #tpu.memory_space<semaphore_mem>>)
    %dma_wait3A_495 = arith.constant 0 : i32
    %dma_wait3A_496 = tpu.memref_slice %arg2[%add3A_467, %dma_wait3A_495] : memref<32768x1024xf32, #tpu.memory_space<hbm>> -> memref<32x1024xf32, #tpu.memory_space<hbm>>
    %dma_wait3A_497 = arith.constant 0 : i32
    %dma_wait3A_498 = tpu.memref_slice %arg2[%add3A_467, %dma_wait3A_497] : memref<32768x1024xf32, #tpu.memory_space<hbm>> -> memref<32x1024xf32, #tpu.memory_space<hbm>>
    tpu.wait_dma2 semaphore(%arg11 : memref<!tpu.dma_semaphore, #tpu.memory_space<semaphore_mem>>) src(%dma_wait3A_498 : memref<32x1024xf32, #tpu.memory_space<hbm>>) dst(%arg9 : memref<32x1024xf32, #tpu.memory_space<vmem>>)
    %parallel_loop3A_499 = arith.constant 0 : i32
    %parallel_loop3A_500 = arith.constant 32 : i32
    %parallel_loop3A_501 = arith.constant 1 : i32
    scf.for %parallel_loop3A_736 = %parallel_loop3A_499 to %parallel_loop3A_500 step %parallel_loop3A_501  : i32 {
      %parallel_loop3A_737 = arith.constant 672 : i32
      %parallel_loop3A_738 = arith.addi %parallel_loop3A_737, %parallel_loop3A_736 : i32
      %parallel_loop3A_739 = arith.index_cast %parallel_loop3A_738 : i32 to index
      %parallel_loop3A_740 = tpu.vector_load %arg7[%parallel_loop3A_739] {strides = array<i32>} : memref<1040xi32, #tpu.memory_space<vmem>>, vector<16xi32>,
      %parallel_loop3A_741 = vector.shape_cast %parallel_loop3A_740 : vector<16xi32> to vector<16xi32>
      %parallel_loop3A_742 = vector.extract_strided_slice %parallel_loop3A_741 {offsets = [0], sizes = [1], strides = [1]} : vector<16xi32> to vector<1xi32>
      %parallel_loop3A_743 = vector.extract %parallel_loop3A_742[0] : i32 from vector<1xi32>
      %parallel_loop3A_744 = arith.constant 0 : i32
      %parallel_loop3A_745 = arith.constant 1024 : i32
      %parallel_loop3A_746 = arith.constant 16 : i32
      scf.for %parallel_loop3A_747 = %parallel_loop3A_744 to %parallel_loop3A_745 step %parallel_loop3A_746  : i32 {
        %parallel_loop3A_748 = arith.index_cast %parallel_loop3A_736 : i32 to index
        %parallel_loop3A_749 = arith.index_cast %parallel_loop3A_747 : i32 to index
        %parallel_loop3A_750 = tpu.vector_load %arg9[%parallel_loop3A_748, %parallel_loop3A_749] {strides = array<i32>} : memref<32x1024xf32, #tpu.memory_space<vmem>>, vector<1x16xf32>,
        %parallel_loop3A_751 = vector.shape_cast %parallel_loop3A_750 : vector<1x16xf32> to vector<16xf32>
        %parallel_loop3A_752 = arith.index_cast %parallel_loop3A_743 : i32 to index
        %parallel_loop3A_753 = arith.index_cast %parallel_loop3A_747 : i32 to index
        %parallel_loop3A_754 = tpu.vector_load %arg6[%parallel_loop3A_752, %parallel_loop3A_753] {strides = array<i32>} : memref<3x1024xf32, #tpu.memory_space<vmem>>, vector<1x16xf32>,
        %parallel_loop3A_755 = vector.shape_cast %parallel_loop3A_754 : vector<1x16xf32> to vector<16xf32>
        %parallel_loop3A_756 = arith.addf %parallel_loop3A_751, %parallel_loop3A_755 : vector<16xf32>
        %parallel_loop3A_757 = arith.index_cast %parallel_loop3A_736 : i32 to index
        %parallel_loop3A_758 = arith.index_cast %parallel_loop3A_747 : i32 to index
        %parallel_loop3A_759 = tpu.vector_load %arg9[%parallel_loop3A_757, %parallel_loop3A_758] {strides = array<i32>} : memref<32x1024xf32, #tpu.memory_space<vmem>>, vector<1x16xf32>,
        %parallel_loop3A_760 = vector.shape_cast %parallel_loop3A_759 : vector<1x16xf32> to vector<16xf32>
        %parallel_loop3A_761 = vector.shape_cast %parallel_loop3A_756 : vector<16xf32> to vector<1x16xf32>
        tpu.vector_store %arg9[%parallel_loop3A_757, %parallel_loop3A_758], %parallel_loop3A_761 {strides = array<i32>} : memref<32x1024xf32, #tpu.memory_space<vmem>>, vector<1x16xf32>,
      } {sc.loop_unroll_factor = 8 : i64, sc.parallel_access}
    } {sc.loop_unroll_factor = 2 : i64, sc.parallel_access}
    %add3A_502 = arith.constant 672 : i32
    %add3A_503 = arith.addi %mul3A_2, %add3A_502 : i32
    %dma_start3A_504 = arith.constant 0 : i32
    %dma_start3A_505 = tpu.memref_slice %arg5[%add3A_503, %dma_start3A_504] : memref<32768x1024xf32, #tpu.memory_space<hbm>> -> memref<32x1024xf32, #tpu.memory_space<hbm>>
    %dma_start3A_506 = arith.constant 0 : i32
    %dma_start3A_507 = tpu.memref_slice %arg5[%add3A_503, %dma_start3A_506] : memref<32768x1024xf32, #tpu.memory_space<hbm>> -> memref<32x1024xf32, #tpu.memory_space<hbm>>
    tpu.enqueue_dma source(%arg9 : memref<32x1024xf32, #tpu.memory_space<vmem>>) target(%dma_start3A_507 : memref<32x1024xf32, #tpu.memory_space<hbm>>) target_semaphore(%arg13 : memref<!tpu.dma_semaphore, #tpu.memory_space<semaphore_mem>>)
    %dma_wait3A_508 = arith.constant 0 : i32
    %dma_wait3A_509 = tpu.memref_slice %arg5[%add3A_503, %dma_wait3A_508] : memref<32768x1024xf32, #tpu.memory_space<hbm>> -> memref<32x1024xf32, #tpu.memory_space<hbm>>
    %dma_wait3A_510 = arith.constant 0 : i32
    %dma_wait3A_511 = tpu.memref_slice %arg5[%add3A_503, %dma_wait3A_510] : memref<32768x1024xf32, #tpu.memory_space<hbm>> -> memref<32x1024xf32, #tpu.memory_space<hbm>>
    tpu.wait_dma2 semaphore(%arg13 : memref<!tpu.dma_semaphore, #tpu.memory_space<semaphore_mem>>) src(%arg9 : memref<32x1024xf32, #tpu.memory_space<vmem>>) dst(%dma_wait3A_511 : memref<32x1024xf32, #tpu.memory_space<hbm>>)
    %add3A_512 = arith.constant 736 : i32
    %add3A_513 = arith.addi %mul3A_2, %add3A_512 : i32
    %dma_start3A_514 = arith.constant 0 : i32
    %dma_start3A_515 = tpu.memref_slice %arg2[%add3A_513, %dma_start3A_514] : memref<32768x1024xf32, #tpu.memory_space<hbm>> -> memref<32x1024xf32, #tpu.memory_space<hbm>>
    %dma_start3A_516 = arith.constant 0 : i32
    %dma_start3A_517 = tpu.memref_slice %arg2[%add3A_513, %dma_start3A_516] : memref<32768x1024xf32, #tpu.memory_space<hbm>> -> memref<32x1024xf32, #tpu.memory_space<hbm>>
    tpu.enqueue_dma source(%dma_start3A_517 : memref<32x1024xf32, #tpu.memory_space<hbm>>) target(%arg9 : memref<32x1024xf32, #tpu.memory_space<vmem>>) target_semaphore(%arg11 : memref<!tpu.dma_semaphore, #tpu.memory_space<semaphore_mem>>)
    %dma_wait3A_518 = arith.constant 0 : i32
    %dma_wait3A_519 = tpu.memref_slice %arg2[%add3A_490, %dma_wait3A_518] : memref<32768x1024xf32, #tpu.memory_space<hbm>> -> memref<32x1024xf32, #tpu.memory_space<hbm>>
    %dma_wait3A_520 = arith.constant 0 : i32
    %dma_wait3A_521 = tpu.memref_slice %arg2[%add3A_490, %dma_wait3A_520] : memref<32768x1024xf32, #tpu.memory_space<hbm>> -> memref<32x1024xf32, #tpu.memory_space<hbm>>
    tpu.wait_dma2 semaphore(%arg10 : memref<!tpu.dma_semaphore, #tpu.memory_space<semaphore_mem>>) src(%dma_wait3A_521 : memref<32x1024xf32, #tpu.memory_space<hbm>>) dst(%arg8 : memref<32x1024xf32, #tpu.memory_space<vmem>>)
    %parallel_loop3A_522 = arith.constant 0 : i32
    %parallel_loop3A_523 = arith.constant 32 : i32
    %parallel_loop3A_524 = arith.constant 1 : i32
    scf.for %parallel_loop3A_736 = %parallel_loop3A_522 to %parallel_loop3A_523 step %parallel_loop3A_524  : i32 {
      %parallel_loop3A_737 = arith.constant 704 : i32
      %parallel_loop3A_738 = arith.addi %parallel_loop3A_737, %parallel_loop3A_736 : i32
      %parallel_loop3A_739 = arith.index_cast %parallel_loop3A_738 : i32 to index
      %parallel_loop3A_740 = tpu.vector_load %arg7[%parallel_loop3A_739] {strides = array<i32>} : memref<1040xi32, #tpu.memory_space<vmem>>, vector<16xi32>,
      %parallel_loop3A_741 = vector.shape_cast %parallel_loop3A_740 : vector<16xi32> to vector<16xi32>
      %parallel_loop3A_742 = vector.extract_strided_slice %parallel_loop3A_741 {offsets = [0], sizes = [1], strides = [1]} : vector<16xi32> to vector<1xi32>
      %parallel_loop3A_743 = vector.extract %parallel_loop3A_742[0] : i32 from vector<1xi32>
      %parallel_loop3A_744 = arith.constant 0 : i32
      %parallel_loop3A_745 = arith.constant 1024 : i32
      %parallel_loop3A_746 = arith.constant 16 : i32
      scf.for %parallel_loop3A_747 = %parallel_loop3A_744 to %parallel_loop3A_745 step %parallel_loop3A_746  : i32 {
        %parallel_loop3A_748 = arith.index_cast %parallel_loop3A_736 : i32 to index
        %parallel_loop3A_749 = arith.index_cast %parallel_loop3A_747 : i32 to index
        %parallel_loop3A_750 = tpu.vector_load %arg8[%parallel_loop3A_748, %parallel_loop3A_749] {strides = array<i32>} : memref<32x1024xf32, #tpu.memory_space<vmem>>, vector<1x16xf32>,
        %parallel_loop3A_751 = vector.shape_cast %parallel_loop3A_750 : vector<1x16xf32> to vector<16xf32>
        %parallel_loop3A_752 = arith.index_cast %parallel_loop3A_743 : i32 to index
        %parallel_loop3A_753 = arith.index_cast %parallel_loop3A_747 : i32 to index
        %parallel_loop3A_754 = tpu.vector_load %arg6[%parallel_loop3A_752, %parallel_loop3A_753] {strides = array<i32>} : memref<3x1024xf32, #tpu.memory_space<vmem>>, vector<1x16xf32>,
        %parallel_loop3A_755 = vector.shape_cast %parallel_loop3A_754 : vector<1x16xf32> to vector<16xf32>
        %parallel_loop3A_756 = arith.addf %parallel_loop3A_751, %parallel_loop3A_755 : vector<16xf32>
        %parallel_loop3A_757 = arith.index_cast %parallel_loop3A_736 : i32 to index
        %parallel_loop3A_758 = arith.index_cast %parallel_loop3A_747 : i32 to index
        %parallel_loop3A_759 = tpu.vector_load %arg8[%parallel_loop3A_757, %parallel_loop3A_758] {strides = array<i32>} : memref<32x1024xf32, #tpu.memory_space<vmem>>, vector<1x16xf32>,
        %parallel_loop3A_760 = vector.shape_cast %parallel_loop3A_759 : vector<1x16xf32> to vector<16xf32>
        %parallel_loop3A_761 = vector.shape_cast %parallel_loop3A_756 : vector<16xf32> to vector<1x16xf32>
        tpu.vector_store %arg8[%parallel_loop3A_757, %parallel_loop3A_758], %parallel_loop3A_761 {strides = array<i32>} : memref<32x1024xf32, #tpu.memory_space<vmem>>, vector<1x16xf32>,
      } {sc.loop_unroll_factor = 8 : i64, sc.parallel_access}
    } {sc.loop_unroll_factor = 2 : i64, sc.parallel_access}
    %add3A_525 = arith.constant 704 : i32
    %add3A_526 = arith.addi %mul3A_2, %add3A_525 : i32
    %dma_start3A_527 = arith.constant 0 : i32
    %dma_start3A_528 = tpu.memref_slice %arg5[%add3A_526, %dma_start3A_527] : memref<32768x1024xf32, #tpu.memory_space<hbm>> -> memref<32x1024xf32, #tpu.memory_space<hbm>>
    %dma_start3A_529 = arith.constant 0 : i32
    %dma_start3A_530 = tpu.memref_slice %arg5[%add3A_526, %dma_start3A_529] : memref<32768x1024xf32, #tpu.memory_space<hbm>> -> memref<32x1024xf32, #tpu.memory_space<hbm>>
    tpu.enqueue_dma source(%arg8 : memref<32x1024xf32, #tpu.memory_space<vmem>>) target(%dma_start3A_530 : memref<32x1024xf32, #tpu.memory_space<hbm>>) target_semaphore(%arg12 : memref<!tpu.dma_semaphore, #tpu.memory_space<semaphore_mem>>)
    %dma_wait3A_531 = arith.constant 0 : i32
    %dma_wait3A_532 = tpu.memref_slice %arg5[%add3A_526, %dma_wait3A_531] : memref<32768x1024xf32, #tpu.memory_space<hbm>> -> memref<32x1024xf32, #tpu.memory_space<hbm>>
    %dma_wait3A_533 = arith.constant 0 : i32
    %dma_wait3A_534 = tpu.memref_slice %arg5[%add3A_526, %dma_wait3A_533] : memref<32768x1024xf32, #tpu.memory_space<hbm>> -> memref<32x1024xf32, #tpu.memory_space<hbm>>
    tpu.wait_dma2 semaphore(%arg12 : memref<!tpu.dma_semaphore, #tpu.memory_space<semaphore_mem>>) src(%arg8 : memref<32x1024xf32, #tpu.memory_space<vmem>>) dst(%dma_wait3A_534 : memref<32x1024xf32, #tpu.memory_space<hbm>>)
    %add3A_535 = arith.constant 768 : i32
    %add3A_536 = arith.addi %mul3A_2, %add3A_535 : i32
    %dma_start3A_537 = arith.constant 0 : i32
    %dma_start3A_538 = tpu.memref_slice %arg2[%add3A_536, %dma_start3A_537] : memref<32768x1024xf32, #tpu.memory_space<hbm>> -> memref<32x1024xf32, #tpu.memory_space<hbm>>
    %dma_start3A_539 = arith.constant 0 : i32
    %dma_start3A_540 = tpu.memref_slice %arg2[%add3A_536, %dma_start3A_539] : memref<32768x1024xf32, #tpu.memory_space<hbm>> -> memref<32x1024xf32, #tpu.memory_space<hbm>>
    tpu.enqueue_dma source(%dma_start3A_540 : memref<32x1024xf32, #tpu.memory_space<hbm>>) target(%arg8 : memref<32x1024xf32, #tpu.memory_space<vmem>>) target_semaphore(%arg10 : memref<!tpu.dma_semaphore, #tpu.memory_space<semaphore_mem>>)
    %dma_wait3A_541 = arith.constant 0 : i32
    %dma_wait3A_542 = tpu.memref_slice %arg2[%add3A_513, %dma_wait3A_541] : memref<32768x1024xf32, #tpu.memory_space<hbm>> -> memref<32x1024xf32, #tpu.memory_space<hbm>>
    %dma_wait3A_543 = arith.constant 0 : i32
    %dma_wait3A_544 = tpu.memref_slice %arg2[%add3A_513, %dma_wait3A_543] : memref<32768x1024xf32, #tpu.memory_space<hbm>> -> memref<32x1024xf32, #tpu.memory_space<hbm>>
    tpu.wait_dma2 semaphore(%arg11 : memref<!tpu.dma_semaphore, #tpu.memory_space<semaphore_mem>>) src(%dma_wait3A_544 : memref<32x1024xf32, #tpu.memory_space<hbm>>) dst(%arg9 : memref<32x1024xf32, #tpu.memory_space<vmem>>)
    %parallel_loop3A_545 = arith.constant 0 : i32
    %parallel_loop3A_546 = arith.constant 32 : i32
    %parallel_loop3A_547 = arith.constant 1 : i32
    scf.for %parallel_loop3A_736 = %parallel_loop3A_545 to %parallel_loop3A_546 step %parallel_loop3A_547  : i32 {
      %parallel_loop3A_737 = arith.constant 736 : i32
      %parallel_loop3A_738 = arith.addi %parallel_loop3A_737, %parallel_loop3A_736 : i32
      %parallel_loop3A_739 = arith.index_cast %parallel_loop3A_738 : i32 to index
      %parallel_loop3A_740 = tpu.vector_load %arg7[%parallel_loop3A_739] {strides = array<i32>} : memref<1040xi32, #tpu.memory_space<vmem>>, vector<16xi32>,
      %parallel_loop3A_741 = vector.shape_cast %parallel_loop3A_740 : vector<16xi32> to vector<16xi32>
      %parallel_loop3A_742 = vector.extract_strided_slice %parallel_loop3A_741 {offsets = [0], sizes = [1], strides = [1]} : vector<16xi32> to vector<1xi32>
      %parallel_loop3A_743 = vector.extract %parallel_loop3A_742[0] : i32 from vector<1xi32>
      %parallel_loop3A_744 = arith.constant 0 : i32
      %parallel_loop3A_745 = arith.constant 1024 : i32
      %parallel_loop3A_746 = arith.constant 16 : i32
      scf.for %parallel_loop3A_747 = %parallel_loop3A_744 to %parallel_loop3A_745 step %parallel_loop3A_746  : i32 {
        %parallel_loop3A_748 = arith.index_cast %parallel_loop3A_736 : i32 to index
        %parallel_loop3A_749 = arith.index_cast %parallel_loop3A_747 : i32 to index
        %parallel_loop3A_750 = tpu.vector_load %arg9[%parallel_loop3A_748, %parallel_loop3A_749] {strides = array<i32>} : memref<32x1024xf32, #tpu.memory_space<vmem>>, vector<1x16xf32>,
        %parallel_loop3A_751 = vector.shape_cast %parallel_loop3A_750 : vector<1x16xf32> to vector<16xf32>
        %parallel_loop3A_752 = arith.index_cast %parallel_loop3A_743 : i32 to index
        %parallel_loop3A_753 = arith.index_cast %parallel_loop3A_747 : i32 to index
        %parallel_loop3A_754 = tpu.vector_load %arg6[%parallel_loop3A_752, %parallel_loop3A_753] {strides = array<i32>} : memref<3x1024xf32, #tpu.memory_space<vmem>>, vector<1x16xf32>,
        %parallel_loop3A_755 = vector.shape_cast %parallel_loop3A_754 : vector<1x16xf32> to vector<16xf32>
        %parallel_loop3A_756 = arith.addf %parallel_loop3A_751, %parallel_loop3A_755 : vector<16xf32>
        %parallel_loop3A_757 = arith.index_cast %parallel_loop3A_736 : i32 to index
        %parallel_loop3A_758 = arith.index_cast %parallel_loop3A_747 : i32 to index
        %parallel_loop3A_759 = tpu.vector_load %arg9[%parallel_loop3A_757, %parallel_loop3A_758] {strides = array<i32>} : memref<32x1024xf32, #tpu.memory_space<vmem>>, vector<1x16xf32>,
        %parallel_loop3A_760 = vector.shape_cast %parallel_loop3A_759 : vector<1x16xf32> to vector<16xf32>
        %parallel_loop3A_761 = vector.shape_cast %parallel_loop3A_756 : vector<16xf32> to vector<1x16xf32>
        tpu.vector_store %arg9[%parallel_loop3A_757, %parallel_loop3A_758], %parallel_loop3A_761 {strides = array<i32>} : memref<32x1024xf32, #tpu.memory_space<vmem>>, vector<1x16xf32>,
      } {sc.loop_unroll_factor = 8 : i64, sc.parallel_access}
    } {sc.loop_unroll_factor = 2 : i64, sc.parallel_access}
    %add3A_548 = arith.constant 736 : i32
    %add3A_549 = arith.addi %mul3A_2, %add3A_548 : i32
    %dma_start3A_550 = arith.constant 0 : i32
    %dma_start3A_551 = tpu.memref_slice %arg5[%add3A_549, %dma_start3A_550] : memref<32768x1024xf32, #tpu.memory_space<hbm>> -> memref<32x1024xf32, #tpu.memory_space<hbm>>
    %dma_start3A_552 = arith.constant 0 : i32
    %dma_start3A_553 = tpu.memref_slice %arg5[%add3A_549, %dma_start3A_552] : memref<32768x1024xf32, #tpu.memory_space<hbm>> -> memref<32x1024xf32, #tpu.memory_space<hbm>>
    tpu.enqueue_dma source(%arg9 : memref<32x1024xf32, #tpu.memory_space<vmem>>) target(%dma_start3A_553 : memref<32x1024xf32, #tpu.memory_space<hbm>>) target_semaphore(%arg13 : memref<!tpu.dma_semaphore, #tpu.memory_space<semaphore_mem>>)
    %dma_wait3A_554 = arith.constant 0 : i32
    %dma_wait3A_555 = tpu.memref_slice %arg5[%add3A_549, %dma_wait3A_554] : memref<32768x1024xf32, #tpu.memory_space<hbm>> -> memref<32x1024xf32, #tpu.memory_space<hbm>>
    %dma_wait3A_556 = arith.constant 0 : i32
    %dma_wait3A_557 = tpu.memref_slice %arg5[%add3A_549, %dma_wait3A_556] : memref<32768x1024xf32, #tpu.memory_space<hbm>> -> memref<32x1024xf32, #tpu.memory_space<hbm>>
    tpu.wait_dma2 semaphore(%arg13 : memref<!tpu.dma_semaphore, #tpu.memory_space<semaphore_mem>>) src(%arg9 : memref<32x1024xf32, #tpu.memory_space<vmem>>) dst(%dma_wait3A_557 : memref<32x1024xf32, #tpu.memory_space<hbm>>)
    %add3A_558 = arith.constant 800 : i32
    %add3A_559 = arith.addi %mul3A_2, %add3A_558 : i32
    %dma_start3A_560 = arith.constant 0 : i32
    %dma_start3A_561 = tpu.memref_slice %arg2[%add3A_559, %dma_start3A_560] : memref<32768x1024xf32, #tpu.memory_space<hbm>> -> memref<32x1024xf32, #tpu.memory_space<hbm>>
    %dma_start3A_562 = arith.constant 0 : i32
    %dma_start3A_563 = tpu.memref_slice %arg2[%add3A_559, %dma_start3A_562] : memref<32768x1024xf32, #tpu.memory_space<hbm>> -> memref<32x1024xf32, #tpu.memory_space<hbm>>
    tpu.enqueue_dma source(%dma_start3A_563 : memref<32x1024xf32, #tpu.memory_space<hbm>>) target(%arg9 : memref<32x1024xf32, #tpu.memory_space<vmem>>) target_semaphore(%arg11 : memref<!tpu.dma_semaphore, #tpu.memory_space<semaphore_mem>>)
    %dma_wait3A_564 = arith.constant 0 : i32
    %dma_wait3A_565 = tpu.memref_slice %arg2[%add3A_536, %dma_wait3A_564] : memref<32768x1024xf32, #tpu.memory_space<hbm>> -> memref<32x1024xf32, #tpu.memory_space<hbm>>
    %dma_wait3A_566 = arith.constant 0 : i32
    %dma_wait3A_567 = tpu.memref_slice %arg2[%add3A_536, %dma_wait3A_566] : memref<32768x1024xf32, #tpu.memory_space<hbm>> -> memref<32x1024xf32, #tpu.memory_space<hbm>>
    tpu.wait_dma2 semaphore(%arg10 : memref<!tpu.dma_semaphore, #tpu.memory_space<semaphore_mem>>) src(%dma_wait3A_567 : memref<32x1024xf32, #tpu.memory_space<hbm>>) dst(%arg8 : memref<32x1024xf32, #tpu.memory_space<vmem>>)
    %parallel_loop3A_568 = arith.constant 0 : i32
    %parallel_loop3A_569 = arith.constant 32 : i32
    %parallel_loop3A_570 = arith.constant 1 : i32
    scf.for %parallel_loop3A_736 = %parallel_loop3A_568 to %parallel_loop3A_569 step %parallel_loop3A_570  : i32 {
      %parallel_loop3A_737 = arith.constant 768 : i32
      %parallel_loop3A_738 = arith.addi %parallel_loop3A_737, %parallel_loop3A_736 : i32
      %parallel_loop3A_739 = arith.index_cast %parallel_loop3A_738 : i32 to index
      %parallel_loop3A_740 = tpu.vector_load %arg7[%parallel_loop3A_739] {strides = array<i32>} : memref<1040xi32, #tpu.memory_space<vmem>>, vector<16xi32>,
      %parallel_loop3A_741 = vector.shape_cast %parallel_loop3A_740 : vector<16xi32> to vector<16xi32>
      %parallel_loop3A_742 = vector.extract_strided_slice %parallel_loop3A_741 {offsets = [0], sizes = [1], strides = [1]} : vector<16xi32> to vector<1xi32>
      %parallel_loop3A_743 = vector.extract %parallel_loop3A_742[0] : i32 from vector<1xi32>
      %parallel_loop3A_744 = arith.constant 0 : i32
      %parallel_loop3A_745 = arith.constant 1024 : i32
      %parallel_loop3A_746 = arith.constant 16 : i32
      scf.for %parallel_loop3A_747 = %parallel_loop3A_744 to %parallel_loop3A_745 step %parallel_loop3A_746  : i32 {
        %parallel_loop3A_748 = arith.index_cast %parallel_loop3A_736 : i32 to index
        %parallel_loop3A_749 = arith.index_cast %parallel_loop3A_747 : i32 to index
        %parallel_loop3A_750 = tpu.vector_load %arg8[%parallel_loop3A_748, %parallel_loop3A_749] {strides = array<i32>} : memref<32x1024xf32, #tpu.memory_space<vmem>>, vector<1x16xf32>,
        %parallel_loop3A_751 = vector.shape_cast %parallel_loop3A_750 : vector<1x16xf32> to vector<16xf32>
        %parallel_loop3A_752 = arith.index_cast %parallel_loop3A_743 : i32 to index
        %parallel_loop3A_753 = arith.index_cast %parallel_loop3A_747 : i32 to index
        %parallel_loop3A_754 = tpu.vector_load %arg6[%parallel_loop3A_752, %parallel_loop3A_753] {strides = array<i32>} : memref<3x1024xf32, #tpu.memory_space<vmem>>, vector<1x16xf32>,
        %parallel_loop3A_755 = vector.shape_cast %parallel_loop3A_754 : vector<1x16xf32> to vector<16xf32>
        %parallel_loop3A_756 = arith.addf %parallel_loop3A_751, %parallel_loop3A_755 : vector<16xf32>
        %parallel_loop3A_757 = arith.index_cast %parallel_loop3A_736 : i32 to index
        %parallel_loop3A_758 = arith.index_cast %parallel_loop3A_747 : i32 to index
        %parallel_loop3A_759 = tpu.vector_load %arg8[%parallel_loop3A_757, %parallel_loop3A_758] {strides = array<i32>} : memref<32x1024xf32, #tpu.memory_space<vmem>>, vector<1x16xf32>,
        %parallel_loop3A_760 = vector.shape_cast %parallel_loop3A_759 : vector<1x16xf32> to vector<16xf32>
        %parallel_loop3A_761 = vector.shape_cast %parallel_loop3A_756 : vector<16xf32> to vector<1x16xf32>
        tpu.vector_store %arg8[%parallel_loop3A_757, %parallel_loop3A_758], %parallel_loop3A_761 {strides = array<i32>} : memref<32x1024xf32, #tpu.memory_space<vmem>>, vector<1x16xf32>,
      } {sc.loop_unroll_factor = 8 : i64, sc.parallel_access}
    } {sc.loop_unroll_factor = 2 : i64, sc.parallel_access}
    %add3A_571 = arith.constant 768 : i32
    %add3A_572 = arith.addi %mul3A_2, %add3A_571 : i32
    %dma_start3A_573 = arith.constant 0 : i32
    %dma_start3A_574 = tpu.memref_slice %arg5[%add3A_572, %dma_start3A_573] : memref<32768x1024xf32, #tpu.memory_space<hbm>> -> memref<32x1024xf32, #tpu.memory_space<hbm>>
    %dma_start3A_575 = arith.constant 0 : i32
    %dma_start3A_576 = tpu.memref_slice %arg5[%add3A_572, %dma_start3A_575] : memref<32768x1024xf32, #tpu.memory_space<hbm>> -> memref<32x1024xf32, #tpu.memory_space<hbm>>
    tpu.enqueue_dma source(%arg8 : memref<32x1024xf32, #tpu.memory_space<vmem>>) target(%dma_start3A_576 : memref<32x1024xf32, #tpu.memory_space<hbm>>) target_semaphore(%arg12 : memref<!tpu.dma_semaphore, #tpu.memory_space<semaphore_mem>>)
    %dma_wait3A_577 = arith.constant 0 : i32
    %dma_wait3A_578 = tpu.memref_slice %arg5[%add3A_572, %dma_wait3A_577] : memref<32768x1024xf32, #tpu.memory_space<hbm>> -> memref<32x1024xf32, #tpu.memory_space<hbm>>
    %dma_wait3A_579 = arith.constant 0 : i32
    %dma_wait3A_580 = tpu.memref_slice %arg5[%add3A_572, %dma_wait3A_579] : memref<32768x1024xf32, #tpu.memory_space<hbm>> -> memref<32x1024xf32, #tpu.memory_space<hbm>>
    tpu.wait_dma2 semaphore(%arg12 : memref<!tpu.dma_semaphore, #tpu.memory_space<semaphore_mem>>) src(%arg8 : memref<32x1024xf32, #tpu.memory_space<vmem>>) dst(%dma_wait3A_580 : memref<32x1024xf32, #tpu.memory_space<hbm>>)
    %add3A_581 = arith.constant 832 : i32
    %add3A_582 = arith.addi %mul3A_2, %add3A_581 : i32
    %dma_start3A_583 = arith.constant 0 : i32
    %dma_start3A_584 = tpu.memref_slice %arg2[%add3A_582, %dma_start3A_583] : memref<32768x1024xf32, #tpu.memory_space<hbm>> -> memref<32x1024xf32, #tpu.memory_space<hbm>>
    %dma_start3A_585 = arith.constant 0 : i32
    %dma_start3A_586 = tpu.memref_slice %arg2[%add3A_582, %dma_start3A_585] : memref<32768x1024xf32, #tpu.memory_space<hbm>> -> memref<32x1024xf32, #tpu.memory_space<hbm>>
    tpu.enqueue_dma source(%dma_start3A_586 : memref<32x1024xf32, #tpu.memory_space<hbm>>) target(%arg8 : memref<32x1024xf32, #tpu.memory_space<vmem>>) target_semaphore(%arg10 : memref<!tpu.dma_semaphore, #tpu.memory_space<semaphore_mem>>)
    %dma_wait3A_587 = arith.constant 0 : i32
    %dma_wait3A_588 = tpu.memref_slice %arg2[%add3A_559, %dma_wait3A_587] : memref<32768x1024xf32, #tpu.memory_space<hbm>> -> memref<32x1024xf32, #tpu.memory_space<hbm>>
    %dma_wait3A_589 = arith.constant 0 : i32
    %dma_wait3A_590 = tpu.memref_slice %arg2[%add3A_559, %dma_wait3A_589] : memref<32768x1024xf32, #tpu.memory_space<hbm>> -> memref<32x1024xf32, #tpu.memory_space<hbm>>
    tpu.wait_dma2 semaphore(%arg11 : memref<!tpu.dma_semaphore, #tpu.memory_space<semaphore_mem>>) src(%dma_wait3A_590 : memref<32x1024xf32, #tpu.memory_space<hbm>>) dst(%arg9 : memref<32x1024xf32, #tpu.memory_space<vmem>>)
    %parallel_loop3A_591 = arith.constant 0 : i32
    %parallel_loop3A_592 = arith.constant 32 : i32
    %parallel_loop3A_593 = arith.constant 1 : i32
    scf.for %parallel_loop3A_736 = %parallel_loop3A_591 to %parallel_loop3A_592 step %parallel_loop3A_593  : i32 {
      %parallel_loop3A_737 = arith.constant 800 : i32
      %parallel_loop3A_738 = arith.addi %parallel_loop3A_737, %parallel_loop3A_736 : i32
      %parallel_loop3A_739 = arith.index_cast %parallel_loop3A_738 : i32 to index
      %parallel_loop3A_740 = tpu.vector_load %arg7[%parallel_loop3A_739] {strides = array<i32>} : memref<1040xi32, #tpu.memory_space<vmem>>, vector<16xi32>,
      %parallel_loop3A_741 = vector.shape_cast %parallel_loop3A_740 : vector<16xi32> to vector<16xi32>
      %parallel_loop3A_742 = vector.extract_strided_slice %parallel_loop3A_741 {offsets = [0], sizes = [1], strides = [1]} : vector<16xi32> to vector<1xi32>
      %parallel_loop3A_743 = vector.extract %parallel_loop3A_742[0] : i32 from vector<1xi32>
      %parallel_loop3A_744 = arith.constant 0 : i32
      %parallel_loop3A_745 = arith.constant 1024 : i32
      %parallel_loop3A_746 = arith.constant 16 : i32
      scf.for %parallel_loop3A_747 = %parallel_loop3A_744 to %parallel_loop3A_745 step %parallel_loop3A_746  : i32 {
        %parallel_loop3A_748 = arith.index_cast %parallel_loop3A_736 : i32 to index
        %parallel_loop3A_749 = arith.index_cast %parallel_loop3A_747 : i32 to index
        %parallel_loop3A_750 = tpu.vector_load %arg9[%parallel_loop3A_748, %parallel_loop3A_749] {strides = array<i32>} : memref<32x1024xf32, #tpu.memory_space<vmem>>, vector<1x16xf32>,
        %parallel_loop3A_751 = vector.shape_cast %parallel_loop3A_750 : vector<1x16xf32> to vector<16xf32>
        %parallel_loop3A_752 = arith.index_cast %parallel_loop3A_743 : i32 to index
        %parallel_loop3A_753 = arith.index_cast %parallel_loop3A_747 : i32 to index
        %parallel_loop3A_754 = tpu.vector_load %arg6[%parallel_loop3A_752, %parallel_loop3A_753] {strides = array<i32>} : memref<3x1024xf32, #tpu.memory_space<vmem>>, vector<1x16xf32>,
        %parallel_loop3A_755 = vector.shape_cast %parallel_loop3A_754 : vector<1x16xf32> to vector<16xf32>
        %parallel_loop3A_756 = arith.addf %parallel_loop3A_751, %parallel_loop3A_755 : vector<16xf32>
        %parallel_loop3A_757 = arith.index_cast %parallel_loop3A_736 : i32 to index
        %parallel_loop3A_758 = arith.index_cast %parallel_loop3A_747 : i32 to index
        %parallel_loop3A_759 = tpu.vector_load %arg9[%parallel_loop3A_757, %parallel_loop3A_758] {strides = array<i32>} : memref<32x1024xf32, #tpu.memory_space<vmem>>, vector<1x16xf32>,
        %parallel_loop3A_760 = vector.shape_cast %parallel_loop3A_759 : vector<1x16xf32> to vector<16xf32>
        %parallel_loop3A_761 = vector.shape_cast %parallel_loop3A_756 : vector<16xf32> to vector<1x16xf32>
        tpu.vector_store %arg9[%parallel_loop3A_757, %parallel_loop3A_758], %parallel_loop3A_761 {strides = array<i32>} : memref<32x1024xf32, #tpu.memory_space<vmem>>, vector<1x16xf32>,
      } {sc.loop_unroll_factor = 8 : i64, sc.parallel_access}
    } {sc.loop_unroll_factor = 2 : i64, sc.parallel_access}
    %add3A_594 = arith.constant 800 : i32
    %add3A_595 = arith.addi %mul3A_2, %add3A_594 : i32
    %dma_start3A_596 = arith.constant 0 : i32
    %dma_start3A_597 = tpu.memref_slice %arg5[%add3A_595, %dma_start3A_596] : memref<32768x1024xf32, #tpu.memory_space<hbm>> -> memref<32x1024xf32, #tpu.memory_space<hbm>>
    %dma_start3A_598 = arith.constant 0 : i32
    %dma_start3A_599 = tpu.memref_slice %arg5[%add3A_595, %dma_start3A_598] : memref<32768x1024xf32, #tpu.memory_space<hbm>> -> memref<32x1024xf32, #tpu.memory_space<hbm>>
    tpu.enqueue_dma source(%arg9 : memref<32x1024xf32, #tpu.memory_space<vmem>>) target(%dma_start3A_599 : memref<32x1024xf32, #tpu.memory_space<hbm>>) target_semaphore(%arg13 : memref<!tpu.dma_semaphore, #tpu.memory_space<semaphore_mem>>)
    %dma_wait3A_600 = arith.constant 0 : i32
    %dma_wait3A_601 = tpu.memref_slice %arg5[%add3A_595, %dma_wait3A_600] : memref<32768x1024xf32, #tpu.memory_space<hbm>> -> memref<32x1024xf32, #tpu.memory_space<hbm>>
    %dma_wait3A_602 = arith.constant 0 : i32
    %dma_wait3A_603 = tpu.memref_slice %arg5[%add3A_595, %dma_wait3A_602] : memref<32768x1024xf32, #tpu.memory_space<hbm>> -> memref<32x1024xf32, #tpu.memory_space<hbm>>
    tpu.wait_dma2 semaphore(%arg13 : memref<!tpu.dma_semaphore, #tpu.memory_space<semaphore_mem>>) src(%arg9 : memref<32x1024xf32, #tpu.memory_space<vmem>>) dst(%dma_wait3A_603 : memref<32x1024xf32, #tpu.memory_space<hbm>>)
    %add3A_604 = arith.constant 864 : i32
    %add3A_605 = arith.addi %mul3A_2, %add3A_604 : i32
    %dma_start3A_606 = arith.constant 0 : i32
    %dma_start3A_607 = tpu.memref_slice %arg2[%add3A_605, %dma_start3A_606] : memref<32768x1024xf32, #tpu.memory_space<hbm>> -> memref<32x1024xf32, #tpu.memory_space<hbm>>
    %dma_start3A_608 = arith.constant 0 : i32
    %dma_start3A_609 = tpu.memref_slice %arg2[%add3A_605, %dma_start3A_608] : memref<32768x1024xf32, #tpu.memory_space<hbm>> -> memref<32x1024xf32, #tpu.memory_space<hbm>>
    tpu.enqueue_dma source(%dma_start3A_609 : memref<32x1024xf32, #tpu.memory_space<hbm>>) target(%arg9 : memref<32x1024xf32, #tpu.memory_space<vmem>>) target_semaphore(%arg11 : memref<!tpu.dma_semaphore, #tpu.memory_space<semaphore_mem>>)
    %dma_wait3A_610 = arith.constant 0 : i32
    %dma_wait3A_611 = tpu.memref_slice %arg2[%add3A_582, %dma_wait3A_610] : memref<32768x1024xf32, #tpu.memory_space<hbm>> -> memref<32x1024xf32, #tpu.memory_space<hbm>>
    %dma_wait3A_612 = arith.constant 0 : i32
    %dma_wait3A_613 = tpu.memref_slice %arg2[%add3A_582, %dma_wait3A_612] : memref<32768x1024xf32, #tpu.memory_space<hbm>> -> memref<32x1024xf32, #tpu.memory_space<hbm>>
    tpu.wait_dma2 semaphore(%arg10 : memref<!tpu.dma_semaphore, #tpu.memory_space<semaphore_mem>>) src(%dma_wait3A_613 : memref<32x1024xf32, #tpu.memory_space<hbm>>) dst(%arg8 : memref<32x1024xf32, #tpu.memory_space<vmem>>)
    %parallel_loop3A_614 = arith.constant 0 : i32
    %parallel_loop3A_615 = arith.constant 32 : i32
    %parallel_loop3A_616 = arith.constant 1 : i32
    scf.for %parallel_loop3A_736 = %parallel_loop3A_614 to %parallel_loop3A_615 step %parallel_loop3A_616  : i32 {
      %parallel_loop3A_737 = arith.constant 832 : i32
      %parallel_loop3A_738 = arith.addi %parallel_loop3A_737, %parallel_loop3A_736 : i32
      %parallel_loop3A_739 = arith.index_cast %parallel_loop3A_738 : i32 to index
      %parallel_loop3A_740 = tpu.vector_load %arg7[%parallel_loop3A_739] {strides = array<i32>} : memref<1040xi32, #tpu.memory_space<vmem>>, vector<16xi32>,
      %parallel_loop3A_741 = vector.shape_cast %parallel_loop3A_740 : vector<16xi32> to vector<16xi32>
      %parallel_loop3A_742 = vector.extract_strided_slice %parallel_loop3A_741 {offsets = [0], sizes = [1], strides = [1]} : vector<16xi32> to vector<1xi32>
      %parallel_loop3A_743 = vector.extract %parallel_loop3A_742[0] : i32 from vector<1xi32>
      %parallel_loop3A_744 = arith.constant 0 : i32
      %parallel_loop3A_745 = arith.constant 1024 : i32
      %parallel_loop3A_746 = arith.constant 16 : i32
      scf.for %parallel_loop3A_747 = %parallel_loop3A_744 to %parallel_loop3A_745 step %parallel_loop3A_746  : i32 {
        %parallel_loop3A_748 = arith.index_cast %parallel_loop3A_736 : i32 to index
        %parallel_loop3A_749 = arith.index_cast %parallel_loop3A_747 : i32 to index
        %parallel_loop3A_750 = tpu.vector_load %arg8[%parallel_loop3A_748, %parallel_loop3A_749] {strides = array<i32>} : memref<32x1024xf32, #tpu.memory_space<vmem>>, vector<1x16xf32>,
        %parallel_loop3A_751 = vector.shape_cast %parallel_loop3A_750 : vector<1x16xf32> to vector<16xf32>
        %parallel_loop3A_752 = arith.index_cast %parallel_loop3A_743 : i32 to index
        %parallel_loop3A_753 = arith.index_cast %parallel_loop3A_747 : i32 to index
        %parallel_loop3A_754 = tpu.vector_load %arg6[%parallel_loop3A_752, %parallel_loop3A_753] {strides = array<i32>} : memref<3x1024xf32, #tpu.memory_space<vmem>>, vector<1x16xf32>,
        %parallel_loop3A_755 = vector.shape_cast %parallel_loop3A_754 : vector<1x16xf32> to vector<16xf32>
        %parallel_loop3A_756 = arith.addf %parallel_loop3A_751, %parallel_loop3A_755 : vector<16xf32>
        %parallel_loop3A_757 = arith.index_cast %parallel_loop3A_736 : i32 to index
        %parallel_loop3A_758 = arith.index_cast %parallel_loop3A_747 : i32 to index
        %parallel_loop3A_759 = tpu.vector_load %arg8[%parallel_loop3A_757, %parallel_loop3A_758] {strides = array<i32>} : memref<32x1024xf32, #tpu.memory_space<vmem>>, vector<1x16xf32>,
        %parallel_loop3A_760 = vector.shape_cast %parallel_loop3A_759 : vector<1x16xf32> to vector<16xf32>
        %parallel_loop3A_761 = vector.shape_cast %parallel_loop3A_756 : vector<16xf32> to vector<1x16xf32>
        tpu.vector_store %arg8[%parallel_loop3A_757, %parallel_loop3A_758], %parallel_loop3A_761 {strides = array<i32>} : memref<32x1024xf32, #tpu.memory_space<vmem>>, vector<1x16xf32>,
      } {sc.loop_unroll_factor = 8 : i64, sc.parallel_access}
    } {sc.loop_unroll_factor = 2 : i64, sc.parallel_access}
    %add3A_617 = arith.constant 832 : i32
    %add3A_618 = arith.addi %mul3A_2, %add3A_617 : i32
    %dma_start3A_619 = arith.constant 0 : i32
    %dma_start3A_620 = tpu.memref_slice %arg5[%add3A_618, %dma_start3A_619] : memref<32768x1024xf32, #tpu.memory_space<hbm>> -> memref<32x1024xf32, #tpu.memory_space<hbm>>
    %dma_start3A_621 = arith.constant 0 : i32
    %dma_start3A_622 = tpu.memref_slice %arg5[%add3A_618, %dma_start3A_621] : memref<32768x1024xf32, #tpu.memory_space<hbm>> -> memref<32x1024xf32, #tpu.memory_space<hbm>>
    tpu.enqueue_dma source(%arg8 : memref<32x1024xf32, #tpu.memory_space<vmem>>) target(%dma_start3A_622 : memref<32x1024xf32, #tpu.memory_space<hbm>>) target_semaphore(%arg12 : memref<!tpu.dma_semaphore, #tpu.memory_space<semaphore_mem>>)
    %dma_wait3A_623 = arith.constant 0 : i32
    %dma_wait3A_624 = tpu.memref_slice %arg5[%add3A_618, %dma_wait3A_623] : memref<32768x1024xf32, #tpu.memory_space<hbm>> -> memref<32x1024xf32, #tpu.memory_space<hbm>>
    %dma_wait3A_625 = arith.constant 0 : i32
    %dma_wait3A_626 = tpu.memref_slice %arg5[%add3A_618, %dma_wait3A_625] : memref<32768x1024xf32, #tpu.memory_space<hbm>> -> memref<32x1024xf32, #tpu.memory_space<hbm>>
    tpu.wait_dma2 semaphore(%arg12 : memref<!tpu.dma_semaphore, #tpu.memory_space<semaphore_mem>>) src(%arg8 : memref<32x1024xf32, #tpu.memory_space<vmem>>) dst(%dma_wait3A_626 : memref<32x1024xf32, #tpu.memory_space<hbm>>)
    %add3A_627 = arith.constant 896 : i32
    %add3A_628 = arith.addi %mul3A_2, %add3A_627 : i32
    %dma_start3A_629 = arith.constant 0 : i32
    %dma_start3A_630 = tpu.memref_slice %arg2[%add3A_628, %dma_start3A_629] : memref<32768x1024xf32, #tpu.memory_space<hbm>> -> memref<32x1024xf32, #tpu.memory_space<hbm>>
    %dma_start3A_631 = arith.constant 0 : i32
    %dma_start3A_632 = tpu.memref_slice %arg2[%add3A_628, %dma_start3A_631] : memref<32768x1024xf32, #tpu.memory_space<hbm>> -> memref<32x1024xf32, #tpu.memory_space<hbm>>
    tpu.enqueue_dma source(%dma_start3A_632 : memref<32x1024xf32, #tpu.memory_space<hbm>>) target(%arg8 : memref<32x1024xf32, #tpu.memory_space<vmem>>) target_semaphore(%arg10 : memref<!tpu.dma_semaphore, #tpu.memory_space<semaphore_mem>>)
    %dma_wait3A_633 = arith.constant 0 : i32
    %dma_wait3A_634 = tpu.memref_slice %arg2[%add3A_605, %dma_wait3A_633] : memref<32768x1024xf32, #tpu.memory_space<hbm>> -> memref<32x1024xf32, #tpu.memory_space<hbm>>
    %dma_wait3A_635 = arith.constant 0 : i32
    %dma_wait3A_636 = tpu.memref_slice %arg2[%add3A_605, %dma_wait3A_635] : memref<32768x1024xf32, #tpu.memory_space<hbm>> -> memref<32x1024xf32, #tpu.memory_space<hbm>>
    tpu.wait_dma2 semaphore(%arg11 : memref<!tpu.dma_semaphore, #tpu.memory_space<semaphore_mem>>) src(%dma_wait3A_636 : memref<32x1024xf32, #tpu.memory_space<hbm>>) dst(%arg9 : memref<32x1024xf32, #tpu.memory_space<vmem>>)
    %parallel_loop3A_637 = arith.constant 0 : i32
    %parallel_loop3A_638 = arith.constant 32 : i32
    %parallel_loop3A_639 = arith.constant 1 : i32
    scf.for %parallel_loop3A_736 = %parallel_loop3A_637 to %parallel_loop3A_638 step %parallel_loop3A_639  : i32 {
      %parallel_loop3A_737 = arith.constant 864 : i32
      %parallel_loop3A_738 = arith.addi %parallel_loop3A_737, %parallel_loop3A_736 : i32
      %parallel_loop3A_739 = arith.index_cast %parallel_loop3A_738 : i32 to index
      %parallel_loop3A_740 = tpu.vector_load %arg7[%parallel_loop3A_739] {strides = array<i32>} : memref<1040xi32, #tpu.memory_space<vmem>>, vector<16xi32>,
      %parallel_loop3A_741 = vector.shape_cast %parallel_loop3A_740 : vector<16xi32> to vector<16xi32>
      %parallel_loop3A_742 = vector.extract_strided_slice %parallel_loop3A_741 {offsets = [0], sizes = [1], strides = [1]} : vector<16xi32> to vector<1xi32>
      %parallel_loop3A_743 = vector.extract %parallel_loop3A_742[0] : i32 from vector<1xi32>
      %parallel_loop3A_744 = arith.constant 0 : i32
      %parallel_loop3A_745 = arith.constant 1024 : i32
      %parallel_loop3A_746 = arith.constant 16 : i32
      scf.for %parallel_loop3A_747 = %parallel_loop3A_744 to %parallel_loop3A_745 step %parallel_loop3A_746  : i32 {
        %parallel_loop3A_748 = arith.index_cast %parallel_loop3A_736 : i32 to index
        %parallel_loop3A_749 = arith.index_cast %parallel_loop3A_747 : i32 to index
        %parallel_loop3A_750 = tpu.vector_load %arg9[%parallel_loop3A_748, %parallel_loop3A_749] {strides = array<i32>} : memref<32x1024xf32, #tpu.memory_space<vmem>>, vector<1x16xf32>,
        %parallel_loop3A_751 = vector.shape_cast %parallel_loop3A_750 : vector<1x16xf32> to vector<16xf32>
        %parallel_loop3A_752 = arith.index_cast %parallel_loop3A_743 : i32 to index
        %parallel_loop3A_753 = arith.index_cast %parallel_loop3A_747 : i32 to index
        %parallel_loop3A_754 = tpu.vector_load %arg6[%parallel_loop3A_752, %parallel_loop3A_753] {strides = array<i32>} : memref<3x1024xf32, #tpu.memory_space<vmem>>, vector<1x16xf32>,
        %parallel_loop3A_755 = vector.shape_cast %parallel_loop3A_754 : vector<1x16xf32> to vector<16xf32>
        %parallel_loop3A_756 = arith.addf %parallel_loop3A_751, %parallel_loop3A_755 : vector<16xf32>
        %parallel_loop3A_757 = arith.index_cast %parallel_loop3A_736 : i32 to index
        %parallel_loop3A_758 = arith.index_cast %parallel_loop3A_747 : i32 to index
        %parallel_loop3A_759 = tpu.vector_load %arg9[%parallel_loop3A_757, %parallel_loop3A_758] {strides = array<i32>} : memref<32x1024xf32, #tpu.memory_space<vmem>>, vector<1x16xf32>,
        %parallel_loop3A_760 = vector.shape_cast %parallel_loop3A_759 : vector<1x16xf32> to vector<16xf32>
        %parallel_loop3A_761 = vector.shape_cast %parallel_loop3A_756 : vector<16xf32> to vector<1x16xf32>
        tpu.vector_store %arg9[%parallel_loop3A_757, %parallel_loop3A_758], %parallel_loop3A_761 {strides = array<i32>} : memref<32x1024xf32, #tpu.memory_space<vmem>>, vector<1x16xf32>,
      } {sc.loop_unroll_factor = 8 : i64, sc.parallel_access}
    } {sc.loop_unroll_factor = 2 : i64, sc.parallel_access}
    %add3A_640 = arith.constant 864 : i32
    %add3A_641 = arith.addi %mul3A_2, %add3A_640 : i32
    %dma_start3A_642 = arith.constant 0 : i32
    %dma_start3A_643 = tpu.memref_slice %arg5[%add3A_641, %dma_start3A_642] : memref<32768x1024xf32, #tpu.memory_space<hbm>> -> memref<32x1024xf32, #tpu.memory_space<hbm>>
    %dma_start3A_644 = arith.constant 0 : i32
    %dma_start3A_645 = tpu.memref_slice %arg5[%add3A_641, %dma_start3A_644] : memref<32768x1024xf32, #tpu.memory_space<hbm>> -> memref<32x1024xf32, #tpu.memory_space<hbm>>
    tpu.enqueue_dma source(%arg9 : memref<32x1024xf32, #tpu.memory_space<vmem>>) target(%dma_start3A_645 : memref<32x1024xf32, #tpu.memory_space<hbm>>) target_semaphore(%arg13 : memref<!tpu.dma_semaphore, #tpu.memory_space<semaphore_mem>>)
    %dma_wait3A_646 = arith.constant 0 : i32
    %dma_wait3A_647 = tpu.memref_slice %arg5[%add3A_641, %dma_wait3A_646] : memref<32768x1024xf32, #tpu.memory_space<hbm>> -> memref<32x1024xf32, #tpu.memory_space<hbm>>
    %dma_wait3A_648 = arith.constant 0 : i32
    %dma_wait3A_649 = tpu.memref_slice %arg5[%add3A_641, %dma_wait3A_648] : memref<32768x1024xf32, #tpu.memory_space<hbm>> -> memref<32x1024xf32, #tpu.memory_space<hbm>>
    tpu.wait_dma2 semaphore(%arg13 : memref<!tpu.dma_semaphore, #tpu.memory_space<semaphore_mem>>) src(%arg9 : memref<32x1024xf32, #tpu.memory_space<vmem>>) dst(%dma_wait3A_649 : memref<32x1024xf32, #tpu.memory_space<hbm>>)
    %add3A_650 = arith.constant 928 : i32
    %add3A_651 = arith.addi %mul3A_2, %add3A_650 : i32
    %dma_start3A_652 = arith.constant 0 : i32
    %dma_start3A_653 = tpu.memref_slice %arg2[%add3A_651, %dma_start3A_652] : memref<32768x1024xf32, #tpu.memory_space<hbm>> -> memref<32x1024xf32, #tpu.memory_space<hbm>>
    %dma_start3A_654 = arith.constant 0 : i32
    %dma_start3A_655 = tpu.memref_slice %arg2[%add3A_651, %dma_start3A_654] : memref<32768x1024xf32, #tpu.memory_space<hbm>> -> memref<32x1024xf32, #tpu.memory_space<hbm>>
    tpu.enqueue_dma source(%dma_start3A_655 : memref<32x1024xf32, #tpu.memory_space<hbm>>) target(%arg9 : memref<32x1024xf32, #tpu.memory_space<vmem>>) target_semaphore(%arg11 : memref<!tpu.dma_semaphore, #tpu.memory_space<semaphore_mem>>)
    %dma_wait3A_656 = arith.constant 0 : i32
    %dma_wait3A_657 = tpu.memref_slice %arg2[%add3A_628, %dma_wait3A_656] : memref<32768x1024xf32, #tpu.memory_space<hbm>> -> memref<32x1024xf32, #tpu.memory_space<hbm>>
    %dma_wait3A_658 = arith.constant 0 : i32
    %dma_wait3A_659 = tpu.memref_slice %arg2[%add3A_628, %dma_wait3A_658] : memref<32768x1024xf32, #tpu.memory_space<hbm>> -> memref<32x1024xf32, #tpu.memory_space<hbm>>
    tpu.wait_dma2 semaphore(%arg10 : memref<!tpu.dma_semaphore, #tpu.memory_space<semaphore_mem>>) src(%dma_wait3A_659 : memref<32x1024xf32, #tpu.memory_space<hbm>>) dst(%arg8 : memref<32x1024xf32, #tpu.memory_space<vmem>>)
    %parallel_loop3A_660 = arith.constant 0 : i32
    %parallel_loop3A_661 = arith.constant 32 : i32
    %parallel_loop3A_662 = arith.constant 1 : i32
    scf.for %parallel_loop3A_736 = %parallel_loop3A_660 to %parallel_loop3A_661 step %parallel_loop3A_662  : i32 {
      %parallel_loop3A_737 = arith.constant 896 : i32
      %parallel_loop3A_738 = arith.addi %parallel_loop3A_737, %parallel_loop3A_736 : i32
      %parallel_loop3A_739 = arith.index_cast %parallel_loop3A_738 : i32 to index
      %parallel_loop3A_740 = tpu.vector_load %arg7[%parallel_loop3A_739] {strides = array<i32>} : memref<1040xi32, #tpu.memory_space<vmem>>, vector<16xi32>,
      %parallel_loop3A_741 = vector.shape_cast %parallel_loop3A_740 : vector<16xi32> to vector<16xi32>
      %parallel_loop3A_742 = vector.extract_strided_slice %parallel_loop3A_741 {offsets = [0], sizes = [1], strides = [1]} : vector<16xi32> to vector<1xi32>
      %parallel_loop3A_743 = vector.extract %parallel_loop3A_742[0] : i32 from vector<1xi32>
      %parallel_loop3A_744 = arith.constant 0 : i32
      %parallel_loop3A_745 = arith.constant 1024 : i32
      %parallel_loop3A_746 = arith.constant 16 : i32
      scf.for %parallel_loop3A_747 = %parallel_loop3A_744 to %parallel_loop3A_745 step %parallel_loop3A_746  : i32 {
        %parallel_loop3A_748 = arith.index_cast %parallel_loop3A_736 : i32 to index
        %parallel_loop3A_749 = arith.index_cast %parallel_loop3A_747 : i32 to index
        %parallel_loop3A_750 = tpu.vector_load %arg8[%parallel_loop3A_748, %parallel_loop3A_749] {strides = array<i32>} : memref<32x1024xf32, #tpu.memory_space<vmem>>, vector<1x16xf32>,
        %parallel_loop3A_751 = vector.shape_cast %parallel_loop3A_750 : vector<1x16xf32> to vector<16xf32>
        %parallel_loop3A_752 = arith.index_cast %parallel_loop3A_743 : i32 to index
        %parallel_loop3A_753 = arith.index_cast %parallel_loop3A_747 : i32 to index
        %parallel_loop3A_754 = tpu.vector_load %arg6[%parallel_loop3A_752, %parallel_loop3A_753] {strides = array<i32>} : memref<3x1024xf32, #tpu.memory_space<vmem>>, vector<1x16xf32>,
        %parallel_loop3A_755 = vector.shape_cast %parallel_loop3A_754 : vector<1x16xf32> to vector<16xf32>
        %parallel_loop3A_756 = arith.addf %parallel_loop3A_751, %parallel_loop3A_755 : vector<16xf32>
        %parallel_loop3A_757 = arith.index_cast %parallel_loop3A_736 : i32 to index
        %parallel_loop3A_758 = arith.index_cast %parallel_loop3A_747 : i32 to index
        %parallel_loop3A_759 = tpu.vector_load %arg8[%parallel_loop3A_757, %parallel_loop3A_758] {strides = array<i32>} : memref<32x1024xf32, #tpu.memory_space<vmem>>, vector<1x16xf32>,
        %parallel_loop3A_760 = vector.shape_cast %parallel_loop3A_759 : vector<1x16xf32> to vector<16xf32>
        %parallel_loop3A_761 = vector.shape_cast %parallel_loop3A_756 : vector<16xf32> to vector<1x16xf32>
        tpu.vector_store %arg8[%parallel_loop3A_757, %parallel_loop3A_758], %parallel_loop3A_761 {strides = array<i32>} : memref<32x1024xf32, #tpu.memory_space<vmem>>, vector<1x16xf32>,
      } {sc.loop_unroll_factor = 8 : i64, sc.parallel_access}
    } {sc.loop_unroll_factor = 2 : i64, sc.parallel_access}
    %add3A_663 = arith.constant 896 : i32
    %add3A_664 = arith.addi %mul3A_2, %add3A_663 : i32
    %dma_start3A_665 = arith.constant 0 : i32
    %dma_start3A_666 = tpu.memref_slice %arg5[%add3A_664, %dma_start3A_665] : memref<32768x1024xf32, #tpu.memory_space<hbm>> -> memref<32x1024xf32, #tpu.memory_space<hbm>>
    %dma_start3A_667 = arith.constant 0 : i32
    %dma_start3A_668 = tpu.memref_slice %arg5[%add3A_664, %dma_start3A_667] : memref<32768x1024xf32, #tpu.memory_space<hbm>> -> memref<32x1024xf32, #tpu.memory_space<hbm>>
    tpu.enqueue_dma source(%arg8 : memref<32x1024xf32, #tpu.memory_space<vmem>>) target(%dma_start3A_668 : memref<32x1024xf32, #tpu.memory_space<hbm>>) target_semaphore(%arg12 : memref<!tpu.dma_semaphore, #tpu.memory_space<semaphore_mem>>)
    %dma_wait3A_669 = arith.constant 0 : i32
    %dma_wait3A_670 = tpu.memref_slice %arg5[%add3A_664, %dma_wait3A_669] : memref<32768x1024xf32, #tpu.memory_space<hbm>> -> memref<32x1024xf32, #tpu.memory_space<hbm>>
    %dma_wait3A_671 = arith.constant 0 : i32
    %dma_wait3A_672 = tpu.memref_slice %arg5[%add3A_664, %dma_wait3A_671] : memref<32768x1024xf32, #tpu.memory_space<hbm>> -> memref<32x1024xf32, #tpu.memory_space<hbm>>
    tpu.wait_dma2 semaphore(%arg12 : memref<!tpu.dma_semaphore, #tpu.memory_space<semaphore_mem>>) src(%arg8 : memref<32x1024xf32, #tpu.memory_space<vmem>>) dst(%dma_wait3A_672 : memref<32x1024xf32, #tpu.memory_space<hbm>>)
    %add3A_673 = arith.constant 960 : i32
    %add3A_674 = arith.addi %mul3A_2, %add3A_673 : i32
    %dma_start3A_675 = arith.constant 0 : i32
    %dma_start3A_676 = tpu.memref_slice %arg2[%add3A_674, %dma_start3A_675] : memref<32768x1024xf32, #tpu.memory_space<hbm>> -> memref<32x1024xf32, #tpu.memory_space<hbm>>
    %dma_start3A_677 = arith.constant 0 : i32
    %dma_start3A_678 = tpu.memref_slice %arg2[%add3A_674, %dma_start3A_677] : memref<32768x1024xf32, #tpu.memory_space<hbm>> -> memref<32x1024xf32, #tpu.memory_space<hbm>>
    tpu.enqueue_dma source(%dma_start3A_678 : memref<32x1024xf32, #tpu.memory_space<hbm>>) target(%arg8 : memref<32x1024xf32, #tpu.memory_space<vmem>>) target_semaphore(%arg10 : memref<!tpu.dma_semaphore, #tpu.memory_space<semaphore_mem>>)
    %dma_wait3A_679 = arith.constant 0 : i32
    %dma_wait3A_680 = tpu.memref_slice %arg2[%add3A_651, %dma_wait3A_679] : memref<32768x1024xf32, #tpu.memory_space<hbm>> -> memref<32x1024xf32, #tpu.memory_space<hbm>>
    %dma_wait3A_681 = arith.constant 0 : i32
    %dma_wait3A_682 = tpu.memref_slice %arg2[%add3A_651, %dma_wait3A_681] : memref<32768x1024xf32, #tpu.memory_space<hbm>> -> memref<32x1024xf32, #tpu.memory_space<hbm>>
    tpu.wait_dma2 semaphore(%arg11 : memref<!tpu.dma_semaphore, #tpu.memory_space<semaphore_mem>>) src(%dma_wait3A_682 : memref<32x1024xf32, #tpu.memory_space<hbm>>) dst(%arg9 : memref<32x1024xf32, #tpu.memory_space<vmem>>)
    %parallel_loop3A_683 = arith.constant 0 : i32
    %parallel_loop3A_684 = arith.constant 32 : i32
    %parallel_loop3A_685 = arith.constant 1 : i32
    scf.for %parallel_loop3A_736 = %parallel_loop3A_683 to %parallel_loop3A_684 step %parallel_loop3A_685  : i32 {
      %parallel_loop3A_737 = arith.constant 928 : i32
      %parallel_loop3A_738 = arith.addi %parallel_loop3A_737, %parallel_loop3A_736 : i32
      %parallel_loop3A_739 = arith.index_cast %parallel_loop3A_738 : i32 to index
      %parallel_loop3A_740 = tpu.vector_load %arg7[%parallel_loop3A_739] {strides = array<i32>} : memref<1040xi32, #tpu.memory_space<vmem>>, vector<16xi32>,
      %parallel_loop3A_741 = vector.shape_cast %parallel_loop3A_740 : vector<16xi32> to vector<16xi32>
      %parallel_loop3A_742 = vector.extract_strided_slice %parallel_loop3A_741 {offsets = [0], sizes = [1], strides = [1]} : vector<16xi32> to vector<1xi32>
      %parallel_loop3A_743 = vector.extract %parallel_loop3A_742[0] : i32 from vector<1xi32>
      %parallel_loop3A_744 = arith.constant 0 : i32
      %parallel_loop3A_745 = arith.constant 1024 : i32
      %parallel_loop3A_746 = arith.constant 16 : i32
      scf.for %parallel_loop3A_747 = %parallel_loop3A_744 to %parallel_loop3A_745 step %parallel_loop3A_746  : i32 {
        %parallel_loop3A_748 = arith.index_cast %parallel_loop3A_736 : i32 to index
        %parallel_loop3A_749 = arith.index_cast %parallel_loop3A_747 : i32 to index
        %parallel_loop3A_750 = tpu.vector_load %arg9[%parallel_loop3A_748, %parallel_loop3A_749] {strides = array<i32>} : memref<32x1024xf32, #tpu.memory_space<vmem>>, vector<1x16xf32>,
        %parallel_loop3A_751 = vector.shape_cast %parallel_loop3A_750 : vector<1x16xf32> to vector<16xf32>
        %parallel_loop3A_752 = arith.index_cast %parallel_loop3A_743 : i32 to index
        %parallel_loop3A_753 = arith.index_cast %parallel_loop3A_747 : i32 to index
        %parallel_loop3A_754 = tpu.vector_load %arg6[%parallel_loop3A_752, %parallel_loop3A_753] {strides = array<i32>} : memref<3x1024xf32, #tpu.memory_space<vmem>>, vector<1x16xf32>,
        %parallel_loop3A_755 = vector.shape_cast %parallel_loop3A_754 : vector<1x16xf32> to vector<16xf32>
        %parallel_loop3A_756 = arith.addf %parallel_loop3A_751, %parallel_loop3A_755 : vector<16xf32>
        %parallel_loop3A_757 = arith.index_cast %parallel_loop3A_736 : i32 to index
        %parallel_loop3A_758 = arith.index_cast %parallel_loop3A_747 : i32 to index
        %parallel_loop3A_759 = tpu.vector_load %arg9[%parallel_loop3A_757, %parallel_loop3A_758] {strides = array<i32>} : memref<32x1024xf32, #tpu.memory_space<vmem>>, vector<1x16xf32>,
        %parallel_loop3A_760 = vector.shape_cast %parallel_loop3A_759 : vector<1x16xf32> to vector<16xf32>
        %parallel_loop3A_761 = vector.shape_cast %parallel_loop3A_756 : vector<16xf32> to vector<1x16xf32>
        tpu.vector_store %arg9[%parallel_loop3A_757, %parallel_loop3A_758], %parallel_loop3A_761 {strides = array<i32>} : memref<32x1024xf32, #tpu.memory_space<vmem>>, vector<1x16xf32>,
      } {sc.loop_unroll_factor = 8 : i64, sc.parallel_access}
    } {sc.loop_unroll_factor = 2 : i64, sc.parallel_access}
    %add3A_686 = arith.constant 928 : i32
    %add3A_687 = arith.addi %mul3A_2, %add3A_686 : i32
    %dma_start3A_688 = arith.constant 0 : i32
    %dma_start3A_689 = tpu.memref_slice %arg5[%add3A_687, %dma_start3A_688] : memref<32768x1024xf32, #tpu.memory_space<hbm>> -> memref<32x1024xf32, #tpu.memory_space<hbm>>
    %dma_start3A_690 = arith.constant 0 : i32
    %dma_start3A_691 = tpu.memref_slice %arg5[%add3A_687, %dma_start3A_690] : memref<32768x1024xf32, #tpu.memory_space<hbm>> -> memref<32x1024xf32, #tpu.memory_space<hbm>>
    tpu.enqueue_dma source(%arg9 : memref<32x1024xf32, #tpu.memory_space<vmem>>) target(%dma_start3A_691 : memref<32x1024xf32, #tpu.memory_space<hbm>>) target_semaphore(%arg13 : memref<!tpu.dma_semaphore, #tpu.memory_space<semaphore_mem>>)
    %dma_wait3A_692 = arith.constant 0 : i32
    %dma_wait3A_693 = tpu.memref_slice %arg5[%add3A_687, %dma_wait3A_692] : memref<32768x1024xf32, #tpu.memory_space<hbm>> -> memref<32x1024xf32, #tpu.memory_space<hbm>>
    %dma_wait3A_694 = arith.constant 0 : i32
    %dma_wait3A_695 = tpu.memref_slice %arg5[%add3A_687, %dma_wait3A_694] : memref<32768x1024xf32, #tpu.memory_space<hbm>> -> memref<32x1024xf32, #tpu.memory_space<hbm>>
    tpu.wait_dma2 semaphore(%arg13 : memref<!tpu.dma_semaphore, #tpu.memory_space<semaphore_mem>>) src(%arg9 : memref<32x1024xf32, #tpu.memory_space<vmem>>) dst(%dma_wait3A_695 : memref<32x1024xf32, #tpu.memory_space<hbm>>)
    %add3A_696 = arith.constant 992 : i32
    %add3A_697 = arith.addi %mul3A_2, %add3A_696 : i32
    %dma_start3A_698 = arith.constant 0 : i32
    %dma_start3A_699 = tpu.memref_slice %arg2[%add3A_697, %dma_start3A_698] : memref<32768x1024xf32, #tpu.memory_space<hbm>> -> memref<32x1024xf32, #tpu.memory_space<hbm>>
    %dma_start3A_700 = arith.constant 0 : i32
    %dma_start3A_701 = tpu.memref_slice %arg2[%add3A_697, %dma_start3A_700] : memref<32768x1024xf32, #tpu.memory_space<hbm>> -> memref<32x1024xf32, #tpu.memory_space<hbm>>
    tpu.enqueue_dma source(%dma_start3A_701 : memref<32x1024xf32, #tpu.memory_space<hbm>>) target(%arg9 : memref<32x1024xf32, #tpu.memory_space<vmem>>) target_semaphore(%arg11 : memref<!tpu.dma_semaphore, #tpu.memory_space<semaphore_mem>>)
    %dma_wait3A_702 = arith.constant 0 : i32
    %dma_wait3A_703 = tpu.memref_slice %arg2[%add3A_674, %dma_wait3A_702] : memref<32768x1024xf32, #tpu.memory_space<hbm>> -> memref<32x1024xf32, #tpu.memory_space<hbm>>
    %dma_wait3A_704 = arith.constant 0 : i32
    %dma_wait3A_705 = tpu.memref_slice %arg2[%add3A_674, %dma_wait3A_704] : memref<32768x1024xf32, #tpu.memory_space<hbm>> -> memref<32x1024xf32, #tpu.memory_space<hbm>>
    tpu.wait_dma2 semaphore(%arg10 : memref<!tpu.dma_semaphore, #tpu.memory_space<semaphore_mem>>) src(%dma_wait3A_705 : memref<32x1024xf32, #tpu.memory_space<hbm>>) dst(%arg8 : memref<32x1024xf32, #tpu.memory_space<vmem>>)
    %parallel_loop3A_706 = arith.constant 0 : i32
    %parallel_loop3A_707 = arith.constant 32 : i32
    %parallel_loop3A_708 = arith.constant 1 : i32
    scf.for %parallel_loop3A_736 = %parallel_loop3A_706 to %parallel_loop3A_707 step %parallel_loop3A_708  : i32 {
      %parallel_loop3A_737 = arith.constant 960 : i32
      %parallel_loop3A_738 = arith.addi %parallel_loop3A_737, %parallel_loop3A_736 : i32
      %parallel_loop3A_739 = arith.index_cast %parallel_loop3A_738 : i32 to index
      %parallel_loop3A_740 = tpu.vector_load %arg7[%parallel_loop3A_739] {strides = array<i32>} : memref<1040xi32, #tpu.memory_space<vmem>>, vector<16xi32>,
      %parallel_loop3A_741 = vector.shape_cast %parallel_loop3A_740 : vector<16xi32> to vector<16xi32>
      %parallel_loop3A_742 = vector.extract_strided_slice %parallel_loop3A_741 {offsets = [0], sizes = [1], strides = [1]} : vector<16xi32> to vector<1xi32>
      %parallel_loop3A_743 = vector.extract %parallel_loop3A_742[0] : i32 from vector<1xi32>
      %parallel_loop3A_744 = arith.constant 0 : i32
      %parallel_loop3A_745 = arith.constant 1024 : i32
      %parallel_loop3A_746 = arith.constant 16 : i32
      scf.for %parallel_loop3A_747 = %parallel_loop3A_744 to %parallel_loop3A_745 step %parallel_loop3A_746  : i32 {
        %parallel_loop3A_748 = arith.index_cast %parallel_loop3A_736 : i32 to index
        %parallel_loop3A_749 = arith.index_cast %parallel_loop3A_747 : i32 to index
        %parallel_loop3A_750 = tpu.vector_load %arg8[%parallel_loop3A_748, %parallel_loop3A_749] {strides = array<i32>} : memref<32x1024xf32, #tpu.memory_space<vmem>>, vector<1x16xf32>,
        %parallel_loop3A_751 = vector.shape_cast %parallel_loop3A_750 : vector<1x16xf32> to vector<16xf32>
        %parallel_loop3A_752 = arith.index_cast %parallel_loop3A_743 : i32 to index
        %parallel_loop3A_753 = arith.index_cast %parallel_loop3A_747 : i32 to index
        %parallel_loop3A_754 = tpu.vector_load %arg6[%parallel_loop3A_752, %parallel_loop3A_753] {strides = array<i32>} : memref<3x1024xf32, #tpu.memory_space<vmem>>, vector<1x16xf32>,
        %parallel_loop3A_755 = vector.shape_cast %parallel_loop3A_754 : vector<1x16xf32> to vector<16xf32>
        %parallel_loop3A_756 = arith.addf %parallel_loop3A_751, %parallel_loop3A_755 : vector<16xf32>
        %parallel_loop3A_757 = arith.index_cast %parallel_loop3A_736 : i32 to index
        %parallel_loop3A_758 = arith.index_cast %parallel_loop3A_747 : i32 to index
        %parallel_loop3A_759 = tpu.vector_load %arg8[%parallel_loop3A_757, %parallel_loop3A_758] {strides = array<i32>} : memref<32x1024xf32, #tpu.memory_space<vmem>>, vector<1x16xf32>,
        %parallel_loop3A_760 = vector.shape_cast %parallel_loop3A_759 : vector<1x16xf32> to vector<16xf32>
        %parallel_loop3A_761 = vector.shape_cast %parallel_loop3A_756 : vector<16xf32> to vector<1x16xf32>
        tpu.vector_store %arg8[%parallel_loop3A_757, %parallel_loop3A_758], %parallel_loop3A_761 {strides = array<i32>} : memref<32x1024xf32, #tpu.memory_space<vmem>>, vector<1x16xf32>,
      } {sc.loop_unroll_factor = 8 : i64, sc.parallel_access}
    } {sc.loop_unroll_factor = 2 : i64, sc.parallel_access}
    %add3A_709 = arith.constant 960 : i32
    %add3A_710 = arith.addi %mul3A_2, %add3A_709 : i32
    %dma_start3A_711 = arith.constant 0 : i32
    %dma_start3A_712 = tpu.memref_slice %arg5[%add3A_710, %dma_start3A_711] : memref<32768x1024xf32, #tpu.memory_space<hbm>> -> memref<32x1024xf32, #tpu.memory_space<hbm>>
    %dma_start3A_713 = arith.constant 0 : i32
    %dma_start3A_714 = tpu.memref_slice %arg5[%add3A_710, %dma_start3A_713] : memref<32768x1024xf32, #tpu.memory_space<hbm>> -> memref<32x1024xf32, #tpu.memory_space<hbm>>
    tpu.enqueue_dma source(%arg8 : memref<32x1024xf32, #tpu.memory_space<vmem>>) target(%dma_start3A_714 : memref<32x1024xf32, #tpu.memory_space<hbm>>) target_semaphore(%arg12 : memref<!tpu.dma_semaphore, #tpu.memory_space<semaphore_mem>>)
    %dma_wait3A_715 = arith.constant 0 : i32
    %dma_wait3A_716 = tpu.memref_slice %arg2[%add3A_697, %dma_wait3A_715] : memref<32768x1024xf32, #tpu.memory_space<hbm>> -> memref<32x1024xf32, #tpu.memory_space<hbm>>
    %dma_wait3A_717 = arith.constant 0 : i32
    %dma_wait3A_718 = tpu.memref_slice %arg2[%add3A_697, %dma_wait3A_717] : memref<32768x1024xf32, #tpu.memory_space<hbm>> -> memref<32x1024xf32, #tpu.memory_space<hbm>>
    tpu.wait_dma2 semaphore(%arg11 : memref<!tpu.dma_semaphore, #tpu.memory_space<semaphore_mem>>) src(%dma_wait3A_718 : memref<32x1024xf32, #tpu.memory_space<hbm>>) dst(%arg9 : memref<32x1024xf32, #tpu.memory_space<vmem>>)
    %parallel_loop3A_719 = arith.constant 0 : i32
    %parallel_loop3A_720 = arith.constant 32 : i32
    %parallel_loop3A_721 = arith.constant 1 : i32
    scf.for %parallel_loop3A_736 = %parallel_loop3A_719 to %parallel_loop3A_720 step %parallel_loop3A_721  : i32 {
      %parallel_loop3A_737 = arith.constant 992 : i32
      %parallel_loop3A_738 = arith.addi %parallel_loop3A_737, %parallel_loop3A_736 : i32
      %parallel_loop3A_739 = arith.index_cast %parallel_loop3A_738 : i32 to index
      %parallel_loop3A_740 = tpu.vector_load %arg7[%parallel_loop3A_739] {strides = array<i32>} : memref<1040xi32, #tpu.memory_space<vmem>>, vector<16xi32>,
      %parallel_loop3A_741 = vector.shape_cast %parallel_loop3A_740 : vector<16xi32> to vector<16xi32>
      %parallel_loop3A_742 = vector.extract_strided_slice %parallel_loop3A_741 {offsets = [0], sizes = [1], strides = [1]} : vector<16xi32> to vector<1xi32>
      %parallel_loop3A_743 = vector.extract %parallel_loop3A_742[0] : i32 from vector<1xi32>
      %parallel_loop3A_744 = arith.constant 0 : i32
      %parallel_loop3A_745 = arith.constant 1024 : i32
      %parallel_loop3A_746 = arith.constant 16 : i32
      scf.for %parallel_loop3A_747 = %parallel_loop3A_744 to %parallel_loop3A_745 step %parallel_loop3A_746  : i32 {
        %parallel_loop3A_748 = arith.index_cast %parallel_loop3A_736 : i32 to index
        %parallel_loop3A_749 = arith.index_cast %parallel_loop3A_747 : i32 to index
        %parallel_loop3A_750 = tpu.vector_load %arg9[%parallel_loop3A_748, %parallel_loop3A_749] {strides = array<i32>} : memref<32x1024xf32, #tpu.memory_space<vmem>>, vector<1x16xf32>,
        %parallel_loop3A_751 = vector.shape_cast %parallel_loop3A_750 : vector<1x16xf32> to vector<16xf32>
        %parallel_loop3A_752 = arith.index_cast %parallel_loop3A_743 : i32 to index
        %parallel_loop3A_753 = arith.index_cast %parallel_loop3A_747 : i32 to index
        %parallel_loop3A_754 = tpu.vector_load %arg6[%parallel_loop3A_752, %parallel_loop3A_753] {strides = array<i32>} : memref<3x1024xf32, #tpu.memory_space<vmem>>, vector<1x16xf32>,
        %parallel_loop3A_755 = vector.shape_cast %parallel_loop3A_754 : vector<1x16xf32> to vector<16xf32>
        %parallel_loop3A_756 = arith.addf %parallel_loop3A_751, %parallel_loop3A_755 : vector<16xf32>
        %parallel_loop3A_757 = arith.index_cast %parallel_loop3A_736 : i32 to index
        %parallel_loop3A_758 = arith.index_cast %parallel_loop3A_747 : i32 to index
        %parallel_loop3A_759 = tpu.vector_load %arg9[%parallel_loop3A_757, %parallel_loop3A_758] {strides = array<i32>} : memref<32x1024xf32, #tpu.memory_space<vmem>>, vector<1x16xf32>,
        %parallel_loop3A_760 = vector.shape_cast %parallel_loop3A_759 : vector<1x16xf32> to vector<16xf32>
        %parallel_loop3A_761 = vector.shape_cast %parallel_loop3A_756 : vector<16xf32> to vector<1x16xf32>
        tpu.vector_store %arg9[%parallel_loop3A_757, %parallel_loop3A_758], %parallel_loop3A_761 {strides = array<i32>} : memref<32x1024xf32, #tpu.memory_space<vmem>>, vector<1x16xf32>,
      } {sc.loop_unroll_factor = 8 : i64, sc.parallel_access}
    } {sc.loop_unroll_factor = 2 : i64, sc.parallel_access}
    %add3A_722 = arith.constant 992 : i32
    %add3A_723 = arith.addi %mul3A_2, %add3A_722 : i32
    %dma_start3A_724 = arith.constant 0 : i32
    %dma_start3A_725 = tpu.memref_slice %arg5[%add3A_723, %dma_start3A_724] : memref<32768x1024xf32, #tpu.memory_space<hbm>> -> memref<32x1024xf32, #tpu.memory_space<hbm>>
    %dma_start3A_726 = arith.constant 0 : i32
    %dma_start3A_727 = tpu.memref_slice %arg5[%add3A_723, %dma_start3A_726] : memref<32768x1024xf32, #tpu.memory_space<hbm>> -> memref<32x1024xf32, #tpu.memory_space<hbm>>
    tpu.enqueue_dma source(%arg9 : memref<32x1024xf32, #tpu.memory_space<vmem>>) target(%dma_start3A_727 : memref<32x1024xf32, #tpu.memory_space<hbm>>) target_semaphore(%arg13 : memref<!tpu.dma_semaphore, #tpu.memory_space<semaphore_mem>>)
    %dma_wait3A_728 = arith.constant 0 : i32
    %dma_wait3A_729 = tpu.memref_slice %arg5[%add3A_710, %dma_wait3A_728] : memref<32768x1024xf32, #tpu.memory_space<hbm>> -> memref<32x1024xf32, #tpu.memory_space<hbm>>
    %dma_wait3A_730 = arith.constant 0 : i32
    %dma_wait3A_731 = tpu.memref_slice %arg5[%add3A_710, %dma_wait3A_730] : memref<32768x1024xf32, #tpu.memory_space<hbm>> -> memref<32x1024xf32, #tpu.memory_space<hbm>>
    tpu.wait_dma2 semaphore(%arg12 : memref<!tpu.dma_semaphore, #tpu.memory_space<semaphore_mem>>) src(%arg8 : memref<32x1024xf32, #tpu.memory_space<vmem>>) dst(%dma_wait3A_731 : memref<32x1024xf32, #tpu.memory_space<hbm>>)
    %dma_wait3A_732 = arith.constant 0 : i32
    %dma_wait3A_733 = tpu.memref_slice %arg5[%add3A_723, %dma_wait3A_732] : memref<32768x1024xf32, #tpu.memory_space<hbm>> -> memref<32x1024xf32, #tpu.memory_space<hbm>>
    %dma_wait3A_734 = arith.constant 0 : i32
    %dma_wait3A_735 = tpu.memref_slice %arg5[%add3A_723, %dma_wait3A_734] : memref<32768x1024xf32, #tpu.memory_space<hbm>> -> memref<32x1024xf32, #tpu.memory_space<hbm>>
    tpu.wait_dma2 semaphore(%arg13 : memref<!tpu.dma_semaphore, #tpu.memory_space<semaphore_mem>>) src(%arg9 : memref<32x1024xf32, #tpu.memory_space<vmem>>) dst(%dma_wait3A_735 : memref<32x1024xf32, #tpu.memory_space<hbm>>)
    return
  }
}

</mosaic_0001>

<sc_bundles>
// kernel: kernel.3.cloned.1.call-start
scs
__scs_entry_jumppad:
0x0: {  	(pc) =	sbr.rel $0x88, $3  }
0x1: {  	(tag) =	ssettag $0x0;
	lr =	simm.s32 $0x1  }
0x2: {  	[smem:$0x3F9E] =	sst lr;
	_ =	strace $0xD0000000  }
0x3: {  	_ = 	snop  }
0x4: {  	_ = 	snop  }
0x5: {  	_ = 	snop  }
0x6: {  	_ = 	snop  }
0x7: {  	_ = 	snop  }
__scs_overlays_trampoline_lowered:
0x8: {  	[smem:$0x3FAD] =	sst s0  }
0x9: {  	[smem:$0x3FAE] =	sst s1  }
0xa: {  	[smem:$0x3FAF] =	sst s2  }
0xb: {  	[smem:$0x3FB0] =	sst s3  }
0xc: {  	[smem:$0x3FB1] =	sst s4  }
0xd: {  	[smem:$0x3FB2] =	sst s5  }
0xe: {  	[smem:$0x3FB3] =	sst s6  }
0xf: {  	[smem:$0x3FB4] =	sst s7  }
0x10: {  	[smem:$0x3FB5] =	sst s8  }
0x11: {  	[smem:$0x3FB6] =	sst s9;
	s0 =	simm.s32 @!p0 $0x0  }
0x12: {  	s1 =	sld [smem:$0x3F9C];
	s0 =	simm.s32 @p0 $0x1  }
0x13: {  	[smem:$0x3FB7] =	sst s0;
	s0 =	simm.s32 @!p1 $0x0  }
0x14: {  	s2 =	sld [smem:$0x3F9B];
	s0 =	simm.s32 @p1 $0x1  }
0x15: {  	[smem:$0x3FB8] =	sst s0;
	s0 =	simm.s32 @!p2 $0x0  }
0x16: {  	s3 =	sld [smem:$0x3FDB];
	s0 =	simm.s32 @p2 $0x1  }
0x17: {  	s4 =	simm.s32 $0x1BF5;
	[smem:$0x3FBA] =	sst s0  }
0x18: {  	s0 =	sld [smem:$0x3F9D];
	_ =	swait.ge [sflag:s4], $0x0  }
0x19: {  	s7 =	sld [smem:$0x3F9E]  }
0x1a: {  	s8 =	sadd.s32 $0xFFFFE003, lr  }
0x1b: {  	s9 =	sadd.s32 $0xFFFFFEF7, lr;
	s5 =	simm.s32 $0xFFFFFFFF;
	p2 =	slt.u32 s8, $0xFFFFF086  }
0x1c: {  	p1 =	slt.u32 s9, $0xF7A;
	s5 =	simm.s32 @!p2 $0x0  }
0x1d: {  	s5 =	simm.s32 @p1 $0x1;
	p0 =	seq.s32 s7, s2  }
0x1e: {  	s7 =	smul.u32 @!p0 $0xF7A, s2;
	p2 =	seq.s32 @!p0 s5, $0x0  }
0x1f: {  	s9 =	smul.u32 $0xF7A, s1;
	s8 =	simm.s32 @!p0 $0x1BF5;
	p2 =	por !p2, p0  }
0x20: {  	[sflag:s8] =	ssyncset.s32 @!p0 $0xFFFFF086;
	s6 =	sadd.s32 @!p0 s3, s7;
	s7 =	simm.s32 @!p0 $0x108  }
0x21: {  	s3 =	sadd.s32 s3, s9;
	s6 =	sadd.s32 @!p0 $0x88, s6;
	s7 =	simm.s32 @p2 $0x1082  }
0x22: {  	[simem:s7], [sflag:s8] =	dma.local @!p0 [hbm:s6], $0xF7A  }
0x23: {  	s9 =	sor.u32 $0xD0000000, s2;
	s6 =	simm.s32 $0x108;
	_ =	swait.ge @!p0 [sflag:s8], $0x0  }
0x24: {  	s3 =	sadd.s32 $0x88, s3;
	s6 =	simm.s32 @!p1 $0x1082;
	[sflag:s4] =	ssyncset.s32 $0xFFFFF086  }
0x25: {  	[simem:s6], [sflag:s4] =	dma.local [hbm:s3], $0xF7A  }
0x26: {  	[smem:$0x3F9E] =	sst s1;
	(tag) =	ssettag s2;
	_ =	strace s9  }
0x27: {  	s1 =	sld [smem:$0x3FAE]  }
0x28: {  	s2 =	sld [smem:$0x3FAF]  }
0x29: {  	s4 =	sld [smem:$0x3FB1]  }
0x2a: {  	p0 =	seq.s32 s5, $0x0;
	s5 =	sld [smem:$0x3FB2]  }
0x2b: {  	s6 =	sld [smem:$0x3FB3]  }
0x2c: {  	s7 =	sld [smem:$0x3FB4]  }
0x2d: {  	s3 =	simm.s32 $0x108;
	s8 =	sld [smem:$0x3FB5]  }
0x2e: {  	s3 =	simm.s32 @!p0 $0x1082;
	s9 =	sld [smem:$0x3FB6]  }
0x2f: {  	lr =	sadd.s32 s0, s3;
	s0 =	sld [smem:$0x3FAD]  }
0x30: {  	s3 =	sld [smem:$0x3FB0]  }
0x31: {  	[smem:$0x3FB9] =	sst s10  }
0x32: {  	s10 =	sld [smem:$0x3FB7];
	_ =	sdelay $0x3  }
0x33: {  	p0 =	seq.s32 s10, $0x1;
	s10 =	sld [smem:$0x3FB9];
	_ =	sdelay $0x3  }
0x34: {  	[smem:$0x3FB9] =	sst s10  }
0x35: {  	s10 =	sld [smem:$0x3FB8];
	_ =	sdelay $0x3  }
0x36: {  	p1 =	seq.s32 s10, $0x1;
	s10 =	sld [smem:$0x3FB9];
	_ =	sdelay $0x3  }
0x37: {  	[smem:$0x3FB9] =	sst s10  }
0x38: {  	s10 =	sld [smem:$0x3FBA]  }
0x39: {  	_ = 	snop;
	(pc) =	sbr.ind lr, $3  }
0x3a: {  	_ = 	snop  }
0x3b: {  	_ = 	snop  }
0x3c: {  	p2 =	seq.s32 s10, $0x1;
	s10 =	sld [smem:$0x3FB9]  }
0x3d: {  	_ =	shalt  }
0x3e: {  	_ =	shalt  }
0x3f: {  	_ =	shalt  }
0x40: {  	_ =	shalt  }
0x41: {  	_ =	shalt  }
0x42: {  	_ =	shalt  }
0x43: {  	_ =	shalt  }
0x44: {  	_ =	shalt  }
0x45: {  	_ =	shalt  }
0x46: {  	_ =	shalt  }
0x47: {  	_ =	shalt  }
0x48: {  	_ =	shalt  }
0x49: {  	_ =	shalt  }
0x4a: {  	_ =	shalt  }
0x4b: {  	_ =	shalt  }
0x4c: {  	_ =	shalt  }
0x4d: {  	_ =	shalt  }
0x4e: {  	_ =	shalt  }
0x4f: {  	_ =	shalt  }
0x50: {  	_ =	shalt  }
0x51: {  	_ =	shalt  }
0x52: {  	_ =	shalt  }
0x53: {  	_ =	shalt  }
0x54: {  	_ =	shalt  }
0x55: {  	_ =	shalt  }
0x56: {  	_ =	shalt  }
0x57: {  	_ =	shalt  }
0x58: {  	_ =	shalt  }
0x59: {  	_ =	shalt  }
0x5a: {  	_ =	shalt  }
0x5b: {  	_ =	shalt  }
0x5c: {  	_ =	shalt  }
0x5d: {  	_ =	shalt  }
0x5e: {  	_ =	shalt  }
0x5f: {  	_ =	shalt  }
0x60: {  	_ =	shalt  }
0x61: {  	_ =	shalt  }
0x62: {  	_ =	shalt  }
0x63: {  	_ =	shalt  }
0x64: {  	_ =	shalt  }
0x65: {  	_ =	shalt  }
0x66: {  	_ =	shalt  }
0x67: {  	_ =	shalt  }
0x68: {  	_ =	shalt  }
0x69: {  	_ =	shalt  }
0x6a: {  	_ =	shalt  }
0x6b: {  	_ =	shalt  }
0x6c: {  	_ =	shalt  }
0x6d: {  	_ =	shalt  }
0x6e: {  	_ =	shalt  }
0x6f: {  	_ =	shalt  }
0x70: {  	_ =	shalt  }
0x71: {  	_ =	shalt  }
0x72: {  	_ =	shalt  }
0x73: {  	_ =	shalt  }
0x74: {  	_ =	shalt  }
0x75: {  	_ =	shalt  }
0x76: {  	_ =	shalt  }
0x77: {  	_ =	shalt  }
0x78: {  	_ =	shalt  }
0x79: {  	_ =	shalt  }
0x7a: {  	_ =	shalt  }
0x7b: {  	_ =	shalt  }
0x7c: {  	_ =	shalt  }
0x7d: {  	_ =	shalt  }
0x7e: {  	_ =	shalt  }
0x7f: {  	_ =	shalt  }
0x80: {  	_ =	shalt  }
0x81: {  	_ =	shalt  }
0x82: {  	_ =	shalt  }
0x83: {  	_ =	shalt  }
0x84: {  	_ =	shalt  }
0x85: {  	_ =	shalt  }
0x86: {  	_ =	shalt  }
0x87: {  	_ =	shalt  }
.Lfunc_end0:
.L_simem_size_0:
called_computation_lowered:
.L_overlay_start_0:
0x88: {  	s2 =	sld [smem:$0x3FD9]  }
0x89: {  	s3 =	sld [smem:$0x3FFE];
	_ =	sdelay $0x1  }
0x8a: {  	s1 =	srdreg.scid  }
0x8b: {  	s0 =	sand.u32 $0x1, s1  }
0x8c: {  	s17 =	sshll.u32 s0, $0xA;
	s2 =	sadd.s32 s3, s2  }
0x8d: {  	s2 =	sadd.s32 s2, s17  }
0x8e: {  	[smem:$0x3FC5] =	sst s2  }
0x8f: {  	_ = 	snop  }
0x90: {  	s2 =	sld [smem:$0x3FC9]  }
0x91: {  	s18 =	sld [smem:$0x3FC7]  }
0x92: {  	s4 =	sld [smem:$0x3FD0];
	(tm) =	ssettm $0x1  }
0x93: {  	s5 =	sld [smem:$0x3FFB];
	_ =	sdelay $0x3  }
0x94: {  	_ =	strace s5  }
0x95: {  	s5 =	sld [smem:$0x3FFC];
	_ =	sdelay $0x3  }
0x96: {  	_ =	strace s5  }
0x97: {  	s5 =	sld [smem:$0x3FFD];
	_ =	sdelay $0x3  }
0x98: {  	_ =	strace s5  }
0x99: {  	_ =	strace $0x8FFFFFFF  }
0x9a: {  	s19 =	sld [smem:$0x3FDB];
	_ =	sdelay $0x1  }
0x9b: {  	s6 =	simm.s32 $_scs_section_size  }
0x9c: {  	s7 =	simm.s32 $_size__tile_overlayer_lowered;
	s8 =	simm.s32 $_tile_overlayer_lowered  }
0x9d: {  	s22 =	simm.s32 $0x1BFF;
	s21 =	sshll.u32 s8, $0x1;
	s5 =	sadd.s32 s6, s19  }
0x9e: {  	s9 =	simm.s32 $0x0;
	s20 =	sshll.u32 s7, $0x1;
	s7 =	sadd.s32 s21, s5  }
0x9f: {  	[timem:s9], [sflag:s22] =	dma.local [hbm:s7], s20  }
0xa0: {  	_ =	swait.ge [sflag:s22], s20  }
0xa1: {  	s6 =	ssub.s32 $0x0, s20;
	[sflag:s22] =	ssyncset.done $0x0  }
0xa2: {  	[sflag:s22] =	ssyncadd.s32 s6;
	_ =	sdelay $0x1  }
0xa3: {  	s23 =	simm.s32 $0x1B8B  }
0xa4: {  	_ =	swait.ge [sflag:s23], $0x1  }
0xa5: {  	[sflag:s23] =	ssyncset.done $0x0  }
0xa6: {  	s25 =	simm.s32 $0x1B8E;
	s24 =	sld [smem:$0x3FFE];
	[sflag:s23] =	ssyncadd.s32 $0xFFFFFFFF  }
0xa7: {  	s26 =	simm.s32 $execute0_lowered;
	[smem:$0x3FD2] =	sst s25  }
0xa8: {  	s7 =	sshll.u32 s26, $0x1;
	_ =	strace $0x80000046;
	[dreg:$0x1] =	wrdreg $0xFFFFFFFF  }
0xa9: {  	s28 =	simm.s32 $_size_execute0_lowered;
	s5 =	sadd.s32 s5, s7;
	[dreg:$0x0] =	wrdreg $0x0  }
0xaa: {  	s7 =	sshll.u32 s28, $0x1;
	[dreg:$0x2] =	wrdreg s5  }
0xab: {  	[dreg:$0x3] =	wrdreg s7  }
0xac: {  	[dreg:$0x4] =	wrdreg $0xC0  }
0xad: {  	_ =	task [dreg:s9], $0x5FFFF  }
0xae: {  	[dreg:$0x1] =	wrdreg $0xFFFFFFFF  }
0xaf: {  	[dreg:$0x0] =	wrdreg $0x60  }
0xb0: {  	[dreg:$0x2] =	wrdreg s2  }
0xb1: {  	[dreg:$0x3] =	wrdreg s24  }
0xb2: {  	[dreg:$0x4] =	wrdreg s18  }
0xb3: {  	[dreg:$0x5] =	wrdreg s4  }
0xb4: {  	[dreg:$0x6] =	wrdreg $0x9  }
0xb5: {  	_ =	task.clear_ibuf [dreg:s9], $0x7FFFF;
	_ =	strace $0x90000046  }
0xb6: {  	s29 =	simm.s32 $0x9;
	_ =	strace $0x80000048  }
0xb7: {  	_ =	swait.ge [sflag:s29], $0x1  }
0xb8: {  	[sflag:s29] =	ssyncadd.s32 $0xFFFFFFFF  }
0xb9: {  	_ =	strace $0x90000048  }
0xba: {  	_ =	sfence  }
0xbb: {  	s30 =	sld [smem:$0x0];
	_ =	sdelay $0x2  }
0xbc: {  	s31 =	sshll.u32 s1, $0xD;
	s1 =	sshrl.u32 s1, $0x2  }
0xbd: {  	s3 =	sand.u32 $0x4000, s31;
	s1 =	sadd.s32 s1, s30  }
0xbe: {  	s0 =	sor.u32 s3, s0;
	s1 =	sshll.u32 s1, $0x11  }
0xbf: {  	s0 =	sor.u32 s1, s0  }
0xc0: {  	s0 =	sadd.s32 $0x8F2B, s0  }
0xc1: {  	[sflag:s0] =	ssyncadd.remote.s32 $0x1  }
0xc2: {  	_ =	sfence.sel $0xFFFF  }
0xc3: {  	[dreg:$0x0] =	wrdreg $0xFFFFFFFF;
	(pc) =	sbr.abs _section_cstart, $3  }
0xc4: {  	[dreg:$0x1] =	wrdreg $0xFFFFFFFF  }
0xc5: {  	_ =	task.clear_ibuf [dreg:s9], $0x2FFFF;
	_ =	strace $0x9FFFFFFF  }
0xc6: {  	(tm) =	ssettm $0x7FFFFFFF  }
0xc7: {  	_ =	shalt  }
tec
execute0_lowered:
.L_overlay_start_1:
0x0: {  	(tag) =	ssettag $0x1  }
0x1: {  	s1 =	srdreg.scid  }
0x2: {  	s3 =	rddreg [dreg:$0x0];
	s4 =	stileid.u32;
	s2 =	sand.u32 $0x1, s1  }
0x3: {  	s0 =	rddreg [dreg:$0x1];
	s4 =	sshll.u32 s4, $0xB;
	s6 =	sshll.u32 s2, $0xA  }
0x4: {  	s5 =	rddreg [dreg:$0x3];
	s4 =	sor.u32 s6, s4  }
0x5: {  	s1 =	simm.s32 $0x0;
	s7 =	ssub.s32 $0x2, s2;
	s2 =	sshll.u32 s4, $0x7  }
0x6: {  	[smem:$0x7FF] =	sst s1;
	s8 =	sshrl.u32 s7, $0x1;
	s23 =	sor.u32 $0x1000, s2  }
0x7: {  	s6 =	sshrl.u32 s4, $0x3;
	s25 =	sor.u32 $0x2000, s2;
	s24 =	sadd.s32 s3, s23  }
0x8: {  	s7 =	ssub.s32 s7, s8;
	s9 =	sadd.s32 s3, s25;
	[dreg:$0x5] =	wrdreg s24  }
0x9: {  	s6 =	sadd.s32 s6, s0;
	s0 =	sadd.s32 s5, s23;
	[dreg:$0x6] =	wrdreg s9  }
0xa: {  	s11 =	sor.u32 $0x4000, s2;
	s10 =	sadd.s32 s5, s25;
	[dreg:$0x7] =	wrdreg s0  }
0xb: {  	s26 =	sor.u32 $0x3000, s2;
	s13 =	sadd.s32 s3, s11;
	[dreg:$0x9] =	wrdreg s10  }
0xc: {  	s12 =	sor.u32 $0x5000, s2;
	s8 =	sadd.s32 s5, s26;
	[dreg:$0xa] =	wrdreg s13  }
0xd: {  	s15 =	sor.u32 $0x6000, s2;
	s14 =	sadd.s32 s3, s12;
	[dreg:$0xb] =	wrdreg s8  }
0xe: {  	s17 =	sadd.s32 s3, s15;
	[dreg:$0xc] =	wrdreg s14  }
0xf: {  	s16 =	sor.u32 $0x7000, s2;
	s4 =	sadd.s32 s5, s12;
	[dreg:$0xe] =	wrdreg s17  }
0x10: {  	s19 =	sor.u32 $0x8000, s2;
	s18 =	sadd.s32 s3, s16;
	[dreg:$0xf] =	wrdreg s4  }
0x11: {  	s20 =	sor.u32 $0x9000, s2;
	s21 =	sadd.s32 s3, s19;
	[dreg:$0x10] =	wrdreg s18  }
0x12: {  	s22 =	sadd.s32 s3, s20;
	[dreg:$0x12] =	wrdreg s21  }
0x13: {  	s9 =	sadd.s32 s3, s26;
	[dreg:$0x14] =	wrdreg s22  }
0x14: {  	s0 =	sadd.s32 s5, s11;
	[dreg:$0x8] =	wrdreg s9  }
0x15: {  	s8 =	sadd.s32 s5, s16;
	[dreg:$0xd] =	wrdreg s0  }
0x16: {  	s23 =	sor.u32 $0xA000, s2;
	s4 =	sadd.s32 s5, s20;
	[dreg:$0x13] =	wrdreg s8  }
0x17: {  	s25 =	sor.u32 $0xB000, s2;
	s24 =	sadd.s32 s3, s23;
	[dreg:$0x16] =	wrdreg s4  }
0x18: {  	s12 =	sor.u32 $0xE000, s2;
	s26 =	sadd.s32 s3, s25;
	[dreg:$0x17] =	wrdreg s24  }
0x19: {  	s31 =	sadd.s32 s3, s2;
	s13 =	sadd.s32 s3, s12;
	[dreg:$0x19] =	wrdreg s26  }
0x1a: {  	s10 =	sor.u32 $0xD000, s2;
	s0 =	sadd.s32 s5, s15;
	[dreg:$0x1f] =	wrdreg s13  }
0x1b: {  	s14 =	sor.u32 $0xF000, s2;
	s11 =	sadd.s32 s3, s10;
	[dreg:$0x11] =	wrdreg s0  }
0x1c: {  	s16 =	sor.u32 $0x10000, s2;
	s15 =	sadd.s32 s3, s14;
	[dreg:$0x1d] =	wrdreg s11  }
0x1d: {  	s20 =	sor.u32 $0x12000, s2;
	s17 =	sadd.s32 s3, s16;
	[smem:$0x7E6] =	sst s15  }
0x1e: {  	s7 =	smax.u32 s7, $0x1;
	s21 =	sadd.s32 s3, s20;
	[smem:$0x7E8] =	sst s17  }
0x1f: {  	s8 =	sor.u32 $0xC000, s2;
	s0 =	sadd.s32 s5, s19;
	[smem:$0x7EC] =	sst s21  }
0x20: {  	s18 =	sor.u32 $0x11000, s2;
	s9 =	sadd.s32 s3, s8;
	[dreg:$0x15] =	wrdreg s0  }
0x21: {  	s6 =	sadd.s32 $0x400, s6;
	s19 =	sadd.s32 s3, s18;
	[dreg:$0x1b] =	wrdreg s9  }
0x22: {  	s22 =	sor.u32 $0x13000, s2;
	s0 =	sadd.s32 s5, s23;
	[smem:$0x7EA] =	sst s19  }
0x23: {  	s24 =	sor.u32 $0x14000, s2;
	s23 =	sadd.s32 s3, s22;
	[dreg:$0x18] =	wrdreg s0  }
0x24: {  	s26 =	sor.u32 $0x15000, s2;
	s0 =	sadd.s32 s5, s25;
	[smem:$0x7EE] =	sst s23  }
0x25: {  	s13 =	sor.u32 $0x18000, s2;
	s25 =	sadd.s32 s3, s24;
	[dreg:$0x1a] =	wrdreg s0  }
0x26: {  	s11 =	sor.u32 $0x17000, s2;
	s0 =	sadd.s32 s5, s8;
	[smem:$0x7F0] =	sst s25  }
0x27: {  	s15 =	sor.u32 $0x19000, s2;
	s8 =	sadd.s32 s3, s26;
	[dreg:$0x1c] =	wrdreg s0  }
0x28: {  	s9 =	sor.u32 $0x16000, s2;
	s0 =	sadd.s32 s5, s10;
	[smem:$0x7F2] =	sst s8  }
0x29: {  	s17 =	sor.u32 $0x1A000, s2;
	s10 =	sadd.s32 s3, s9;
	[dreg:$0x1e] =	wrdreg s0  }
0x2a: {  	s21 =	sor.u32 $0x1D000, s2;
	s0 =	sadd.s32 s5, s12;
	[smem:$0x7F4] =	sst s10  }
0x2b: {  	s19 =	sor.u32 $0x1B000, s2;
	s12 =	sadd.s32 s3, s11;
	[smem:$0x7E5] =	sst s0  }
0x2c: {  	s29 =	sadd.s32 s3, s21;
	s0 =	sadd.s32 s5, s14;
	[smem:$0x7F6] =	sst s12  }
0x2d: {  	s30 =	sadd.s32 s5, s21;
	s14 =	sadd.s32 s3, s13;
	[smem:$0x7E7] =	sst s0  }
0x2e: {  	s23 =	sor.u32 $0x1F000, s2;
	s0 =	sadd.s32 s5, s16;
	[smem:$0x7F8] =	sst s14  }
0x2f: {  	s25 =	sadd.s32 s5, s19;
	s16 =	sadd.s32 s3, s15;
	[smem:$0x7E9] =	sst s0  }
0x30: {  	s8 =	simm.s32 $0x5;
	s0 =	sadd.s32 s5, s18;
	[smem:$0x7FA] =	sst s16  }
0x31: {  	s10 =	simm.s32 $0x9480;
	s18 =	sadd.s32 s3, s17;
	[smem:$0x7EB] =	sst s0  }
0x32: {  	s12 =	simm.s32 $0x3;
	s0 =	sadd.s32 s5, s20;
	[smem:$0x7FC] =	sst s18  }
0x33: {  	s14 =	simm.s32 $0x4;
	s20 =	sor.u32 $0x1C000, s2;
	[smem:$0x7ED] =	sst s0  }
0x34: {  	s0 =	sadd.s32 s5, s22;
	s28 =	sadd.s32 s5, s20;
	s22 =	sor.u32 $0x1E000, s2  }
0x35: {  	[smem:$0x7EF] =	sst s0;
	s0 =	sadd.s32 s5, s24;
	s24 =	sadd.s32 s3, s19  }
0x36: {  	s4 =	sadd.s32 s5, s22;
	[smem:$0x7F1] =	sst s0;
	s0 =	sadd.s32 s5, s26  }
0x37: {  	s26 =	sadd.s32 s3, s20;
	[smem:$0x7F3] =	sst s0;
	s0 =	sadd.s32 s5, s9  }
0x38: {  	s9 =	simm.s32 $0x1480;
	[smem:$0x7F5] =	sst s0;
	s0 =	sadd.s32 s5, s11  }
0x39: {  	s11 =	simm.s32 $0x1;
	[smem:$0x7F7] =	sst s0;
	s0 =	sadd.s32 s5, s13  }
0x3a: {  	s13 =	simm.s32 $0x2;
	[smem:$0x7F9] =	sst s0;
	s0 =	sadd.s32 s5, s15  }
0x3b: {  	s15 =	simm.s32 $0x0;
	[smem:$0x7FB] =	sst s0;
	s0 =	sadd.s32 s5, s17  }
0x3c: {  	[smem:$0x7FD] =	sst s0;
	s0 =	sadd.s32 s5, s2;
	s2 =	sadd.s32 s3, s22  }
0x3d: {  	s3 =	sadd.s32 s3, s23;
	s5 =	sadd.s32 s5, s23;
	_ =	strace $0x80000047  }
.LBB2_1:
0x3e: {  	s16 =	rddreg [dreg:$0x2]  }
0x3f: {  	[tilespmem:s1], [sflag:$0x5] =	stream.linear.gather [hbm4b:s16+s1], $0x1000, $0x38;
	[tilespmem:$0x11480] =	vst v63  }
0x40: {  	_ =	swait.ge [sflag:s8], $0x1000  }
0x41: {  	[sflag:s8] =	ssyncset.done $0x0  }
0x42: {  	s22 =	simm.s32 $0x1000;
	[sflag:s8] =	ssyncadd.s32 $0xFFFFF000  }
0x43: {  	[tilespmem:s22], [sflag:$0x5] =	stream.linear.gather [hbm4b:s6+s1], $0x400, $0x38;
	[tilespmem:$0x11480] =	vst v63  }
0x44: {  	_ =	swait.ge [sflag:s8], $0x400  }
0x45: {  	[sflag:s8] =	ssyncset.done $0x0  }
0x46: {  	[sflag:s8] =	ssyncadd.s32 $0xFFFFFC00  }
0x47: {  	[tilespmem:s9], [sflag:$0x1] =	stream.linear.gather [hbm4b:s31+s1], $0x8000, $0x38;
	[tilespmem:$0x11480] =	vst v63  }
0x48: {  	s23 =	rddreg [dreg:$0x5]  }
0x49: {  	[tilespmem:s10], [sflag:$0x2] =	stream.linear.gather [hbm4b:s23+s1], $0x8000, $0x38;
	[tilespmem:$0x11480] =	vst v63  }
0x4a: {  	_ =	swait.ge [sflag:s11], $0x8000  }
0x4b: {  	s17 =	simm.s32 $0x0;
	[sflag:s11] =	ssyncset.done $0x0  }
0x4c: {  	s18 =	simm.s32 $0x0;
	s16 =	simm.s32 $0x0;
	[sflag:s11] =	ssyncadd.s32 $0xFFFF8000  }
.LBB2_2:
0x4d: {  	v0 =	vld [tilespmem:s18+$0x1000];
	_ =	sdelay $0x4  }
0x4e: {  	(v2sf) =	vpush v0, $0x0;
	_ =	sdelay $0xa  }
0x4f: {  	s19 =	sshll.u32 s17, $0x2;
	s20 =	sand.u32 $0x3, s16  }
0x50: {  	s19 =	sand.u32 $0xFFFF8000, s19;
	s20 =	sshll.u32 s20, $0xA  }
0x51: {  	s19 =	sor.u32 s20, s19  }
0x52: {  	s19 =	sshrl.u32 s19, $0x2  }
0x53: {  	s20 =	sor.u32 $0x14C0, s19;
	s21 =	spop (v2sf)  }
0x54: {  	v1 =	vld [tilespmem:s20+$0x30];
	s22 =	sshll.u32 s21, $0xC;
	s21 =	sand.u32 $0x3, s21  }
0x55: {  	v3 =	vld [tilespmem:s20+$0xFFFFFFD0];
	s23 =	sand.u32 $0xFFFFC000, s22;
	s21 =	sshll.u32 s21, $0x9  }
0x56: {  	v5 =	vld [tilespmem:s20+$0xFFFFFFE0];
	s21 =	sor.u32 s21, s23  }
0x57: {  	v7 =	vld [tilespmem:s20+$0xFFFFFFF0];
	s21 =	sshra.s32 s21, $0x2  }
0x58: {  	v9 =	vld [tilespmem:s20+$0x0];
	s21 =	sor.u32 $0x40, s21  }
0x59: {  	v2 =	vld [tilespmem:s21+$0x30]  }
0x5a: {  	v4 =	vld [tilespmem:s21+$0xFFFFFFD0]  }
0x5b: {  	v8 =	vld [tilespmem:s21+$0xFFFFFFF0]  }
0x5c: {  	v6 =	vld [tilespmem:s21+$0xFFFFFFE0]  }
0x5d: {  	v0 =	vld [tilespmem:s21+$0xFFFFFFC0]  }
0x5e: {  	v10 =	vld [tilespmem:s21+$0x0];
	v1 =	vadd.f32 v2, v1  }
0x5f: {  	v3 =	vadd.f32 v4, v3;
	v2 =	vld [tilespmem:s20+$0x10]  }
0x60: {  	v4 =	vld [tilespmem:s21+$0x10];
	v7 =	vadd.f32 v8, v7;
	[tilespmem:s20+$0x30] =	vst v1  }
0x61: {  	v1 =	vadd.f32 v6, v5;
	[tilespmem:s20+$0xFFFFFFD0] =	vst v3;
	v3 =	vld [tilespmem:s20+$0x20]  }
0x62: {  	v6 =	vld [tilespmem:s21+$0x20];
	[tilespmem:s20+$0xFFFFFFF0] =	vst v7  }
0x63: {  	s19 =	sadd.s32 $0x1570, s19;
	s22 =	simm.s32 $0x0;
	s23 =	sadd.s32 $0x400, s20;
	v5 =	vld [tilespmem:s20+$0xFFFFFFC0];
	v7 =	vadd.f32 v10, v9;
	[tilespmem:s20+$0xFFFFFFE0] =	vst v1  }
.LBB2_3:
0x64: {  	v1 =	vld [tilespmem:s23+$0x30];
	s21 =	sadd.s32 $0x200, s21  }
0x65: {  	s22 =	sadd.s32 $0x80, s22;
	v8 =	vld [tilespmem:s21+$0x30];
	[tilespmem:s20+$0x0] =	vst v7;
	v2 =	vadd.f32 v4, v2  }
0x66: {  	p0 =	slt.u32 s22, $0x380;
	v4 =	vld [tilespmem:s21+$0xFFFFFFC0]  }
0x67: {  	v7 =	vld [tilespmem:s23+$0xFFFFFFD0];
	[tilespmem:s20+$0x10] =	vst v2;
	v2 =	vadd.f32 v6, v3  }
0x68: {  	v3 =	vld [tilespmem:s21+$0xFFFFFFD0];
	v9 =	vadd.f32 v0, v5  }
0x69: {  	v5 =	vld [tilespmem:s23+$0xFFFFFFE0];
	[tilespmem:s20+$0x20] =	vst v2  }
0x6a: {  	v2 =	vld [tilespmem:s21+$0xFFFFFFE0];
	v1 =	vadd.f32 v8, v1;
	[tilespmem:s20+$0xFFFFFFC0] =	vst v9;
	s20 =	smov.u32 s23  }
0x6b: {  	v6 =	vld [tilespmem:s23+$0xFFFFFFF0];
	v0 =	vmov v4  }
0x6c: {  	v8 =	vld [tilespmem:s21+$0xFFFFFFF0];
	[tilespmem:s23+$0x30] =	vst v1  }
0x6d: {  	v1 =	vadd.f32 v3, v7;
	v7 =	vld [tilespmem:s23+$0x0]  }
0x6e: {  	v9 =	vld [tilespmem:s21+$0x0]  }
.Ltmp0:
0x6f: {  	[tilespmem:s23+$0xFFFFFFD0] =	vst v1;
	v1 =	vadd.f32 v2, v5;
	v2 =	vld [tilespmem:s23+$0x10];
	(pc) =	sbr.rel @p0 .LBB2_3-.Ltmp0, $4  }
0x70: {  	v4 =	vld [tilespmem:s21+$0x10]  }
0x71: {  	[tilespmem:s23+$0xFFFFFFE0] =	vst v1;
	v1 =	vadd.f32 v8, v6;
	v3 =	vld [tilespmem:s23+$0x20]  }
0x72: {  	v6 =	vld [tilespmem:s21+$0x20]  }
0x73: {  	s23 =	sadd.s32 $0x400, s23;
	v5 =	vld [tilespmem:s20+$0xFFFFFFC0];
	[tilespmem:s20+$0xFFFFFFF0] =	vst v1;
	v7 =	vadd.f32 v9, v7  }
0x74: {  	v1 =	vld [tilespmem:s18+$0x1001];
	_ =	sdelay $0x4  }
0x75: {  	(v2sf) =	vpush v1, $0x0;
	_ =	sdelay $0xe  }
0x76: {  	s21 =	spop (v2sf)  }
0x77: {  	v8 =	vld [tilespmem:s19+$0x0];
	s22 =	sshll.u32 s21, $0xC;
	s21 =	sand.u32 $0x3, s21  }
0x78: {  	v10 =	vld [tilespmem:s19+$0xFFFFFFA0];
	s22 =	sand.u32 $0xFFFFC000, s22;
	s21 =	sshll.u32 s21, $0x9  }
0x79: {  	v12 =	vld [tilespmem:s19+$0xFFFFFFB0];
	s21 =	sor.u32 s21, s22  }
0x7a: {  	v2 =	vadd.f32 v4, v2;
	v4 =	vld [tilespmem:s19+$0xFFFFFFC0];
	s21 =	sshra.s32 s21, $0x2  }
0x7b: {  	[tilespmem:s20+$0x0] =	vst v7;
	v7 =	vld [tilespmem:s19+$0xFFFFFFD0];
	s21 =	sor.u32 $0x40, s21  }
0x7c: {  	v9 =	vld [tilespmem:s21+$0x30]  }
0x7d: {  	v11 =	vld [tilespmem:s21+$0xFFFFFFD0]  }
0x7e: {  	v0 =	vadd.f32 v0, v5;
	v13 =	vld [tilespmem:s21+$0xFFFFFFE0]  }
0x7f: {  	v3 =	vadd.f32 v6, v3;
	v6 =	vld [tilespmem:s21+$0xFFFFFFF0]  }
0x80: {  	[tilespmem:s20+$0xFFFFFFC0] =	vst v0;
	v0 =	vld [tilespmem:s19+$0xFFFFFFE0]  }
0x81: {  	[tilespmem:s20+$0x10] =	vst v2;
	v2 =	vadd.f32 v9, v8;
	v8 =	vld [tilespmem:s21+$0x0]  }
0x82: {  	[tilespmem:s20+$0x20] =	vst v3;
	v1 =	vld [tilespmem:s21+$0xFFFFFFC0];
	v5 =	vadd.f32 v11, v10  }
0x83: {  	v3 =	vld [tilespmem:s21+$0x10];
	v63 =	vadd.f32 v13, v12;
	[tilespmem:s19+$0x0] =	vst v2  }
0x84: {  	v6 =	vadd.f32 v6, v4;
	[tilespmem:s19+$0xFFFFFFA0] =	vst v5;
	v2 =	vld [tilespmem:s19+$0xFFFFFFF0]  }
0x85: {  	[tilespmem:s19+$0xFFFFFFB0] =	vst v63;
	v5 =	vld [tilespmem:s21+$0x20]  }
0x86: {  	s20 =	simm.s32 $0x0;
	s22 =	sadd.s32 $0x400, s19;
	v4 =	vld [tilespmem:s19+$0xFFFFFF90];
	[tilespmem:s19+$0xFFFFFFC0] =	vst v6;
	v6 =	vadd.f32 v8, v7  }
.LBB2_5:
0x87: {  	v7 =	vld [tilespmem:s22+$0x0];
	s21 =	sadd.s32 $0x200, s21  }
0x88: {  	s20 =	sadd.s32 $0x80, s20;
	v8 =	vld [tilespmem:s21+$0x30];
	[tilespmem:s19+$0xFFFFFFD0] =	vst v6;
	v0 =	vadd.f32 v3, v0  }
0x89: {  	p0 =	slt.u32 s20, $0x380;
	v3 =	vld [tilespmem:s21+$0xFFFFFFC0]  }
0x8a: {  	v6 =	vld [tilespmem:s22+$0xFFFFFFA0];
	[tilespmem:s19+$0xFFFFFFE0] =	vst v0;
	v0 =	vadd.f32 v5, v2  }
0x8b: {  	v2 =	vld [tilespmem:s21+$0xFFFFFFD0];
	v9 =	vadd.f32 v1, v4  }
0x8c: {  	v4 =	vld [tilespmem:s22+$0xFFFFFFB0];
	[tilespmem:s19+$0xFFFFFFF0] =	vst v0  }
0x8d: {  	v0 =	vld [tilespmem:s21+$0xFFFFFFE0];
	v5 =	vadd.f32 v8, v7;
	[tilespmem:s19+$0xFFFFFF90] =	vst v9;
	s19 =	smov.u32 s22  }
0x8e: {  	v7 =	vld [tilespmem:s22+$0xFFFFFFC0];
	v1 =	vmov v3  }
0x8f: {  	v8 =	vld [tilespmem:s21+$0xFFFFFFF0];
	[tilespmem:s22+$0x0] =	vst v5  }
0x90: {  	v2 =	vadd.f32 v2, v6;
	v6 =	vld [tilespmem:s22+$0xFFFFFFD0]  }
0x91: {  	v9 =	vld [tilespmem:s21+$0x0]  }
.Ltmp1:
0x92: {  	[tilespmem:s22+$0xFFFFFFA0] =	vst v2;
	v2 =	vadd.f32 v0, v4;
	v0 =	vld [tilespmem:s22+$0xFFFFFFE0];
	(pc) =	sbr.rel @p0 .LBB2_5-.Ltmp1, $4  }
0x93: {  	v3 =	vld [tilespmem:s21+$0x10]  }
0x94: {  	[tilespmem:s22+$0xFFFFFFB0] =	vst v2;
	v7 =	vadd.f32 v8, v7;
	v2 =	vld [tilespmem:s22+$0xFFFFFFF0]  }
0x95: {  	v5 =	vld [tilespmem:s21+$0x20]  }
0x96: {  	s22 =	sadd.s32 $0x400, s22;
	v4 =	vld [tilespmem:s19+$0xFFFFFF90];
	[tilespmem:s19+$0xFFFFFFC0] =	vst v7;
	v6 =	vadd.f32 v9, v6  }
0x97: {  	_ = 	snop  }
0x98: {  	p0 =	slt.u32 s18, $0x1E  }
.Ltmp2:
0x99: {  	v0 =	vadd.f32 v3, v0;
	(pc) =	sbr.rel @p0 .LBB2_2-.Ltmp2, $4  }
0x9a: {  	[tilespmem:s19+$0xFFFFFFD0] =	vst v6;
	v2 =	vadd.f32 v5, v2  }
0x9b: {  	[tilespmem:s19+$0xFFFFFFE0] =	vst v0;
	v63 =	vadd.f32 v1, v4  }
0x9c: {  	s20 =	sadd.s32 $0x2, s18;
	[tilespmem:s19+$0xFFFFFFF0] =	vst v2  }
0x9d: {  	s17 =	sadd.s32 $0x800, s17;
	s16 =	sadd.s32 $0x1, s16;
	s18 =	smov.u32 s20;
	[tilespmem:s19+$0xFFFFFF90] =	vst v63  }
0x9e: {  	s16 =	simm.s32 $0x0  }
0x9f: {  	[hbm4b:s0+s16] =	stream.linear.scatter [tilespmem:s9], [sflag:$0x3], $0x8000, $0x38;
	[tilespmem:$0x11480] =	vst v63  }
0xa0: {  	_ =	swait.ge [sflag:s12], $0x8000  }
0xa1: {  	[sflag:s12] =	ssyncset.done $0x0  }
0xa2: {  	s17 =	rddreg [dreg:$0x6];
	[sflag:s12] =	ssyncadd.s32 $0xFFFF8000  }
0xa3: {  	[tilespmem:s9], [sflag:$0x1] =	stream.linear.gather [hbm4b:s17+s16], $0x8000, $0x38;
	[tilespmem:$0x11480] =	vst v63  }
0xa4: {  	_ =	swait.ge [sflag:s13], $0x8000  }
0xa5: {  	[sflag:s13] =	ssyncset.done $0x0  }
0xa6: {  	s18 =	simm.s32 $0x0;
	s17 =	simm.s32 $0x0;
	[sflag:s13] =	ssyncadd.s32 $0xFFFF8000  }
.LBB2_8:
0xa7: {  	v0 =	vld [tilespmem:s16+$0x1020];
	_ =	sdelay $0x4  }
0xa8: {  	(v2sf) =	vpush v0, $0x0;
	_ =	sdelay $0xa  }
0xa9: {  	s19 =	sshll.u32 s18, $0x2;
	s20 =	sand.u32 $0x3, s17  }
0xaa: {  	s19 =	sand.u32 $0xFFFF8000, s19;
	s20 =	sshll.u32 s20, $0xA  }
0xab: {  	s19 =	sor.u32 s20, s19  }
0xac: {  	s19 =	sshrl.u32 s19, $0x2  }
0xad: {  	s20 =	sadd.s32 $0x94C0, s19;
	s21 =	spop (v2sf)  }
0xae: {  	v1 =	vld [tilespmem:s20+$0x30];
	s22 =	sshll.u32 s21, $0xC;
	s21 =	sand.u32 $0x3, s21  }
0xaf: {  	v3 =	vld [tilespmem:s20+$0xFFFFFFD0];
	s23 =	sand.u32 $0xFFFFC000, s22;
	s21 =	sshll.u32 s21, $0x9  }
0xb0: {  	v5 =	vld [tilespmem:s20+$0xFFFFFFE0];
	s21 =	sor.u32 s21, s23  }
0xb1: {  	v7 =	vld [tilespmem:s20+$0xFFFFFFF0];
	s21 =	sshra.s32 s21, $0x2  }
0xb2: {  	v9 =	vld [tilespmem:s20+$0x0];
	s21 =	sor.u32 $0x40, s21  }
0xb3: {  	v2 =	vld [tilespmem:s21+$0x30]  }
0xb4: {  	v4 =	vld [tilespmem:s21+$0xFFFFFFD0]  }
0xb5: {  	v8 =	vld [tilespmem:s21+$0xFFFFFFF0]  }
0xb6: {  	v6 =	vld [tilespmem:s21+$0xFFFFFFE0]  }
0xb7: {  	v0 =	vld [tilespmem:s21+$0xFFFFFFC0]  }
0xb8: {  	v10 =	vld [tilespmem:s21+$0x0];
	v1 =	vadd.f32 v2, v1  }
0xb9: {  	v3 =	vadd.f32 v4, v3;
	v2 =	vld [tilespmem:s20+$0x10]  }
0xba: {  	v4 =	vld [tilespmem:s21+$0x10];
	v7 =	vadd.f32 v8, v7;
	[tilespmem:s20+$0x30] =	vst v1  }
0xbb: {  	v1 =	vadd.f32 v6, v5;
	[tilespmem:s20+$0xFFFFFFD0] =	vst v3;
	v3 =	vld [tilespmem:s20+$0x20]  }
0xbc: {  	v6 =	vld [tilespmem:s21+$0x20];
	[tilespmem:s20+$0xFFFFFFF0] =	vst v7  }
0xbd: {  	s19 =	sadd.s32 $0x9570, s19;
	s22 =	simm.s32 $0x0;
	s23 =	sadd.s32 $0x400, s20;
	v5 =	vld [tilespmem:s20+$0xFFFFFFC0];
	v7 =	vadd.f32 v10, v9;
	[tilespmem:s20+$0xFFFFFFE0] =	vst v1  }
.LBB2_9:
0xbe: {  	v1 =	vld [tilespmem:s23+$0x30];
	s21 =	sadd.s32 $0x200, s21  }
0xbf: {  	s22 =	sadd.s32 $0x80, s22;
	v8 =	vld [tilespmem:s21+$0x30];
	[tilespmem:s20+$0x0] =	vst v7;
	v2 =	vadd.f32 v4, v2  }
0xc0: {  	p0 =	slt.u32 s22, $0x380;
	v4 =	vld [tilespmem:s21+$0xFFFFFFC0]  }
0xc1: {  	v7 =	vld [tilespmem:s23+$0xFFFFFFD0];
	[tilespmem:s20+$0x10] =	vst v2;
	v2 =	vadd.f32 v6, v3  }
0xc2: {  	v3 =	vld [tilespmem:s21+$0xFFFFFFD0];
	v9 =	vadd.f32 v0, v5  }
0xc3: {  	v5 =	vld [tilespmem:s23+$0xFFFFFFE0];
	[tilespmem:s20+$0x20] =	vst v2  }
0xc4: {  	v2 =	vld [tilespmem:s21+$0xFFFFFFE0];
	v1 =	vadd.f32 v8, v1;
	[tilespmem:s20+$0xFFFFFFC0] =	vst v9;
	s20 =	smov.u32 s23  }
0xc5: {  	v6 =	vld [tilespmem:s23+$0xFFFFFFF0];
	v0 =	vmov v4  }
0xc6: {  	v8 =	vld [tilespmem:s21+$0xFFFFFFF0];
	[tilespmem:s23+$0x30] =	vst v1  }
0xc7: {  	v1 =	vadd.f32 v3, v7;
	v7 =	vld [tilespmem:s23+$0x0]  }
0xc8: {  	v9 =	vld [tilespmem:s21+$0x0]  }
.Ltmp3:
0xc9: {  	[tilespmem:s23+$0xFFFFFFD0] =	vst v1;
	v1 =	vadd.f32 v2, v5;
	v2 =	vld [tilespmem:s23+$0x10];
	(pc) =	sbr.rel @p0 .LBB2_9-.Ltmp3, $4  }
0xca: {  	v4 =	vld [tilespmem:s21+$0x10]  }
0xcb: {  	[tilespmem:s23+$0xFFFFFFE0] =	vst v1;
	v1 =	vadd.f32 v8, v6;
	v3 =	vld [tilespmem:s23+$0x20]  }
0xcc: {  	v6 =	vld [tilespmem:s21+$0x20]  }
0xcd: {  	s23 =	sadd.s32 $0x400, s23;
	v5 =	vld [tilespmem:s20+$0xFFFFFFC0];
	[tilespmem:s20+$0xFFFFFFF0] =	vst v1;
	v7 =	vadd.f32 v9, v7  }
0xce: {  	v1 =	vld [tilespmem:s16+$0x1021];
	_ =	sdelay $0x4  }
0xcf: {  	(v2sf) =	vpush v1, $0x0;
	_ =	sdelay $0xe  }
0xd0: {  	s21 =	spop (v2sf)  }
0xd1: {  	v8 =	vld [tilespmem:s19+$0x0];
	s22 =	sshll.u32 s21, $0xC;
	s21 =	sand.u32 $0x3, s21  }
0xd2: {  	v10 =	vld [tilespmem:s19+$0xFFFFFFA0];
	s22 =	sand.u32 $0xFFFFC000, s22;
	s21 =	sshll.u32 s21, $0x9  }
0xd3: {  	v12 =	vld [tilespmem:s19+$0xFFFFFFB0];
	s21 =	sor.u32 s21, s22  }
0xd4: {  	v2 =	vadd.f32 v4, v2;
	v4 =	vld [tilespmem:s19+$0xFFFFFFC0];
	s21 =	sshra.s32 s21, $0x2  }
0xd5: {  	[tilespmem:s20+$0x0] =	vst v7;
	v7 =	vld [tilespmem:s19+$0xFFFFFFD0];
	s21 =	sor.u32 $0x40, s21  }
0xd6: {  	v9 =	vld [tilespmem:s21+$0x30]  }
0xd7: {  	v11 =	vld [tilespmem:s21+$0xFFFFFFD0]  }
0xd8: {  	v0 =	vadd.f32 v0, v5;
	v13 =	vld [tilespmem:s21+$0xFFFFFFE0]  }
0xd9: {  	v3 =	vadd.f32 v6, v3;
	v6 =	vld [tilespmem:s21+$0xFFFFFFF0]  }
0xda: {  	[tilespmem:s20+$0xFFFFFFC0] =	vst v0;
	v0 =	vld [tilespmem:s19+$0xFFFFFFE0]  }
0xdb: {  	[tilespmem:s20+$0x10] =	vst v2;
	v2 =	vadd.f32 v9, v8;
	v8 =	vld [tilespmem:s21+$0x0]  }
0xdc: {  	[tilespmem:s20+$0x20] =	vst v3;
	v1 =	vld [tilespmem:s21+$0xFFFFFFC0];
	v5 =	vadd.f32 v11, v10  }
0xdd: {  	v3 =	vld [tilespmem:s21+$0x10];
	v63 =	vadd.f32 v13, v12;
	[tilespmem:s19+$0x0] =	vst v2  }
0xde: {  	v6 =	vadd.f32 v6, v4;
	[tilespmem:s19+$0xFFFFFFA0] =	vst v5;
	v2 =	vld [tilespmem:s19+$0xFFFFFFF0]  }
0xdf: {  	[tilespmem:s19+$0xFFFFFFB0] =	vst v63;
	v5 =	vld [tilespmem:s21+$0x20]  }
0xe0: {  	s20 =	simm.s32 $0x0;
	s22 =	sadd.s32 $0x400, s19;
	v4 =	vld [tilespmem:s19+$0xFFFFFF90];
	[tilespmem:s19+$0xFFFFFFC0] =	vst v6;
	v6 =	vadd.f32 v8, v7  }
.LBB2_11:
0xe1: {  	v7 =	vld [tilespmem:s22+$0x0];
	s21 =	sadd.s32 $0x200, s21  }
0xe2: {  	s20 =	sadd.s32 $0x80, s20;
	v8 =	vld [tilespmem:s21+$0x30];
	[tilespmem:s19+$0xFFFFFFD0] =	vst v6;
	v0 =	vadd.f32 v3, v0  }
0xe3: {  	p0 =	slt.u32 s20, $0x380;
	v3 =	vld [tilespmem:s21+$0xFFFFFFC0]  }
0xe4: {  	v6 =	vld [tilespmem:s22+$0xFFFFFFA0];
	[tilespmem:s19+$0xFFFFFFE0] =	vst v0;
	v0 =	vadd.f32 v5, v2  }
0xe5: {  	v2 =	vld [tilespmem:s21+$0xFFFFFFD0];
	v9 =	vadd.f32 v1, v4  }
0xe6: {  	v4 =	vld [tilespmem:s22+$0xFFFFFFB0];
	[tilespmem:s19+$0xFFFFFFF0] =	vst v0  }
0xe7: {  	v0 =	vld [tilespmem:s21+$0xFFFFFFE0];
	v5 =	vadd.f32 v8, v7;
	[tilespmem:s19+$0xFFFFFF90] =	vst v9;
	s19 =	smov.u32 s22  }
0xe8: {  	v7 =	vld [tilespmem:s22+$0xFFFFFFC0];
	v1 =	vmov v3  }
0xe9: {  	v8 =	vld [tilespmem:s21+$0xFFFFFFF0];
	[tilespmem:s22+$0x0] =	vst v5  }
0xea: {  	v2 =	vadd.f32 v2, v6;
	v6 =	vld [tilespmem:s22+$0xFFFFFFD0]  }
0xeb: {  	v9 =	vld [tilespmem:s21+$0x0]  }
.Ltmp4:
0xec: {  	[tilespmem:s22+$0xFFFFFFA0] =	vst v2;
	v2 =	vadd.f32 v0, v4;
	v0 =	vld [tilespmem:s22+$0xFFFFFFE0];
	(pc) =	sbr.rel @p0 .LBB2_11-.Ltmp4, $4  }
0xed: {  	v3 =	vld [tilespmem:s21+$0x10]  }
0xee: {  	[tilespmem:s22+$0xFFFFFFB0] =	vst v2;
	v7 =	vadd.f32 v8, v7;
	v2 =	vld [tilespmem:s22+$0xFFFFFFF0]  }
0xef: {  	v5 =	vld [tilespmem:s21+$0x20]  }
0xf0: {  	s22 =	sadd.s32 $0x400, s22;
	v4 =	vld [tilespmem:s19+$0xFFFFFF90];
	[tilespmem:s19+$0xFFFFFFC0] =	vst v7;
	v6 =	vadd.f32 v9, v6  }
0xf1: {  	_ = 	snop  }
0xf2: {  	p0 =	slt.u32 s16, $0x1E  }
.Ltmp5:
0xf3: {  	v0 =	vadd.f32 v3, v0;
	(pc) =	sbr.rel @p0 .LBB2_8-.Ltmp5, $4  }
0xf4: {  	[tilespmem:s19+$0xFFFFFFD0] =	vst v6;
	v2 =	vadd.f32 v5, v2  }
0xf5: {  	[tilespmem:s19+$0xFFFFFFE0] =	vst v0;
	v63 =	vadd.f32 v1, v4  }
0xf6: {  	s20 =	sadd.s32 $0x2, s16;
	[tilespmem:s19+$0xFFFFFFF0] =	vst v2  }
0xf7: {  	s18 =	sadd.s32 $0x800, s18;
	s17 =	sadd.s32 $0x1, s17;
	s16 =	smov.u32 s20;
	[tilespmem:s19+$0xFFFFFF90] =	vst v63  }
0xf8: {  	s16 =	simm.s32 $0x0;
	s17 =	rddreg [dreg:$0x7]  }
0xf9: {  	[hbm4b:s17+s16] =	stream.linear.scatter [tilespmem:s10], [sflag:$0x4], $0x8000, $0x38;
	[tilespmem:$0x11480] =	vst v63  }
0xfa: {  	_ =	swait.ge [sflag:s14], $0x8000  }
0xfb: {  	[sflag:s14] =	ssyncset.done $0x0  }
0xfc: {  	s23 =	rddreg [dreg:$0x8];
	[sflag:s14] =	ssyncadd.s32 $0xFFFF8000  }
0xfd: {  	[tilespmem:s10], [sflag:$0x2] =	stream.linear.gather [hbm4b:s23+s16], $0x8000, $0x38;
	[tilespmem:$0x11480] =	vst v63  }
0xfe: {  	_ =	swait.ge [sflag:s11], $0x8000  }
0xff: {  	[sflag:s11] =	ssyncset.done $0x0  }
0x100: {  	s18 =	simm.s32 $0x0;
	s17 =	simm.s32 $0x0;
	[sflag:s11] =	ssyncadd.s32 $0xFFFF8000  }
.LBB2_14:
0x101: {  	v0 =	vld [tilespmem:s16+$0x1040];
	_ =	sdelay $0x4  }
0x102: {  	(v2sf) =	vpush v0, $0x0;
	_ =	sdelay $0xa  }
0x103: {  	s19 =	sshll.u32 s18, $0x2;
	s20 =	sand.u32 $0x3, s17  }
0x104: {  	s19 =	sand.u32 $0xFFFF8000, s19;
	s20 =	sshll.u32 s20, $0xA  }
0x105: {  	s19 =	sor.u32 s20, s19  }
0x106: {  	s19 =	sshrl.u32 s19, $0x2  }
0x107: {  	s20 =	sor.u32 $0x14C0, s19;
	s21 =	spop (v2sf)  }
0x108: {  	v1 =	vld [tilespmem:s20+$0x30];
	s22 =	sshll.u32 s21, $0xC;
	s21 =	sand.u32 $0x3, s21  }
0x109: {  	v3 =	vld [tilespmem:s20+$0xFFFFFFD0];
	s23 =	sand.u32 $0xFFFFC000, s22;
	s21 =	sshll.u32 s21, $0x9  }
0x10a: {  	v5 =	vld [tilespmem:s20+$0xFFFFFFE0];
	s21 =	sor.u32 s21, s23  }
0x10b: {  	v7 =	vld [tilespmem:s20+$0xFFFFFFF0];
	s21 =	sshra.s32 s21, $0x2  }
0x10c: {  	v9 =	vld [tilespmem:s20+$0x0];
	s21 =	sor.u32 $0x40, s21  }
0x10d: {  	v2 =	vld [tilespmem:s21+$0x30]  }
0x10e: {  	v4 =	vld [tilespmem:s21+$0xFFFFFFD0]  }
0x10f: {  	v8 =	vld [tilespmem:s21+$0xFFFFFFF0]  }
0x110: {  	v6 =	vld [tilespmem:s21+$0xFFFFFFE0]  }
0x111: {  	v0 =	vld [tilespmem:s21+$0xFFFFFFC0]  }
0x112: {  	v10 =	vld [tilespmem:s21+$0x0];
	v1 =	vadd.f32 v2, v1  }
0x113: {  	v3 =	vadd.f32 v4, v3;
	v2 =	vld [tilespmem:s20+$0x10]  }
0x114: {  	v4 =	vld [tilespmem:s21+$0x10];
	v7 =	vadd.f32 v8, v7;
	[tilespmem:s20+$0x30] =	vst v1  }
0x115: {  	v1 =	vadd.f32 v6, v5;
	[tilespmem:s20+$0xFFFFFFD0] =	vst v3;
	v3 =	vld [tilespmem:s20+$0x20]  }
0x116: {  	v6 =	vld [tilespmem:s21+$0x20];
	[tilespmem:s20+$0xFFFFFFF0] =	vst v7  }
0x117: {  	s19 =	sadd.s32 $0x1570, s19;
	s22 =	simm.s32 $0x0;
	s23 =	sadd.s32 $0x400, s20;
	v5 =	vld [tilespmem:s20+$0xFFFFFFC0];
	v7 =	vadd.f32 v10, v9;
	[tilespmem:s20+$0xFFFFFFE0] =	vst v1  }
.LBB2_15:
0x118: {  	v1 =	vld [tilespmem:s23+$0x30];
	s21 =	sadd.s32 $0x200, s21  }
0x119: {  	s22 =	sadd.s32 $0x80, s22;
	v8 =	vld [tilespmem:s21+$0x30];
	[tilespmem:s20+$0x0] =	vst v7;
	v2 =	vadd.f32 v4, v2  }
0x11a: {  	p0 =	slt.u32 s22, $0x380;
	v4 =	vld [tilespmem:s21+$0xFFFFFFC0]  }
0x11b: {  	v7 =	vld [tilespmem:s23+$0xFFFFFFD0];
	[tilespmem:s20+$0x10] =	vst v2;
	v2 =	vadd.f32 v6, v3  }
0x11c: {  	v3 =	vld [tilespmem:s21+$0xFFFFFFD0];
	v9 =	vadd.f32 v0, v5  }
0x11d: {  	v5 =	vld [tilespmem:s23+$0xFFFFFFE0];
	[tilespmem:s20+$0x20] =	vst v2  }
0x11e: {  	v2 =	vld [tilespmem:s21+$0xFFFFFFE0];
	v1 =	vadd.f32 v8, v1;
	[tilespmem:s20+$0xFFFFFFC0] =	vst v9;
	s20 =	smov.u32 s23  }
0x11f: {  	v6 =	vld [tilespmem:s23+$0xFFFFFFF0];
	v0 =	vmov v4  }
0x120: {  	v8 =	vld [tilespmem:s21+$0xFFFFFFF0];
	[tilespmem:s23+$0x30] =	vst v1  }
0x121: {  	v1 =	vadd.f32 v3, v7;
	v7 =	vld [tilespmem:s23+$0x0]  }
0x122: {  	v9 =	vld [tilespmem:s21+$0x0]  }
.Ltmp6:
0x123: {  	[tilespmem:s23+$0xFFFFFFD0] =	vst v1;
	v1 =	vadd.f32 v2, v5;
	v2 =	vld [tilespmem:s23+$0x10];
	(pc) =	sbr.rel @p0 .LBB2_15-.Ltmp6, $4  }
0x124: {  	v4 =	vld [tilespmem:s21+$0x10]  }
0x125: {  	[tilespmem:s23+$0xFFFFFFE0] =	vst v1;
	v1 =	vadd.f32 v8, v6;
	v3 =	vld [tilespmem:s23+$0x20]  }
0x126: {  	v6 =	vld [tilespmem:s21+$0x20]  }
0x127: {  	s23 =	sadd.s32 $0x400, s23;
	v5 =	vld [tilespmem:s20+$0xFFFFFFC0];
	[tilespmem:s20+$0xFFFFFFF0] =	vst v1;
	v7 =	vadd.f32 v9, v7  }
0x128: {  	v1 =	vld [tilespmem:s16+$0x1041];
	_ =	sdelay $0x4  }
0x129: {  	(v2sf) =	vpush v1, $0x0;
	_ =	sdelay $0xe  }
0x12a: {  	s21 =	spop (v2sf)  }
0x12b: {  	v8 =	vld [tilespmem:s19+$0x0];
	s22 =	sshll.u32 s21, $0xC;
	s21 =	sand.u32 $0x3, s21  }
0x12c: {  	v10 =	vld [tilespmem:s19+$0xFFFFFFA0];
	s22 =	sand.u32 $0xFFFFC000, s22;
	s21 =	sshll.u32 s21, $0x9  }
0x12d: {  	v12 =	vld [tilespmem:s19+$0xFFFFFFB0];
	s21 =	sor.u32 s21, s22  }
0x12e: {  	v2 =	vadd.f32 v4, v2;
	v4 =	vld [tilespmem:s19+$0xFFFFFFC0];
	s21 =	sshra.s32 s21, $0x2  }
0x12f: {  	[tilespmem:s20+$0x0] =	vst v7;
	v7 =	vld [tilespmem:s19+$0xFFFFFFD0];
	s21 =	sor.u32 $0x40, s21  }
0x130: {  	v9 =	vld [tilespmem:s21+$0x30]  }
0x131: {  	v11 =	vld [tilespmem:s21+$0xFFFFFFD0]  }
0x132: {  	v0 =	vadd.f32 v0, v5;
	v13 =	vld [tilespmem:s21+$0xFFFFFFE0]  }
0x133: {  	v3 =	vadd.f32 v6, v3;
	v6 =	vld [tilespmem:s21+$0xFFFFFFF0]  }
0x134: {  	[tilespmem:s20+$0xFFFFFFC0] =	vst v0;
	v0 =	vld [tilespmem:s19+$0xFFFFFFE0]  }
0x135: {  	[tilespmem:s20+$0x10] =	vst v2;
	v2 =	vadd.f32 v9, v8;
	v8 =	vld [tilespmem:s21+$0x0]  }
0x136: {  	[tilespmem:s20+$0x20] =	vst v3;
	v1 =	vld [tilespmem:s21+$0xFFFFFFC0];
	v5 =	vadd.f32 v11, v10  }
0x137: {  	v3 =	vld [tilespmem:s21+$0x10];
	v63 =	vadd.f32 v13, v12;
	[tilespmem:s19+$0x0] =	vst v2  }
0x138: {  	v6 =	vadd.f32 v6, v4;
	[tilespmem:s19+$0xFFFFFFA0] =	vst v5;
	v2 =	vld [tilespmem:s19+$0xFFFFFFF0]  }
0x139: {  	[tilespmem:s19+$0xFFFFFFB0] =	vst v63;
	v5 =	vld [tilespmem:s21+$0x20]  }
0x13a: {  	s20 =	simm.s32 $0x0;
	s22 =	sadd.s32 $0x400, s19;
	v4 =	vld [tilespmem:s19+$0xFFFFFF90];
	[tilespmem:s19+$0xFFFFFFC0] =	vst v6;
	v6 =	vadd.f32 v8, v7  }
.LBB2_17:
0x13b: {  	v7 =	vld [tilespmem:s22+$0x0];
	s21 =	sadd.s32 $0x200, s21  }
0x13c: {  	s20 =	sadd.s32 $0x80, s20;
	v8 =	vld [tilespmem:s21+$0x30];
	[tilespmem:s19+$0xFFFFFFD0] =	vst v6;
	v0 =	vadd.f32 v3, v0  }
0x13d: {  	p0 =	slt.u32 s20, $0x380;
	v3 =	vld [tilespmem:s21+$0xFFFFFFC0]  }
0x13e: {  	v6 =	vld [tilespmem:s22+$0xFFFFFFA0];
	[tilespmem:s19+$0xFFFFFFE0] =	vst v0;
	v0 =	vadd.f32 v5, v2  }
0x13f: {  	v2 =	vld [tilespmem:s21+$0xFFFFFFD0];
	v9 =	vadd.f32 v1, v4  }
0x140: {  	v4 =	vld [tilespmem:s22+$0xFFFFFFB0];
	[tilespmem:s19+$0xFFFFFFF0] =	vst v0  }
0x141: {  	v0 =	vld [tilespmem:s21+$0xFFFFFFE0];
	v5 =	vadd.f32 v8, v7;
	[tilespmem:s19+$0xFFFFFF90] =	vst v9;
	s19 =	smov.u32 s22  }
0x142: {  	v7 =	vld [tilespmem:s22+$0xFFFFFFC0];
	v1 =	vmov v3  }
0x143: {  	v8 =	vld [tilespmem:s21+$0xFFFFFFF0];
	[tilespmem:s22+$0x0] =	vst v5  }
0x144: {  	v2 =	vadd.f32 v2, v6;
	v6 =	vld [tilespmem:s22+$0xFFFFFFD0]  }
0x145: {  	v9 =	vld [tilespmem:s21+$0x0]  }
.Ltmp7:
0x146: {  	[tilespmem:s22+$0xFFFFFFA0] =	vst v2;
	v2 =	vadd.f32 v0, v4;
	v0 =	vld [tilespmem:s22+$0xFFFFFFE0];
	(pc) =	sbr.rel @p0 .LBB2_17-.Ltmp7, $4  }
0x147: {  	v3 =	vld [tilespmem:s21+$0x10]  }
0x148: {  	[tilespmem:s22+$0xFFFFFFB0] =	vst v2;
	v7 =	vadd.f32 v8, v7;
	v2 =	vld [tilespmem:s22+$0xFFFFFFF0]  }
0x149: {  	v5 =	vld [tilespmem:s21+$0x20]  }
0x14a: {  	s22 =	sadd.s32 $0x400, s22;
	v4 =	vld [tilespmem:s19+$0xFFFFFF90];
	[tilespmem:s19+$0xFFFFFFC0] =	vst v7;
	v6 =	vadd.f32 v9, v6  }
0x14b: {  	_ = 	snop  }
0x14c: {  	p0 =	slt.u32 s16, $0x1E  }
.Ltmp8:
0x14d: {  	v0 =	vadd.f32 v3, v0;
	(pc) =	sbr.rel @p0 .LBB2_14-.Ltmp8, $4  }
0x14e: {  	[tilespmem:s19+$0xFFFFFFD0] =	vst v6;
	v2 =	vadd.f32 v5, v2  }
0x14f: {  	[tilespmem:s19+$0xFFFFFFE0] =	vst v0;
	v63 =	vadd.f32 v1, v4  }
0x150: {  	s20 =	sadd.s32 $0x2, s16;
	[tilespmem:s19+$0xFFFFFFF0] =	vst v2  }
0x151: {  	s18 =	sadd.s32 $0x800, s18;
	s17 =	sadd.s32 $0x1, s17;
	s16 =	smov.u32 s20;
	[tilespmem:s19+$0xFFFFFF90] =	vst v63  }
0x152: {  	s16 =	simm.s32 $0x0;
	s17 =	rddreg [dreg:$0x9]  }
0x153: {  	[hbm4b:s17+s16] =	stream.linear.scatter [tilespmem:s9], [sflag:$0x3], $0x8000, $0x38;
	[tilespmem:$0x11480] =	vst v63  }
0x154: {  	_ =	swait.ge [sflag:s12], $0x8000  }
0x155: {  	[sflag:s12] =	ssyncset.done $0x0  }
0x156: {  	s23 =	rddreg [dreg:$0xa];
	[sflag:s12] =	ssyncadd.s32 $0xFFFF8000  }
0x157: {  	[tilespmem:s9], [sflag:$0x1] =	stream.linear.gather [hbm4b:s23+s16], $0x8000, $0x38;
	[tilespmem:$0x11480] =	vst v63  }
0x158: {  	_ =	swait.ge [sflag:s13], $0x8000  }
0x159: {  	[sflag:s13] =	ssyncset.done $0x0  }
0x15a: {  	s18 =	simm.s32 $0x0;
	s17 =	simm.s32 $0x0;
	[sflag:s13] =	ssyncadd.s32 $0xFFFF8000  }
.LBB2_20:
0x15b: {  	v0 =	vld [tilespmem:s16+$0x1060];
	_ =	sdelay $0x4  }
0x15c: {  	(v2sf) =	vpush v0, $0x0;
	_ =	sdelay $0xa  }
0x15d: {  	s19 =	sshll.u32 s18, $0x2;
	s20 =	sand.u32 $0x3, s17  }
0x15e: {  	s19 =	sand.u32 $0xFFFF8000, s19;
	s20 =	sshll.u32 s20, $0xA  }
0x15f: {  	s19 =	sor.u32 s20, s19  }
0x160: {  	s19 =	sshrl.u32 s19, $0x2  }
0x161: {  	s20 =	sadd.s32 $0x94C0, s19;
	s21 =	spop (v2sf)  }
0x162: {  	v1 =	vld [tilespmem:s20+$0x30];
	s22 =	sshll.u32 s21, $0xC;
	s21 =	sand.u32 $0x3, s21  }
0x163: {  	v3 =	vld [tilespmem:s20+$0xFFFFFFD0];
	s23 =	sand.u32 $0xFFFFC000, s22;
	s21 =	sshll.u32 s21, $0x9  }
0x164: {  	v5 =	vld [tilespmem:s20+$0xFFFFFFE0];
	s21 =	sor.u32 s21, s23  }
0x165: {  	v7 =	vld [tilespmem:s20+$0xFFFFFFF0];
	s21 =	sshra.s32 s21, $0x2  }
0x166: {  	v9 =	vld [tilespmem:s20+$0x0];
	s21 =	sor.u32 $0x40, s21  }
0x167: {  	v2 =	vld [tilespmem:s21+$0x30]  }
0x168: {  	v4 =	vld [tilespmem:s21+$0xFFFFFFD0]  }
0x169: {  	v8 =	vld [tilespmem:s21+$0xFFFFFFF0]  }
0x16a: {  	v6 =	vld [tilespmem:s21+$0xFFFFFFE0]  }
0x16b: {  	v0 =	vld [tilespmem:s21+$0xFFFFFFC0]  }
0x16c: {  	v10 =	vld [tilespmem:s21+$0x0];
	v1 =	vadd.f32 v2, v1  }
0x16d: {  	v3 =	vadd.f32 v4, v3;
	v2 =	vld [tilespmem:s20+$0x10]  }
0x16e: {  	v4 =	vld [tilespmem:s21+$0x10];
	v7 =	vadd.f32 v8, v7;
	[tilespmem:s20+$0x30] =	vst v1  }
0x16f: {  	v1 =	vadd.f32 v6, v5;
	[tilespmem:s20+$0xFFFFFFD0] =	vst v3;
	v3 =	vld [tilespmem:s20+$0x20]  }
0x170: {  	v6 =	vld [tilespmem:s21+$0x20];
	[tilespmem:s20+$0xFFFFFFF0] =	vst v7  }
0x171: {  	s19 =	sadd.s32 $0x9570, s19;
	s22 =	simm.s32 $0x0;
	s23 =	sadd.s32 $0x400, s20;
	v5 =	vld [tilespmem:s20+$0xFFFFFFC0];
	v7 =	vadd.f32 v10, v9;
	[tilespmem:s20+$0xFFFFFFE0] =	vst v1  }
.LBB2_21:
0x172: {  	v1 =	vld [tilespmem:s23+$0x30];
	s21 =	sadd.s32 $0x200, s21  }
0x173: {  	s22 =	sadd.s32 $0x80, s22;
	v8 =	vld [tilespmem:s21+$0x30];
	[tilespmem:s20+$0x0] =	vst v7;
	v2 =	vadd.f32 v4, v2  }
0x174: {  	p0 =	slt.u32 s22, $0x380;
	v4 =	vld [tilespmem:s21+$0xFFFFFFC0]  }
0x175: {  	v7 =	vld [tilespmem:s23+$0xFFFFFFD0];
	[tilespmem:s20+$0x10] =	vst v2;
	v2 =	vadd.f32 v6, v3  }
0x176: {  	v3 =	vld [tilespmem:s21+$0xFFFFFFD0];
	v9 =	vadd.f32 v0, v5  }
0x177: {  	v5 =	vld [tilespmem:s23+$0xFFFFFFE0];
	[tilespmem:s20+$0x20] =	vst v2  }
0x178: {  	v2 =	vld [tilespmem:s21+$0xFFFFFFE0];
	v1 =	vadd.f32 v8, v1;
	[tilespmem:s20+$0xFFFFFFC0] =	vst v9;
	s20 =	smov.u32 s23  }
0x179: {  	v6 =	vld [tilespmem:s23+$0xFFFFFFF0];
	v0 =	vmov v4  }
0x17a: {  	v8 =	vld [tilespmem:s21+$0xFFFFFFF0];
	[tilespmem:s23+$0x30] =	vst v1  }
0x17b: {  	v1 =	vadd.f32 v3, v7;
	v7 =	vld [tilespmem:s23+$0x0]  }
0x17c: {  	v9 =	vld [tilespmem:s21+$0x0]  }
.Ltmp9:
0x17d: {  	[tilespmem:s23+$0xFFFFFFD0] =	vst v1;
	v1 =	vadd.f32 v2, v5;
	v2 =	vld [tilespmem:s23+$0x10];
	(pc) =	sbr.rel @p0 .LBB2_21-.Ltmp9, $4  }
0x17e: {  	v4 =	vld [tilespmem:s21+$0x10]  }
0x17f: {  	[tilespmem:s23+$0xFFFFFFE0] =	vst v1;
	v1 =	vadd.f32 v8, v6;
	v3 =	vld [tilespmem:s23+$0x20]  }
0x180: {  	v6 =	vld [tilespmem:s21+$0x20]  }
0x181: {  	s23 =	sadd.s32 $0x400, s23;
	v5 =	vld [tilespmem:s20+$0xFFFFFFC0];
	[tilespmem:s20+$0xFFFFFFF0] =	vst v1;
	v7 =	vadd.f32 v9, v7  }
0x182: {  	v1 =	vld [tilespmem:s16+$0x1061];
	_ =	sdelay $0x4  }
0x183: {  	(v2sf) =	vpush v1, $0x0;
	_ =	sdelay $0xe  }
0x184: {  	s21 =	spop (v2sf)  }
0x185: {  	v8 =	vld [tilespmem:s19+$0x0];
	s22 =	sshll.u32 s21, $0xC;
	s21 =	sand.u32 $0x3, s21  }
0x186: {  	v10 =	vld [tilespmem:s19+$0xFFFFFFA0];
	s22 =	sand.u32 $0xFFFFC000, s22;
	s21 =	sshll.u32 s21, $0x9  }
0x187: {  	v12 =	vld [tilespmem:s19+$0xFFFFFFB0];
	s21 =	sor.u32 s21, s22  }
0x188: {  	v2 =	vadd.f32 v4, v2;
	v4 =	vld [tilespmem:s19+$0xFFFFFFC0];
	s21 =	sshra.s32 s21, $0x2  }
0x189: {  	[tilespmem:s20+$0x0] =	vst v7;
	v7 =	vld [tilespmem:s19+$0xFFFFFFD0];
	s21 =	sor.u32 $0x40, s21  }
0x18a: {  	v9 =	vld [tilespmem:s21+$0x30]  }
0x18b: {  	v11 =	vld [tilespmem:s21+$0xFFFFFFD0]  }
0x18c: {  	v0 =	vadd.f32 v0, v5;
	v13 =	vld [tilespmem:s21+$0xFFFFFFE0]  }
0x18d: {  	v3 =	vadd.f32 v6, v3;
	v6 =	vld [tilespmem:s21+$0xFFFFFFF0]  }
0x18e: {  	[tilespmem:s20+$0xFFFFFFC0] =	vst v0;
	v0 =	vld [tilespmem:s19+$0xFFFFFFE0]  }
0x18f: {  	[tilespmem:s20+$0x10] =	vst v2;
	v2 =	vadd.f32 v9, v8;
	v8 =	vld [tilespmem:s21+$0x0]  }
0x190: {  	[tilespmem:s20+$0x20] =	vst v3;
	v1 =	vld [tilespmem:s21+$0xFFFFFFC0];
	v5 =	vadd.f32 v11, v10  }
0x191: {  	v3 =	vld [tilespmem:s21+$0x10];
	v63 =	vadd.f32 v13, v12;
	[tilespmem:s19+$0x0] =	vst v2  }
0x192: {  	v6 =	vadd.f32 v6, v4;
	[tilespmem:s19+$0xFFFFFFA0] =	vst v5;
	v2 =	vld [tilespmem:s19+$0xFFFFFFF0]  }
0x193: {  	[tilespmem:s19+$0xFFFFFFB0] =	vst v63;
	v5 =	vld [tilespmem:s21+$0x20]  }
0x194: {  	s20 =	simm.s32 $0x0;
	s22 =	sadd.s32 $0x400, s19;
	v4 =	vld [tilespmem:s19+$0xFFFFFF90];
	[tilespmem:s19+$0xFFFFFFC0] =	vst v6;
	v6 =	vadd.f32 v8, v7  }
.LBB2_23:
0x195: {  	v7 =	vld [tilespmem:s22+$0x0];
	s21 =	sadd.s32 $0x200, s21  }
0x196: {  	s20 =	sadd.s32 $0x80, s20;
	v8 =	vld [tilespmem:s21+$0x30];
	[tilespmem:s19+$0xFFFFFFD0] =	vst v6;
	v0 =	vadd.f32 v3, v0  }
0x197: {  	p0 =	slt.u32 s20, $0x380;
	v3 =	vld [tilespmem:s21+$0xFFFFFFC0]  }
0x198: {  	v6 =	vld [tilespmem:s22+$0xFFFFFFA0];
	[tilespmem:s19+$0xFFFFFFE0] =	vst v0;
	v0 =	vadd.f32 v5, v2  }
0x199: {  	v2 =	vld [tilespmem:s21+$0xFFFFFFD0];
	v9 =	vadd.f32 v1, v4  }
0x19a: {  	v4 =	vld [tilespmem:s22+$0xFFFFFFB0];
	[tilespmem:s19+$0xFFFFFFF0] =	vst v0  }
0x19b: {  	v0 =	vld [tilespmem:s21+$0xFFFFFFE0];
	v5 =	vadd.f32 v8, v7;
	[tilespmem:s19+$0xFFFFFF90] =	vst v9;
	s19 =	smov.u32 s22  }
0x19c: {  	v7 =	vld [tilespmem:s22+$0xFFFFFFC0];
	v1 =	vmov v3  }
0x19d: {  	v8 =	vld [tilespmem:s21+$0xFFFFFFF0];
	[tilespmem:s22+$0x0] =	vst v5  }
0x19e: {  	v2 =	vadd.f32 v2, v6;
	v6 =	vld [tilespmem:s22+$0xFFFFFFD0]  }
0x19f: {  	v9 =	vld [tilespmem:s21+$0x0]  }
.Ltmp10:
0x1a0: {  	[tilespmem:s22+$0xFFFFFFA0] =	vst v2;
	v2 =	vadd.f32 v0, v4;
	v0 =	vld [tilespmem:s22+$0xFFFFFFE0];
	(pc) =	sbr.rel @p0 .LBB2_23-.Ltmp10, $4  }
0x1a1: {  	v3 =	vld [tilespmem:s21+$0x10]  }
0x1a2: {  	[tilespmem:s22+$0xFFFFFFB0] =	vst v2;
	v7 =	vadd.f32 v8, v7;
	v2 =	vld [tilespmem:s22+$0xFFFFFFF0]  }
0x1a3: {  	v5 =	vld [tilespmem:s21+$0x20]  }
0x1a4: {  	s22 =	sadd.s32 $0x400, s22;
	v4 =	vld [tilespmem:s19+$0xFFFFFF90];
	[tilespmem:s19+$0xFFFFFFC0] =	vst v7;
	v6 =	vadd.f32 v9, v6  }
0x1a5: {  	_ = 	snop  }
0x1a6: {  	p0 =	slt.u32 s16, $0x1E  }
.Ltmp11:
0x1a7: {  	v0 =	vadd.f32 v3, v0;
	(pc) =	sbr.rel @p0 .LBB2_20-.Ltmp11, $4  }
0x1a8: {  	[tilespmem:s19+$0xFFFFFFD0] =	vst v6;
	v2 =	vadd.f32 v5, v2  }
0x1a9: {  	[tilespmem:s19+$0xFFFFFFE0] =	vst v0;
	v63 =	vadd.f32 v1, v4  }
0x1aa: {  	s20 =	sadd.s32 $0x2, s16;
	[tilespmem:s19+$0xFFFFFFF0] =	vst v2  }
0x1ab: {  	s18 =	sadd.s32 $0x800, s18;
	s17 =	sadd.s32 $0x1, s17;
	s16 =	smov.u32 s20;
	[tilespmem:s19+$0xFFFFFF90] =	vst v63  }
0x1ac: {  	s16 =	simm.s32 $0x0;
	s17 =	rddreg [dreg:$0xb]  }
0x1ad: {  	[hbm4b:s17+s16] =	stream.linear.scatter [tilespmem:s10], [sflag:$0x4], $0x8000, $0x38;
	[tilespmem:$0x11480] =	vst v63  }
0x1ae: {  	_ =	swait.ge [sflag:s14], $0x8000  }
0x1af: {  	[sflag:s14] =	ssyncset.done $0x0  }
0x1b0: {  	s23 =	rddreg [dreg:$0xc];
	[sflag:s14] =	ssyncadd.s32 $0xFFFF8000  }
0x1b1: {  	[tilespmem:s10], [sflag:$0x2] =	stream.linear.gather [hbm4b:s23+s16], $0x8000, $0x38;
	[tilespmem:$0x11480] =	vst v63  }
0x1b2: {  	_ =	swait.ge [sflag:s11], $0x8000  }
0x1b3: {  	[sflag:s11] =	ssyncset.done $0x0  }
0x1b4: {  	s18 =	simm.s32 $0x0;
	s17 =	simm.s32 $0x0;
	[sflag:s11] =	ssyncadd.s32 $0xFFFF8000  }
.LBB2_26:
0x1b5: {  	v0 =	vld [tilespmem:s16+$0x1080];
	_ =	sdelay $0x4  }
0x1b6: {  	(v2sf) =	vpush v0, $0x0;
	_ =	sdelay $0xa  }
0x1b7: {  	s19 =	sshll.u32 s18, $0x2;
	s20 =	sand.u32 $0x3, s17  }
0x1b8: {  	s19 =	sand.u32 $0xFFFF8000, s19;
	s20 =	sshll.u32 s20, $0xA  }
0x1b9: {  	s19 =	sor.u32 s20, s19  }
0x1ba: {  	s19 =	sshrl.u32 s19, $0x2  }
0x1bb: {  	s20 =	sor.u32 $0x14C0, s19;
	s21 =	spop (v2sf)  }
0x1bc: {  	v1 =	vld [tilespmem:s20+$0x30];
	s22 =	sshll.u32 s21, $0xC;
	s21 =	sand.u32 $0x3, s21  }
0x1bd: {  	v3 =	vld [tilespmem:s20+$0xFFFFFFD0];
	s23 =	sand.u32 $0xFFFFC000, s22;
	s21 =	sshll.u32 s21, $0x9  }
0x1be: {  	v5 =	vld [tilespmem:s20+$0xFFFFFFE0];
	s21 =	sor.u32 s21, s23  }
0x1bf: {  	v7 =	vld [tilespmem:s20+$0xFFFFFFF0];
	s21 =	sshra.s32 s21, $0x2  }
0x1c0: {  	v9 =	vld [tilespmem:s20+$0x0];
	s21 =	sor.u32 $0x40, s21  }
0x1c1: {  	v2 =	vld [tilespmem:s21+$0x30]  }
0x1c2: {  	v4 =	vld [tilespmem:s21+$0xFFFFFFD0]  }
0x1c3: {  	v8 =	vld [tilespmem:s21+$0xFFFFFFF0]  }
0x1c4: {  	v6 =	vld [tilespmem:s21+$0xFFFFFFE0]  }
0x1c5: {  	v0 =	vld [tilespmem:s21+$0xFFFFFFC0]  }
0x1c6: {  	v10 =	vld [tilespmem:s21+$0x0];
	v1 =	vadd.f32 v2, v1  }
0x1c7: {  	v3 =	vadd.f32 v4, v3;
	v2 =	vld [tilespmem:s20+$0x10]  }
0x1c8: {  	v4 =	vld [tilespmem:s21+$0x10];
	v7 =	vadd.f32 v8, v7;
	[tilespmem:s20+$0x30] =	vst v1  }
0x1c9: {  	v1 =	vadd.f32 v6, v5;
	[tilespmem:s20+$0xFFFFFFD0] =	vst v3;
	v3 =	vld [tilespmem:s20+$0x20]  }
0x1ca: {  	v6 =	vld [tilespmem:s21+$0x20];
	[tilespmem:s20+$0xFFFFFFF0] =	vst v7  }
0x1cb: {  	s19 =	sadd.s32 $0x1570, s19;
	s22 =	simm.s32 $0x0;
	s23 =	sadd.s32 $0x400, s20;
	v5 =	vld [tilespmem:s20+$0xFFFFFFC0];
	v7 =	vadd.f32 v10, v9;
	[tilespmem:s20+$0xFFFFFFE0] =	vst v1  }
.LBB2_27:
0x1cc: {  	v1 =	vld [tilespmem:s23+$0x30];
	s21 =	sadd.s32 $0x200, s21  }
0x1cd: {  	s22 =	sadd.s32 $0x80, s22;
	v8 =	vld [tilespmem:s21+$0x30];
	[tilespmem:s20+$0x0] =	vst v7;
	v2 =	vadd.f32 v4, v2  }
0x1ce: {  	p0 =	slt.u32 s22, $0x380;
	v4 =	vld [tilespmem:s21+$0xFFFFFFC0]  }
0x1cf: {  	v7 =	vld [tilespmem:s23+$0xFFFFFFD0];
	[tilespmem:s20+$0x10] =	vst v2;
	v2 =	vadd.f32 v6, v3  }
0x1d0: {  	v3 =	vld [tilespmem:s21+$0xFFFFFFD0];
	v9 =	vadd.f32 v0, v5  }
0x1d1: {  	v5 =	vld [tilespmem:s23+$0xFFFFFFE0];
	[tilespmem:s20+$0x20] =	vst v2  }
0x1d2: {  	v2 =	vld [tilespmem:s21+$0xFFFFFFE0];
	v1 =	vadd.f32 v8, v1;
	[tilespmem:s20+$0xFFFFFFC0] =	vst v9;
	s20 =	smov.u32 s23  }
0x1d3: {  	v6 =	vld [tilespmem:s23+$0xFFFFFFF0];
	v0 =	vmov v4  }
0x1d4: {  	v8 =	vld [tilespmem:s21+$0xFFFFFFF0];
	[tilespmem:s23+$0x30] =	vst v1  }
0x1d5: {  	v1 =	vadd.f32 v3, v7;
	v7 =	vld [tilespmem:s23+$0x0]  }
0x1d6: {  	v9 =	vld [tilespmem:s21+$0x0]  }
.Ltmp12:
0x1d7: {  	[tilespmem:s23+$0xFFFFFFD0] =	vst v1;
	v1 =	vadd.f32 v2, v5;
	v2 =	vld [tilespmem:s23+$0x10];
	(pc) =	sbr.rel @p0 .LBB2_27-.Ltmp12, $4  }
0x1d8: {  	v4 =	vld [tilespmem:s21+$0x10]  }
0x1d9: {  	[tilespmem:s23+$0xFFFFFFE0] =	vst v1;
	v1 =	vadd.f32 v8, v6;
	v3 =	vld [tilespmem:s23+$0x20]  }
0x1da: {  	v6 =	vld [tilespmem:s21+$0x20]  }
0x1db: {  	s23 =	sadd.s32 $0x400, s23;
	v5 =	vld [tilespmem:s20+$0xFFFFFFC0];
	[tilespmem:s20+$0xFFFFFFF0] =	vst v1;
	v7 =	vadd.f32 v9, v7  }
0x1dc: {  	v1 =	vld [tilespmem:s16+$0x1081];
	_ =	sdelay $0x4  }
0x1dd: {  	(v2sf) =	vpush v1, $0x0;
	_ =	sdelay $0xe  }
0x1de: {  	s21 =	spop (v2sf)  }
0x1df: {  	v8 =	vld [tilespmem:s19+$0x0];
	s22 =	sshll.u32 s21, $0xC;
	s21 =	sand.u32 $0x3, s21  }
0x1e0: {  	v10 =	vld [tilespmem:s19+$0xFFFFFFA0];
	s22 =	sand.u32 $0xFFFFC000, s22;
	s21 =	sshll.u32 s21, $0x9  }
0x1e1: {  	v12 =	vld [tilespmem:s19+$0xFFFFFFB0];
	s21 =	sor.u32 s21, s22  }
0x1e2: {  	v2 =	vadd.f32 v4, v2;
	v4 =	vld [tilespmem:s19+$0xFFFFFFC0];
	s21 =	sshra.s32 s21, $0x2  }
0x1e3: {  	[tilespmem:s20+$0x0] =	vst v7;
	v7 =	vld [tilespmem:s19+$0xFFFFFFD0];
	s21 =	sor.u32 $0x40, s21  }
0x1e4: {  	v9 =	vld [tilespmem:s21+$0x30]  }
0x1e5: {  	v11 =	vld [tilespmem:s21+$0xFFFFFFD0]  }
0x1e6: {  	v0 =	vadd.f32 v0, v5;
	v13 =	vld [tilespmem:s21+$0xFFFFFFE0]  }
0x1e7: {  	v3 =	vadd.f32 v6, v3;
	v6 =	vld [tilespmem:s21+$0xFFFFFFF0]  }
0x1e8: {  	[tilespmem:s20+$0xFFFFFFC0] =	vst v0;
	v0 =	vld [tilespmem:s19+$0xFFFFFFE0]  }
0x1e9: {  	[tilespmem:s20+$0x10] =	vst v2;
	v2 =	vadd.f32 v9, v8;
	v8 =	vld [tilespmem:s21+$0x0]  }
0x1ea: {  	[tilespmem:s20+$0x20] =	vst v3;
	v1 =	vld [tilespmem:s21+$0xFFFFFFC0];
	v5 =	vadd.f32 v11, v10  }
0x1eb: {  	v3 =	vld [tilespmem:s21+$0x10];
	v63 =	vadd.f32 v13, v12;
	[tilespmem:s19+$0x0] =	vst v2  }
0x1ec: {  	v6 =	vadd.f32 v6, v4;
	[tilespmem:s19+$0xFFFFFFA0] =	vst v5;
	v2 =	vld [tilespmem:s19+$0xFFFFFFF0]  }
0x1ed: {  	[tilespmem:s19+$0xFFFFFFB0] =	vst v63;
	v5 =	vld [tilespmem:s21+$0x20]  }
0x1ee: {  	s20 =	simm.s32 $0x0;
	s22 =	sadd.s32 $0x400, s19;
	v4 =	vld [tilespmem:s19+$0xFFFFFF90];
	[tilespmem:s19+$0xFFFFFFC0] =	vst v6;
	v6 =	vadd.f32 v8, v7  }
.LBB2_29:
0x1ef: {  	v7 =	vld [tilespmem:s22+$0x0];
	s21 =	sadd.s32 $0x200, s21  }
0x1f0: {  	s20 =	sadd.s32 $0x80, s20;
	v8 =	vld [tilespmem:s21+$0x30];
	[tilespmem:s19+$0xFFFFFFD0] =	vst v6;
	v0 =	vadd.f32 v3, v0  }
0x1f1: {  	p0 =	slt.u32 s20, $0x380;
	v3 =	vld [tilespmem:s21+$0xFFFFFFC0]  }
0x1f2: {  	v6 =	vld [tilespmem:s22+$0xFFFFFFA0];
	[tilespmem:s19+$0xFFFFFFE0] =	vst v0;
	v0 =	vadd.f32 v5, v2  }
0x1f3: {  	v2 =	vld [tilespmem:s21+$0xFFFFFFD0];
	v9 =	vadd.f32 v1, v4  }
0x1f4: {  	v4 =	vld [tilespmem:s22+$0xFFFFFFB0];
	[tilespmem:s19+$0xFFFFFFF0] =	vst v0  }
0x1f5: {  	v0 =	vld [tilespmem:s21+$0xFFFFFFE0];
	v5 =	vadd.f32 v8, v7;
	[tilespmem:s19+$0xFFFFFF90] =	vst v9;
	s19 =	smov.u32 s22  }
0x1f6: {  	v7 =	vld [tilespmem:s22+$0xFFFFFFC0];
	v1 =	vmov v3  }
0x1f7: {  	v8 =	vld [tilespmem:s21+$0xFFFFFFF0];
	[tilespmem:s22+$0x0] =	vst v5  }
0x1f8: {  	v2 =	vadd.f32 v2, v6;
	v6 =	vld [tilespmem:s22+$0xFFFFFFD0]  }
0x1f9: {  	v9 =	vld [tilespmem:s21+$0x0]  }
.Ltmp13:
0x1fa: {  	[tilespmem:s22+$0xFFFFFFA0] =	vst v2;
	v2 =	vadd.f32 v0, v4;
	v0 =	vld [tilespmem:s22+$0xFFFFFFE0];
	(pc) =	sbr.rel @p0 .LBB2_29-.Ltmp13, $4  }
0x1fb: {  	v3 =	vld [tilespmem:s21+$0x10]  }
0x1fc: {  	[tilespmem:s22+$0xFFFFFFB0] =	vst v2;
	v7 =	vadd.f32 v8, v7;
	v2 =	vld [tilespmem:s22+$0xFFFFFFF0]  }
0x1fd: {  	v5 =	vld [tilespmem:s21+$0x20]  }
0x1fe: {  	s22 =	sadd.s32 $0x400, s22;
	v4 =	vld [tilespmem:s19+$0xFFFFFF90];
	[tilespmem:s19+$0xFFFFFFC0] =	vst v7;
	v6 =	vadd.f32 v9, v6  }
0x1ff: {  	_ = 	snop  }
0x200: {  	p0 =	slt.u32 s16, $0x1E  }
.Ltmp14:
0x201: {  	v0 =	vadd.f32 v3, v0;
	(pc) =	sbr.rel @p0 .LBB2_26-.Ltmp14, $4  }
0x202: {  	[tilespmem:s19+$0xFFFFFFD0] =	vst v6;
	v2 =	vadd.f32 v5, v2  }
0x203: {  	[tilespmem:s19+$0xFFFFFFE0] =	vst v0;
	v63 =	vadd.f32 v1, v4  }
0x204: {  	s20 =	sadd.s32 $0x2, s16;
	[tilespmem:s19+$0xFFFFFFF0] =	vst v2  }
0x205: {  	s18 =	sadd.s32 $0x800, s18;
	s17 =	sadd.s32 $0x1, s17;
	s16 =	smov.u32 s20;
	[tilespmem:s19+$0xFFFFFF90] =	vst v63  }
0x206: {  	s16 =	simm.s32 $0x0;
	s17 =	rddreg [dreg:$0xd]  }
0x207: {  	[hbm4b:s17+s16] =	stream.linear.scatter [tilespmem:s9], [sflag:$0x3], $0x8000, $0x38;
	[tilespmem:$0x11480] =	vst v63  }
0x208: {  	_ =	swait.ge [sflag:s12], $0x8000  }
0x209: {  	[sflag:s12] =	ssyncset.done $0x0  }
0x20a: {  	s23 =	rddreg [dreg:$0xe];
	[sflag:s12] =	ssyncadd.s32 $0xFFFF8000  }
0x20b: {  	[tilespmem:s9], [sflag:$0x1] =	stream.linear.gather [hbm4b:s23+s16], $0x8000, $0x38;
	[tilespmem:$0x11480] =	vst v63  }
0x20c: {  	_ =	swait.ge [sflag:s13], $0x8000  }
0x20d: {  	[sflag:s13] =	ssyncset.done $0x0  }
0x20e: {  	s18 =	simm.s32 $0x0;
	s17 =	simm.s32 $0x0;
	[sflag:s13] =	ssyncadd.s32 $0xFFFF8000  }
.LBB2_32:
0x20f: {  	v0 =	vld [tilespmem:s16+$0x10A0];
	_ =	sdelay $0x4  }
0x210: {  	(v2sf) =	vpush v0, $0x0;
	_ =	sdelay $0xa  }
0x211: {  	s19 =	sshll.u32 s18, $0x2;
	s20 =	sand.u32 $0x3, s17  }
0x212: {  	s19 =	sand.u32 $0xFFFF8000, s19;
	s20 =	sshll.u32 s20, $0xA  }
0x213: {  	s19 =	sor.u32 s20, s19  }
0x214: {  	s19 =	sshrl.u32 s19, $0x2  }
0x215: {  	s20 =	sadd.s32 $0x94C0, s19;
	s21 =	spop (v2sf)  }
0x216: {  	v1 =	vld [tilespmem:s20+$0x30];
	s22 =	sshll.u32 s21, $0xC;
	s21 =	sand.u32 $0x3, s21  }
0x217: {  	v3 =	vld [tilespmem:s20+$0xFFFFFFD0];
	s23 =	sand.u32 $0xFFFFC000, s22;
	s21 =	sshll.u32 s21, $0x9  }
0x218: {  	v5 =	vld [tilespmem:s20+$0xFFFFFFE0];
	s21 =	sor.u32 s21, s23  }
0x219: {  	v7 =	vld [tilespmem:s20+$0xFFFFFFF0];
	s21 =	sshra.s32 s21, $0x2  }
0x21a: {  	v9 =	vld [tilespmem:s20+$0x0];
	s21 =	sor.u32 $0x40, s21  }
0x21b: {  	v2 =	vld [tilespmem:s21+$0x30]  }
0x21c: {  	v4 =	vld [tilespmem:s21+$0xFFFFFFD0]  }
0x21d: {  	v8 =	vld [tilespmem:s21+$0xFFFFFFF0]  }
0x21e: {  	v6 =	vld [tilespmem:s21+$0xFFFFFFE0]  }
0x21f: {  	v0 =	vld [tilespmem:s21+$0xFFFFFFC0]  }
0x220: {  	v10 =	vld [tilespmem:s21+$0x0];
	v1 =	vadd.f32 v2, v1  }
0x221: {  	v3 =	vadd.f32 v4, v3;
	v2 =	vld [tilespmem:s20+$0x10]  }
0x222: {  	v4 =	vld [tilespmem:s21+$0x10];
	v7 =	vadd.f32 v8, v7;
	[tilespmem:s20+$0x30] =	vst v1  }
0x223: {  	v1 =	vadd.f32 v6, v5;
	[tilespmem:s20+$0xFFFFFFD0] =	vst v3;
	v3 =	vld [tilespmem:s20+$0x20]  }
0x224: {  	v6 =	vld [tilespmem:s21+$0x20];
	[tilespmem:s20+$0xFFFFFFF0] =	vst v7  }
0x225: {  	s19 =	sadd.s32 $0x9570, s19;
	s22 =	simm.s32 $0x0;
	s23 =	sadd.s32 $0x400, s20;
	v5 =	vld [tilespmem:s20+$0xFFFFFFC0];
	v7 =	vadd.f32 v10, v9;
	[tilespmem:s20+$0xFFFFFFE0] =	vst v1  }
.LBB2_33:
0x226: {  	v1 =	vld [tilespmem:s23+$0x30];
	s21 =	sadd.s32 $0x200, s21  }
0x227: {  	s22 =	sadd.s32 $0x80, s22;
	v8 =	vld [tilespmem:s21+$0x30];
	[tilespmem:s20+$0x0] =	vst v7;
	v2 =	vadd.f32 v4, v2  }
0x228: {  	p0 =	slt.u32 s22, $0x380;
	v4 =	vld [tilespmem:s21+$0xFFFFFFC0]  }
0x229: {  	v7 =	vld [tilespmem:s23+$0xFFFFFFD0];
	[tilespmem:s20+$0x10] =	vst v2;
	v2 =	vadd.f32 v6, v3  }
0x22a: {  	v3 =	vld [tilespmem:s21+$0xFFFFFFD0];
	v9 =	vadd.f32 v0, v5  }
0x22b: {  	v5 =	vld [tilespmem:s23+$0xFFFFFFE0];
	[tilespmem:s20+$0x20] =	vst v2  }
0x22c: {  	v2 =	vld [tilespmem:s21+$0xFFFFFFE0];
	v1 =	vadd.f32 v8, v1;
	[tilespmem:s20+$0xFFFFFFC0] =	vst v9;
	s20 =	smov.u32 s23  }
0x22d: {  	v6 =	vld [tilespmem:s23+$0xFFFFFFF0];
	v0 =	vmov v4  }
0x22e: {  	v8 =	vld [tilespmem:s21+$0xFFFFFFF0];
	[tilespmem:s23+$0x30] =	vst v1  }
0x22f: {  	v1 =	vadd.f32 v3, v7;
	v7 =	vld [tilespmem:s23+$0x0]  }
0x230: {  	v9 =	vld [tilespmem:s21+$0x0]  }
.Ltmp15:
0x231: {  	[tilespmem:s23+$0xFFFFFFD0] =	vst v1;
	v1 =	vadd.f32 v2, v5;
	v2 =	vld [tilespmem:s23+$0x10];
	(pc) =	sbr.rel @p0 .LBB2_33-.Ltmp15, $4  }
0x232: {  	v4 =	vld [tilespmem:s21+$0x10]  }
0x233: {  	[tilespmem:s23+$0xFFFFFFE0] =	vst v1;
	v1 =	vadd.f32 v8, v6;
	v3 =	vld [tilespmem:s23+$0x20]  }
0x234: {  	v6 =	vld [tilespmem:s21+$0x20]  }
0x235: {  	s23 =	sadd.s32 $0x400, s23;
	v5 =	vld [tilespmem:s20+$0xFFFFFFC0];
	[tilespmem:s20+$0xFFFFFFF0] =	vst v1;
	v7 =	vadd.f32 v9, v7  }
0x236: {  	v1 =	vld [tilespmem:s16+$0x10A1];
	_ =	sdelay $0x4  }
0x237: {  	(v2sf) =	vpush v1, $0x0;
	_ =	sdelay $0xe  }
0x238: {  	s21 =	spop (v2sf)  }
0x239: {  	v8 =	vld [tilespmem:s19+$0x0];
	s22 =	sshll.u32 s21, $0xC;
	s21 =	sand.u32 $0x3, s21  }
0x23a: {  	v10 =	vld [tilespmem:s19+$0xFFFFFFA0];
	s22 =	sand.u32 $0xFFFFC000, s22;
	s21 =	sshll.u32 s21, $0x9  }
0x23b: {  	v12 =	vld [tilespmem:s19+$0xFFFFFFB0];
	s21 =	sor.u32 s21, s22  }
0x23c: {  	v2 =	vadd.f32 v4, v2;
	v4 =	vld [tilespmem:s19+$0xFFFFFFC0];
	s21 =	sshra.s32 s21, $0x2  }
0x23d: {  	[tilespmem:s20+$0x0] =	vst v7;
	v7 =	vld [tilespmem:s19+$0xFFFFFFD0];
	s21 =	sor.u32 $0x40, s21  }
0x23e: {  	v9 =	vld [tilespmem:s21+$0x30]  }
0x23f: {  	v11 =	vld [tilespmem:s21+$0xFFFFFFD0]  }
0x240: {  	v0 =	vadd.f32 v0, v5;
	v13 =	vld [tilespmem:s21+$0xFFFFFFE0]  }
0x241: {  	v3 =	vadd.f32 v6, v3;
	v6 =	vld [tilespmem:s21+$0xFFFFFFF0]  }
0x242: {  	[tilespmem:s20+$0xFFFFFFC0] =	vst v0;
	v0 =	vld [tilespmem:s19+$0xFFFFFFE0]  }
0x243: {  	[tilespmem:s20+$0x10] =	vst v2;
	v2 =	vadd.f32 v9, v8;
	v8 =	vld [tilespmem:s21+$0x0]  }
0x244: {  	[tilespmem:s20+$0x20] =	vst v3;
	v1 =	vld [tilespmem:s21+$0xFFFFFFC0];
	v5 =	vadd.f32 v11, v10  }
0x245: {  	v3 =	vld [tilespmem:s21+$0x10];
	v63 =	vadd.f32 v13, v12;
	[tilespmem:s19+$0x0] =	vst v2  }
0x246: {  	v6 =	vadd.f32 v6, v4;
	[tilespmem:s19+$0xFFFFFFA0] =	vst v5;
	v2 =	vld [tilespmem:s19+$0xFFFFFFF0]  }
0x247: {  	[tilespmem:s19+$0xFFFFFFB0] =	vst v63;
	v5 =	vld [tilespmem:s21+$0x20]  }
0x248: {  	s20 =	simm.s32 $0x0;
	s22 =	sadd.s32 $0x400, s19;
	v4 =	vld [tilespmem:s19+$0xFFFFFF90];
	[tilespmem:s19+$0xFFFFFFC0] =	vst v6;
	v6 =	vadd.f32 v8, v7  }
.LBB2_35:
0x249: {  	v7 =	vld [tilespmem:s22+$0x0];
	s21 =	sadd.s32 $0x200, s21  }
0x24a: {  	s20 =	sadd.s32 $0x80, s20;
	v8 =	vld [tilespmem:s21+$0x30];
	[tilespmem:s19+$0xFFFFFFD0] =	vst v6;
	v0 =	vadd.f32 v3, v0  }
0x24b: {  	p0 =	slt.u32 s20, $0x380;
	v3 =	vld [tilespmem:s21+$0xFFFFFFC0]  }
0x24c: {  	v6 =	vld [tilespmem:s22+$0xFFFFFFA0];
	[tilespmem:s19+$0xFFFFFFE0] =	vst v0;
	v0 =	vadd.f32 v5, v2  }
0x24d: {  	v2 =	vld [tilespmem:s21+$0xFFFFFFD0];
	v9 =	vadd.f32 v1, v4  }
0x24e: {  	v4 =	vld [tilespmem:s22+$0xFFFFFFB0];
	[tilespmem:s19+$0xFFFFFFF0] =	vst v0  }
0x24f: {  	v0 =	vld [tilespmem:s21+$0xFFFFFFE0];
	v5 =	vadd.f32 v8, v7;
	[tilespmem:s19+$0xFFFFFF90] =	vst v9;
	s19 =	smov.u32 s22  }
0x250: {  	v7 =	vld [tilespmem:s22+$0xFFFFFFC0];
	v1 =	vmov v3  }
0x251: {  	v8 =	vld [tilespmem:s21+$0xFFFFFFF0];
	[tilespmem:s22+$0x0] =	vst v5  }
0x252: {  	v2 =	vadd.f32 v2, v6;
	v6 =	vld [tilespmem:s22+$0xFFFFFFD0]  }
0x253: {  	v9 =	vld [tilespmem:s21+$0x0]  }
.Ltmp16:
0x254: {  	[tilespmem:s22+$0xFFFFFFA0] =	vst v2;
	v2 =	vadd.f32 v0, v4;
	v0 =	vld [tilespmem:s22+$0xFFFFFFE0];
	(pc) =	sbr.rel @p0 .LBB2_35-.Ltmp16, $4  }
0x255: {  	v3 =	vld [tilespmem:s21+$0x10]  }
0x256: {  	[tilespmem:s22+$0xFFFFFFB0] =	vst v2;
	v7 =	vadd.f32 v8, v7;
	v2 =	vld [tilespmem:s22+$0xFFFFFFF0]  }
0x257: {  	v5 =	vld [tilespmem:s21+$0x20]  }
0x258: {  	s22 =	sadd.s32 $0x400, s22;
	v4 =	vld [tilespmem:s19+$0xFFFFFF90];
	[tilespmem:s19+$0xFFFFFFC0] =	vst v7;
	v6 =	vadd.f32 v9, v6  }
0x259: {  	_ = 	snop  }
0x25a: {  	p0 =	slt.u32 s16, $0x1E  }
.Ltmp17:
0x25b: {  	v0 =	vadd.f32 v3, v0;
	(pc) =	sbr.rel @p0 .LBB2_32-.Ltmp17, $4  }
0x25c: {  	[tilespmem:s19+$0xFFFFFFD0] =	vst v6;
	v2 =	vadd.f32 v5, v2  }
0x25d: {  	[tilespmem:s19+$0xFFFFFFE0] =	vst v0;
	v63 =	vadd.f32 v1, v4  }
0x25e: {  	s20 =	sadd.s32 $0x2, s16;
	[tilespmem:s19+$0xFFFFFFF0] =	vst v2  }
0x25f: {  	s18 =	sadd.s32 $0x800, s18;
	s17 =	sadd.s32 $0x1, s17;
	s16 =	smov.u32 s20;
	[tilespmem:s19+$0xFFFFFF90] =	vst v63  }
0x260: {  	s16 =	simm.s32 $0x0;
	s17 =	rddreg [dreg:$0xf]  }
0x261: {  	[hbm4b:s17+s16] =	stream.linear.scatter [tilespmem:s10], [sflag:$0x4], $0x8000, $0x38;
	[tilespmem:$0x11480] =	vst v63  }
0x262: {  	_ =	swait.ge [sflag:s14], $0x8000  }
0x263: {  	[sflag:s14] =	ssyncset.done $0x0  }
0x264: {  	s23 =	rddreg [dreg:$0x10];
	[sflag:s14] =	ssyncadd.s32 $0xFFFF8000  }
0x265: {  	[tilespmem:s10], [sflag:$0x2] =	stream.linear.gather [hbm4b:s23+s16], $0x8000, $0x38;
	[tilespmem:$0x11480] =	vst v63  }
0x266: {  	_ =	swait.ge [sflag:s11], $0x8000  }
0x267: {  	[sflag:s11] =	ssyncset.done $0x0  }
0x268: {  	s18 =	simm.s32 $0x0;
	s17 =	simm.s32 $0x0;
	[sflag:s11] =	ssyncadd.s32 $0xFFFF8000  }
.LBB2_38:
0x269: {  	v0 =	vld [tilespmem:s16+$0x10C0];
	_ =	sdelay $0x4  }
0x26a: {  	(v2sf) =	vpush v0, $0x0;
	_ =	sdelay $0xa  }
0x26b: {  	s19 =	sshll.u32 s18, $0x2;
	s20 =	sand.u32 $0x3, s17  }
0x26c: {  	s19 =	sand.u32 $0xFFFF8000, s19;
	s20 =	sshll.u32 s20, $0xA  }
0x26d: {  	s19 =	sor.u32 s20, s19  }
0x26e: {  	s19 =	sshrl.u32 s19, $0x2  }
0x26f: {  	s20 =	sor.u32 $0x14C0, s19;
	s21 =	spop (v2sf)  }
0x270: {  	v1 =	vld [tilespmem:s20+$0x30];
	s22 =	sshll.u32 s21, $0xC;
	s21 =	sand.u32 $0x3, s21  }
0x271: {  	v3 =	vld [tilespmem:s20+$0xFFFFFFD0];
	s23 =	sand.u32 $0xFFFFC000, s22;
	s21 =	sshll.u32 s21, $0x9  }
0x272: {  	v5 =	vld [tilespmem:s20+$0xFFFFFFE0];
	s21 =	sor.u32 s21, s23  }
0x273: {  	v7 =	vld [tilespmem:s20+$0xFFFFFFF0];
	s21 =	sshra.s32 s21, $0x2  }
0x274: {  	v9 =	vld [tilespmem:s20+$0x0];
	s21 =	sor.u32 $0x40, s21  }
0x275: {  	v2 =	vld [tilespmem:s21+$0x30]  }
0x276: {  	v4 =	vld [tilespmem:s21+$0xFFFFFFD0]  }
0x277: {  	v8 =	vld [tilespmem:s21+$0xFFFFFFF0]  }
0x278: {  	v6 =	vld [tilespmem:s21+$0xFFFFFFE0]  }
0x279: {  	v0 =	vld [tilespmem:s21+$0xFFFFFFC0]  }
0x27a: {  	v10 =	vld [tilespmem:s21+$0x0];
	v1 =	vadd.f32 v2, v1  }
0x27b: {  	v3 =	vadd.f32 v4, v3;
	v2 =	vld [tilespmem:s20+$0x10]  }
0x27c: {  	v4 =	vld [tilespmem:s21+$0x10];
	v7 =	vadd.f32 v8, v7;
	[tilespmem:s20+$0x30] =	vst v1  }
0x27d: {  	v1 =	vadd.f32 v6, v5;
	[tilespmem:s20+$0xFFFFFFD0] =	vst v3;
	v3 =	vld [tilespmem:s20+$0x20]  }
0x27e: {  	v6 =	vld [tilespmem:s21+$0x20];
	[tilespmem:s20+$0xFFFFFFF0] =	vst v7  }
0x27f: {  	s19 =	sadd.s32 $0x1570, s19;
	s22 =	simm.s32 $0x0;
	s23 =	sadd.s32 $0x400, s20;
	v5 =	vld [tilespmem:s20+$0xFFFFFFC0];
	v7 =	vadd.f32 v10, v9;
	[tilespmem:s20+$0xFFFFFFE0] =	vst v1  }
.LBB2_39:
0x280: {  	v1 =	vld [tilespmem:s23+$0x30];
	s21 =	sadd.s32 $0x200, s21  }
0x281: {  	s22 =	sadd.s32 $0x80, s22;
	v8 =	vld [tilespmem:s21+$0x30];
	[tilespmem:s20+$0x0] =	vst v7;
	v2 =	vadd.f32 v4, v2  }
0x282: {  	p0 =	slt.u32 s22, $0x380;
	v4 =	vld [tilespmem:s21+$0xFFFFFFC0]  }
0x283: {  	v7 =	vld [tilespmem:s23+$0xFFFFFFD0];
	[tilespmem:s20+$0x10] =	vst v2;
	v2 =	vadd.f32 v6, v3  }
0x284: {  	v3 =	vld [tilespmem:s21+$0xFFFFFFD0];
	v9 =	vadd.f32 v0, v5  }
0x285: {  	v5 =	vld [tilespmem:s23+$0xFFFFFFE0];
	[tilespmem:s20+$0x20] =	vst v2  }
0x286: {  	v2 =	vld [tilespmem:s21+$0xFFFFFFE0];
	v1 =	vadd.f32 v8, v1;
	[tilespmem:s20+$0xFFFFFFC0] =	vst v9;
	s20 =	smov.u32 s23  }
0x287: {  	v6 =	vld [tilespmem:s23+$0xFFFFFFF0];
	v0 =	vmov v4  }
0x288: {  	v8 =	vld [tilespmem:s21+$0xFFFFFFF0];
	[tilespmem:s23+$0x30] =	vst v1  }
0x289: {  	v1 =	vadd.f32 v3, v7;
	v7 =	vld [tilespmem:s23+$0x0]  }
0x28a: {  	v9 =	vld [tilespmem:s21+$0x0]  }
.Ltmp18:
0x28b: {  	[tilespmem:s23+$0xFFFFFFD0] =	vst v1;
	v1 =	vadd.f32 v2, v5;
	v2 =	vld [tilespmem:s23+$0x10];
	(pc) =	sbr.rel @p0 .LBB2_39-.Ltmp18, $4  }
0x28c: {  	v4 =	vld [tilespmem:s21+$0x10]  }
0x28d: {  	[tilespmem:s23+$0xFFFFFFE0] =	vst v1;
	v1 =	vadd.f32 v8, v6;
	v3 =	vld [tilespmem:s23+$0x20]  }
0x28e: {  	v6 =	vld [tilespmem:s21+$0x20]  }
0x28f: {  	s23 =	sadd.s32 $0x400, s23;
	v5 =	vld [tilespmem:s20+$0xFFFFFFC0];
	[tilespmem:s20+$0xFFFFFFF0] =	vst v1;
	v7 =	vadd.f32 v9, v7  }
0x290: {  	v1 =	vld [tilespmem:s16+$0x10C1];
	_ =	sdelay $0x4  }
0x291: {  	(v2sf) =	vpush v1, $0x0;
	_ =	sdelay $0xe  }
0x292: {  	s21 =	spop (v2sf)  }
0x293: {  	v8 =	vld [tilespmem:s19+$0x0];
	s22 =	sshll.u32 s21, $0xC;
	s21 =	sand.u32 $0x3, s21  }
0x294: {  	v10 =	vld [tilespmem:s19+$0xFFFFFFA0];
	s22 =	sand.u32 $0xFFFFC000, s22;
	s21 =	sshll.u32 s21, $0x9  }
0x295: {  	v12 =	vld [tilespmem:s19+$0xFFFFFFB0];
	s21 =	sor.u32 s21, s22  }
0x296: {  	v2 =	vadd.f32 v4, v2;
	v4 =	vld [tilespmem:s19+$0xFFFFFFC0];
	s21 =	sshra.s32 s21, $0x2  }
0x297: {  	[tilespmem:s20+$0x0] =	vst v7;
	v7 =	vld [tilespmem:s19+$0xFFFFFFD0];
	s21 =	sor.u32 $0x40, s21  }
0x298: {  	v9 =	vld [tilespmem:s21+$0x30]  }
0x299: {  	v11 =	vld [tilespmem:s21+$0xFFFFFFD0]  }
0x29a: {  	v0 =	vadd.f32 v0, v5;
	v13 =	vld [tilespmem:s21+$0xFFFFFFE0]  }
0x29b: {  	v3 =	vadd.f32 v6, v3;
	v6 =	vld [tilespmem:s21+$0xFFFFFFF0]  }
0x29c: {  	[tilespmem:s20+$0xFFFFFFC0] =	vst v0;
	v0 =	vld [tilespmem:s19+$0xFFFFFFE0]  }
0x29d: {  	[tilespmem:s20+$0x10] =	vst v2;
	v2 =	vadd.f32 v9, v8;
	v8 =	vld [tilespmem:s21+$0x0]  }
0x29e: {  	[tilespmem:s20+$0x20] =	vst v3;
	v1 =	vld [tilespmem:s21+$0xFFFFFFC0];
	v5 =	vadd.f32 v11, v10  }
0x29f: {  	v3 =	vld [tilespmem:s21+$0x10];
	v63 =	vadd.f32 v13, v12;
	[tilespmem:s19+$0x0] =	vst v2  }
0x2a0: {  	v6 =	vadd.f32 v6, v4;
	[tilespmem:s19+$0xFFFFFFA0] =	vst v5;
	v2 =	vld [tilespmem:s19+$0xFFFFFFF0]  }
0x2a1: {  	[tilespmem:s19+$0xFFFFFFB0] =	vst v63;
	v5 =	vld [tilespmem:s21+$0x20]  }
0x2a2: {  	s20 =	simm.s32 $0x0;
	s22 =	sadd.s32 $0x400, s19;
	v4 =	vld [tilespmem:s19+$0xFFFFFF90];
	[tilespmem:s19+$0xFFFFFFC0] =	vst v6;
	v6 =	vadd.f32 v8, v7  }
.LBB2_41:
0x2a3: {  	v7 =	vld [tilespmem:s22+$0x0];
	s21 =	sadd.s32 $0x200, s21  }
0x2a4: {  	s20 =	sadd.s32 $0x80, s20;
	v8 =	vld [tilespmem:s21+$0x30];
	[tilespmem:s19+$0xFFFFFFD0] =	vst v6;
	v0 =	vadd.f32 v3, v0  }
0x2a5: {  	p0 =	slt.u32 s20, $0x380;
	v3 =	vld [tilespmem:s21+$0xFFFFFFC0]  }
0x2a6: {  	v6 =	vld [tilespmem:s22+$0xFFFFFFA0];
	[tilespmem:s19+$0xFFFFFFE0] =	vst v0;
	v0 =	vadd.f32 v5, v2  }
0x2a7: {  	v2 =	vld [tilespmem:s21+$0xFFFFFFD0];
	v9 =	vadd.f32 v1, v4  }
0x2a8: {  	v4 =	vld [tilespmem:s22+$0xFFFFFFB0];
	[tilespmem:s19+$0xFFFFFFF0] =	vst v0  }
0x2a9: {  	v0 =	vld [tilespmem:s21+$0xFFFFFFE0];
	v5 =	vadd.f32 v8, v7;
	[tilespmem:s19+$0xFFFFFF90] =	vst v9;
	s19 =	smov.u32 s22  }
0x2aa: {  	v7 =	vld [tilespmem:s22+$0xFFFFFFC0];
	v1 =	vmov v3  }
0x2ab: {  	v8 =	vld [tilespmem:s21+$0xFFFFFFF0];
	[tilespmem:s22+$0x0] =	vst v5  }
0x2ac: {  	v2 =	vadd.f32 v2, v6;
	v6 =	vld [tilespmem:s22+$0xFFFFFFD0]  }
0x2ad: {  	v9 =	vld [tilespmem:s21+$0x0]  }
.Ltmp19:
0x2ae: {  	[tilespmem:s22+$0xFFFFFFA0] =	vst v2;
	v2 =	vadd.f32 v0, v4;
	v0 =	vld [tilespmem:s22+$0xFFFFFFE0];
	(pc) =	sbr.rel @p0 .LBB2_41-.Ltmp19, $4  }
0x2af: {  	v3 =	vld [tilespmem:s21+$0x10]  }
0x2b0: {  	[tilespmem:s22+$0xFFFFFFB0] =	vst v2;
	v7 =	vadd.f32 v8, v7;
	v2 =	vld [tilespmem:s22+$0xFFFFFFF0]  }
0x2b1: {  	v5 =	vld [tilespmem:s21+$0x20]  }
0x2b2: {  	s22 =	sadd.s32 $0x400, s22;
	v4 =	vld [tilespmem:s19+$0xFFFFFF90];
	[tilespmem:s19+$0xFFFFFFC0] =	vst v7;
	v6 =	vadd.f32 v9, v6  }
0x2b3: {  	_ = 	snop  }
0x2b4: {  	p0 =	slt.u32 s16, $0x1E  }
.Ltmp20:
0x2b5: {  	v0 =	vadd.f32 v3, v0;
	(pc) =	sbr.rel @p0 .LBB2_38-.Ltmp20, $4  }
0x2b6: {  	[tilespmem:s19+$0xFFFFFFD0] =	vst v6;
	v2 =	vadd.f32 v5, v2  }
0x2b7: {  	[tilespmem:s19+$0xFFFFFFE0] =	vst v0;
	v63 =	vadd.f32 v1, v4  }
0x2b8: {  	s20 =	sadd.s32 $0x2, s16;
	[tilespmem:s19+$0xFFFFFFF0] =	vst v2  }
0x2b9: {  	s18 =	sadd.s32 $0x800, s18;
	s17 =	sadd.s32 $0x1, s17;
	s16 =	smov.u32 s20;
	[tilespmem:s19+$0xFFFFFF90] =	vst v63  }
0x2ba: {  	s16 =	simm.s32 $0x0;
	s17 =	rddreg [dreg:$0x11]  }
0x2bb: {  	[hbm4b:s17+s16] =	stream.linear.scatter [tilespmem:s9], [sflag:$0x3], $0x8000, $0x38;
	[tilespmem:$0x11480] =	vst v63  }
0x2bc: {  	_ =	swait.ge [sflag:s12], $0x8000  }
0x2bd: {  	[sflag:s12] =	ssyncset.done $0x0  }
0x2be: {  	s23 =	rddreg [dreg:$0x12];
	[sflag:s12] =	ssyncadd.s32 $0xFFFF8000  }
0x2bf: {  	[tilespmem:s9], [sflag:$0x1] =	stream.linear.gather [hbm4b:s23+s16], $0x8000, $0x38;
	[tilespmem:$0x11480] =	vst v63  }
0x2c0: {  	_ =	swait.ge [sflag:s13], $0x8000  }
0x2c1: {  	[sflag:s13] =	ssyncset.done $0x0  }
0x2c2: {  	s18 =	simm.s32 $0x0;
	s17 =	simm.s32 $0x0;
	[sflag:s13] =	ssyncadd.s32 $0xFFFF8000  }
.LBB2_44:
0x2c3: {  	v0 =	vld [tilespmem:s16+$0x10E0];
	_ =	sdelay $0x4  }
0x2c4: {  	(v2sf) =	vpush v0, $0x0;
	_ =	sdelay $0xa  }
0x2c5: {  	s19 =	sshll.u32 s18, $0x2;
	s20 =	sand.u32 $0x3, s17  }
0x2c6: {  	s19 =	sand.u32 $0xFFFF8000, s19;
	s20 =	sshll.u32 s20, $0xA  }
0x2c7: {  	s19 =	sor.u32 s20, s19  }
0x2c8: {  	s19 =	sshrl.u32 s19, $0x2  }
0x2c9: {  	s20 =	sadd.s32 $0x94C0, s19;
	s21 =	spop (v2sf)  }
0x2ca: {  	v1 =	vld [tilespmem:s20+$0x30];
	s22 =	sshll.u32 s21, $0xC;
	s21 =	sand.u32 $0x3, s21  }
0x2cb: {  	v3 =	vld [tilespmem:s20+$0xFFFFFFD0];
	s23 =	sand.u32 $0xFFFFC000, s22;
	s21 =	sshll.u32 s21, $0x9  }
0x2cc: {  	v5 =	vld [tilespmem:s20+$0xFFFFFFE0];
	s21 =	sor.u32 s21, s23  }
0x2cd: {  	v7 =	vld [tilespmem:s20+$0xFFFFFFF0];
	s21 =	sshra.s32 s21, $0x2  }
0x2ce: {  	v9 =	vld [tilespmem:s20+$0x0];
	s21 =	sor.u32 $0x40, s21  }
0x2cf: {  	v2 =	vld [tilespmem:s21+$0x30]  }
0x2d0: {  	v4 =	vld [tilespmem:s21+$0xFFFFFFD0]  }
0x2d1: {  	v8 =	vld [tilespmem:s21+$0xFFFFFFF0]  }
0x2d2: {  	v6 =	vld [tilespmem:s21+$0xFFFFFFE0]  }
0x2d3: {  	v0 =	vld [tilespmem:s21+$0xFFFFFFC0]  }
0x2d4: {  	v10 =	vld [tilespmem:s21+$0x0];
	v1 =	vadd.f32 v2, v1  }
0x2d5: {  	v3 =	vadd.f32 v4, v3;
	v2 =	vld [tilespmem:s20+$0x10]  }
0x2d6: {  	v4 =	vld [tilespmem:s21+$0x10];
	v7 =	vadd.f32 v8, v7;
	[tilespmem:s20+$0x30] =	vst v1  }
0x2d7: {  	v1 =	vadd.f32 v6, v5;
	[tilespmem:s20+$0xFFFFFFD0] =	vst v3;
	v3 =	vld [tilespmem:s20+$0x20]  }
0x2d8: {  	v6 =	vld [tilespmem:s21+$0x20];
	[tilespmem:s20+$0xFFFFFFF0] =	vst v7  }
0x2d9: {  	s19 =	sadd.s32 $0x9570, s19;
	s22 =	simm.s32 $0x0;
	s23 =	sadd.s32 $0x400, s20;
	v5 =	vld [tilespmem:s20+$0xFFFFFFC0];
	v7 =	vadd.f32 v10, v9;
	[tilespmem:s20+$0xFFFFFFE0] =	vst v1  }
.LBB2_45:
0x2da: {  	v1 =	vld [tilespmem:s23+$0x30];
	s21 =	sadd.s32 $0x200, s21  }
0x2db: {  	s22 =	sadd.s32 $0x80, s22;
	v8 =	vld [tilespmem:s21+$0x30];
	[tilespmem:s20+$0x0] =	vst v7;
	v2 =	vadd.f32 v4, v2  }
0x2dc: {  	p0 =	slt.u32 s22, $0x380;
	v4 =	vld [tilespmem:s21+$0xFFFFFFC0]  }
0x2dd: {  	v7 =	vld [tilespmem:s23+$0xFFFFFFD0];
	[tilespmem:s20+$0x10] =	vst v2;
	v2 =	vadd.f32 v6, v3  }
0x2de: {  	v3 =	vld [tilespmem:s21+$0xFFFFFFD0];
	v9 =	vadd.f32 v0, v5  }
0x2df: {  	v5 =	vld [tilespmem:s23+$0xFFFFFFE0];
	[tilespmem:s20+$0x20] =	vst v2  }
0x2e0: {  	v2 =	vld [tilespmem:s21+$0xFFFFFFE0];
	v1 =	vadd.f32 v8, v1;
	[tilespmem:s20+$0xFFFFFFC0] =	vst v9;
	s20 =	smov.u32 s23  }
0x2e1: {  	v6 =	vld [tilespmem:s23+$0xFFFFFFF0];
	v0 =	vmov v4  }
0x2e2: {  	v8 =	vld [tilespmem:s21+$0xFFFFFFF0];
	[tilespmem:s23+$0x30] =	vst v1  }
0x2e3: {  	v1 =	vadd.f32 v3, v7;
	v7 =	vld [tilespmem:s23+$0x0]  }
0x2e4: {  	v9 =	vld [tilespmem:s21+$0x0]  }
.Ltmp21:
0x2e5: {  	[tilespmem:s23+$0xFFFFFFD0] =	vst v1;
	v1 =	vadd.f32 v2, v5;
	v2 =	vld [tilespmem:s23+$0x10];
	(pc) =	sbr.rel @p0 .LBB2_45-.Ltmp21, $4  }
0x2e6: {  	v4 =	vld [tilespmem:s21+$0x10]  }
0x2e7: {  	[tilespmem:s23+$0xFFFFFFE0] =	vst v1;
	v1 =	vadd.f32 v8, v6;
	v3 =	vld [tilespmem:s23+$0x20]  }
0x2e8: {  	v6 =	vld [tilespmem:s21+$0x20]  }
0x2e9: {  	s23 =	sadd.s32 $0x400, s23;
	v5 =	vld [tilespmem:s20+$0xFFFFFFC0];
	[tilespmem:s20+$0xFFFFFFF0] =	vst v1;
	v7 =	vadd.f32 v9, v7  }
0x2ea: {  	v1 =	vld [tilespmem:s16+$0x10E1];
	_ =	sdelay $0x4  }
0x2eb: {  	(v2sf) =	vpush v1, $0x0;
	_ =	sdelay $0xe  }
0x2ec: {  	s21 =	spop (v2sf)  }
0x2ed: {  	v8 =	vld [tilespmem:s19+$0x0];
	s22 =	sshll.u32 s21, $0xC;
	s21 =	sand.u32 $0x3, s21  }
0x2ee: {  	v10 =	vld [tilespmem:s19+$0xFFFFFFA0];
	s22 =	sand.u32 $0xFFFFC000, s22;
	s21 =	sshll.u32 s21, $0x9  }
0x2ef: {  	v12 =	vld [tilespmem:s19+$0xFFFFFFB0];
	s21 =	sor.u32 s21, s22  }
0x2f0: {  	v2 =	vadd.f32 v4, v2;
	v4 =	vld [tilespmem:s19+$0xFFFFFFC0];
	s21 =	sshra.s32 s21, $0x2  }
0x2f1: {  	[tilespmem:s20+$0x0] =	vst v7;
	v7 =	vld [tilespmem:s19+$0xFFFFFFD0];
	s21 =	sor.u32 $0x40, s21  }
0x2f2: {  	v9 =	vld [tilespmem:s21+$0x30]  }
0x2f3: {  	v11 =	vld [tilespmem:s21+$0xFFFFFFD0]  }
0x2f4: {  	v0 =	vadd.f32 v0, v5;
	v13 =	vld [tilespmem:s21+$0xFFFFFFE0]  }
0x2f5: {  	v3 =	vadd.f32 v6, v3;
	v6 =	vld [tilespmem:s21+$0xFFFFFFF0]  }
0x2f6: {  	[tilespmem:s20+$0xFFFFFFC0] =	vst v0;
	v0 =	vld [tilespmem:s19+$0xFFFFFFE0]  }
0x2f7: {  	[tilespmem:s20+$0x10] =	vst v2;
	v2 =	vadd.f32 v9, v8;
	v8 =	vld [tilespmem:s21+$0x0]  }
0x2f8: {  	[tilespmem:s20+$0x20] =	vst v3;
	v1 =	vld [tilespmem:s21+$0xFFFFFFC0];
	v5 =	vadd.f32 v11, v10  }
0x2f9: {  	v3 =	vld [tilespmem:s21+$0x10];
	v63 =	vadd.f32 v13, v12;
	[tilespmem:s19+$0x0] =	vst v2  }
0x2fa: {  	v6 =	vadd.f32 v6, v4;
	[tilespmem:s19+$0xFFFFFFA0] =	vst v5;
	v2 =	vld [tilespmem:s19+$0xFFFFFFF0]  }
0x2fb: {  	[tilespmem:s19+$0xFFFFFFB0] =	vst v63;
	v5 =	vld [tilespmem:s21+$0x20]  }
0x2fc: {  	s20 =	simm.s32 $0x0;
	s22 =	sadd.s32 $0x400, s19;
	v4 =	vld [tilespmem:s19+$0xFFFFFF90];
	[tilespmem:s19+$0xFFFFFFC0] =	vst v6;
	v6 =	vadd.f32 v8, v7  }
.LBB2_47:
0x2fd: {  	v7 =	vld [tilespmem:s22+$0x0];
	s21 =	sadd.s32 $0x200, s21  }
0x2fe: {  	s20 =	sadd.s32 $0x80, s20;
	v8 =	vld [tilespmem:s21+$0x30];
	[tilespmem:s19+$0xFFFFFFD0] =	vst v6;
	v0 =	vadd.f32 v3, v0  }
0x2ff: {  	p0 =	slt.u32 s20, $0x380;
	v3 =	vld [tilespmem:s21+$0xFFFFFFC0]  }
0x300: {  	v6 =	vld [tilespmem:s22+$0xFFFFFFA0];
	[tilespmem:s19+$0xFFFFFFE0] =	vst v0;
	v0 =	vadd.f32 v5, v2  }
0x301: {  	v2 =	vld [tilespmem:s21+$0xFFFFFFD0];
	v9 =	vadd.f32 v1, v4  }
0x302: {  	v4 =	vld [tilespmem:s22+$0xFFFFFFB0];
	[tilespmem:s19+$0xFFFFFFF0] =	vst v0  }
0x303: {  	v0 =	vld [tilespmem:s21+$0xFFFFFFE0];
	v5 =	vadd.f32 v8, v7;
	[tilespmem:s19+$0xFFFFFF90] =	vst v9;
	s19 =	smov.u32 s22  }
0x304: {  	v7 =	vld [tilespmem:s22+$0xFFFFFFC0];
	v1 =	vmov v3  }
0x305: {  	v8 =	vld [tilespmem:s21+$0xFFFFFFF0];
	[tilespmem:s22+$0x0] =	vst v5  }
0x306: {  	v2 =	vadd.f32 v2, v6;
	v6 =	vld [tilespmem:s22+$0xFFFFFFD0]  }
0x307: {  	v9 =	vld [tilespmem:s21+$0x0]  }
.Ltmp22:
0x308: {  	[tilespmem:s22+$0xFFFFFFA0] =	vst v2;
	v2 =	vadd.f32 v0, v4;
	v0 =	vld [tilespmem:s22+$0xFFFFFFE0];
	(pc) =	sbr.rel @p0 .LBB2_47-.Ltmp22, $4  }
0x309: {  	v3 =	vld [tilespmem:s21+$0x10]  }
0x30a: {  	[tilespmem:s22+$0xFFFFFFB0] =	vst v2;
	v7 =	vadd.f32 v8, v7;
	v2 =	vld [tilespmem:s22+$0xFFFFFFF0]  }
0x30b: {  	v5 =	vld [tilespmem:s21+$0x20]  }
0x30c: {  	s22 =	sadd.s32 $0x400, s22;
	v4 =	vld [tilespmem:s19+$0xFFFFFF90];
	[tilespmem:s19+$0xFFFFFFC0] =	vst v7;
	v6 =	vadd.f32 v9, v6  }
0x30d: {  	_ = 	snop  }
0x30e: {  	p0 =	slt.u32 s16, $0x1E  }
.Ltmp23:
0x30f: {  	v0 =	vadd.f32 v3, v0;
	(pc) =	sbr.rel @p0 .LBB2_44-.Ltmp23, $4  }
0x310: {  	[tilespmem:s19+$0xFFFFFFD0] =	vst v6;
	v2 =	vadd.f32 v5, v2  }
0x311: {  	[tilespmem:s19+$0xFFFFFFE0] =	vst v0;
	v63 =	vadd.f32 v1, v4  }
0x312: {  	s20 =	sadd.s32 $0x2, s16;
	[tilespmem:s19+$0xFFFFFFF0] =	vst v2  }
0x313: {  	s18 =	sadd.s32 $0x800, s18;
	s17 =	sadd.s32 $0x1, s17;
	s16 =	smov.u32 s20;
	[tilespmem:s19+$0xFFFFFF90] =	vst v63  }
0x314: {  	s16 =	simm.s32 $0x0;
	s17 =	rddreg [dreg:$0x13]  }
0x315: {  	[hbm4b:s17+s16] =	stream.linear.scatter [tilespmem:s10], [sflag:$0x4], $0x8000, $0x38;
	[tilespmem:$0x11480] =	vst v63  }
0x316: {  	_ =	swait.ge [sflag:s14], $0x8000  }
0x317: {  	[sflag:s14] =	ssyncset.done $0x0  }
0x318: {  	s23 =	rddreg [dreg:$0x14];
	[sflag:s14] =	ssyncadd.s32 $0xFFFF8000  }
0x319: {  	[tilespmem:s10], [sflag:$0x2] =	stream.linear.gather [hbm4b:s23+s16], $0x8000, $0x38;
	[tilespmem:$0x11480] =	vst v63  }
0x31a: {  	_ =	swait.ge [sflag:s11], $0x8000  }
0x31b: {  	[sflag:s11] =	ssyncset.done $0x0  }
0x31c: {  	s18 =	simm.s32 $0x0;
	s17 =	simm.s32 $0x0;
	[sflag:s11] =	ssyncadd.s32 $0xFFFF8000  }
.LBB2_50:
0x31d: {  	v0 =	vld [tilespmem:s16+$0x1100];
	_ =	sdelay $0x4  }
0x31e: {  	(v2sf) =	vpush v0, $0x0;
	_ =	sdelay $0xa  }
0x31f: {  	s19 =	sshll.u32 s18, $0x2;
	s20 =	sand.u32 $0x3, s17  }
0x320: {  	s19 =	sand.u32 $0xFFFF8000, s19;
	s20 =	sshll.u32 s20, $0xA  }
0x321: {  	s19 =	sor.u32 s20, s19  }
0x322: {  	s19 =	sshrl.u32 s19, $0x2  }
0x323: {  	s20 =	sor.u32 $0x14C0, s19;
	s21 =	spop (v2sf)  }
0x324: {  	v1 =	vld [tilespmem:s20+$0x30];
	s22 =	sshll.u32 s21, $0xC;
	s21 =	sand.u32 $0x3, s21  }
0x325: {  	v3 =	vld [tilespmem:s20+$0xFFFFFFD0];
	s23 =	sand.u32 $0xFFFFC000, s22;
	s21 =	sshll.u32 s21, $0x9  }
0x326: {  	v5 =	vld [tilespmem:s20+$0xFFFFFFE0];
	s21 =	sor.u32 s21, s23  }
0x327: {  	v7 =	vld [tilespmem:s20+$0xFFFFFFF0];
	s21 =	sshra.s32 s21, $0x2  }
0x328: {  	v9 =	vld [tilespmem:s20+$0x0];
	s21 =	sor.u32 $0x40, s21  }
0x329: {  	v2 =	vld [tilespmem:s21+$0x30]  }
0x32a: {  	v4 =	vld [tilespmem:s21+$0xFFFFFFD0]  }
0x32b: {  	v8 =	vld [tilespmem:s21+$0xFFFFFFF0]  }
0x32c: {  	v6 =	vld [tilespmem:s21+$0xFFFFFFE0]  }
0x32d: {  	v0 =	vld [tilespmem:s21+$0xFFFFFFC0]  }
0x32e: {  	v10 =	vld [tilespmem:s21+$0x0];
	v1 =	vadd.f32 v2, v1  }
0x32f: {  	v3 =	vadd.f32 v4, v3;
	v2 =	vld [tilespmem:s20+$0x10]  }
0x330: {  	v4 =	vld [tilespmem:s21+$0x10];
	v7 =	vadd.f32 v8, v7;
	[tilespmem:s20+$0x30] =	vst v1  }
0x331: {  	v1 =	vadd.f32 v6, v5;
	[tilespmem:s20+$0xFFFFFFD0] =	vst v3;
	v3 =	vld [tilespmem:s20+$0x20]  }
0x332: {  	v6 =	vld [tilespmem:s21+$0x20];
	[tilespmem:s20+$0xFFFFFFF0] =	vst v7  }
0x333: {  	s19 =	sadd.s32 $0x1570, s19;
	s22 =	simm.s32 $0x0;
	s23 =	sadd.s32 $0x400, s20;
	v5 =	vld [tilespmem:s20+$0xFFFFFFC0];
	v7 =	vadd.f32 v10, v9;
	[tilespmem:s20+$0xFFFFFFE0] =	vst v1  }
.LBB2_51:
0x334: {  	v1 =	vld [tilespmem:s23+$0x30];
	s21 =	sadd.s32 $0x200, s21  }
0x335: {  	s22 =	sadd.s32 $0x80, s22;
	v8 =	vld [tilespmem:s21+$0x30];
	[tilespmem:s20+$0x0] =	vst v7;
	v2 =	vadd.f32 v4, v2  }
0x336: {  	p0 =	slt.u32 s22, $0x380;
	v4 =	vld [tilespmem:s21+$0xFFFFFFC0]  }
0x337: {  	v7 =	vld [tilespmem:s23+$0xFFFFFFD0];
	[tilespmem:s20+$0x10] =	vst v2;
	v2 =	vadd.f32 v6, v3  }
0x338: {  	v3 =	vld [tilespmem:s21+$0xFFFFFFD0];
	v9 =	vadd.f32 v0, v5  }
0x339: {  	v5 =	vld [tilespmem:s23+$0xFFFFFFE0];
	[tilespmem:s20+$0x20] =	vst v2  }
0x33a: {  	v2 =	vld [tilespmem:s21+$0xFFFFFFE0];
	v1 =	vadd.f32 v8, v1;
	[tilespmem:s20+$0xFFFFFFC0] =	vst v9;
	s20 =	smov.u32 s23  }
0x33b: {  	v6 =	vld [tilespmem:s23+$0xFFFFFFF0];
	v0 =	vmov v4  }
0x33c: {  	v8 =	vld [tilespmem:s21+$0xFFFFFFF0];
	[tilespmem:s23+$0x30] =	vst v1  }
0x33d: {  	v1 =	vadd.f32 v3, v7;
	v7 =	vld [tilespmem:s23+$0x0]  }
0x33e: {  	v9 =	vld [tilespmem:s21+$0x0]  }
.Ltmp24:
0x33f: {  	[tilespmem:s23+$0xFFFFFFD0] =	vst v1;
	v1 =	vadd.f32 v2, v5;
	v2 =	vld [tilespmem:s23+$0x10];
	(pc) =	sbr.rel @p0 .LBB2_51-.Ltmp24, $4  }
0x340: {  	v4 =	vld [tilespmem:s21+$0x10]  }
0x341: {  	[tilespmem:s23+$0xFFFFFFE0] =	vst v1;
	v1 =	vadd.f32 v8, v6;
	v3 =	vld [tilespmem:s23+$0x20]  }
0x342: {  	v6 =	vld [tilespmem:s21+$0x20]  }
0x343: {  	s23 =	sadd.s32 $0x400, s23;
	v5 =	vld [tilespmem:s20+$0xFFFFFFC0];
	[tilespmem:s20+$0xFFFFFFF0] =	vst v1;
	v7 =	vadd.f32 v9, v7  }
0x344: {  	v1 =	vld [tilespmem:s16+$0x1101];
	_ =	sdelay $0x4  }
0x345: {  	(v2sf) =	vpush v1, $0x0;
	_ =	sdelay $0xe  }
0x346: {  	s21 =	spop (v2sf)  }
0x347: {  	v8 =	vld [tilespmem:s19+$0x0];
	s22 =	sshll.u32 s21, $0xC;
	s21 =	sand.u32 $0x3, s21  }
0x348: {  	v10 =	vld [tilespmem:s19+$0xFFFFFFA0];
	s22 =	sand.u32 $0xFFFFC000, s22;
	s21 =	sshll.u32 s21, $0x9  }
0x349: {  	v12 =	vld [tilespmem:s19+$0xFFFFFFB0];
	s21 =	sor.u32 s21, s22  }
0x34a: {  	v2 =	vadd.f32 v4, v2;
	v4 =	vld [tilespmem:s19+$0xFFFFFFC0];
	s21 =	sshra.s32 s21, $0x2  }
0x34b: {  	[tilespmem:s20+$0x0] =	vst v7;
	v7 =	vld [tilespmem:s19+$0xFFFFFFD0];
	s21 =	sor.u32 $0x40, s21  }
0x34c: {  	v9 =	vld [tilespmem:s21+$0x30]  }
0x34d: {  	v11 =	vld [tilespmem:s21+$0xFFFFFFD0]  }
0x34e: {  	v0 =	vadd.f32 v0, v5;
	v13 =	vld [tilespmem:s21+$0xFFFFFFE0]  }
0x34f: {  	v3 =	vadd.f32 v6, v3;
	v6 =	vld [tilespmem:s21+$0xFFFFFFF0]  }
0x350: {  	[tilespmem:s20+$0xFFFFFFC0] =	vst v0;
	v0 =	vld [tilespmem:s19+$0xFFFFFFE0]  }
0x351: {  	[tilespmem:s20+$0x10] =	vst v2;
	v2 =	vadd.f32 v9, v8;
	v8 =	vld [tilespmem:s21+$0x0]  }
0x352: {  	[tilespmem:s20+$0x20] =	vst v3;
	v1 =	vld [tilespmem:s21+$0xFFFFFFC0];
	v5 =	vadd.f32 v11, v10  }
0x353: {  	v3 =	vld [tilespmem:s21+$0x10];
	v63 =	vadd.f32 v13, v12;
	[tilespmem:s19+$0x0] =	vst v2  }
0x354: {  	v6 =	vadd.f32 v6, v4;
	[tilespmem:s19+$0xFFFFFFA0] =	vst v5;
	v2 =	vld [tilespmem:s19+$0xFFFFFFF0]  }
0x355: {  	[tilespmem:s19+$0xFFFFFFB0] =	vst v63;
	v5 =	vld [tilespmem:s21+$0x20]  }
0x356: {  	s20 =	simm.s32 $0x0;
	s22 =	sadd.s32 $0x400, s19;
	v4 =	vld [tilespmem:s19+$0xFFFFFF90];
	[tilespmem:s19+$0xFFFFFFC0] =	vst v6;
	v6 =	vadd.f32 v8, v7  }
.LBB2_53:
0x357: {  	v7 =	vld [tilespmem:s22+$0x0];
	s21 =	sadd.s32 $0x200, s21  }
0x358: {  	s20 =	sadd.s32 $0x80, s20;
	v8 =	vld [tilespmem:s21+$0x30];
	[tilespmem:s19+$0xFFFFFFD0] =	vst v6;
	v0 =	vadd.f32 v3, v0  }
0x359: {  	p0 =	slt.u32 s20, $0x380;
	v3 =	vld [tilespmem:s21+$0xFFFFFFC0]  }
0x35a: {  	v6 =	vld [tilespmem:s22+$0xFFFFFFA0];
	[tilespmem:s19+$0xFFFFFFE0] =	vst v0;
	v0 =	vadd.f32 v5, v2  }
0x35b: {  	v2 =	vld [tilespmem:s21+$0xFFFFFFD0];
	v9 =	vadd.f32 v1, v4  }
0x35c: {  	v4 =	vld [tilespmem:s22+$0xFFFFFFB0];
	[tilespmem:s19+$0xFFFFFFF0] =	vst v0  }
0x35d: {  	v0 =	vld [tilespmem:s21+$0xFFFFFFE0];
	v5 =	vadd.f32 v8, v7;
	[tilespmem:s19+$0xFFFFFF90] =	vst v9;
	s19 =	smov.u32 s22  }
0x35e: {  	v7 =	vld [tilespmem:s22+$0xFFFFFFC0];
	v1 =	vmov v3  }
0x35f: {  	v8 =	vld [tilespmem:s21+$0xFFFFFFF0];
	[tilespmem:s22+$0x0] =	vst v5  }
0x360: {  	v2 =	vadd.f32 v2, v6;
	v6 =	vld [tilespmem:s22+$0xFFFFFFD0]  }
0x361: {  	v9 =	vld [tilespmem:s21+$0x0]  }
.Ltmp25:
0x362: {  	[tilespmem:s22+$0xFFFFFFA0] =	vst v2;
	v2 =	vadd.f32 v0, v4;
	v0 =	vld [tilespmem:s22+$0xFFFFFFE0];
	(pc) =	sbr.rel @p0 .LBB2_53-.Ltmp25, $4  }
0x363: {  	v3 =	vld [tilespmem:s21+$0x10]  }
0x364: {  	[tilespmem:s22+$0xFFFFFFB0] =	vst v2;
	v7 =	vadd.f32 v8, v7;
	v2 =	vld [tilespmem:s22+$0xFFFFFFF0]  }
0x365: {  	v5 =	vld [tilespmem:s21+$0x20]  }
0x366: {  	s22 =	sadd.s32 $0x400, s22;
	v4 =	vld [tilespmem:s19+$0xFFFFFF90];
	[tilespmem:s19+$0xFFFFFFC0] =	vst v7;
	v6 =	vadd.f32 v9, v6  }
0x367: {  	_ = 	snop  }
0x368: {  	p0 =	slt.u32 s16, $0x1E  }
.Ltmp26:
0x369: {  	v0 =	vadd.f32 v3, v0;
	(pc) =	sbr.rel @p0 .LBB2_50-.Ltmp26, $4  }
0x36a: {  	[tilespmem:s19+$0xFFFFFFD0] =	vst v6;
	v2 =	vadd.f32 v5, v2  }
0x36b: {  	[tilespmem:s19+$0xFFFFFFE0] =	vst v0;
	v63 =	vadd.f32 v1, v4  }
0x36c: {  	s20 =	sadd.s32 $0x2, s16;
	[tilespmem:s19+$0xFFFFFFF0] =	vst v2  }
0x36d: {  	s18 =	sadd.s32 $0x800, s18;
	s17 =	sadd.s32 $0x1, s17;
	s16 =	smov.u32 s20;
	[tilespmem:s19+$0xFFFFFF90] =	vst v63  }
0x36e: {  	s16 =	simm.s32 $0x0;
	s17 =	rddreg [dreg:$0x15]  }
0x36f: {  	[hbm4b:s17+s16] =	stream.linear.scatter [tilespmem:s9], [sflag:$0x3], $0x8000, $0x38;
	[tilespmem:$0x11480] =	vst v63  }
0x370: {  	_ =	swait.ge [sflag:s12], $0x8000  }
0x371: {  	[sflag:s12] =	ssyncset.done $0x0  }
0x372: {  	s23 =	rddreg [dreg:$0x17];
	[sflag:s12] =	ssyncadd.s32 $0xFFFF8000  }
0x373: {  	[tilespmem:s9], [sflag:$0x1] =	stream.linear.gather [hbm4b:s23+s16], $0x8000, $0x38;
	[tilespmem:$0x11480] =	vst v63  }
0x374: {  	_ =	swait.ge [sflag:s13], $0x8000  }
0x375: {  	[sflag:s13] =	ssyncset.done $0x0  }
0x376: {  	s18 =	simm.s32 $0x0;
	s17 =	simm.s32 $0x0;
	[sflag:s13] =	ssyncadd.s32 $0xFFFF8000  }
.LBB2_56:
0x377: {  	v0 =	vld [tilespmem:s16+$0x1120];
	_ =	sdelay $0x4  }
0x378: {  	(v2sf) =	vpush v0, $0x0;
	_ =	sdelay $0xa  }
0x379: {  	s19 =	sshll.u32 s18, $0x2;
	s20 =	sand.u32 $0x3, s17  }
0x37a: {  	s19 =	sand.u32 $0xFFFF8000, s19;
	s20 =	sshll.u32 s20, $0xA  }
0x37b: {  	s19 =	sor.u32 s20, s19  }
0x37c: {  	s19 =	sshrl.u32 s19, $0x2  }
0x37d: {  	s20 =	sadd.s32 $0x94C0, s19;
	s21 =	spop (v2sf)  }
0x37e: {  	v1 =	vld [tilespmem:s20+$0x30];
	s22 =	sshll.u32 s21, $0xC;
	s21 =	sand.u32 $0x3, s21  }
0x37f: {  	v3 =	vld [tilespmem:s20+$0xFFFFFFD0];
	s23 =	sand.u32 $0xFFFFC000, s22;
	s21 =	sshll.u32 s21, $0x9  }
0x380: {  	v5 =	vld [tilespmem:s20+$0xFFFFFFE0];
	s21 =	sor.u32 s21, s23  }
0x381: {  	v7 =	vld [tilespmem:s20+$0xFFFFFFF0];
	s21 =	sshra.s32 s21, $0x2  }
0x382: {  	v9 =	vld [tilespmem:s20+$0x0];
	s21 =	sor.u32 $0x40, s21  }
0x383: {  	v2 =	vld [tilespmem:s21+$0x30]  }
0x384: {  	v4 =	vld [tilespmem:s21+$0xFFFFFFD0]  }
0x385: {  	v8 =	vld [tilespmem:s21+$0xFFFFFFF0]  }
0x386: {  	v6 =	vld [tilespmem:s21+$0xFFFFFFE0]  }
0x387: {  	v0 =	vld [tilespmem:s21+$0xFFFFFFC0]  }
0x388: {  	v10 =	vld [tilespmem:s21+$0x0];
	v1 =	vadd.f32 v2, v1  }
0x389: {  	v3 =	vadd.f32 v4, v3;
	v2 =	vld [tilespmem:s20+$0x10]  }
0x38a: {  	v4 =	vld [tilespmem:s21+$0x10];
	v7 =	vadd.f32 v8, v7;
	[tilespmem:s20+$0x30] =	vst v1  }
0x38b: {  	v1 =	vadd.f32 v6, v5;
	[tilespmem:s20+$0xFFFFFFD0] =	vst v3;
	v3 =	vld [tilespmem:s20+$0x20]  }
0x38c: {  	v6 =	vld [tilespmem:s21+$0x20];
	[tilespmem:s20+$0xFFFFFFF0] =	vst v7  }
0x38d: {  	s19 =	sadd.s32 $0x9570, s19;
	s22 =	simm.s32 $0x0;
	s23 =	sadd.s32 $0x400, s20;
	v5 =	vld [tilespmem:s20+$0xFFFFFFC0];
	v7 =	vadd.f32 v10, v9;
	[tilespmem:s20+$0xFFFFFFE0] =	vst v1  }
.LBB2_57:
0x38e: {  	v1 =	vld [tilespmem:s23+$0x30];
	s21 =	sadd.s32 $0x200, s21  }
0x38f: {  	s22 =	sadd.s32 $0x80, s22;
	v8 =	vld [tilespmem:s21+$0x30];
	[tilespmem:s20+$0x0] =	vst v7;
	v2 =	vadd.f32 v4, v2  }
0x390: {  	p0 =	slt.u32 s22, $0x380;
	v4 =	vld [tilespmem:s21+$0xFFFFFFC0]  }
0x391: {  	v7 =	vld [tilespmem:s23+$0xFFFFFFD0];
	[tilespmem:s20+$0x10] =	vst v2;
	v2 =	vadd.f32 v6, v3  }
0x392: {  	v3 =	vld [tilespmem:s21+$0xFFFFFFD0];
	v9 =	vadd.f32 v0, v5  }
0x393: {  	v5 =	vld [tilespmem:s23+$0xFFFFFFE0];
	[tilespmem:s20+$0x20] =	vst v2  }
0x394: {  	v2 =	vld [tilespmem:s21+$0xFFFFFFE0];
	v1 =	vadd.f32 v8, v1;
	[tilespmem:s20+$0xFFFFFFC0] =	vst v9;
	s20 =	smov.u32 s23  }
0x395: {  	v6 =	vld [tilespmem:s23+$0xFFFFFFF0];
	v0 =	vmov v4  }
0x396: {  	v8 =	vld [tilespmem:s21+$0xFFFFFFF0];
	[tilespmem:s23+$0x30] =	vst v1  }
0x397: {  	v1 =	vadd.f32 v3, v7;
	v7 =	vld [tilespmem:s23+$0x0]  }
0x398: {  	v9 =	vld [tilespmem:s21+$0x0]  }
.Ltmp27:
0x399: {  	[tilespmem:s23+$0xFFFFFFD0] =	vst v1;
	v1 =	vadd.f32 v2, v5;
	v2 =	vld [tilespmem:s23+$0x10];
	(pc) =	sbr.rel @p0 .LBB2_57-.Ltmp27, $4  }
0x39a: {  	v4 =	vld [tilespmem:s21+$0x10]  }
0x39b: {  	[tilespmem:s23+$0xFFFFFFE0] =	vst v1;
	v1 =	vadd.f32 v8, v6;
	v3 =	vld [tilespmem:s23+$0x20]  }
0x39c: {  	v6 =	vld [tilespmem:s21+$0x20]  }
0x39d: {  	s23 =	sadd.s32 $0x400, s23;
	v5 =	vld [tilespmem:s20+$0xFFFFFFC0];
	[tilespmem:s20+$0xFFFFFFF0] =	vst v1;
	v7 =	vadd.f32 v9, v7  }
0x39e: {  	v1 =	vld [tilespmem:s16+$0x1121];
	_ =	sdelay $0x4  }
0x39f: {  	(v2sf) =	vpush v1, $0x0;
	_ =	sdelay $0xe  }
0x3a0: {  	s21 =	spop (v2sf)  }
0x3a1: {  	v8 =	vld [tilespmem:s19+$0x0];
	s22 =	sshll.u32 s21, $0xC;
	s21 =	sand.u32 $0x3, s21  }
0x3a2: {  	v10 =	vld [tilespmem:s19+$0xFFFFFFA0];
	s22 =	sand.u32 $0xFFFFC000, s22;
	s21 =	sshll.u32 s21, $0x9  }
0x3a3: {  	v12 =	vld [tilespmem:s19+$0xFFFFFFB0];
	s21 =	sor.u32 s21, s22  }
0x3a4: {  	v2 =	vadd.f32 v4, v2;
	v4 =	vld [tilespmem:s19+$0xFFFFFFC0];
	s21 =	sshra.s32 s21, $0x2  }
0x3a5: {  	[tilespmem:s20+$0x0] =	vst v7;
	v7 =	vld [tilespmem:s19+$0xFFFFFFD0];
	s21 =	sor.u32 $0x40, s21  }
0x3a6: {  	v9 =	vld [tilespmem:s21+$0x30]  }
0x3a7: {  	v11 =	vld [tilespmem:s21+$0xFFFFFFD0]  }
0x3a8: {  	v0 =	vadd.f32 v0, v5;
	v13 =	vld [tilespmem:s21+$0xFFFFFFE0]  }
0x3a9: {  	v3 =	vadd.f32 v6, v3;
	v6 =	vld [tilespmem:s21+$0xFFFFFFF0]  }
0x3aa: {  	[tilespmem:s20+$0xFFFFFFC0] =	vst v0;
	v0 =	vld [tilespmem:s19+$0xFFFFFFE0]  }
0x3ab: {  	[tilespmem:s20+$0x10] =	vst v2;
	v2 =	vadd.f32 v9, v8;
	v8 =	vld [tilespmem:s21+$0x0]  }
0x3ac: {  	[tilespmem:s20+$0x20] =	vst v3;
	v1 =	vld [tilespmem:s21+$0xFFFFFFC0];
	v5 =	vadd.f32 v11, v10  }
0x3ad: {  	v3 =	vld [tilespmem:s21+$0x10];
	v63 =	vadd.f32 v13, v12;
	[tilespmem:s19+$0x0] =	vst v2  }
0x3ae: {  	v6 =	vadd.f32 v6, v4;
	[tilespmem:s19+$0xFFFFFFA0] =	vst v5;
	v2 =	vld [tilespmem:s19+$0xFFFFFFF0]  }
0x3af: {  	[tilespmem:s19+$0xFFFFFFB0] =	vst v63;
	v5 =	vld [tilespmem:s21+$0x20]  }
0x3b0: {  	s20 =	simm.s32 $0x0;
	s22 =	sadd.s32 $0x400, s19;
	v4 =	vld [tilespmem:s19+$0xFFFFFF90];
	[tilespmem:s19+$0xFFFFFFC0] =	vst v6;
	v6 =	vadd.f32 v8, v7  }
.LBB2_59:
0x3b1: {  	v7 =	vld [tilespmem:s22+$0x0];
	s21 =	sadd.s32 $0x200, s21  }
0x3b2: {  	s20 =	sadd.s32 $0x80, s20;
	v8 =	vld [tilespmem:s21+$0x30];
	[tilespmem:s19+$0xFFFFFFD0] =	vst v6;
	v0 =	vadd.f32 v3, v0  }
0x3b3: {  	p0 =	slt.u32 s20, $0x380;
	v3 =	vld [tilespmem:s21+$0xFFFFFFC0]  }
0x3b4: {  	v6 =	vld [tilespmem:s22+$0xFFFFFFA0];
	[tilespmem:s19+$0xFFFFFFE0] =	vst v0;
	v0 =	vadd.f32 v5, v2  }
0x3b5: {  	v2 =	vld [tilespmem:s21+$0xFFFFFFD0];
	v9 =	vadd.f32 v1, v4  }
0x3b6: {  	v4 =	vld [tilespmem:s22+$0xFFFFFFB0];
	[tilespmem:s19+$0xFFFFFFF0] =	vst v0  }
0x3b7: {  	v0 =	vld [tilespmem:s21+$0xFFFFFFE0];
	v5 =	vadd.f32 v8, v7;
	[tilespmem:s19+$0xFFFFFF90] =	vst v9;
	s19 =	smov.u32 s22  }
0x3b8: {  	v7 =	vld [tilespmem:s22+$0xFFFFFFC0];
	v1 =	vmov v3  }
0x3b9: {  	v8 =	vld [tilespmem:s21+$0xFFFFFFF0];
	[tilespmem:s22+$0x0] =	vst v5  }
0x3ba: {  	v2 =	vadd.f32 v2, v6;
	v6 =	vld [tilespmem:s22+$0xFFFFFFD0]  }
0x3bb: {  	v9 =	vld [tilespmem:s21+$0x0]  }
.Ltmp28:
0x3bc: {  	[tilespmem:s22+$0xFFFFFFA0] =	vst v2;
	v2 =	vadd.f32 v0, v4;
	v0 =	vld [tilespmem:s22+$0xFFFFFFE0];
	(pc) =	sbr.rel @p0 .LBB2_59-.Ltmp28, $4  }
0x3bd: {  	v3 =	vld [tilespmem:s21+$0x10]  }
0x3be: {  	[tilespmem:s22+$0xFFFFFFB0] =	vst v2;
	v7 =	vadd.f32 v8, v7;
	v2 =	vld [tilespmem:s22+$0xFFFFFFF0]  }
0x3bf: {  	v5 =	vld [tilespmem:s21+$0x20]  }
0x3c0: {  	s22 =	sadd.s32 $0x400, s22;
	v4 =	vld [tilespmem:s19+$0xFFFFFF90];
	[tilespmem:s19+$0xFFFFFFC0] =	vst v7;
	v6 =	vadd.f32 v9, v6  }
0x3c1: {  	_ = 	snop  }
0x3c2: {  	p0 =	slt.u32 s16, $0x1E  }
.Ltmp29:
0x3c3: {  	v0 =	vadd.f32 v3, v0;
	(pc) =	sbr.rel @p0 .LBB2_56-.Ltmp29, $4  }
0x3c4: {  	[tilespmem:s19+$0xFFFFFFD0] =	vst v6;
	v2 =	vadd.f32 v5, v2  }
0x3c5: {  	[tilespmem:s19+$0xFFFFFFE0] =	vst v0;
	v63 =	vadd.f32 v1, v4  }
0x3c6: {  	s20 =	sadd.s32 $0x2, s16;
	[tilespmem:s19+$0xFFFFFFF0] =	vst v2  }
0x3c7: {  	s18 =	sadd.s32 $0x800, s18;
	s17 =	sadd.s32 $0x1, s17;
	s16 =	smov.u32 s20;
	[tilespmem:s19+$0xFFFFFF90] =	vst v63  }
0x3c8: {  	s16 =	simm.s32 $0x0;
	s17 =	rddreg [dreg:$0x16]  }
0x3c9: {  	[hbm4b:s17+s16] =	stream.linear.scatter [tilespmem:s10], [sflag:$0x4], $0x8000, $0x38;
	[tilespmem:$0x11480] =	vst v63  }
0x3ca: {  	_ =	swait.ge [sflag:s14], $0x8000  }
0x3cb: {  	[sflag:s14] =	ssyncset.done $0x0  }
0x3cc: {  	s23 =	rddreg [dreg:$0x19];
	[sflag:s14] =	ssyncadd.s32 $0xFFFF8000  }
0x3cd: {  	[tilespmem:s10], [sflag:$0x2] =	stream.linear.gather [hbm4b:s23+s16], $0x8000, $0x38;
	[tilespmem:$0x11480] =	vst v63  }
0x3ce: {  	_ =	swait.ge [sflag:s11], $0x8000  }
0x3cf: {  	[sflag:s11] =	ssyncset.done $0x0  }
0x3d0: {  	s18 =	simm.s32 $0x0;
	s17 =	simm.s32 $0x0;
	[sflag:s11] =	ssyncadd.s32 $0xFFFF8000  }
.LBB2_62:
0x3d1: {  	v0 =	vld [tilespmem:s16+$0x1140];
	_ =	sdelay $0x4  }
0x3d2: {  	(v2sf) =	vpush v0, $0x0;
	_ =	sdelay $0xa  }
0x3d3: {  	s19 =	sshll.u32 s18, $0x2;
	s20 =	sand.u32 $0x3, s17  }
0x3d4: {  	s19 =	sand.u32 $0xFFFF8000, s19;
	s20 =	sshll.u32 s20, $0xA  }
0x3d5: {  	s19 =	sor.u32 s20, s19  }
0x3d6: {  	s19 =	sshrl.u32 s19, $0x2  }
0x3d7: {  	s20 =	sor.u32 $0x14C0, s19;
	s21 =	spop (v2sf)  }
0x3d8: {  	v1 =	vld [tilespmem:s20+$0x30];
	s22 =	sshll.u32 s21, $0xC;
	s21 =	sand.u32 $0x3, s21  }
0x3d9: {  	v3 =	vld [tilespmem:s20+$0xFFFFFFD0];
	s23 =	sand.u32 $0xFFFFC000, s22;
	s21 =	sshll.u32 s21, $0x9  }
0x3da: {  	v5 =	vld [tilespmem:s20+$0xFFFFFFE0];
	s21 =	sor.u32 s21, s23  }
0x3db: {  	v7 =	vld [tilespmem:s20+$0xFFFFFFF0];
	s21 =	sshra.s32 s21, $0x2  }
0x3dc: {  	v9 =	vld [tilespmem:s20+$0x0];
	s21 =	sor.u32 $0x40, s21  }
0x3dd: {  	v2 =	vld [tilespmem:s21+$0x30]  }
0x3de: {  	v4 =	vld [tilespmem:s21+$0xFFFFFFD0]  }
0x3df: {  	v8 =	vld [tilespmem:s21+$0xFFFFFFF0]  }
0x3e0: {  	v6 =	vld [tilespmem:s21+$0xFFFFFFE0]  }
0x3e1: {  	v0 =	vld [tilespmem:s21+$0xFFFFFFC0]  }
0x3e2: {  	v10 =	vld [tilespmem:s21+$0x0];
	v1 =	vadd.f32 v2, v1  }
0x3e3: {  	v3 =	vadd.f32 v4, v3;
	v2 =	vld [tilespmem:s20+$0x10]  }
0x3e4: {  	v4 =	vld [tilespmem:s21+$0x10];
	v7 =	vadd.f32 v8, v7;
	[tilespmem:s20+$0x30] =	vst v1  }
0x3e5: {  	v1 =	vadd.f32 v6, v5;
	[tilespmem:s20+$0xFFFFFFD0] =	vst v3;
	v3 =	vld [tilespmem:s20+$0x20]  }
0x3e6: {  	v6 =	vld [tilespmem:s21+$0x20];
	[tilespmem:s20+$0xFFFFFFF0] =	vst v7  }
0x3e7: {  	s19 =	sadd.s32 $0x1570, s19;
	s22 =	simm.s32 $0x0;
	s23 =	sadd.s32 $0x400, s20;
	v5 =	vld [tilespmem:s20+$0xFFFFFFC0];
	v7 =	vadd.f32 v10, v9;
	[tilespmem:s20+$0xFFFFFFE0] =	vst v1  }
.LBB2_63:
0x3e8: {  	v1 =	vld [tilespmem:s23+$0x30];
	s21 =	sadd.s32 $0x200, s21  }
0x3e9: {  	s22 =	sadd.s32 $0x80, s22;
	v8 =	vld [tilespmem:s21+$0x30];
	[tilespmem:s20+$0x0] =	vst v7;
	v2 =	vadd.f32 v4, v2  }
0x3ea: {  	p0 =	slt.u32 s22, $0x380;
	v4 =	vld [tilespmem:s21+$0xFFFFFFC0]  }
0x3eb: {  	v7 =	vld [tilespmem:s23+$0xFFFFFFD0];
	[tilespmem:s20+$0x10] =	vst v2;
	v2 =	vadd.f32 v6, v3  }
0x3ec: {  	v3 =	vld [tilespmem:s21+$0xFFFFFFD0];
	v9 =	vadd.f32 v0, v5  }
0x3ed: {  	v5 =	vld [tilespmem:s23+$0xFFFFFFE0];
	[tilespmem:s20+$0x20] =	vst v2  }
0x3ee: {  	v2 =	vld [tilespmem:s21+$0xFFFFFFE0];
	v1 =	vadd.f32 v8, v1;
	[tilespmem:s20+$0xFFFFFFC0] =	vst v9;
	s20 =	smov.u32 s23  }
0x3ef: {  	v6 =	vld [tilespmem:s23+$0xFFFFFFF0];
	v0 =	vmov v4  }
0x3f0: {  	v8 =	vld [tilespmem:s21+$0xFFFFFFF0];
	[tilespmem:s23+$0x30] =	vst v1  }
0x3f1: {  	v1 =	vadd.f32 v3, v7;
	v7 =	vld [tilespmem:s23+$0x0]  }
0x3f2: {  	v9 =	vld [tilespmem:s21+$0x0]  }
.Ltmp30:
0x3f3: {  	[tilespmem:s23+$0xFFFFFFD0] =	vst v1;
	v1 =	vadd.f32 v2, v5;
	v2 =	vld [tilespmem:s23+$0x10];
	(pc) =	sbr.rel @p0 .LBB2_63-.Ltmp30, $4  }
0x3f4: {  	v4 =	vld [tilespmem:s21+$0x10]  }
0x3f5: {  	[tilespmem:s23+$0xFFFFFFE0] =	vst v1;
	v1 =	vadd.f32 v8, v6;
	v3 =	vld [tilespmem:s23+$0x20]  }
0x3f6: {  	v6 =	vld [tilespmem:s21+$0x20]  }
0x3f7: {  	s23 =	sadd.s32 $0x400, s23;
	v5 =	vld [tilespmem:s20+$0xFFFFFFC0];
	[tilespmem:s20+$0xFFFFFFF0] =	vst v1;
	v7 =	vadd.f32 v9, v7  }
0x3f8: {  	v1 =	vld [tilespmem:s16+$0x1141];
	_ =	sdelay $0x4  }
0x3f9: {  	(v2sf) =	vpush v1, $0x0;
	_ =	sdelay $0xe  }
0x3fa: {  	s21 =	spop (v2sf)  }
0x3fb: {  	v8 =	vld [tilespmem:s19+$0x0];
	s22 =	sshll.u32 s21, $0xC;
	s21 =	sand.u32 $0x3, s21  }
0x3fc: {  	v10 =	vld [tilespmem:s19+$0xFFFFFFA0];
	s22 =	sand.u32 $0xFFFFC000, s22;
	s21 =	sshll.u32 s21, $0x9  }
0x3fd: {  	v12 =	vld [tilespmem:s19+$0xFFFFFFB0];
	s21 =	sor.u32 s21, s22  }
0x3fe: {  	v2 =	vadd.f32 v4, v2;
	v4 =	vld [tilespmem:s19+$0xFFFFFFC0];
	s21 =	sshra.s32 s21, $0x2  }
0x3ff: {  	[tilespmem:s20+$0x0] =	vst v7;
	v7 =	vld [tilespmem:s19+$0xFFFFFFD0];
	s21 =	sor.u32 $0x40, s21  }
0x400: {  	v9 =	vld [tilespmem:s21+$0x30]  }
0x401: {  	v11 =	vld [tilespmem:s21+$0xFFFFFFD0]  }
0x402: {  	v0 =	vadd.f32 v0, v5;
	v13 =	vld [tilespmem:s21+$0xFFFFFFE0]  }
0x403: {  	v3 =	vadd.f32 v6, v3;
	v6 =	vld [tilespmem:s21+$0xFFFFFFF0]  }
0x404: {  	[tilespmem:s20+$0xFFFFFFC0] =	vst v0;
	v0 =	vld [tilespmem:s19+$0xFFFFFFE0]  }
0x405: {  	[tilespmem:s20+$0x10] =	vst v2;
	v2 =	vadd.f32 v9, v8;
	v8 =	vld [tilespmem:s21+$0x0]  }
0x406: {  	[tilespmem:s20+$0x20] =	vst v3;
	v1 =	vld [tilespmem:s21+$0xFFFFFFC0];
	v5 =	vadd.f32 v11, v10  }
0x407: {  	v3 =	vld [tilespmem:s21+$0x10];
	v63 =	vadd.f32 v13, v12;
	[tilespmem:s19+$0x0] =	vst v2  }
0x408: {  	v6 =	vadd.f32 v6, v4;
	[tilespmem:s19+$0xFFFFFFA0] =	vst v5;
	v2 =	vld [tilespmem:s19+$0xFFFFFFF0]  }
0x409: {  	[tilespmem:s19+$0xFFFFFFB0] =	vst v63;
	v5 =	vld [tilespmem:s21+$0x20]  }
0x40a: {  	s20 =	simm.s32 $0x0;
	s22 =	sadd.s32 $0x400, s19;
	v4 =	vld [tilespmem:s19+$0xFFFFFF90];
	[tilespmem:s19+$0xFFFFFFC0] =	vst v6;
	v6 =	vadd.f32 v8, v7  }
.LBB2_65:
0x40b: {  	v7 =	vld [tilespmem:s22+$0x0];
	s21 =	sadd.s32 $0x200, s21  }
0x40c: {  	s20 =	sadd.s32 $0x80, s20;
	v8 =	vld [tilespmem:s21+$0x30];
	[tilespmem:s19+$0xFFFFFFD0] =	vst v6;
	v0 =	vadd.f32 v3, v0  }
0x40d: {  	p0 =	slt.u32 s20, $0x380;
	v3 =	vld [tilespmem:s21+$0xFFFFFFC0]  }
0x40e: {  	v6 =	vld [tilespmem:s22+$0xFFFFFFA0];
	[tilespmem:s19+$0xFFFFFFE0] =	vst v0;
	v0 =	vadd.f32 v5, v2  }
0x40f: {  	v2 =	vld [tilespmem:s21+$0xFFFFFFD0];
	v9 =	vadd.f32 v1, v4  }
0x410: {  	v4 =	vld [tilespmem:s22+$0xFFFFFFB0];
	[tilespmem:s19+$0xFFFFFFF0] =	vst v0  }
0x411: {  	v0 =	vld [tilespmem:s21+$0xFFFFFFE0];
	v5 =	vadd.f32 v8, v7;
	[tilespmem:s19+$0xFFFFFF90] =	vst v9;
	s19 =	smov.u32 s22  }
0x412: {  	v7 =	vld [tilespmem:s22+$0xFFFFFFC0];
	v1 =	vmov v3  }
0x413: {  	v8 =	vld [tilespmem:s21+$0xFFFFFFF0];
	[tilespmem:s22+$0x0] =	vst v5  }
0x414: {  	v2 =	vadd.f32 v2, v6;
	v6 =	vld [tilespmem:s22+$0xFFFFFFD0]  }
0x415: {  	v9 =	vld [tilespmem:s21+$0x0]  }
.Ltmp31:
0x416: {  	[tilespmem:s22+$0xFFFFFFA0] =	vst v2;
	v2 =	vadd.f32 v0, v4;
	v0 =	vld [tilespmem:s22+$0xFFFFFFE0];
	(pc) =	sbr.rel @p0 .LBB2_65-.Ltmp31, $4  }
0x417: {  	v3 =	vld [tilespmem:s21+$0x10]  }
0x418: {  	[tilespmem:s22+$0xFFFFFFB0] =	vst v2;
	v7 =	vadd.f32 v8, v7;
	v2 =	vld [tilespmem:s22+$0xFFFFFFF0]  }
0x419: {  	v5 =	vld [tilespmem:s21+$0x20]  }
0x41a: {  	s22 =	sadd.s32 $0x400, s22;
	v4 =	vld [tilespmem:s19+$0xFFFFFF90];
	[tilespmem:s19+$0xFFFFFFC0] =	vst v7;
	v6 =	vadd.f32 v9, v6  }
0x41b: {  	_ = 	snop  }
0x41c: {  	p0 =	slt.u32 s16, $0x1E  }
.Ltmp32:
0x41d: {  	v0 =	vadd.f32 v3, v0;
	(pc) =	sbr.rel @p0 .LBB2_62-.Ltmp32, $4  }
0x41e: {  	[tilespmem:s19+$0xFFFFFFD0] =	vst v6;
	v2 =	vadd.f32 v5, v2  }
0x41f: {  	[tilespmem:s19+$0xFFFFFFE0] =	vst v0;
	v63 =	vadd.f32 v1, v4  }
0x420: {  	s20 =	sadd.s32 $0x2, s16;
	[tilespmem:s19+$0xFFFFFFF0] =	vst v2  }
0x421: {  	s18 =	sadd.s32 $0x800, s18;
	s17 =	sadd.s32 $0x1, s17;
	s16 =	smov.u32 s20;
	[tilespmem:s19+$0xFFFFFF90] =	vst v63  }
0x422: {  	s16 =	simm.s32 $0x0;
	s17 =	rddreg [dreg:$0x18]  }
0x423: {  	[hbm4b:s17+s16] =	stream.linear.scatter [tilespmem:s9], [sflag:$0x3], $0x8000, $0x38;
	[tilespmem:$0x11480] =	vst v63  }
0x424: {  	_ =	swait.ge [sflag:s12], $0x8000  }
0x425: {  	[sflag:s12] =	ssyncset.done $0x0  }
0x426: {  	s23 =	rddreg [dreg:$0x1b];
	[sflag:s12] =	ssyncadd.s32 $0xFFFF8000  }
0x427: {  	[tilespmem:s9], [sflag:$0x1] =	stream.linear.gather [hbm4b:s23+s16], $0x8000, $0x38;
	[tilespmem:$0x11480] =	vst v63  }
0x428: {  	_ =	swait.ge [sflag:s13], $0x8000  }
0x429: {  	[sflag:s13] =	ssyncset.done $0x0  }
0x42a: {  	s18 =	simm.s32 $0x0;
	s17 =	simm.s32 $0x0;
	[sflag:s13] =	ssyncadd.s32 $0xFFFF8000  }
.LBB2_68:
0x42b: {  	v0 =	vld [tilespmem:s16+$0x1160];
	_ =	sdelay $0x4  }
0x42c: {  	(v2sf) =	vpush v0, $0x0;
	_ =	sdelay $0xa  }
0x42d: {  	s19 =	sshll.u32 s18, $0x2;
	s20 =	sand.u32 $0x3, s17  }
0x42e: {  	s19 =	sand.u32 $0xFFFF8000, s19;
	s20 =	sshll.u32 s20, $0xA  }
0x42f: {  	s19 =	sor.u32 s20, s19  }
0x430: {  	s19 =	sshrl.u32 s19, $0x2  }
0x431: {  	s20 =	sadd.s32 $0x94C0, s19;
	s21 =	spop (v2sf)  }
0x432: {  	v1 =	vld [tilespmem:s20+$0x30];
	s22 =	sshll.u32 s21, $0xC;
	s21 =	sand.u32 $0x3, s21  }
0x433: {  	v3 =	vld [tilespmem:s20+$0xFFFFFFD0];
	s23 =	sand.u32 $0xFFFFC000, s22;
	s21 =	sshll.u32 s21, $0x9  }
0x434: {  	v5 =	vld [tilespmem:s20+$0xFFFFFFE0];
	s21 =	sor.u32 s21, s23  }
0x435: {  	v7 =	vld [tilespmem:s20+$0xFFFFFFF0];
	s21 =	sshra.s32 s21, $0x2  }
0x436: {  	v9 =	vld [tilespmem:s20+$0x0];
	s21 =	sor.u32 $0x40, s21  }
0x437: {  	v2 =	vld [tilespmem:s21+$0x30]  }
0x438: {  	v4 =	vld [tilespmem:s21+$0xFFFFFFD0]  }
0x439: {  	v8 =	vld [tilespmem:s21+$0xFFFFFFF0]  }
0x43a: {  	v6 =	vld [tilespmem:s21+$0xFFFFFFE0]  }
0x43b: {  	v0 =	vld [tilespmem:s21+$0xFFFFFFC0]  }
0x43c: {  	v10 =	vld [tilespmem:s21+$0x0];
	v1 =	vadd.f32 v2, v1  }
0x43d: {  	v3 =	vadd.f32 v4, v3;
	v2 =	vld [tilespmem:s20+$0x10]  }
0x43e: {  	v4 =	vld [tilespmem:s21+$0x10];
	v7 =	vadd.f32 v8, v7;
	[tilespmem:s20+$0x30] =	vst v1  }
0x43f: {  	v1 =	vadd.f32 v6, v5;
	[tilespmem:s20+$0xFFFFFFD0] =	vst v3;
	v3 =	vld [tilespmem:s20+$0x20]  }
0x440: {  	v6 =	vld [tilespmem:s21+$0x20];
	[tilespmem:s20+$0xFFFFFFF0] =	vst v7  }
0x441: {  	s19 =	sadd.s32 $0x9570, s19;
	s22 =	simm.s32 $0x0;
	s23 =	sadd.s32 $0x400, s20;
	v5 =	vld [tilespmem:s20+$0xFFFFFFC0];
	v7 =	vadd.f32 v10, v9;
	[tilespmem:s20+$0xFFFFFFE0] =	vst v1  }
.LBB2_69:
0x442: {  	v1 =	vld [tilespmem:s23+$0x30];
	s21 =	sadd.s32 $0x200, s21  }
0x443: {  	s22 =	sadd.s32 $0x80, s22;
	v8 =	vld [tilespmem:s21+$0x30];
	[tilespmem:s20+$0x0] =	vst v7;
	v2 =	vadd.f32 v4, v2  }
0x444: {  	p0 =	slt.u32 s22, $0x380;
	v4 =	vld [tilespmem:s21+$0xFFFFFFC0]  }
0x445: {  	v7 =	vld [tilespmem:s23+$0xFFFFFFD0];
	[tilespmem:s20+$0x10] =	vst v2;
	v2 =	vadd.f32 v6, v3  }
0x446: {  	v3 =	vld [tilespmem:s21+$0xFFFFFFD0];
	v9 =	vadd.f32 v0, v5  }
0x447: {  	v5 =	vld [tilespmem:s23+$0xFFFFFFE0];
	[tilespmem:s20+$0x20] =	vst v2  }
0x448: {  	v2 =	vld [tilespmem:s21+$0xFFFFFFE0];
	v1 =	vadd.f32 v8, v1;
	[tilespmem:s20+$0xFFFFFFC0] =	vst v9;
	s20 =	smov.u32 s23  }
0x449: {  	v6 =	vld [tilespmem:s23+$0xFFFFFFF0];
	v0 =	vmov v4  }
0x44a: {  	v8 =	vld [tilespmem:s21+$0xFFFFFFF0];
	[tilespmem:s23+$0x30] =	vst v1  }
0x44b: {  	v1 =	vadd.f32 v3, v7;
	v7 =	vld [tilespmem:s23+$0x0]  }
0x44c: {  	v9 =	vld [tilespmem:s21+$0x0]  }
.Ltmp33:
0x44d: {  	[tilespmem:s23+$0xFFFFFFD0] =	vst v1;
	v1 =	vadd.f32 v2, v5;
	v2 =	vld [tilespmem:s23+$0x10];
	(pc) =	sbr.rel @p0 .LBB2_69-.Ltmp33, $4  }
0x44e: {  	v4 =	vld [tilespmem:s21+$0x10]  }
0x44f: {  	[tilespmem:s23+$0xFFFFFFE0] =	vst v1;
	v1 =	vadd.f32 v8, v6;
	v3 =	vld [tilespmem:s23+$0x20]  }
0x450: {  	v6 =	vld [tilespmem:s21+$0x20]  }
0x451: {  	s23 =	sadd.s32 $0x400, s23;
	v5 =	vld [tilespmem:s20+$0xFFFFFFC0];
	[tilespmem:s20+$0xFFFFFFF0] =	vst v1;
	v7 =	vadd.f32 v9, v7  }
0x452: {  	v1 =	vld [tilespmem:s16+$0x1161];
	_ =	sdelay $0x4  }
0x453: {  	(v2sf) =	vpush v1, $0x0;
	_ =	sdelay $0xe  }
0x454: {  	s21 =	spop (v2sf)  }
0x455: {  	v8 =	vld [tilespmem:s19+$0x0];
	s22 =	sshll.u32 s21, $0xC;
	s21 =	sand.u32 $0x3, s21  }
0x456: {  	v10 =	vld [tilespmem:s19+$0xFFFFFFA0];
	s22 =	sand.u32 $0xFFFFC000, s22;
	s21 =	sshll.u32 s21, $0x9  }
0x457: {  	v12 =	vld [tilespmem:s19+$0xFFFFFFB0];
	s21 =	sor.u32 s21, s22  }
0x458: {  	v2 =	vadd.f32 v4, v2;
	v4 =	vld [tilespmem:s19+$0xFFFFFFC0];
	s21 =	sshra.s32 s21, $0x2  }
0x459: {  	[tilespmem:s20+$0x0] =	vst v7;
	v7 =	vld [tilespmem:s19+$0xFFFFFFD0];
	s21 =	sor.u32 $0x40, s21  }
0x45a: {  	v9 =	vld [tilespmem:s21+$0x30]  }
0x45b: {  	v11 =	vld [tilespmem:s21+$0xFFFFFFD0]  }
0x45c: {  	v0 =	vadd.f32 v0, v5;
	v13 =	vld [tilespmem:s21+$0xFFFFFFE0]  }
0x45d: {  	v3 =	vadd.f32 v6, v3;
	v6 =	vld [tilespmem:s21+$0xFFFFFFF0]  }
0x45e: {  	[tilespmem:s20+$0xFFFFFFC0] =	vst v0;
	v0 =	vld [tilespmem:s19+$0xFFFFFFE0]  }
0x45f: {  	[tilespmem:s20+$0x10] =	vst v2;
	v2 =	vadd.f32 v9, v8;
	v8 =	vld [tilespmem:s21+$0x0]  }
0x460: {  	[tilespmem:s20+$0x20] =	vst v3;
	v1 =	vld [tilespmem:s21+$0xFFFFFFC0];
	v5 =	vadd.f32 v11, v10  }
0x461: {  	v3 =	vld [tilespmem:s21+$0x10];
	v63 =	vadd.f32 v13, v12;
	[tilespmem:s19+$0x0] =	vst v2  }
0x462: {  	v6 =	vadd.f32 v6, v4;
	[tilespmem:s19+$0xFFFFFFA0] =	vst v5;
	v2 =	vld [tilespmem:s19+$0xFFFFFFF0]  }
0x463: {  	[tilespmem:s19+$0xFFFFFFB0] =	vst v63;
	v5 =	vld [tilespmem:s21+$0x20]  }
0x464: {  	s20 =	simm.s32 $0x0;
	s22 =	sadd.s32 $0x400, s19;
	v4 =	vld [tilespmem:s19+$0xFFFFFF90];
	[tilespmem:s19+$0xFFFFFFC0] =	vst v6;
	v6 =	vadd.f32 v8, v7  }
.LBB2_71:
0x465: {  	v7 =	vld [tilespmem:s22+$0x0];
	s21 =	sadd.s32 $0x200, s21  }
0x466: {  	s20 =	sadd.s32 $0x80, s20;
	v8 =	vld [tilespmem:s21+$0x30];
	[tilespmem:s19+$0xFFFFFFD0] =	vst v6;
	v0 =	vadd.f32 v3, v0  }
0x467: {  	p0 =	slt.u32 s20, $0x380;
	v3 =	vld [tilespmem:s21+$0xFFFFFFC0]  }
0x468: {  	v6 =	vld [tilespmem:s22+$0xFFFFFFA0];
	[tilespmem:s19+$0xFFFFFFE0] =	vst v0;
	v0 =	vadd.f32 v5, v2  }
0x469: {  	v2 =	vld [tilespmem:s21+$0xFFFFFFD0];
	v9 =	vadd.f32 v1, v4  }
0x46a: {  	v4 =	vld [tilespmem:s22+$0xFFFFFFB0];
	[tilespmem:s19+$0xFFFFFFF0] =	vst v0  }
0x46b: {  	v0 =	vld [tilespmem:s21+$0xFFFFFFE0];
	v5 =	vadd.f32 v8, v7;
	[tilespmem:s19+$0xFFFFFF90] =	vst v9;
	s19 =	smov.u32 s22  }
0x46c: {  	v7 =	vld [tilespmem:s22+$0xFFFFFFC0];
	v1 =	vmov v3  }
0x46d: {  	v8 =	vld [tilespmem:s21+$0xFFFFFFF0];
	[tilespmem:s22+$0x0] =	vst v5  }
0x46e: {  	v2 =	vadd.f32 v2, v6;
	v6 =	vld [tilespmem:s22+$0xFFFFFFD0]  }
0x46f: {  	v9 =	vld [tilespmem:s21+$0x0]  }
.Ltmp34:
0x470: {  	[tilespmem:s22+$0xFFFFFFA0] =	vst v2;
	v2 =	vadd.f32 v0, v4;
	v0 =	vld [tilespmem:s22+$0xFFFFFFE0];
	(pc) =	sbr.rel @p0 .LBB2_71-.Ltmp34, $4  }
0x471: {  	v3 =	vld [tilespmem:s21+$0x10]  }
0x472: {  	[tilespmem:s22+$0xFFFFFFB0] =	vst v2;
	v7 =	vadd.f32 v8, v7;
	v2 =	vld [tilespmem:s22+$0xFFFFFFF0]  }
0x473: {  	v5 =	vld [tilespmem:s21+$0x20]  }
0x474: {  	s22 =	sadd.s32 $0x400, s22;
	v4 =	vld [tilespmem:s19+$0xFFFFFF90];
	[tilespmem:s19+$0xFFFFFFC0] =	vst v7;
	v6 =	vadd.f32 v9, v6  }
0x475: {  	_ = 	snop  }
0x476: {  	p0 =	slt.u32 s16, $0x1E  }
.Ltmp35:
0x477: {  	v0 =	vadd.f32 v3, v0;
	(pc) =	sbr.rel @p0 .LBB2_68-.Ltmp35, $4  }
0x478: {  	[tilespmem:s19+$0xFFFFFFD0] =	vst v6;
	v2 =	vadd.f32 v5, v2  }
0x479: {  	[tilespmem:s19+$0xFFFFFFE0] =	vst v0;
	v63 =	vadd.f32 v1, v4  }
0x47a: {  	s20 =	sadd.s32 $0x2, s16;
	[tilespmem:s19+$0xFFFFFFF0] =	vst v2  }
0x47b: {  	s18 =	sadd.s32 $0x800, s18;
	s17 =	sadd.s32 $0x1, s17;
	s16 =	smov.u32 s20;
	[tilespmem:s19+$0xFFFFFF90] =	vst v63  }
0x47c: {  	s16 =	simm.s32 $0x0;
	s17 =	rddreg [dreg:$0x1a]  }
0x47d: {  	[hbm4b:s17+s16] =	stream.linear.scatter [tilespmem:s10], [sflag:$0x4], $0x8000, $0x38;
	[tilespmem:$0x11480] =	vst v63  }
0x47e: {  	_ =	swait.ge [sflag:s14], $0x8000  }
0x47f: {  	[sflag:s14] =	ssyncset.done $0x0  }
0x480: {  	s23 =	rddreg [dreg:$0x1d];
	[sflag:s14] =	ssyncadd.s32 $0xFFFF8000  }
0x481: {  	[tilespmem:s10], [sflag:$0x2] =	stream.linear.gather [hbm4b:s23+s16], $0x8000, $0x38;
	[tilespmem:$0x11480] =	vst v63  }
0x482: {  	_ =	swait.ge [sflag:s11], $0x8000  }
0x483: {  	[sflag:s11] =	ssyncset.done $0x0  }
0x484: {  	s18 =	simm.s32 $0x0;
	s17 =	simm.s32 $0x0;
	[sflag:s11] =	ssyncadd.s32 $0xFFFF8000  }
.LBB2_74:
0x485: {  	v0 =	vld [tilespmem:s16+$0x1180];
	_ =	sdelay $0x4  }
0x486: {  	(v2sf) =	vpush v0, $0x0;
	_ =	sdelay $0xa  }
0x487: {  	s19 =	sshll.u32 s18, $0x2;
	s20 =	sand.u32 $0x3, s17  }
0x488: {  	s19 =	sand.u32 $0xFFFF8000, s19;
	s20 =	sshll.u32 s20, $0xA  }
0x489: {  	s19 =	sor.u32 s20, s19  }
0x48a: {  	s19 =	sshrl.u32 s19, $0x2  }
0x48b: {  	s20 =	sor.u32 $0x14C0, s19;
	s21 =	spop (v2sf)  }
0x48c: {  	v1 =	vld [tilespmem:s20+$0x30];
	s22 =	sshll.u32 s21, $0xC;
	s21 =	sand.u32 $0x3, s21  }
0x48d: {  	v3 =	vld [tilespmem:s20+$0xFFFFFFD0];
	s23 =	sand.u32 $0xFFFFC000, s22;
	s21 =	sshll.u32 s21, $0x9  }
0x48e: {  	v5 =	vld [tilespmem:s20+$0xFFFFFFE0];
	s21 =	sor.u32 s21, s23  }
0x48f: {  	v7 =	vld [tilespmem:s20+$0xFFFFFFF0];
	s21 =	sshra.s32 s21, $0x2  }
0x490: {  	v9 =	vld [tilespmem:s20+$0x0];
	s21 =	sor.u32 $0x40, s21  }
0x491: {  	v2 =	vld [tilespmem:s21+$0x30]  }
0x492: {  	v4 =	vld [tilespmem:s21+$0xFFFFFFD0]  }
0x493: {  	v8 =	vld [tilespmem:s21+$0xFFFFFFF0]  }
0x494: {  	v6 =	vld [tilespmem:s21+$0xFFFFFFE0]  }
0x495: {  	v0 =	vld [tilespmem:s21+$0xFFFFFFC0]  }
0x496: {  	v10 =	vld [tilespmem:s21+$0x0];
	v1 =	vadd.f32 v2, v1  }
0x497: {  	v3 =	vadd.f32 v4, v3;
	v2 =	vld [tilespmem:s20+$0x10]  }
0x498: {  	v4 =	vld [tilespmem:s21+$0x10];
	v7 =	vadd.f32 v8, v7;
	[tilespmem:s20+$0x30] =	vst v1  }
0x499: {  	v1 =	vadd.f32 v6, v5;
	[tilespmem:s20+$0xFFFFFFD0] =	vst v3;
	v3 =	vld [tilespmem:s20+$0x20]  }
0x49a: {  	v6 =	vld [tilespmem:s21+$0x20];
	[tilespmem:s20+$0xFFFFFFF0] =	vst v7  }
0x49b: {  	s19 =	sadd.s32 $0x1570, s19;
	s22 =	simm.s32 $0x0;
	s23 =	sadd.s32 $0x400, s20;
	v5 =	vld [tilespmem:s20+$0xFFFFFFC0];
	v7 =	vadd.f32 v10, v9;
	[tilespmem:s20+$0xFFFFFFE0] =	vst v1  }
.LBB2_75:
0x49c: {  	v1 =	vld [tilespmem:s23+$0x30];
	s21 =	sadd.s32 $0x200, s21  }
0x49d: {  	s22 =	sadd.s32 $0x80, s22;
	v8 =	vld [tilespmem:s21+$0x30];
	[tilespmem:s20+$0x0] =	vst v7;
	v2 =	vadd.f32 v4, v2  }
0x49e: {  	p0 =	slt.u32 s22, $0x380;
	v4 =	vld [tilespmem:s21+$0xFFFFFFC0]  }
0x49f: {  	v7 =	vld [tilespmem:s23+$0xFFFFFFD0];
	[tilespmem:s20+$0x10] =	vst v2;
	v2 =	vadd.f32 v6, v3  }
0x4a0: {  	v3 =	vld [tilespmem:s21+$0xFFFFFFD0];
	v9 =	vadd.f32 v0, v5  }
0x4a1: {  	v5 =	vld [tilespmem:s23+$0xFFFFFFE0];
	[tilespmem:s20+$0x20] =	vst v2  }
0x4a2: {  	v2 =	vld [tilespmem:s21+$0xFFFFFFE0];
	v1 =	vadd.f32 v8, v1;
	[tilespmem:s20+$0xFFFFFFC0] =	vst v9;
	s20 =	smov.u32 s23  }
0x4a3: {  	v6 =	vld [tilespmem:s23+$0xFFFFFFF0];
	v0 =	vmov v4  }
0x4a4: {  	v8 =	vld [tilespmem:s21+$0xFFFFFFF0];
	[tilespmem:s23+$0x30] =	vst v1  }
0x4a5: {  	v1 =	vadd.f32 v3, v7;
	v7 =	vld [tilespmem:s23+$0x0]  }
0x4a6: {  	v9 =	vld [tilespmem:s21+$0x0]  }
.Ltmp36:
0x4a7: {  	[tilespmem:s23+$0xFFFFFFD0] =	vst v1;
	v1 =	vadd.f32 v2, v5;
	v2 =	vld [tilespmem:s23+$0x10];
	(pc) =	sbr.rel @p0 .LBB2_75-.Ltmp36, $4  }
0x4a8: {  	v4 =	vld [tilespmem:s21+$0x10]  }
0x4a9: {  	[tilespmem:s23+$0xFFFFFFE0] =	vst v1;
	v1 =	vadd.f32 v8, v6;
	v3 =	vld [tilespmem:s23+$0x20]  }
0x4aa: {  	v6 =	vld [tilespmem:s21+$0x20]  }
0x4ab: {  	s23 =	sadd.s32 $0x400, s23;
	v5 =	vld [tilespmem:s20+$0xFFFFFFC0];
	[tilespmem:s20+$0xFFFFFFF0] =	vst v1;
	v7 =	vadd.f32 v9, v7  }
0x4ac: {  	v1 =	vld [tilespmem:s16+$0x1181];
	_ =	sdelay $0x4  }
0x4ad: {  	(v2sf) =	vpush v1, $0x0;
	_ =	sdelay $0xe  }
0x4ae: {  	s21 =	spop (v2sf)  }
0x4af: {  	v8 =	vld [tilespmem:s19+$0x0];
	s22 =	sshll.u32 s21, $0xC;
	s21 =	sand.u32 $0x3, s21  }
0x4b0: {  	v10 =	vld [tilespmem:s19+$0xFFFFFFA0];
	s22 =	sand.u32 $0xFFFFC000, s22;
	s21 =	sshll.u32 s21, $0x9  }
0x4b1: {  	v12 =	vld [tilespmem:s19+$0xFFFFFFB0];
	s21 =	sor.u32 s21, s22  }
0x4b2: {  	v2 =	vadd.f32 v4, v2;
	v4 =	vld [tilespmem:s19+$0xFFFFFFC0];
	s21 =	sshra.s32 s21, $0x2  }
0x4b3: {  	[tilespmem:s20+$0x0] =	vst v7;
	v7 =	vld [tilespmem:s19+$0xFFFFFFD0];
	s21 =	sor.u32 $0x40, s21  }
0x4b4: {  	v9 =	vld [tilespmem:s21+$0x30]  }
0x4b5: {  	v11 =	vld [tilespmem:s21+$0xFFFFFFD0]  }
0x4b6: {  	v0 =	vadd.f32 v0, v5;
	v13 =	vld [tilespmem:s21+$0xFFFFFFE0]  }
0x4b7: {  	v3 =	vadd.f32 v6, v3;
	v6 =	vld [tilespmem:s21+$0xFFFFFFF0]  }
0x4b8: {  	[tilespmem:s20+$0xFFFFFFC0] =	vst v0;
	v0 =	vld [tilespmem:s19+$0xFFFFFFE0]  }
0x4b9: {  	[tilespmem:s20+$0x10] =	vst v2;
	v2 =	vadd.f32 v9, v8;
	v8 =	vld [tilespmem:s21+$0x0]  }
0x4ba: {  	[tilespmem:s20+$0x20] =	vst v3;
	v1 =	vld [tilespmem:s21+$0xFFFFFFC0];
	v5 =	vadd.f32 v11, v10  }
0x4bb: {  	v3 =	vld [tilespmem:s21+$0x10];
	v63 =	vadd.f32 v13, v12;
	[tilespmem:s19+$0x0] =	vst v2  }
0x4bc: {  	v6 =	vadd.f32 v6, v4;
	[tilespmem:s19+$0xFFFFFFA0] =	vst v5;
	v2 =	vld [tilespmem:s19+$0xFFFFFFF0]  }
0x4bd: {  	[tilespmem:s19+$0xFFFFFFB0] =	vst v63;
	v5 =	vld [tilespmem:s21+$0x20]  }
0x4be: {  	s20 =	simm.s32 $0x0;
	s22 =	sadd.s32 $0x400, s19;
	v4 =	vld [tilespmem:s19+$0xFFFFFF90];
	[tilespmem:s19+$0xFFFFFFC0] =	vst v6;
	v6 =	vadd.f32 v8, v7  }
.LBB2_77:
0x4bf: {  	v7 =	vld [tilespmem:s22+$0x0];
	s21 =	sadd.s32 $0x200, s21  }
0x4c0: {  	s20 =	sadd.s32 $0x80, s20;
	v8 =	vld [tilespmem:s21+$0x30];
	[tilespmem:s19+$0xFFFFFFD0] =	vst v6;
	v0 =	vadd.f32 v3, v0  }
0x4c1: {  	p0 =	slt.u32 s20, $0x380;
	v3 =	vld [tilespmem:s21+$0xFFFFFFC0]  }
0x4c2: {  	v6 =	vld [tilespmem:s22+$0xFFFFFFA0];
	[tilespmem:s19+$0xFFFFFFE0] =	vst v0;
	v0 =	vadd.f32 v5, v2  }
0x4c3: {  	v2 =	vld [tilespmem:s21+$0xFFFFFFD0];
	v9 =	vadd.f32 v1, v4  }
0x4c4: {  	v4 =	vld [tilespmem:s22+$0xFFFFFFB0];
	[tilespmem:s19+$0xFFFFFFF0] =	vst v0  }
0x4c5: {  	v0 =	vld [tilespmem:s21+$0xFFFFFFE0];
	v5 =	vadd.f32 v8, v7;
	[tilespmem:s19+$0xFFFFFF90] =	vst v9;
	s19 =	smov.u32 s22  }
0x4c6: {  	v7 =	vld [tilespmem:s22+$0xFFFFFFC0];
	v1 =	vmov v3  }
0x4c7: {  	v8 =	vld [tilespmem:s21+$0xFFFFFFF0];
	[tilespmem:s22+$0x0] =	vst v5  }
0x4c8: {  	v2 =	vadd.f32 v2, v6;
	v6 =	vld [tilespmem:s22+$0xFFFFFFD0]  }
0x4c9: {  	v9 =	vld [tilespmem:s21+$0x0]  }
.Ltmp37:
0x4ca: {  	[tilespmem:s22+$0xFFFFFFA0] =	vst v2;
	v2 =	vadd.f32 v0, v4;
	v0 =	vld [tilespmem:s22+$0xFFFFFFE0];
	(pc) =	sbr.rel @p0 .LBB2_77-.Ltmp37, $4  }
0x4cb: {  	v3 =	vld [tilespmem:s21+$0x10]  }
0x4cc: {  	[tilespmem:s22+$0xFFFFFFB0] =	vst v2;
	v7 =	vadd.f32 v8, v7;
	v2 =	vld [tilespmem:s22+$0xFFFFFFF0]  }
0x4cd: {  	v5 =	vld [tilespmem:s21+$0x20]  }
0x4ce: {  	s22 =	sadd.s32 $0x400, s22;
	v4 =	vld [tilespmem:s19+$0xFFFFFF90];
	[tilespmem:s19+$0xFFFFFFC0] =	vst v7;
	v6 =	vadd.f32 v9, v6  }
0x4cf: {  	_ = 	snop  }
0x4d0: {  	p0 =	slt.u32 s16, $0x1E  }
.Ltmp38:
0x4d1: {  	v0 =	vadd.f32 v3, v0;
	(pc) =	sbr.rel @p0 .LBB2_74-.Ltmp38, $4  }
0x4d2: {  	[tilespmem:s19+$0xFFFFFFD0] =	vst v6;
	v2 =	vadd.f32 v5, v2  }
0x4d3: {  	[tilespmem:s19+$0xFFFFFFE0] =	vst v0;
	v63 =	vadd.f32 v1, v4  }
0x4d4: {  	s20 =	sadd.s32 $0x2, s16;
	[tilespmem:s19+$0xFFFFFFF0] =	vst v2  }
0x4d5: {  	s18 =	sadd.s32 $0x800, s18;
	s17 =	sadd.s32 $0x1, s17;
	s16 =	smov.u32 s20;
	[tilespmem:s19+$0xFFFFFF90] =	vst v63  }
0x4d6: {  	s16 =	simm.s32 $0x0;
	s17 =	rddreg [dreg:$0x1c]  }
0x4d7: {  	[hbm4b:s17+s16] =	stream.linear.scatter [tilespmem:s9], [sflag:$0x3], $0x8000, $0x38;
	[tilespmem:$0x11480] =	vst v63  }
0x4d8: {  	_ =	swait.ge [sflag:s12], $0x8000  }
0x4d9: {  	[sflag:s12] =	ssyncset.done $0x0  }
0x4da: {  	s23 =	rddreg [dreg:$0x1f];
	[sflag:s12] =	ssyncadd.s32 $0xFFFF8000  }
0x4db: {  	[tilespmem:s9], [sflag:$0x1] =	stream.linear.gather [hbm4b:s23+s16], $0x8000, $0x38;
	[tilespmem:$0x11480] =	vst v63  }
0x4dc: {  	_ =	swait.ge [sflag:s13], $0x8000  }
0x4dd: {  	[sflag:s13] =	ssyncset.done $0x0  }
0x4de: {  	s18 =	simm.s32 $0x0;
	s17 =	simm.s32 $0x0;
	[sflag:s13] =	ssyncadd.s32 $0xFFFF8000  }
.LBB2_80:
0x4df: {  	v0 =	vld [tilespmem:s16+$0x11A0];
	_ =	sdelay $0x4  }
0x4e0: {  	(v2sf) =	vpush v0, $0x0;
	_ =	sdelay $0xa  }
0x4e1: {  	s19 =	sshll.u32 s18, $0x2;
	s20 =	sand.u32 $0x3, s17  }
0x4e2: {  	s19 =	sand.u32 $0xFFFF8000, s19;
	s20 =	sshll.u32 s20, $0xA  }
0x4e3: {  	s19 =	sor.u32 s20, s19  }
0x4e4: {  	s19 =	sshrl.u32 s19, $0x2  }
0x4e5: {  	s20 =	sadd.s32 $0x94C0, s19;
	s21 =	spop (v2sf)  }
0x4e6: {  	v1 =	vld [tilespmem:s20+$0x30];
	s22 =	sshll.u32 s21, $0xC;
	s21 =	sand.u32 $0x3, s21  }
0x4e7: {  	v3 =	vld [tilespmem:s20+$0xFFFFFFD0];
	s23 =	sand.u32 $0xFFFFC000, s22;
	s21 =	sshll.u32 s21, $0x9  }
0x4e8: {  	v5 =	vld [tilespmem:s20+$0xFFFFFFE0];
	s21 =	sor.u32 s21, s23  }
0x4e9: {  	v7 =	vld [tilespmem:s20+$0xFFFFFFF0];
	s21 =	sshra.s32 s21, $0x2  }
0x4ea: {  	v9 =	vld [tilespmem:s20+$0x0];
	s21 =	sor.u32 $0x40, s21  }
0x4eb: {  	v2 =	vld [tilespmem:s21+$0x30]  }
0x4ec: {  	v4 =	vld [tilespmem:s21+$0xFFFFFFD0]  }
0x4ed: {  	v8 =	vld [tilespmem:s21+$0xFFFFFFF0]  }
0x4ee: {  	v6 =	vld [tilespmem:s21+$0xFFFFFFE0]  }
0x4ef: {  	v0 =	vld [tilespmem:s21+$0xFFFFFFC0]  }
0x4f0: {  	v10 =	vld [tilespmem:s21+$0x0];
	v1 =	vadd.f32 v2, v1  }
0x4f1: {  	v3 =	vadd.f32 v4, v3;
	v2 =	vld [tilespmem:s20+$0x10]  }
0x4f2: {  	v4 =	vld [tilespmem:s21+$0x10];
	v7 =	vadd.f32 v8, v7;
	[tilespmem:s20+$0x30] =	vst v1  }
0x4f3: {  	v1 =	vadd.f32 v6, v5;
	[tilespmem:s20+$0xFFFFFFD0] =	vst v3;
	v3 =	vld [tilespmem:s20+$0x20]  }
0x4f4: {  	v6 =	vld [tilespmem:s21+$0x20];
	[tilespmem:s20+$0xFFFFFFF0] =	vst v7  }
0x4f5: {  	s19 =	sadd.s32 $0x9570, s19;
	s22 =	simm.s32 $0x0;
	s23 =	sadd.s32 $0x400, s20;
	v5 =	vld [tilespmem:s20+$0xFFFFFFC0];
	v7 =	vadd.f32 v10, v9;
	[tilespmem:s20+$0xFFFFFFE0] =	vst v1  }
.LBB2_81:
0x4f6: {  	v1 =	vld [tilespmem:s23+$0x30];
	s21 =	sadd.s32 $0x200, s21  }
0x4f7: {  	s22 =	sadd.s32 $0x80, s22;
	v8 =	vld [tilespmem:s21+$0x30];
	[tilespmem:s20+$0x0] =	vst v7;
	v2 =	vadd.f32 v4, v2  }
0x4f8: {  	p0 =	slt.u32 s22, $0x380;
	v4 =	vld [tilespmem:s21+$0xFFFFFFC0]  }
0x4f9: {  	v7 =	vld [tilespmem:s23+$0xFFFFFFD0];
	[tilespmem:s20+$0x10] =	vst v2;
	v2 =	vadd.f32 v6, v3  }
0x4fa: {  	v3 =	vld [tilespmem:s21+$0xFFFFFFD0];
	v9 =	vadd.f32 v0, v5  }
0x4fb: {  	v5 =	vld [tilespmem:s23+$0xFFFFFFE0];
	[tilespmem:s20+$0x20] =	vst v2  }
0x4fc: {  	v2 =	vld [tilespmem:s21+$0xFFFFFFE0];
	v1 =	vadd.f32 v8, v1;
	[tilespmem:s20+$0xFFFFFFC0] =	vst v9;
	s20 =	smov.u32 s23  }
0x4fd: {  	v6 =	vld [tilespmem:s23+$0xFFFFFFF0];
	v0 =	vmov v4  }
0x4fe: {  	v8 =	vld [tilespmem:s21+$0xFFFFFFF0];
	[tilespmem:s23+$0x30] =	vst v1  }
0x4ff: {  	v1 =	vadd.f32 v3, v7;
	v7 =	vld [tilespmem:s23+$0x0]  }
0x500: {  	v9 =	vld [tilespmem:s21+$0x0]  }
.Ltmp39:
0x501: {  	[tilespmem:s23+$0xFFFFFFD0] =	vst v1;
	v1 =	vadd.f32 v2, v5;
	v2 =	vld [tilespmem:s23+$0x10];
	(pc) =	sbr.rel @p0 .LBB2_81-.Ltmp39, $4  }
0x502: {  	v4 =	vld [tilespmem:s21+$0x10]  }
0x503: {  	[tilespmem:s23+$0xFFFFFFE0] =	vst v1;
	v1 =	vadd.f32 v8, v6;
	v3 =	vld [tilespmem:s23+$0x20]  }
0x504: {  	v6 =	vld [tilespmem:s21+$0x20]  }
0x505: {  	s23 =	sadd.s32 $0x400, s23;
	v5 =	vld [tilespmem:s20+$0xFFFFFFC0];
	[tilespmem:s20+$0xFFFFFFF0] =	vst v1;
	v7 =	vadd.f32 v9, v7  }
0x506: {  	v1 =	vld [tilespmem:s16+$0x11A1];
	_ =	sdelay $0x4  }
0x507: {  	(v2sf) =	vpush v1, $0x0;
	_ =	sdelay $0xe  }
0x508: {  	s21 =	spop (v2sf)  }
0x509: {  	v8 =	vld [tilespmem:s19+$0x0];
	s22 =	sshll.u32 s21, $0xC;
	s21 =	sand.u32 $0x3, s21  }
0x50a: {  	v10 =	vld [tilespmem:s19+$0xFFFFFFA0];
	s22 =	sand.u32 $0xFFFFC000, s22;
	s21 =	sshll.u32 s21, $0x9  }
0x50b: {  	v12 =	vld [tilespmem:s19+$0xFFFFFFB0];
	s21 =	sor.u32 s21, s22  }
0x50c: {  	v2 =	vadd.f32 v4, v2;
	v4 =	vld [tilespmem:s19+$0xFFFFFFC0];
	s21 =	sshra.s32 s21, $0x2  }
0x50d: {  	[tilespmem:s20+$0x0] =	vst v7;
	v7 =	vld [tilespmem:s19+$0xFFFFFFD0];
	s21 =	sor.u32 $0x40, s21  }
0x50e: {  	v9 =	vld [tilespmem:s21+$0x30]  }
0x50f: {  	v11 =	vld [tilespmem:s21+$0xFFFFFFD0]  }
0x510: {  	v0 =	vadd.f32 v0, v5;
	v13 =	vld [tilespmem:s21+$0xFFFFFFE0]  }
0x511: {  	v3 =	vadd.f32 v6, v3;
	v6 =	vld [tilespmem:s21+$0xFFFFFFF0]  }
0x512: {  	[tilespmem:s20+$0xFFFFFFC0] =	vst v0;
	v0 =	vld [tilespmem:s19+$0xFFFFFFE0]  }
0x513: {  	[tilespmem:s20+$0x10] =	vst v2;
	v2 =	vadd.f32 v9, v8;
	v8 =	vld [tilespmem:s21+$0x0]  }
0x514: {  	[tilespmem:s20+$0x20] =	vst v3;
	v1 =	vld [tilespmem:s21+$0xFFFFFFC0];
	v5 =	vadd.f32 v11, v10  }
0x515: {  	v3 =	vld [tilespmem:s21+$0x10];
	v63 =	vadd.f32 v13, v12;
	[tilespmem:s19+$0x0] =	vst v2  }
0x516: {  	v6 =	vadd.f32 v6, v4;
	[tilespmem:s19+$0xFFFFFFA0] =	vst v5;
	v2 =	vld [tilespmem:s19+$0xFFFFFFF0]  }
0x517: {  	[tilespmem:s19+$0xFFFFFFB0] =	vst v63;
	v5 =	vld [tilespmem:s21+$0x20]  }
0x518: {  	s20 =	simm.s32 $0x0;
	s22 =	sadd.s32 $0x400, s19;
	v4 =	vld [tilespmem:s19+$0xFFFFFF90];
	[tilespmem:s19+$0xFFFFFFC0] =	vst v6;
	v6 =	vadd.f32 v8, v7  }
.LBB2_83:
0x519: {  	v7 =	vld [tilespmem:s22+$0x0];
	s21 =	sadd.s32 $0x200, s21  }
0x51a: {  	s20 =	sadd.s32 $0x80, s20;
	v8 =	vld [tilespmem:s21+$0x30];
	[tilespmem:s19+$0xFFFFFFD0] =	vst v6;
	v0 =	vadd.f32 v3, v0  }
0x51b: {  	p0 =	slt.u32 s20, $0x380;
	v3 =	vld [tilespmem:s21+$0xFFFFFFC0]  }
0x51c: {  	v6 =	vld [tilespmem:s22+$0xFFFFFFA0];
	[tilespmem:s19+$0xFFFFFFE0] =	vst v0;
	v0 =	vadd.f32 v5, v2  }
0x51d: {  	v2 =	vld [tilespmem:s21+$0xFFFFFFD0];
	v9 =	vadd.f32 v1, v4  }
0x51e: {  	v4 =	vld [tilespmem:s22+$0xFFFFFFB0];
	[tilespmem:s19+$0xFFFFFFF0] =	vst v0  }
0x51f: {  	v0 =	vld [tilespmem:s21+$0xFFFFFFE0];
	v5 =	vadd.f32 v8, v7;
	[tilespmem:s19+$0xFFFFFF90] =	vst v9;
	s19 =	smov.u32 s22  }
0x520: {  	v7 =	vld [tilespmem:s22+$0xFFFFFFC0];
	v1 =	vmov v3  }
0x521: {  	v8 =	vld [tilespmem:s21+$0xFFFFFFF0];
	[tilespmem:s22+$0x0] =	vst v5  }
0x522: {  	v2 =	vadd.f32 v2, v6;
	v6 =	vld [tilespmem:s22+$0xFFFFFFD0]  }
0x523: {  	v9 =	vld [tilespmem:s21+$0x0]  }
.Ltmp40:
0x524: {  	[tilespmem:s22+$0xFFFFFFA0] =	vst v2;
	v2 =	vadd.f32 v0, v4;
	v0 =	vld [tilespmem:s22+$0xFFFFFFE0];
	(pc) =	sbr.rel @p0 .LBB2_83-.Ltmp40, $4  }
0x525: {  	v3 =	vld [tilespmem:s21+$0x10]  }
0x526: {  	[tilespmem:s22+$0xFFFFFFB0] =	vst v2;
	v7 =	vadd.f32 v8, v7;
	v2 =	vld [tilespmem:s22+$0xFFFFFFF0]  }
0x527: {  	v5 =	vld [tilespmem:s21+$0x20]  }
0x528: {  	s22 =	sadd.s32 $0x400, s22;
	v4 =	vld [tilespmem:s19+$0xFFFFFF90];
	[tilespmem:s19+$0xFFFFFFC0] =	vst v7;
	v6 =	vadd.f32 v9, v6  }
0x529: {  	_ = 	snop  }
0x52a: {  	p0 =	slt.u32 s16, $0x1E  }
.Ltmp41:
0x52b: {  	v0 =	vadd.f32 v3, v0;
	(pc) =	sbr.rel @p0 .LBB2_80-.Ltmp41, $4  }
0x52c: {  	[tilespmem:s19+$0xFFFFFFD0] =	vst v6;
	v2 =	vadd.f32 v5, v2  }
0x52d: {  	[tilespmem:s19+$0xFFFFFFE0] =	vst v0;
	v63 =	vadd.f32 v1, v4  }
0x52e: {  	s20 =	sadd.s32 $0x2, s16;
	[tilespmem:s19+$0xFFFFFFF0] =	vst v2  }
0x52f: {  	s18 =	sadd.s32 $0x800, s18;
	s17 =	sadd.s32 $0x1, s17;
	s16 =	smov.u32 s20;
	[tilespmem:s19+$0xFFFFFF90] =	vst v63  }
0x530: {  	s16 =	simm.s32 $0x0;
	s17 =	rddreg [dreg:$0x1e]  }
0x531: {  	[hbm4b:s17+s16] =	stream.linear.scatter [tilespmem:s10], [sflag:$0x4], $0x8000, $0x38;
	[tilespmem:$0x11480] =	vst v63  }
0x532: {  	_ =	swait.ge [sflag:s14], $0x8000  }
0x533: {  	s23 =	sld [smem:$0x7E6]  }
0x534: {  	[sflag:s14] =	ssyncset.done $0x0  }
0x535: {  	[sflag:s14] =	ssyncadd.s32 $0xFFFF8000  }
0x536: {  	[tilespmem:s10], [sflag:$0x2] =	stream.linear.gather [hbm4b:s23+s16], $0x8000, $0x38;
	[tilespmem:$0x11480] =	vst v63  }
0x537: {  	_ =	swait.ge [sflag:s11], $0x8000  }
0x538: {  	[sflag:s11] =	ssyncset.done $0x0  }
0x539: {  	s18 =	simm.s32 $0x0;
	s17 =	simm.s32 $0x0;
	[sflag:s11] =	ssyncadd.s32 $0xFFFF8000  }
.LBB2_86:
0x53a: {  	v0 =	vld [tilespmem:s16+$0x11C0];
	_ =	sdelay $0x4  }
0x53b: {  	(v2sf) =	vpush v0, $0x0;
	_ =	sdelay $0xa  }
0x53c: {  	s19 =	sshll.u32 s18, $0x2;
	s20 =	sand.u32 $0x3, s17  }
0x53d: {  	s19 =	sand.u32 $0xFFFF8000, s19;
	s20 =	sshll.u32 s20, $0xA  }
0x53e: {  	s19 =	sor.u32 s20, s19  }
0x53f: {  	s19 =	sshrl.u32 s19, $0x2  }
0x540: {  	s20 =	sor.u32 $0x14C0, s19;
	s21 =	spop (v2sf)  }
0x541: {  	v1 =	vld [tilespmem:s20+$0x30];
	s22 =	sshll.u32 s21, $0xC;
	s21 =	sand.u32 $0x3, s21  }
0x542: {  	v3 =	vld [tilespmem:s20+$0xFFFFFFD0];
	s23 =	sand.u32 $0xFFFFC000, s22;
	s21 =	sshll.u32 s21, $0x9  }
0x543: {  	v5 =	vld [tilespmem:s20+$0xFFFFFFE0];
	s21 =	sor.u32 s21, s23  }
0x544: {  	v7 =	vld [tilespmem:s20+$0xFFFFFFF0];
	s21 =	sshra.s32 s21, $0x2  }
0x545: {  	v9 =	vld [tilespmem:s20+$0x0];
	s21 =	sor.u32 $0x40, s21  }
0x546: {  	v2 =	vld [tilespmem:s21+$0x30]  }
0x547: {  	v4 =	vld [tilespmem:s21+$0xFFFFFFD0]  }
0x548: {  	v8 =	vld [tilespmem:s21+$0xFFFFFFF0]  }
0x549: {  	v6 =	vld [tilespmem:s21+$0xFFFFFFE0]  }
0x54a: {  	v0 =	vld [tilespmem:s21+$0xFFFFFFC0]  }
0x54b: {  	v10 =	vld [tilespmem:s21+$0x0];
	v1 =	vadd.f32 v2, v1  }
0x54c: {  	v3 =	vadd.f32 v4, v3;
	v2 =	vld [tilespmem:s20+$0x10]  }
0x54d: {  	v4 =	vld [tilespmem:s21+$0x10];
	v7 =	vadd.f32 v8, v7;
	[tilespmem:s20+$0x30] =	vst v1  }
0x54e: {  	v1 =	vadd.f32 v6, v5;
	[tilespmem:s20+$0xFFFFFFD0] =	vst v3;
	v3 =	vld [tilespmem:s20+$0x20]  }
0x54f: {  	v6 =	vld [tilespmem:s21+$0x20];
	[tilespmem:s20+$0xFFFFFFF0] =	vst v7  }
0x550: {  	s19 =	sadd.s32 $0x1570, s19;
	s22 =	simm.s32 $0x0;
	s23 =	sadd.s32 $0x400, s20;
	v5 =	vld [tilespmem:s20+$0xFFFFFFC0];
	v7 =	vadd.f32 v10, v9;
	[tilespmem:s20+$0xFFFFFFE0] =	vst v1  }
.LBB2_87:
0x551: {  	v1 =	vld [tilespmem:s23+$0x30];
	s21 =	sadd.s32 $0x200, s21  }
0x552: {  	s22 =	sadd.s32 $0x80, s22;
	v8 =	vld [tilespmem:s21+$0x30];
	[tilespmem:s20+$0x0] =	vst v7;
	v2 =	vadd.f32 v4, v2  }
0x553: {  	p0 =	slt.u32 s22, $0x380;
	v4 =	vld [tilespmem:s21+$0xFFFFFFC0]  }
0x554: {  	v7 =	vld [tilespmem:s23+$0xFFFFFFD0];
	[tilespmem:s20+$0x10] =	vst v2;
	v2 =	vadd.f32 v6, v3  }
0x555: {  	v3 =	vld [tilespmem:s21+$0xFFFFFFD0];
	v9 =	vadd.f32 v0, v5  }
0x556: {  	v5 =	vld [tilespmem:s23+$0xFFFFFFE0];
	[tilespmem:s20+$0x20] =	vst v2  }
0x557: {  	v2 =	vld [tilespmem:s21+$0xFFFFFFE0];
	v1 =	vadd.f32 v8, v1;
	[tilespmem:s20+$0xFFFFFFC0] =	vst v9;
	s20 =	smov.u32 s23  }
0x558: {  	v6 =	vld [tilespmem:s23+$0xFFFFFFF0];
	v0 =	vmov v4  }
0x559: {  	v8 =	vld [tilespmem:s21+$0xFFFFFFF0];
	[tilespmem:s23+$0x30] =	vst v1  }
0x55a: {  	v1 =	vadd.f32 v3, v7;
	v7 =	vld [tilespmem:s23+$0x0]  }
0x55b: {  	v9 =	vld [tilespmem:s21+$0x0]  }
.Ltmp42:
0x55c: {  	[tilespmem:s23+$0xFFFFFFD0] =	vst v1;
	v1 =	vadd.f32 v2, v5;
	v2 =	vld [tilespmem:s23+$0x10];
	(pc) =	sbr.rel @p0 .LBB2_87-.Ltmp42, $4  }
0x55d: {  	v4 =	vld [tilespmem:s21+$0x10]  }
0x55e: {  	[tilespmem:s23+$0xFFFFFFE0] =	vst v1;
	v1 =	vadd.f32 v8, v6;
	v3 =	vld [tilespmem:s23+$0x20]  }
0x55f: {  	v6 =	vld [tilespmem:s21+$0x20]  }
0x560: {  	s23 =	sadd.s32 $0x400, s23;
	v5 =	vld [tilespmem:s20+$0xFFFFFFC0];
	[tilespmem:s20+$0xFFFFFFF0] =	vst v1;
	v7 =	vadd.f32 v9, v7  }
0x561: {  	v1 =	vld [tilespmem:s16+$0x11C1];
	_ =	sdelay $0x4  }
0x562: {  	(v2sf) =	vpush v1, $0x0;
	_ =	sdelay $0xe  }
0x563: {  	s21 =	spop (v2sf)  }
0x564: {  	v8 =	vld [tilespmem:s19+$0x0];
	s22 =	sshll.u32 s21, $0xC;
	s21 =	sand.u32 $0x3, s21  }
0x565: {  	v10 =	vld [tilespmem:s19+$0xFFFFFFA0];
	s22 =	sand.u32 $0xFFFFC000, s22;
	s21 =	sshll.u32 s21, $0x9  }
0x566: {  	v12 =	vld [tilespmem:s19+$0xFFFFFFB0];
	s21 =	sor.u32 s21, s22  }
0x567: {  	v2 =	vadd.f32 v4, v2;
	v4 =	vld [tilespmem:s19+$0xFFFFFFC0];
	s21 =	sshra.s32 s21, $0x2  }
0x568: {  	[tilespmem:s20+$0x0] =	vst v7;
	v7 =	vld [tilespmem:s19+$0xFFFFFFD0];
	s21 =	sor.u32 $0x40, s21  }
0x569: {  	v9 =	vld [tilespmem:s21+$0x30]  }
0x56a: {  	v11 =	vld [tilespmem:s21+$0xFFFFFFD0]  }
0x56b: {  	v0 =	vadd.f32 v0, v5;
	v13 =	vld [tilespmem:s21+$0xFFFFFFE0]  }
0x56c: {  	v3 =	vadd.f32 v6, v3;
	v6 =	vld [tilespmem:s21+$0xFFFFFFF0]  }
0x56d: {  	[tilespmem:s20+$0xFFFFFFC0] =	vst v0;
	v0 =	vld [tilespmem:s19+$0xFFFFFFE0]  }
0x56e: {  	[tilespmem:s20+$0x10] =	vst v2;
	v2 =	vadd.f32 v9, v8;
	v8 =	vld [tilespmem:s21+$0x0]  }
0x56f: {  	[tilespmem:s20+$0x20] =	vst v3;
	v1 =	vld [tilespmem:s21+$0xFFFFFFC0];
	v5 =	vadd.f32 v11, v10  }
0x570: {  	v3 =	vld [tilespmem:s21+$0x10];
	v63 =	vadd.f32 v13, v12;
	[tilespmem:s19+$0x0] =	vst v2  }
0x571: {  	v6 =	vadd.f32 v6, v4;
	[tilespmem:s19+$0xFFFFFFA0] =	vst v5;
	v2 =	vld [tilespmem:s19+$0xFFFFFFF0]  }
0x572: {  	[tilespmem:s19+$0xFFFFFFB0] =	vst v63;
	v5 =	vld [tilespmem:s21+$0x20]  }
0x573: {  	s20 =	simm.s32 $0x0;
	s22 =	sadd.s32 $0x400, s19;
	v4 =	vld [tilespmem:s19+$0xFFFFFF90];
	[tilespmem:s19+$0xFFFFFFC0] =	vst v6;
	v6 =	vadd.f32 v8, v7  }
.LBB2_89:
0x574: {  	v7 =	vld [tilespmem:s22+$0x0];
	s21 =	sadd.s32 $0x200, s21  }
0x575: {  	s20 =	sadd.s32 $0x80, s20;
	v8 =	vld [tilespmem:s21+$0x30];
	[tilespmem:s19+$0xFFFFFFD0] =	vst v6;
	v0 =	vadd.f32 v3, v0  }
0x576: {  	p0 =	slt.u32 s20, $0x380;
	v3 =	vld [tilespmem:s21+$0xFFFFFFC0]  }
0x577: {  	v6 =	vld [tilespmem:s22+$0xFFFFFFA0];
	[tilespmem:s19+$0xFFFFFFE0] =	vst v0;
	v0 =	vadd.f32 v5, v2  }
0x578: {  	v2 =	vld [tilespmem:s21+$0xFFFFFFD0];
	v9 =	vadd.f32 v1, v4  }
0x579: {  	v4 =	vld [tilespmem:s22+$0xFFFFFFB0];
	[tilespmem:s19+$0xFFFFFFF0] =	vst v0  }
0x57a: {  	v0 =	vld [tilespmem:s21+$0xFFFFFFE0];
	v5 =	vadd.f32 v8, v7;
	[tilespmem:s19+$0xFFFFFF90] =	vst v9;
	s19 =	smov.u32 s22  }
0x57b: {  	v7 =	vld [tilespmem:s22+$0xFFFFFFC0];
	v1 =	vmov v3  }
0x57c: {  	v8 =	vld [tilespmem:s21+$0xFFFFFFF0];
	[tilespmem:s22+$0x0] =	vst v5  }
0x57d: {  	v2 =	vadd.f32 v2, v6;
	v6 =	vld [tilespmem:s22+$0xFFFFFFD0]  }
0x57e: {  	v9 =	vld [tilespmem:s21+$0x0]  }
.Ltmp43:
0x57f: {  	[tilespmem:s22+$0xFFFFFFA0] =	vst v2;
	v2 =	vadd.f32 v0, v4;
	v0 =	vld [tilespmem:s22+$0xFFFFFFE0];
	(pc) =	sbr.rel @p0 .LBB2_89-.Ltmp43, $4  }
0x580: {  	v3 =	vld [tilespmem:s21+$0x10]  }
0x581: {  	[tilespmem:s22+$0xFFFFFFB0] =	vst v2;
	v7 =	vadd.f32 v8, v7;
	v2 =	vld [tilespmem:s22+$0xFFFFFFF0]  }
0x582: {  	v5 =	vld [tilespmem:s21+$0x20]  }
0x583: {  	s22 =	sadd.s32 $0x400, s22;
	v4 =	vld [tilespmem:s19+$0xFFFFFF90];
	[tilespmem:s19+$0xFFFFFFC0] =	vst v7;
	v6 =	vadd.f32 v9, v6  }
0x584: {  	_ = 	snop  }
0x585: {  	p0 =	slt.u32 s16, $0x1E  }
.Ltmp44:
0x586: {  	v0 =	vadd.f32 v3, v0;
	(pc) =	sbr.rel @p0 .LBB2_86-.Ltmp44, $4  }
0x587: {  	[tilespmem:s19+$0xFFFFFFD0] =	vst v6;
	v2 =	vadd.f32 v5, v2  }
0x588: {  	[tilespmem:s19+$0xFFFFFFE0] =	vst v0;
	v63 =	vadd.f32 v1, v4  }
0x589: {  	s20 =	sadd.s32 $0x2, s16;
	[tilespmem:s19+$0xFFFFFFF0] =	vst v2  }
0x58a: {  	s18 =	sadd.s32 $0x800, s18;
	s17 =	sadd.s32 $0x1, s17;
	s16 =	smov.u32 s20;
	[tilespmem:s19+$0xFFFFFF90] =	vst v63  }
0x58b: {  	s17 =	sld [smem:$0x7E5];
	_ =	sdelay $0x1  }
0x58c: {  	s16 =	simm.s32 $0x0  }
0x58d: {  	[hbm4b:s17+s16] =	stream.linear.scatter [tilespmem:s9], [sflag:$0x3], $0x8000, $0x38;
	[tilespmem:$0x11480] =	vst v63  }
0x58e: {  	_ =	swait.ge [sflag:s12], $0x8000  }
0x58f: {  	s23 =	sld [smem:$0x7E8]  }
0x590: {  	[sflag:s12] =	ssyncset.done $0x0  }
0x591: {  	[sflag:s12] =	ssyncadd.s32 $0xFFFF8000  }
0x592: {  	[tilespmem:s9], [sflag:$0x1] =	stream.linear.gather [hbm4b:s23+s16], $0x8000, $0x38;
	[tilespmem:$0x11480] =	vst v63  }
0x593: {  	_ =	swait.ge [sflag:s13], $0x8000  }
0x594: {  	[sflag:s13] =	ssyncset.done $0x0  }
0x595: {  	s18 =	simm.s32 $0x0;
	s17 =	simm.s32 $0x0;
	[sflag:s13] =	ssyncadd.s32 $0xFFFF8000  }
.LBB2_92:
0x596: {  	v0 =	vld [tilespmem:s16+$0x11E0];
	_ =	sdelay $0x4  }
0x597: {  	(v2sf) =	vpush v0, $0x0;
	_ =	sdelay $0xa  }
0x598: {  	s19 =	sshll.u32 s18, $0x2;
	s20 =	sand.u32 $0x3, s17  }
0x599: {  	s19 =	sand.u32 $0xFFFF8000, s19;
	s20 =	sshll.u32 s20, $0xA  }
0x59a: {  	s19 =	sor.u32 s20, s19  }
0x59b: {  	s19 =	sshrl.u32 s19, $0x2  }
0x59c: {  	s20 =	sadd.s32 $0x94C0, s19;
	s21 =	spop (v2sf)  }
0x59d: {  	v1 =	vld [tilespmem:s20+$0x30];
	s22 =	sshll.u32 s21, $0xC;
	s21 =	sand.u32 $0x3, s21  }
0x59e: {  	v3 =	vld [tilespmem:s20+$0xFFFFFFD0];
	s23 =	sand.u32 $0xFFFFC000, s22;
	s21 =	sshll.u32 s21, $0x9  }
0x59f: {  	v5 =	vld [tilespmem:s20+$0xFFFFFFE0];
	s21 =	sor.u32 s21, s23  }
0x5a0: {  	v7 =	vld [tilespmem:s20+$0xFFFFFFF0];
	s21 =	sshra.s32 s21, $0x2  }
0x5a1: {  	v9 =	vld [tilespmem:s20+$0x0];
	s21 =	sor.u32 $0x40, s21  }
0x5a2: {  	v2 =	vld [tilespmem:s21+$0x30]  }
0x5a3: {  	v4 =	vld [tilespmem:s21+$0xFFFFFFD0]  }
0x5a4: {  	v8 =	vld [tilespmem:s21+$0xFFFFFFF0]  }
0x5a5: {  	v6 =	vld [tilespmem:s21+$0xFFFFFFE0]  }
0x5a6: {  	v0 =	vld [tilespmem:s21+$0xFFFFFFC0]  }
0x5a7: {  	v10 =	vld [tilespmem:s21+$0x0];
	v1 =	vadd.f32 v2, v1  }
0x5a8: {  	v3 =	vadd.f32 v4, v3;
	v2 =	vld [tilespmem:s20+$0x10]  }
0x5a9: {  	v4 =	vld [tilespmem:s21+$0x10];
	v7 =	vadd.f32 v8, v7;
	[tilespmem:s20+$0x30] =	vst v1  }
0x5aa: {  	v1 =	vadd.f32 v6, v5;
	[tilespmem:s20+$0xFFFFFFD0] =	vst v3;
	v3 =	vld [tilespmem:s20+$0x20]  }
0x5ab: {  	v6 =	vld [tilespmem:s21+$0x20];
	[tilespmem:s20+$0xFFFFFFF0] =	vst v7  }
0x5ac: {  	s19 =	sadd.s32 $0x9570, s19;
	s22 =	simm.s32 $0x0;
	s23 =	sadd.s32 $0x400, s20;
	v5 =	vld [tilespmem:s20+$0xFFFFFFC0];
	v7 =	vadd.f32 v10, v9;
	[tilespmem:s20+$0xFFFFFFE0] =	vst v1  }
.LBB2_93:
0x5ad: {  	v1 =	vld [tilespmem:s23+$0x30];
	s21 =	sadd.s32 $0x200, s21  }
0x5ae: {  	s22 =	sadd.s32 $0x80, s22;
	v8 =	vld [tilespmem:s21+$0x30];
	[tilespmem:s20+$0x0] =	vst v7;
	v2 =	vadd.f32 v4, v2  }
0x5af: {  	p0 =	slt.u32 s22, $0x380;
	v4 =	vld [tilespmem:s21+$0xFFFFFFC0]  }
0x5b0: {  	v7 =	vld [tilespmem:s23+$0xFFFFFFD0];
	[tilespmem:s20+$0x10] =	vst v2;
	v2 =	vadd.f32 v6, v3  }
0x5b1: {  	v3 =	vld [tilespmem:s21+$0xFFFFFFD0];
	v9 =	vadd.f32 v0, v5  }
0x5b2: {  	v5 =	vld [tilespmem:s23+$0xFFFFFFE0];
	[tilespmem:s20+$0x20] =	vst v2  }
0x5b3: {  	v2 =	vld [tilespmem:s21+$0xFFFFFFE0];
	v1 =	vadd.f32 v8, v1;
	[tilespmem:s20+$0xFFFFFFC0] =	vst v9;
	s20 =	smov.u32 s23  }
0x5b4: {  	v6 =	vld [tilespmem:s23+$0xFFFFFFF0];
	v0 =	vmov v4  }
0x5b5: {  	v8 =	vld [tilespmem:s21+$0xFFFFFFF0];
	[tilespmem:s23+$0x30] =	vst v1  }
0x5b6: {  	v1 =	vadd.f32 v3, v7;
	v7 =	vld [tilespmem:s23+$0x0]  }
0x5b7: {  	v9 =	vld [tilespmem:s21+$0x0]  }
.Ltmp45:
0x5b8: {  	[tilespmem:s23+$0xFFFFFFD0] =	vst v1;
	v1 =	vadd.f32 v2, v5;
	v2 =	vld [tilespmem:s23+$0x10];
	(pc) =	sbr.rel @p0 .LBB2_93-.Ltmp45, $4  }
0x5b9: {  	v4 =	vld [tilespmem:s21+$0x10]  }
0x5ba: {  	[tilespmem:s23+$0xFFFFFFE0] =	vst v1;
	v1 =	vadd.f32 v8, v6;
	v3 =	vld [tilespmem:s23+$0x20]  }
0x5bb: {  	v6 =	vld [tilespmem:s21+$0x20]  }
0x5bc: {  	s23 =	sadd.s32 $0x400, s23;
	v5 =	vld [tilespmem:s20+$0xFFFFFFC0];
	[tilespmem:s20+$0xFFFFFFF0] =	vst v1;
	v7 =	vadd.f32 v9, v7  }
0x5bd: {  	v1 =	vld [tilespmem:s16+$0x11E1];
	_ =	sdelay $0x4  }
0x5be: {  	(v2sf) =	vpush v1, $0x0;
	_ =	sdelay $0xe  }
0x5bf: {  	s21 =	spop (v2sf)  }
0x5c0: {  	v8 =	vld [tilespmem:s19+$0x0];
	s22 =	sshll.u32 s21, $0xC;
	s21 =	sand.u32 $0x3, s21  }
0x5c1: {  	v10 =	vld [tilespmem:s19+$0xFFFFFFA0];
	s22 =	sand.u32 $0xFFFFC000, s22;
	s21 =	sshll.u32 s21, $0x9  }
0x5c2: {  	v12 =	vld [tilespmem:s19+$0xFFFFFFB0];
	s21 =	sor.u32 s21, s22  }
0x5c3: {  	v2 =	vadd.f32 v4, v2;
	v4 =	vld [tilespmem:s19+$0xFFFFFFC0];
	s21 =	sshra.s32 s21, $0x2  }
0x5c4: {  	[tilespmem:s20+$0x0] =	vst v7;
	v7 =	vld [tilespmem:s19+$0xFFFFFFD0];
	s21 =	sor.u32 $0x40, s21  }
0x5c5: {  	v9 =	vld [tilespmem:s21+$0x30]  }
0x5c6: {  	v11 =	vld [tilespmem:s21+$0xFFFFFFD0]  }
0x5c7: {  	v0 =	vadd.f32 v0, v5;
	v13 =	vld [tilespmem:s21+$0xFFFFFFE0]  }
0x5c8: {  	v3 =	vadd.f32 v6, v3;
	v6 =	vld [tilespmem:s21+$0xFFFFFFF0]  }
0x5c9: {  	[tilespmem:s20+$0xFFFFFFC0] =	vst v0;
	v0 =	vld [tilespmem:s19+$0xFFFFFFE0]  }
0x5ca: {  	[tilespmem:s20+$0x10] =	vst v2;
	v2 =	vadd.f32 v9, v8;
	v8 =	vld [tilespmem:s21+$0x0]  }
0x5cb: {  	[tilespmem:s20+$0x20] =	vst v3;
	v1 =	vld [tilespmem:s21+$0xFFFFFFC0];
	v5 =	vadd.f32 v11, v10  }
0x5cc: {  	v3 =	vld [tilespmem:s21+$0x10];
	v63 =	vadd.f32 v13, v12;
	[tilespmem:s19+$0x0] =	vst v2  }
0x5cd: {  	v6 =	vadd.f32 v6, v4;
	[tilespmem:s19+$0xFFFFFFA0] =	vst v5;
	v2 =	vld [tilespmem:s19+$0xFFFFFFF0]  }
0x5ce: {  	[tilespmem:s19+$0xFFFFFFB0] =	vst v63;
	v5 =	vld [tilespmem:s21+$0x20]  }
0x5cf: {  	s20 =	simm.s32 $0x0;
	s22 =	sadd.s32 $0x400, s19;
	v4 =	vld [tilespmem:s19+$0xFFFFFF90];
	[tilespmem:s19+$0xFFFFFFC0] =	vst v6;
	v6 =	vadd.f32 v8, v7  }
.LBB2_95:
0x5d0: {  	v7 =	vld [tilespmem:s22+$0x0];
	s21 =	sadd.s32 $0x200, s21  }
0x5d1: {  	s20 =	sadd.s32 $0x80, s20;
	v8 =	vld [tilespmem:s21+$0x30];
	[tilespmem:s19+$0xFFFFFFD0] =	vst v6;
	v0 =	vadd.f32 v3, v0  }
0x5d2: {  	p0 =	slt.u32 s20, $0x380;
	v3 =	vld [tilespmem:s21+$0xFFFFFFC0]  }
0x5d3: {  	v6 =	vld [tilespmem:s22+$0xFFFFFFA0];
	[tilespmem:s19+$0xFFFFFFE0] =	vst v0;
	v0 =	vadd.f32 v5, v2  }
0x5d4: {  	v2 =	vld [tilespmem:s21+$0xFFFFFFD0];
	v9 =	vadd.f32 v1, v4  }
0x5d5: {  	v4 =	vld [tilespmem:s22+$0xFFFFFFB0];
	[tilespmem:s19+$0xFFFFFFF0] =	vst v0  }
0x5d6: {  	v0 =	vld [tilespmem:s21+$0xFFFFFFE0];
	v5 =	vadd.f32 v8, v7;
	[tilespmem:s19+$0xFFFFFF90] =	vst v9;
	s19 =	smov.u32 s22  }
0x5d7: {  	v7 =	vld [tilespmem:s22+$0xFFFFFFC0];
	v1 =	vmov v3  }
0x5d8: {  	v8 =	vld [tilespmem:s21+$0xFFFFFFF0];
	[tilespmem:s22+$0x0] =	vst v5  }
0x5d9: {  	v2 =	vadd.f32 v2, v6;
	v6 =	vld [tilespmem:s22+$0xFFFFFFD0]  }
0x5da: {  	v9 =	vld [tilespmem:s21+$0x0]  }
.Ltmp46:
0x5db: {  	[tilespmem:s22+$0xFFFFFFA0] =	vst v2;
	v2 =	vadd.f32 v0, v4;
	v0 =	vld [tilespmem:s22+$0xFFFFFFE0];
	(pc) =	sbr.rel @p0 .LBB2_95-.Ltmp46, $4  }
0x5dc: {  	v3 =	vld [tilespmem:s21+$0x10]  }
0x5dd: {  	[tilespmem:s22+$0xFFFFFFB0] =	vst v2;
	v7 =	vadd.f32 v8, v7;
	v2 =	vld [tilespmem:s22+$0xFFFFFFF0]  }
0x5de: {  	v5 =	vld [tilespmem:s21+$0x20]  }
0x5df: {  	s22 =	sadd.s32 $0x400, s22;
	v4 =	vld [tilespmem:s19+$0xFFFFFF90];
	[tilespmem:s19+$0xFFFFFFC0] =	vst v7;
	v6 =	vadd.f32 v9, v6  }
0x5e0: {  	_ = 	snop  }
0x5e1: {  	p0 =	slt.u32 s16, $0x1E  }
.Ltmp47:
0x5e2: {  	v0 =	vadd.f32 v3, v0;
	(pc) =	sbr.rel @p0 .LBB2_92-.Ltmp47, $4  }
0x5e3: {  	[tilespmem:s19+$0xFFFFFFD0] =	vst v6;
	v2 =	vadd.f32 v5, v2  }
0x5e4: {  	[tilespmem:s19+$0xFFFFFFE0] =	vst v0;
	v63 =	vadd.f32 v1, v4  }
0x5e5: {  	s20 =	sadd.s32 $0x2, s16;
	[tilespmem:s19+$0xFFFFFFF0] =	vst v2  }
0x5e6: {  	s18 =	sadd.s32 $0x800, s18;
	s17 =	sadd.s32 $0x1, s17;
	s16 =	smov.u32 s20;
	[tilespmem:s19+$0xFFFFFF90] =	vst v63  }
0x5e7: {  	s17 =	sld [smem:$0x7E7];
	_ =	sdelay $0x1  }
0x5e8: {  	s16 =	simm.s32 $0x0  }
0x5e9: {  	[hbm4b:s17+s16] =	stream.linear.scatter [tilespmem:s10], [sflag:$0x4], $0x8000, $0x38;
	[tilespmem:$0x11480] =	vst v63  }
0x5ea: {  	_ =	swait.ge [sflag:s14], $0x8000  }
0x5eb: {  	s23 =	sld [smem:$0x7EA]  }
0x5ec: {  	[sflag:s14] =	ssyncset.done $0x0  }
0x5ed: {  	[sflag:s14] =	ssyncadd.s32 $0xFFFF8000  }
0x5ee: {  	[tilespmem:s10], [sflag:$0x2] =	stream.linear.gather [hbm4b:s23+s16], $0x8000, $0x38;
	[tilespmem:$0x11480] =	vst v63  }
0x5ef: {  	_ =	swait.ge [sflag:s11], $0x8000  }
0x5f0: {  	[sflag:s11] =	ssyncset.done $0x0  }
0x5f1: {  	s18 =	simm.s32 $0x0;
	s17 =	simm.s32 $0x0;
	[sflag:s11] =	ssyncadd.s32 $0xFFFF8000  }
.LBB2_98:
0x5f2: {  	v0 =	vld [tilespmem:s16+$0x1200];
	_ =	sdelay $0x4  }
0x5f3: {  	(v2sf) =	vpush v0, $0x0;
	_ =	sdelay $0xa  }
0x5f4: {  	s19 =	sshll.u32 s18, $0x2;
	s20 =	sand.u32 $0x3, s17  }
0x5f5: {  	s19 =	sand.u32 $0xFFFF8000, s19;
	s20 =	sshll.u32 s20, $0xA  }
0x5f6: {  	s19 =	sor.u32 s20, s19  }
0x5f7: {  	s19 =	sshrl.u32 s19, $0x2  }
0x5f8: {  	s20 =	sor.u32 $0x14C0, s19;
	s21 =	spop (v2sf)  }
0x5f9: {  	v1 =	vld [tilespmem:s20+$0x30];
	s22 =	sshll.u32 s21, $0xC;
	s21 =	sand.u32 $0x3, s21  }
0x5fa: {  	v3 =	vld [tilespmem:s20+$0xFFFFFFD0];
	s23 =	sand.u32 $0xFFFFC000, s22;
	s21 =	sshll.u32 s21, $0x9  }
0x5fb: {  	v5 =	vld [tilespmem:s20+$0xFFFFFFE0];
	s21 =	sor.u32 s21, s23  }
0x5fc: {  	v7 =	vld [tilespmem:s20+$0xFFFFFFF0];
	s21 =	sshra.s32 s21, $0x2  }
0x5fd: {  	v9 =	vld [tilespmem:s20+$0x0];
	s21 =	sor.u32 $0x40, s21  }
0x5fe: {  	v2 =	vld [tilespmem:s21+$0x30]  }
0x5ff: {  	v4 =	vld [tilespmem:s21+$0xFFFFFFD0]  }
0x600: {  	v8 =	vld [tilespmem:s21+$0xFFFFFFF0]  }
0x601: {  	v6 =	vld [tilespmem:s21+$0xFFFFFFE0]  }
0x602: {  	v0 =	vld [tilespmem:s21+$0xFFFFFFC0]  }
0x603: {  	v10 =	vld [tilespmem:s21+$0x0];
	v1 =	vadd.f32 v2, v1  }
0x604: {  	v3 =	vadd.f32 v4, v3;
	v2 =	vld [tilespmem:s20+$0x10]  }
0x605: {  	v4 =	vld [tilespmem:s21+$0x10];
	v7 =	vadd.f32 v8, v7;
	[tilespmem:s20+$0x30] =	vst v1  }
0x606: {  	v1 =	vadd.f32 v6, v5;
	[tilespmem:s20+$0xFFFFFFD0] =	vst v3;
	v3 =	vld [tilespmem:s20+$0x20]  }
0x607: {  	v6 =	vld [tilespmem:s21+$0x20];
	[tilespmem:s20+$0xFFFFFFF0] =	vst v7  }
0x608: {  	s19 =	sadd.s32 $0x1570, s19;
	s22 =	simm.s32 $0x0;
	s23 =	sadd.s32 $0x400, s20;
	v5 =	vld [tilespmem:s20+$0xFFFFFFC0];
	v7 =	vadd.f32 v10, v9;
	[tilespmem:s20+$0xFFFFFFE0] =	vst v1  }
.LBB2_99:
0x609: {  	v1 =	vld [tilespmem:s23+$0x30];
	s21 =	sadd.s32 $0x200, s21  }
0x60a: {  	s22 =	sadd.s32 $0x80, s22;
	v8 =	vld [tilespmem:s21+$0x30];
	[tilespmem:s20+$0x0] =	vst v7;
	v2 =	vadd.f32 v4, v2  }
0x60b: {  	p0 =	slt.u32 s22, $0x380;
	v4 =	vld [tilespmem:s21+$0xFFFFFFC0]  }
0x60c: {  	v7 =	vld [tilespmem:s23+$0xFFFFFFD0];
	[tilespmem:s20+$0x10] =	vst v2;
	v2 =	vadd.f32 v6, v3  }
0x60d: {  	v3 =	vld [tilespmem:s21+$0xFFFFFFD0];
	v9 =	vadd.f32 v0, v5  }
0x60e: {  	v5 =	vld [tilespmem:s23+$0xFFFFFFE0];
	[tilespmem:s20+$0x20] =	vst v2  }
0x60f: {  	v2 =	vld [tilespmem:s21+$0xFFFFFFE0];
	v1 =	vadd.f32 v8, v1;
	[tilespmem:s20+$0xFFFFFFC0] =	vst v9;
	s20 =	smov.u32 s23  }
0x610: {  	v6 =	vld [tilespmem:s23+$0xFFFFFFF0];
	v0 =	vmov v4  }
0x611: {  	v8 =	vld [tilespmem:s21+$0xFFFFFFF0];
	[tilespmem:s23+$0x30] =	vst v1  }
0x612: {  	v1 =	vadd.f32 v3, v7;
	v7 =	vld [tilespmem:s23+$0x0]  }
0x613: {  	v9 =	vld [tilespmem:s21+$0x0]  }
.Ltmp48:
0x614: {  	[tilespmem:s23+$0xFFFFFFD0] =	vst v1;
	v1 =	vadd.f32 v2, v5;
	v2 =	vld [tilespmem:s23+$0x10];
	(pc) =	sbr.rel @p0 .LBB2_99-.Ltmp48, $4  }
0x615: {  	v4 =	vld [tilespmem:s21+$0x10]  }
0x616: {  	[tilespmem:s23+$0xFFFFFFE0] =	vst v1;
	v1 =	vadd.f32 v8, v6;
	v3 =	vld [tilespmem:s23+$0x20]  }
0x617: {  	v6 =	vld [tilespmem:s21+$0x20]  }
0x618: {  	s23 =	sadd.s32 $0x400, s23;
	v5 =	vld [tilespmem:s20+$0xFFFFFFC0];
	[tilespmem:s20+$0xFFFFFFF0] =	vst v1;
	v7 =	vadd.f32 v9, v7  }
0x619: {  	v1 =	vld [tilespmem:s16+$0x1201];
	_ =	sdelay $0x4  }
0x61a: {  	(v2sf) =	vpush v1, $0x0;
	_ =	sdelay $0xe  }
0x61b: {  	s21 =	spop (v2sf)  }
0x61c: {  	v8 =	vld [tilespmem:s19+$0x0];
	s22 =	sshll.u32 s21, $0xC;
	s21 =	sand.u32 $0x3, s21  }
0x61d: {  	v10 =	vld [tilespmem:s19+$0xFFFFFFA0];
	s22 =	sand.u32 $0xFFFFC000, s22;
	s21 =	sshll.u32 s21, $0x9  }
0x61e: {  	v12 =	vld [tilespmem:s19+$0xFFFFFFB0];
	s21 =	sor.u32 s21, s22  }
0x61f: {  	v2 =	vadd.f32 v4, v2;
	v4 =	vld [tilespmem:s19+$0xFFFFFFC0];
	s21 =	sshra.s32 s21, $0x2  }
0x620: {  	[tilespmem:s20+$0x0] =	vst v7;
	v7 =	vld [tilespmem:s19+$0xFFFFFFD0];
	s21 =	sor.u32 $0x40, s21  }
0x621: {  	v9 =	vld [tilespmem:s21+$0x30]  }
0x622: {  	v11 =	vld [tilespmem:s21+$0xFFFFFFD0]  }
0x623: {  	v0 =	vadd.f32 v0, v5;
	v13 =	vld [tilespmem:s21+$0xFFFFFFE0]  }
0x624: {  	v3 =	vadd.f32 v6, v3;
	v6 =	vld [tilespmem:s21+$0xFFFFFFF0]  }
0x625: {  	[tilespmem:s20+$0xFFFFFFC0] =	vst v0;
	v0 =	vld [tilespmem:s19+$0xFFFFFFE0]  }
0x626: {  	[tilespmem:s20+$0x10] =	vst v2;
	v2 =	vadd.f32 v9, v8;
	v8 =	vld [tilespmem:s21+$0x0]  }
0x627: {  	[tilespmem:s20+$0x20] =	vst v3;
	v1 =	vld [tilespmem:s21+$0xFFFFFFC0];
	v5 =	vadd.f32 v11, v10  }
0x628: {  	v3 =	vld [tilespmem:s21+$0x10];
	v63 =	vadd.f32 v13, v12;
	[tilespmem:s19+$0x0] =	vst v2  }
0x629: {  	v6 =	vadd.f32 v6, v4;
	[tilespmem:s19+$0xFFFFFFA0] =	vst v5;
	v2 =	vld [tilespmem:s19+$0xFFFFFFF0]  }
0x62a: {  	[tilespmem:s19+$0xFFFFFFB0] =	vst v63;
	v5 =	vld [tilespmem:s21+$0x20]  }
0x62b: {  	s20 =	simm.s32 $0x0;
	s22 =	sadd.s32 $0x400, s19;
	v4 =	vld [tilespmem:s19+$0xFFFFFF90];
	[tilespmem:s19+$0xFFFFFFC0] =	vst v6;
	v6 =	vadd.f32 v8, v7  }
.LBB2_101:
0x62c: {  	v7 =	vld [tilespmem:s22+$0x0];
	s21 =	sadd.s32 $0x200, s21  }
0x62d: {  	s20 =	sadd.s32 $0x80, s20;
	v8 =	vld [tilespmem:s21+$0x30];
	[tilespmem:s19+$0xFFFFFFD0] =	vst v6;
	v0 =	vadd.f32 v3, v0  }
0x62e: {  	p0 =	slt.u32 s20, $0x380;
	v3 =	vld [tilespmem:s21+$0xFFFFFFC0]  }
0x62f: {  	v6 =	vld [tilespmem:s22+$0xFFFFFFA0];
	[tilespmem:s19+$0xFFFFFFE0] =	vst v0;
	v0 =	vadd.f32 v5, v2  }
0x630: {  	v2 =	vld [tilespmem:s21+$0xFFFFFFD0];
	v9 =	vadd.f32 v1, v4  }
0x631: {  	v4 =	vld [tilespmem:s22+$0xFFFFFFB0];
	[tilespmem:s19+$0xFFFFFFF0] =	vst v0  }
0x632: {  	v0 =	vld [tilespmem:s21+$0xFFFFFFE0];
	v5 =	vadd.f32 v8, v7;
	[tilespmem:s19+$0xFFFFFF90] =	vst v9;
	s19 =	smov.u32 s22  }
0x633: {  	v7 =	vld [tilespmem:s22+$0xFFFFFFC0];
	v1 =	vmov v3  }
0x634: {  	v8 =	vld [tilespmem:s21+$0xFFFFFFF0];
	[tilespmem:s22+$0x0] =	vst v5  }
0x635: {  	v2 =	vadd.f32 v2, v6;
	v6 =	vld [tilespmem:s22+$0xFFFFFFD0]  }
0x636: {  	v9 =	vld [tilespmem:s21+$0x0]  }
.Ltmp49:
0x637: {  	[tilespmem:s22+$0xFFFFFFA0] =	vst v2;
	v2 =	vadd.f32 v0, v4;
	v0 =	vld [tilespmem:s22+$0xFFFFFFE0];
	(pc) =	sbr.rel @p0 .LBB2_101-.Ltmp49, $4  }
0x638: {  	v3 =	vld [tilespmem:s21+$0x10]  }
0x639: {  	[tilespmem:s22+$0xFFFFFFB0] =	vst v2;
	v7 =	vadd.f32 v8, v7;
	v2 =	vld [tilespmem:s22+$0xFFFFFFF0]  }
0x63a: {  	v5 =	vld [tilespmem:s21+$0x20]  }
0x63b: {  	s22 =	sadd.s32 $0x400, s22;
	v4 =	vld [tilespmem:s19+$0xFFFFFF90];
	[tilespmem:s19+$0xFFFFFFC0] =	vst v7;
	v6 =	vadd.f32 v9, v6  }
0x63c: {  	_ = 	snop  }
0x63d: {  	p0 =	slt.u32 s16, $0x1E  }
.Ltmp50:
0x63e: {  	v0 =	vadd.f32 v3, v0;
	(pc) =	sbr.rel @p0 .LBB2_98-.Ltmp50, $4  }
0x63f: {  	[tilespmem:s19+$0xFFFFFFD0] =	vst v6;
	v2 =	vadd.f32 v5, v2  }
0x640: {  	[tilespmem:s19+$0xFFFFFFE0] =	vst v0;
	v63 =	vadd.f32 v1, v4  }
0x641: {  	s20 =	sadd.s32 $0x2, s16;
	[tilespmem:s19+$0xFFFFFFF0] =	vst v2  }
0x642: {  	s18 =	sadd.s32 $0x800, s18;
	s17 =	sadd.s32 $0x1, s17;
	s16 =	smov.u32 s20;
	[tilespmem:s19+$0xFFFFFF90] =	vst v63  }
0x643: {  	s17 =	sld [smem:$0x7E9];
	_ =	sdelay $0x1  }
0x644: {  	s16 =	simm.s32 $0x0  }
0x645: {  	[hbm4b:s17+s16] =	stream.linear.scatter [tilespmem:s9], [sflag:$0x3], $0x8000, $0x38;
	[tilespmem:$0x11480] =	vst v63  }
0x646: {  	_ =	swait.ge [sflag:s12], $0x8000  }
0x647: {  	s23 =	sld [smem:$0x7EC]  }
0x648: {  	[sflag:s12] =	ssyncset.done $0x0  }
0x649: {  	[sflag:s12] =	ssyncadd.s32 $0xFFFF8000  }
0x64a: {  	[tilespmem:s9], [sflag:$0x1] =	stream.linear.gather [hbm4b:s23+s16], $0x8000, $0x38;
	[tilespmem:$0x11480] =	vst v63  }
0x64b: {  	_ =	swait.ge [sflag:s13], $0x8000  }
0x64c: {  	[sflag:s13] =	ssyncset.done $0x0  }
0x64d: {  	s18 =	simm.s32 $0x0;
	s17 =	simm.s32 $0x0;
	[sflag:s13] =	ssyncadd.s32 $0xFFFF8000  }
.LBB2_104:
0x64e: {  	v0 =	vld [tilespmem:s16+$0x1220];
	_ =	sdelay $0x4  }
0x64f: {  	(v2sf) =	vpush v0, $0x0;
	_ =	sdelay $0xa  }
0x650: {  	s19 =	sshll.u32 s18, $0x2;
	s20 =	sand.u32 $0x3, s17  }
0x651: {  	s19 =	sand.u32 $0xFFFF8000, s19;
	s20 =	sshll.u32 s20, $0xA  }
0x652: {  	s19 =	sor.u32 s20, s19  }
0x653: {  	s19 =	sshrl.u32 s19, $0x2  }
0x654: {  	s20 =	sadd.s32 $0x94C0, s19;
	s21 =	spop (v2sf)  }
0x655: {  	v1 =	vld [tilespmem:s20+$0x30];
	s22 =	sshll.u32 s21, $0xC;
	s21 =	sand.u32 $0x3, s21  }
0x656: {  	v3 =	vld [tilespmem:s20+$0xFFFFFFD0];
	s23 =	sand.u32 $0xFFFFC000, s22;
	s21 =	sshll.u32 s21, $0x9  }
0x657: {  	v5 =	vld [tilespmem:s20+$0xFFFFFFE0];
	s21 =	sor.u32 s21, s23  }
0x658: {  	v7 =	vld [tilespmem:s20+$0xFFFFFFF0];
	s21 =	sshra.s32 s21, $0x2  }
0x659: {  	v9 =	vld [tilespmem:s20+$0x0];
	s21 =	sor.u32 $0x40, s21  }
0x65a: {  	v2 =	vld [tilespmem:s21+$0x30]  }
0x65b: {  	v4 =	vld [tilespmem:s21+$0xFFFFFFD0]  }
0x65c: {  	v8 =	vld [tilespmem:s21+$0xFFFFFFF0]  }
0x65d: {  	v6 =	vld [tilespmem:s21+$0xFFFFFFE0]  }
0x65e: {  	v0 =	vld [tilespmem:s21+$0xFFFFFFC0]  }
0x65f: {  	v10 =	vld [tilespmem:s21+$0x0];
	v1 =	vadd.f32 v2, v1  }
0x660: {  	v3 =	vadd.f32 v4, v3;
	v2 =	vld [tilespmem:s20+$0x10]  }
0x661: {  	v4 =	vld [tilespmem:s21+$0x10];
	v7 =	vadd.f32 v8, v7;
	[tilespmem:s20+$0x30] =	vst v1  }
0x662: {  	v1 =	vadd.f32 v6, v5;
	[tilespmem:s20+$0xFFFFFFD0] =	vst v3;
	v3 =	vld [tilespmem:s20+$0x20]  }
0x663: {  	v6 =	vld [tilespmem:s21+$0x20];
	[tilespmem:s20+$0xFFFFFFF0] =	vst v7  }
0x664: {  	s19 =	sadd.s32 $0x9570, s19;
	s22 =	simm.s32 $0x0;
	s23 =	sadd.s32 $0x400, s20;
	v5 =	vld [tilespmem:s20+$0xFFFFFFC0];
	v7 =	vadd.f32 v10, v9;
	[tilespmem:s20+$0xFFFFFFE0] =	vst v1  }
.LBB2_105:
0x665: {  	v1 =	vld [tilespmem:s23+$0x30];
	s21 =	sadd.s32 $0x200, s21  }
0x666: {  	s22 =	sadd.s32 $0x80, s22;
	v8 =	vld [tilespmem:s21+$0x30];
	[tilespmem:s20+$0x0] =	vst v7;
	v2 =	vadd.f32 v4, v2  }
0x667: {  	p0 =	slt.u32 s22, $0x380;
	v4 =	vld [tilespmem:s21+$0xFFFFFFC0]  }
0x668: {  	v7 =	vld [tilespmem:s23+$0xFFFFFFD0];
	[tilespmem:s20+$0x10] =	vst v2;
	v2 =	vadd.f32 v6, v3  }
0x669: {  	v3 =	vld [tilespmem:s21+$0xFFFFFFD0];
	v9 =	vadd.f32 v0, v5  }
0x66a: {  	v5 =	vld [tilespmem:s23+$0xFFFFFFE0];
	[tilespmem:s20+$0x20] =	vst v2  }
0x66b: {  	v2 =	vld [tilespmem:s21+$0xFFFFFFE0];
	v1 =	vadd.f32 v8, v1;
	[tilespmem:s20+$0xFFFFFFC0] =	vst v9;
	s20 =	smov.u32 s23  }
0x66c: {  	v6 =	vld [tilespmem:s23+$0xFFFFFFF0];
	v0 =	vmov v4  }
0x66d: {  	v8 =	vld [tilespmem:s21+$0xFFFFFFF0];
	[tilespmem:s23+$0x30] =	vst v1  }
0x66e: {  	v1 =	vadd.f32 v3, v7;
	v7 =	vld [tilespmem:s23+$0x0]  }
0x66f: {  	v9 =	vld [tilespmem:s21+$0x0]  }
.Ltmp51:
0x670: {  	[tilespmem:s23+$0xFFFFFFD0] =	vst v1;
	v1 =	vadd.f32 v2, v5;
	v2 =	vld [tilespmem:s23+$0x10];
	(pc) =	sbr.rel @p0 .LBB2_105-.Ltmp51, $4  }
0x671: {  	v4 =	vld [tilespmem:s21+$0x10]  }
0x672: {  	[tilespmem:s23+$0xFFFFFFE0] =	vst v1;
	v1 =	vadd.f32 v8, v6;
	v3 =	vld [tilespmem:s23+$0x20]  }
0x673: {  	v6 =	vld [tilespmem:s21+$0x20]  }
0x674: {  	s23 =	sadd.s32 $0x400, s23;
	v5 =	vld [tilespmem:s20+$0xFFFFFFC0];
	[tilespmem:s20+$0xFFFFFFF0] =	vst v1;
	v7 =	vadd.f32 v9, v7  }
0x675: {  	v1 =	vld [tilespmem:s16+$0x1221];
	_ =	sdelay $0x4  }
0x676: {  	(v2sf) =	vpush v1, $0x0;
	_ =	sdelay $0xe  }
0x677: {  	s21 =	spop (v2sf)  }
0x678: {  	v8 =	vld [tilespmem:s19+$0x0];
	s22 =	sshll.u32 s21, $0xC;
	s21 =	sand.u32 $0x3, s21  }
0x679: {  	v10 =	vld [tilespmem:s19+$0xFFFFFFA0];
	s22 =	sand.u32 $0xFFFFC000, s22;
	s21 =	sshll.u32 s21, $0x9  }
0x67a: {  	v12 =	vld [tilespmem:s19+$0xFFFFFFB0];
	s21 =	sor.u32 s21, s22  }
0x67b: {  	v2 =	vadd.f32 v4, v2;
	v4 =	vld [tilespmem:s19+$0xFFFFFFC0];
	s21 =	sshra.s32 s21, $0x2  }
0x67c: {  	[tilespmem:s20+$0x0] =	vst v7;
	v7 =	vld [tilespmem:s19+$0xFFFFFFD0];
	s21 =	sor.u32 $0x40, s21  }
0x67d: {  	v9 =	vld [tilespmem:s21+$0x30]  }
0x67e: {  	v11 =	vld [tilespmem:s21+$0xFFFFFFD0]  }
0x67f: {  	v0 =	vadd.f32 v0, v5;
	v13 =	vld [tilespmem:s21+$0xFFFFFFE0]  }
0x680: {  	v3 =	vadd.f32 v6, v3;
	v6 =	vld [tilespmem:s21+$0xFFFFFFF0]  }
0x681: {  	[tilespmem:s20+$0xFFFFFFC0] =	vst v0;
	v0 =	vld [tilespmem:s19+$0xFFFFFFE0]  }
0x682: {  	[tilespmem:s20+$0x10] =	vst v2;
	v2 =	vadd.f32 v9, v8;
	v8 =	vld [tilespmem:s21+$0x0]  }
0x683: {  	[tilespmem:s20+$0x20] =	vst v3;
	v1 =	vld [tilespmem:s21+$0xFFFFFFC0];
	v5 =	vadd.f32 v11, v10  }
0x684: {  	v3 =	vld [tilespmem:s21+$0x10];
	v63 =	vadd.f32 v13, v12;
	[tilespmem:s19+$0x0] =	vst v2  }
0x685: {  	v6 =	vadd.f32 v6, v4;
	[tilespmem:s19+$0xFFFFFFA0] =	vst v5;
	v2 =	vld [tilespmem:s19+$0xFFFFFFF0]  }
0x686: {  	[tilespmem:s19+$0xFFFFFFB0] =	vst v63;
	v5 =	vld [tilespmem:s21+$0x20]  }
0x687: {  	s20 =	simm.s32 $0x0;
	s22 =	sadd.s32 $0x400, s19;
	v4 =	vld [tilespmem:s19+$0xFFFFFF90];
	[tilespmem:s19+$0xFFFFFFC0] =	vst v6;
	v6 =	vadd.f32 v8, v7  }
.LBB2_107:
0x688: {  	v7 =	vld [tilespmem:s22+$0x0];
	s21 =	sadd.s32 $0x200, s21  }
0x689: {  	s20 =	sadd.s32 $0x80, s20;
	v8 =	vld [tilespmem:s21+$0x30];
	[tilespmem:s19+$0xFFFFFFD0] =	vst v6;
	v0 =	vadd.f32 v3, v0  }
0x68a: {  	p0 =	slt.u32 s20, $0x380;
	v3 =	vld [tilespmem:s21+$0xFFFFFFC0]  }
0x68b: {  	v6 =	vld [tilespmem:s22+$0xFFFFFFA0];
	[tilespmem:s19+$0xFFFFFFE0] =	vst v0;
	v0 =	vadd.f32 v5, v2  }
0x68c: {  	v2 =	vld [tilespmem:s21+$0xFFFFFFD0];
	v9 =	vadd.f32 v1, v4  }
0x68d: {  	v4 =	vld [tilespmem:s22+$0xFFFFFFB0];
	[tilespmem:s19+$0xFFFFFFF0] =	vst v0  }
0x68e: {  	v0 =	vld [tilespmem:s21+$0xFFFFFFE0];
	v5 =	vadd.f32 v8, v7;
	[tilespmem:s19+$0xFFFFFF90] =	vst v9;
	s19 =	smov.u32 s22  }
0x68f: {  	v7 =	vld [tilespmem:s22+$0xFFFFFFC0];
	v1 =	vmov v3  }
0x690: {  	v8 =	vld [tilespmem:s21+$0xFFFFFFF0];
	[tilespmem:s22+$0x0] =	vst v5  }
0x691: {  	v2 =	vadd.f32 v2, v6;
	v6 =	vld [tilespmem:s22+$0xFFFFFFD0]  }
0x692: {  	v9 =	vld [tilespmem:s21+$0x0]  }
.Ltmp52:
0x693: {  	[tilespmem:s22+$0xFFFFFFA0] =	vst v2;
	v2 =	vadd.f32 v0, v4;
	v0 =	vld [tilespmem:s22+$0xFFFFFFE0];
	(pc) =	sbr.rel @p0 .LBB2_107-.Ltmp52, $4  }
0x694: {  	v3 =	vld [tilespmem:s21+$0x10]  }
0x695: {  	[tilespmem:s22+$0xFFFFFFB0] =	vst v2;
	v7 =	vadd.f32 v8, v7;
	v2 =	vld [tilespmem:s22+$0xFFFFFFF0]  }
0x696: {  	v5 =	vld [tilespmem:s21+$0x20]  }
0x697: {  	s22 =	sadd.s32 $0x400, s22;
	v4 =	vld [tilespmem:s19+$0xFFFFFF90];
	[tilespmem:s19+$0xFFFFFFC0] =	vst v7;
	v6 =	vadd.f32 v9, v6  }
0x698: {  	_ = 	snop  }
0x699: {  	p0 =	slt.u32 s16, $0x1E  }
.Ltmp53:
0x69a: {  	v0 =	vadd.f32 v3, v0;
	(pc) =	sbr.rel @p0 .LBB2_104-.Ltmp53, $4  }
0x69b: {  	[tilespmem:s19+$0xFFFFFFD0] =	vst v6;
	v2 =	vadd.f32 v5, v2  }
0x69c: {  	[tilespmem:s19+$0xFFFFFFE0] =	vst v0;
	v63 =	vadd.f32 v1, v4  }
0x69d: {  	s20 =	sadd.s32 $0x2, s16;
	[tilespmem:s19+$0xFFFFFFF0] =	vst v2  }
0x69e: {  	s18 =	sadd.s32 $0x800, s18;
	s17 =	sadd.s32 $0x1, s17;
	s16 =	smov.u32 s20;
	[tilespmem:s19+$0xFFFFFF90] =	vst v63  }
0x69f: {  	s17 =	sld [smem:$0x7EB];
	_ =	sdelay $0x1  }
0x6a0: {  	s16 =	simm.s32 $0x0  }
0x6a1: {  	[hbm4b:s17+s16] =	stream.linear.scatter [tilespmem:s10], [sflag:$0x4], $0x8000, $0x38;
	[tilespmem:$0x11480] =	vst v63  }
0x6a2: {  	_ =	swait.ge [sflag:s14], $0x8000  }
0x6a3: {  	s23 =	sld [smem:$0x7EE]  }
0x6a4: {  	[sflag:s14] =	ssyncset.done $0x0  }
0x6a5: {  	[sflag:s14] =	ssyncadd.s32 $0xFFFF8000  }
0x6a6: {  	[tilespmem:s10], [sflag:$0x2] =	stream.linear.gather [hbm4b:s23+s16], $0x8000, $0x38;
	[tilespmem:$0x11480] =	vst v63  }
0x6a7: {  	_ =	swait.ge [sflag:s11], $0x8000  }
0x6a8: {  	[sflag:s11] =	ssyncset.done $0x0  }
0x6a9: {  	s18 =	simm.s32 $0x0;
	s17 =	simm.s32 $0x0;
	[sflag:s11] =	ssyncadd.s32 $0xFFFF8000  }
.LBB2_110:
0x6aa: {  	v0 =	vld [tilespmem:s16+$0x1240];
	_ =	sdelay $0x4  }
0x6ab: {  	(v2sf) =	vpush v0, $0x0;
	_ =	sdelay $0xa  }
0x6ac: {  	s19 =	sshll.u32 s18, $0x2;
	s20 =	sand.u32 $0x3, s17  }
0x6ad: {  	s19 =	sand.u32 $0xFFFF8000, s19;
	s20 =	sshll.u32 s20, $0xA  }
0x6ae: {  	s19 =	sor.u32 s20, s19  }
0x6af: {  	s19 =	sshrl.u32 s19, $0x2  }
0x6b0: {  	s20 =	sor.u32 $0x14C0, s19;
	s21 =	spop (v2sf)  }
0x6b1: {  	v1 =	vld [tilespmem:s20+$0x30];
	s22 =	sshll.u32 s21, $0xC;
	s21 =	sand.u32 $0x3, s21  }
0x6b2: {  	v3 =	vld [tilespmem:s20+$0xFFFFFFD0];
	s23 =	sand.u32 $0xFFFFC000, s22;
	s21 =	sshll.u32 s21, $0x9  }
0x6b3: {  	v5 =	vld [tilespmem:s20+$0xFFFFFFE0];
	s21 =	sor.u32 s21, s23  }
0x6b4: {  	v7 =	vld [tilespmem:s20+$0xFFFFFFF0];
	s21 =	sshra.s32 s21, $0x2  }
0x6b5: {  	v9 =	vld [tilespmem:s20+$0x0];
	s21 =	sor.u32 $0x40, s21  }
0x6b6: {  	v2 =	vld [tilespmem:s21+$0x30]  }
0x6b7: {  	v4 =	vld [tilespmem:s21+$0xFFFFFFD0]  }
0x6b8: {  	v8 =	vld [tilespmem:s21+$0xFFFFFFF0]  }
0x6b9: {  	v6 =	vld [tilespmem:s21+$0xFFFFFFE0]  }
0x6ba: {  	v0 =	vld [tilespmem:s21+$0xFFFFFFC0]  }
0x6bb: {  	v10 =	vld [tilespmem:s21+$0x0];
	v1 =	vadd.f32 v2, v1  }
0x6bc: {  	v3 =	vadd.f32 v4, v3;
	v2 =	vld [tilespmem:s20+$0x10]  }
0x6bd: {  	v4 =	vld [tilespmem:s21+$0x10];
	v7 =	vadd.f32 v8, v7;
	[tilespmem:s20+$0x30] =	vst v1  }
0x6be: {  	v1 =	vadd.f32 v6, v5;
	[tilespmem:s20+$0xFFFFFFD0] =	vst v3;
	v3 =	vld [tilespmem:s20+$0x20]  }
0x6bf: {  	v6 =	vld [tilespmem:s21+$0x20];
	[tilespmem:s20+$0xFFFFFFF0] =	vst v7  }
0x6c0: {  	s19 =	sadd.s32 $0x1570, s19;
	s22 =	simm.s32 $0x0;
	s23 =	sadd.s32 $0x400, s20;
	v5 =	vld [tilespmem:s20+$0xFFFFFFC0];
	v7 =	vadd.f32 v10, v9;
	[tilespmem:s20+$0xFFFFFFE0] =	vst v1  }
.LBB2_111:
0x6c1: {  	v1 =	vld [tilespmem:s23+$0x30];
	s21 =	sadd.s32 $0x200, s21  }
0x6c2: {  	s22 =	sadd.s32 $0x80, s22;
	v8 =	vld [tilespmem:s21+$0x30];
	[tilespmem:s20+$0x0] =	vst v7;
	v2 =	vadd.f32 v4, v2  }
0x6c3: {  	p0 =	slt.u32 s22, $0x380;
	v4 =	vld [tilespmem:s21+$0xFFFFFFC0]  }
0x6c4: {  	v7 =	vld [tilespmem:s23+$0xFFFFFFD0];
	[tilespmem:s20+$0x10] =	vst v2;
	v2 =	vadd.f32 v6, v3  }
0x6c5: {  	v3 =	vld [tilespmem:s21+$0xFFFFFFD0];
	v9 =	vadd.f32 v0, v5  }
0x6c6: {  	v5 =	vld [tilespmem:s23+$0xFFFFFFE0];
	[tilespmem:s20+$0x20] =	vst v2  }
0x6c7: {  	v2 =	vld [tilespmem:s21+$0xFFFFFFE0];
	v1 =	vadd.f32 v8, v1;
	[tilespmem:s20+$0xFFFFFFC0] =	vst v9;
	s20 =	smov.u32 s23  }
0x6c8: {  	v6 =	vld [tilespmem:s23+$0xFFFFFFF0];
	v0 =	vmov v4  }
0x6c9: {  	v8 =	vld [tilespmem:s21+$0xFFFFFFF0];
	[tilespmem:s23+$0x30] =	vst v1  }
0x6ca: {  	v1 =	vadd.f32 v3, v7;
	v7 =	vld [tilespmem:s23+$0x0]  }
0x6cb: {  	v9 =	vld [tilespmem:s21+$0x0]  }
.Ltmp54:
0x6cc: {  	[tilespmem:s23+$0xFFFFFFD0] =	vst v1;
	v1 =	vadd.f32 v2, v5;
	v2 =	vld [tilespmem:s23+$0x10];
	(pc) =	sbr.rel @p0 .LBB2_111-.Ltmp54, $4  }
0x6cd: {  	v4 =	vld [tilespmem:s21+$0x10]  }
0x6ce: {  	[tilespmem:s23+$0xFFFFFFE0] =	vst v1;
	v1 =	vadd.f32 v8, v6;
	v3 =	vld [tilespmem:s23+$0x20]  }
0x6cf: {  	v6 =	vld [tilespmem:s21+$0x20]  }
0x6d0: {  	s23 =	sadd.s32 $0x400, s23;
	v5 =	vld [tilespmem:s20+$0xFFFFFFC0];
	[tilespmem:s20+$0xFFFFFFF0] =	vst v1;
	v7 =	vadd.f32 v9, v7  }
0x6d1: {  	v1 =	vld [tilespmem:s16+$0x1241];
	_ =	sdelay $0x4  }
0x6d2: {  	(v2sf) =	vpush v1, $0x0;
	_ =	sdelay $0xe  }
0x6d3: {  	s21 =	spop (v2sf)  }
0x6d4: {  	v8 =	vld [tilespmem:s19+$0x0];
	s22 =	sshll.u32 s21, $0xC;
	s21 =	sand.u32 $0x3, s21  }
0x6d5: {  	v10 =	vld [tilespmem:s19+$0xFFFFFFA0];
	s22 =	sand.u32 $0xFFFFC000, s22;
	s21 =	sshll.u32 s21, $0x9  }
0x6d6: {  	v12 =	vld [tilespmem:s19+$0xFFFFFFB0];
	s21 =	sor.u32 s21, s22  }
0x6d7: {  	v2 =	vadd.f32 v4, v2;
	v4 =	vld [tilespmem:s19+$0xFFFFFFC0];
	s21 =	sshra.s32 s21, $0x2  }
0x6d8: {  	[tilespmem:s20+$0x0] =	vst v7;
	v7 =	vld [tilespmem:s19+$0xFFFFFFD0];
	s21 =	sor.u32 $0x40, s21  }
0x6d9: {  	v9 =	vld [tilespmem:s21+$0x30]  }
0x6da: {  	v11 =	vld [tilespmem:s21+$0xFFFFFFD0]  }
0x6db: {  	v0 =	vadd.f32 v0, v5;
	v13 =	vld [tilespmem:s21+$0xFFFFFFE0]  }
0x6dc: {  	v3 =	vadd.f32 v6, v3;
	v6 =	vld [tilespmem:s21+$0xFFFFFFF0]  }
0x6dd: {  	[tilespmem:s20+$0xFFFFFFC0] =	vst v0;
	v0 =	vld [tilespmem:s19+$0xFFFFFFE0]  }
0x6de: {  	[tilespmem:s20+$0x10] =	vst v2;
	v2 =	vadd.f32 v9, v8;
	v8 =	vld [tilespmem:s21+$0x0]  }
0x6df: {  	[tilespmem:s20+$0x20] =	vst v3;
	v1 =	vld [tilespmem:s21+$0xFFFFFFC0];
	v5 =	vadd.f32 v11, v10  }
0x6e0: {  	v3 =	vld [tilespmem:s21+$0x10];
	v63 =	vadd.f32 v13, v12;
	[tilespmem:s19+$0x0] =	vst v2  }
0x6e1: {  	v6 =	vadd.f32 v6, v4;
	[tilespmem:s19+$0xFFFFFFA0] =	vst v5;
	v2 =	vld [tilespmem:s19+$0xFFFFFFF0]  }
0x6e2: {  	[tilespmem:s19+$0xFFFFFFB0] =	vst v63;
	v5 =	vld [tilespmem:s21+$0x20]  }
0x6e3: {  	s20 =	simm.s32 $0x0;
	s22 =	sadd.s32 $0x400, s19;
	v4 =	vld [tilespmem:s19+$0xFFFFFF90];
	[tilespmem:s19+$0xFFFFFFC0] =	vst v6;
	v6 =	vadd.f32 v8, v7  }
.LBB2_113:
0x6e4: {  	v7 =	vld [tilespmem:s22+$0x0];
	s21 =	sadd.s32 $0x200, s21  }
0x6e5: {  	s20 =	sadd.s32 $0x80, s20;
	v8 =	vld [tilespmem:s21+$0x30];
	[tilespmem:s19+$0xFFFFFFD0] =	vst v6;
	v0 =	vadd.f32 v3, v0  }
0x6e6: {  	p0 =	slt.u32 s20, $0x380;
	v3 =	vld [tilespmem:s21+$0xFFFFFFC0]  }
0x6e7: {  	v6 =	vld [tilespmem:s22+$0xFFFFFFA0];
	[tilespmem:s19+$0xFFFFFFE0] =	vst v0;
	v0 =	vadd.f32 v5, v2  }
0x6e8: {  	v2 =	vld [tilespmem:s21+$0xFFFFFFD0];
	v9 =	vadd.f32 v1, v4  }
0x6e9: {  	v4 =	vld [tilespmem:s22+$0xFFFFFFB0];
	[tilespmem:s19+$0xFFFFFFF0] =	vst v0  }
0x6ea: {  	v0 =	vld [tilespmem:s21+$0xFFFFFFE0];
	v5 =	vadd.f32 v8, v7;
	[tilespmem:s19+$0xFFFFFF90] =	vst v9;
	s19 =	smov.u32 s22  }
0x6eb: {  	v7 =	vld [tilespmem:s22+$0xFFFFFFC0];
	v1 =	vmov v3  }
0x6ec: {  	v8 =	vld [tilespmem:s21+$0xFFFFFFF0];
	[tilespmem:s22+$0x0] =	vst v5  }
0x6ed: {  	v2 =	vadd.f32 v2, v6;
	v6 =	vld [tilespmem:s22+$0xFFFFFFD0]  }
0x6ee: {  	v9 =	vld [tilespmem:s21+$0x0]  }
.Ltmp55:
0x6ef: {  	[tilespmem:s22+$0xFFFFFFA0] =	vst v2;
	v2 =	vadd.f32 v0, v4;
	v0 =	vld [tilespmem:s22+$0xFFFFFFE0];
	(pc) =	sbr.rel @p0 .LBB2_113-.Ltmp55, $4  }
0x6f0: {  	v3 =	vld [tilespmem:s21+$0x10]  }
0x6f1: {  	[tilespmem:s22+$0xFFFFFFB0] =	vst v2;
	v7 =	vadd.f32 v8, v7;
	v2 =	vld [tilespmem:s22+$0xFFFFFFF0]  }
0x6f2: {  	v5 =	vld [tilespmem:s21+$0x20]  }
0x6f3: {  	s22 =	sadd.s32 $0x400, s22;
	v4 =	vld [tilespmem:s19+$0xFFFFFF90];
	[tilespmem:s19+$0xFFFFFFC0] =	vst v7;
	v6 =	vadd.f32 v9, v6  }
0x6f4: {  	_ = 	snop  }
0x6f5: {  	p0 =	slt.u32 s16, $0x1E  }
.Ltmp56:
0x6f6: {  	v0 =	vadd.f32 v3, v0;
	(pc) =	sbr.rel @p0 .LBB2_110-.Ltmp56, $4  }
0x6f7: {  	[tilespmem:s19+$0xFFFFFFD0] =	vst v6;
	v2 =	vadd.f32 v5, v2  }
0x6f8: {  	[tilespmem:s19+$0xFFFFFFE0] =	vst v0;
	v63 =	vadd.f32 v1, v4  }
0x6f9: {  	s20 =	sadd.s32 $0x2, s16;
	[tilespmem:s19+$0xFFFFFFF0] =	vst v2  }
0x6fa: {  	s18 =	sadd.s32 $0x800, s18;
	s17 =	sadd.s32 $0x1, s17;
	s16 =	smov.u32 s20;
	[tilespmem:s19+$0xFFFFFF90] =	vst v63  }
0x6fb: {  	s17 =	sld [smem:$0x7ED];
	_ =	sdelay $0x1  }
0x6fc: {  	s16 =	simm.s32 $0x0  }
0x6fd: {  	[hbm4b:s17+s16] =	stream.linear.scatter [tilespmem:s9], [sflag:$0x3], $0x8000, $0x38;
	[tilespmem:$0x11480] =	vst v63  }
0x6fe: {  	_ =	swait.ge [sflag:s12], $0x8000  }
0x6ff: {  	s23 =	sld [smem:$0x7F0]  }
0x700: {  	[sflag:s12] =	ssyncset.done $0x0  }
0x701: {  	[sflag:s12] =	ssyncadd.s32 $0xFFFF8000  }
0x702: {  	[tilespmem:s9], [sflag:$0x1] =	stream.linear.gather [hbm4b:s23+s16], $0x8000, $0x38;
	[tilespmem:$0x11480] =	vst v63  }
0x703: {  	_ =	swait.ge [sflag:s13], $0x8000  }
0x704: {  	[sflag:s13] =	ssyncset.done $0x0  }
0x705: {  	s18 =	simm.s32 $0x0;
	s17 =	simm.s32 $0x0;
	[sflag:s13] =	ssyncadd.s32 $0xFFFF8000  }
.LBB2_116:
0x706: {  	v0 =	vld [tilespmem:s16+$0x1260];
	_ =	sdelay $0x4  }
0x707: {  	(v2sf) =	vpush v0, $0x0;
	_ =	sdelay $0xa  }
0x708: {  	s19 =	sshll.u32 s18, $0x2;
	s20 =	sand.u32 $0x3, s17  }
0x709: {  	s19 =	sand.u32 $0xFFFF8000, s19;
	s20 =	sshll.u32 s20, $0xA  }
0x70a: {  	s19 =	sor.u32 s20, s19  }
0x70b: {  	s19 =	sshrl.u32 s19, $0x2  }
0x70c: {  	s20 =	sadd.s32 $0x94C0, s19;
	s21 =	spop (v2sf)  }
0x70d: {  	v1 =	vld [tilespmem:s20+$0x30];
	s22 =	sshll.u32 s21, $0xC;
	s21 =	sand.u32 $0x3, s21  }
0x70e: {  	v3 =	vld [tilespmem:s20+$0xFFFFFFD0];
	s23 =	sand.u32 $0xFFFFC000, s22;
	s21 =	sshll.u32 s21, $0x9  }
0x70f: {  	v5 =	vld [tilespmem:s20+$0xFFFFFFE0];
	s21 =	sor.u32 s21, s23  }
0x710: {  	v7 =	vld [tilespmem:s20+$0xFFFFFFF0];
	s21 =	sshra.s32 s21, $0x2  }
0x711: {  	v9 =	vld [tilespmem:s20+$0x0];
	s21 =	sor.u32 $0x40, s21  }
0x712: {  	v2 =	vld [tilespmem:s21+$0x30]  }
0x713: {  	v4 =	vld [tilespmem:s21+$0xFFFFFFD0]  }
0x714: {  	v8 =	vld [tilespmem:s21+$0xFFFFFFF0]  }
0x715: {  	v6 =	vld [tilespmem:s21+$0xFFFFFFE0]  }
0x716: {  	v0 =	vld [tilespmem:s21+$0xFFFFFFC0]  }
0x717: {  	v10 =	vld [tilespmem:s21+$0x0];
	v1 =	vadd.f32 v2, v1  }
0x718: {  	v3 =	vadd.f32 v4, v3;
	v2 =	vld [tilespmem:s20+$0x10]  }
0x719: {  	v4 =	vld [tilespmem:s21+$0x10];
	v7 =	vadd.f32 v8, v7;
	[tilespmem:s20+$0x30] =	vst v1  }
0x71a: {  	v1 =	vadd.f32 v6, v5;
	[tilespmem:s20+$0xFFFFFFD0] =	vst v3;
	v3 =	vld [tilespmem:s20+$0x20]  }
0x71b: {  	v6 =	vld [tilespmem:s21+$0x20];
	[tilespmem:s20+$0xFFFFFFF0] =	vst v7  }
0x71c: {  	s19 =	sadd.s32 $0x9570, s19;
	s22 =	simm.s32 $0x0;
	s23 =	sadd.s32 $0x400, s20;
	v5 =	vld [tilespmem:s20+$0xFFFFFFC0];
	v7 =	vadd.f32 v10, v9;
	[tilespmem:s20+$0xFFFFFFE0] =	vst v1  }
.LBB2_117:
0x71d: {  	v1 =	vld [tilespmem:s23+$0x30];
	s21 =	sadd.s32 $0x200, s21  }
0x71e: {  	s22 =	sadd.s32 $0x80, s22;
	v8 =	vld [tilespmem:s21+$0x30];
	[tilespmem:s20+$0x0] =	vst v7;
	v2 =	vadd.f32 v4, v2  }
0x71f: {  	p0 =	slt.u32 s22, $0x380;
	v4 =	vld [tilespmem:s21+$0xFFFFFFC0]  }
0x720: {  	v7 =	vld [tilespmem:s23+$0xFFFFFFD0];
	[tilespmem:s20+$0x10] =	vst v2;
	v2 =	vadd.f32 v6, v3  }
0x721: {  	v3 =	vld [tilespmem:s21+$0xFFFFFFD0];
	v9 =	vadd.f32 v0, v5  }
0x722: {  	v5 =	vld [tilespmem:s23+$0xFFFFFFE0];
	[tilespmem:s20+$0x20] =	vst v2  }
0x723: {  	v2 =	vld [tilespmem:s21+$0xFFFFFFE0];
	v1 =	vadd.f32 v8, v1;
	[tilespmem:s20+$0xFFFFFFC0] =	vst v9;
	s20 =	smov.u32 s23  }
0x724: {  	v6 =	vld [tilespmem:s23+$0xFFFFFFF0];
	v0 =	vmov v4  }
0x725: {  	v8 =	vld [tilespmem:s21+$0xFFFFFFF0];
	[tilespmem:s23+$0x30] =	vst v1  }
0x726: {  	v1 =	vadd.f32 v3, v7;
	v7 =	vld [tilespmem:s23+$0x0]  }
0x727: {  	v9 =	vld [tilespmem:s21+$0x0]  }
.Ltmp57:
0x728: {  	[tilespmem:s23+$0xFFFFFFD0] =	vst v1;
	v1 =	vadd.f32 v2, v5;
	v2 =	vld [tilespmem:s23+$0x10];
	(pc) =	sbr.rel @p0 .LBB2_117-.Ltmp57, $4  }
0x729: {  	v4 =	vld [tilespmem:s21+$0x10]  }
0x72a: {  	[tilespmem:s23+$0xFFFFFFE0] =	vst v1;
	v1 =	vadd.f32 v8, v6;
	v3 =	vld [tilespmem:s23+$0x20]  }
0x72b: {  	v6 =	vld [tilespmem:s21+$0x20]  }
0x72c: {  	s23 =	sadd.s32 $0x400, s23;
	v5 =	vld [tilespmem:s20+$0xFFFFFFC0];
	[tilespmem:s20+$0xFFFFFFF0] =	vst v1;
	v7 =	vadd.f32 v9, v7  }
0x72d: {  	v1 =	vld [tilespmem:s16+$0x1261];
	_ =	sdelay $0x4  }
0x72e: {  	(v2sf) =	vpush v1, $0x0;
	_ =	sdelay $0xe  }
0x72f: {  	s21 =	spop (v2sf)  }
0x730: {  	v8 =	vld [tilespmem:s19+$0x0];
	s22 =	sshll.u32 s21, $0xC;
	s21 =	sand.u32 $0x3, s21  }
0x731: {  	v10 =	vld [tilespmem:s19+$0xFFFFFFA0];
	s22 =	sand.u32 $0xFFFFC000, s22;
	s21 =	sshll.u32 s21, $0x9  }
0x732: {  	v12 =	vld [tilespmem:s19+$0xFFFFFFB0];
	s21 =	sor.u32 s21, s22  }
0x733: {  	v2 =	vadd.f32 v4, v2;
	v4 =	vld [tilespmem:s19+$0xFFFFFFC0];
	s21 =	sshra.s32 s21, $0x2  }
0x734: {  	[tilespmem:s20+$0x0] =	vst v7;
	v7 =	vld [tilespmem:s19+$0xFFFFFFD0];
	s21 =	sor.u32 $0x40, s21  }
0x735: {  	v9 =	vld [tilespmem:s21+$0x30]  }
0x736: {  	v11 =	vld [tilespmem:s21+$0xFFFFFFD0]  }
0x737: {  	v0 =	vadd.f32 v0, v5;
	v13 =	vld [tilespmem:s21+$0xFFFFFFE0]  }
0x738: {  	v3 =	vadd.f32 v6, v3;
	v6 =	vld [tilespmem:s21+$0xFFFFFFF0]  }
0x739: {  	[tilespmem:s20+$0xFFFFFFC0] =	vst v0;
	v0 =	vld [tilespmem:s19+$0xFFFFFFE0]  }
0x73a: {  	[tilespmem:s20+$0x10] =	vst v2;
	v2 =	vadd.f32 v9, v8;
	v8 =	vld [tilespmem:s21+$0x0]  }
0x73b: {  	[tilespmem:s20+$0x20] =	vst v3;
	v1 =	vld [tilespmem:s21+$0xFFFFFFC0];
	v5 =	vadd.f32 v11, v10  }
0x73c: {  	v3 =	vld [tilespmem:s21+$0x10];
	v63 =	vadd.f32 v13, v12;
	[tilespmem:s19+$0x0] =	vst v2  }
0x73d: {  	v6 =	vadd.f32 v6, v4;
	[tilespmem:s19+$0xFFFFFFA0] =	vst v5;
	v2 =	vld [tilespmem:s19+$0xFFFFFFF0]  }
0x73e: {  	[tilespmem:s19+$0xFFFFFFB0] =	vst v63;
	v5 =	vld [tilespmem:s21+$0x20]  }
0x73f: {  	s20 =	simm.s32 $0x0;
	s22 =	sadd.s32 $0x400, s19;
	v4 =	vld [tilespmem:s19+$0xFFFFFF90];
	[tilespmem:s19+$0xFFFFFFC0] =	vst v6;
	v6 =	vadd.f32 v8, v7  }
.LBB2_119:
0x740: {  	v7 =	vld [tilespmem:s22+$0x0];
	s21 =	sadd.s32 $0x200, s21  }
0x741: {  	s20 =	sadd.s32 $0x80, s20;
	v8 =	vld [tilespmem:s21+$0x30];
	[tilespmem:s19+$0xFFFFFFD0] =	vst v6;
	v0 =	vadd.f32 v3, v0  }
0x742: {  	p0 =	slt.u32 s20, $0x380;
	v3 =	vld [tilespmem:s21+$0xFFFFFFC0]  }
0x743: {  	v6 =	vld [tilespmem:s22+$0xFFFFFFA0];
	[tilespmem:s19+$0xFFFFFFE0] =	vst v0;
	v0 =	vadd.f32 v5, v2  }
0x744: {  	v2 =	vld [tilespmem:s21+$0xFFFFFFD0];
	v9 =	vadd.f32 v1, v4  }
0x745: {  	v4 =	vld [tilespmem:s22+$0xFFFFFFB0];
	[tilespmem:s19+$0xFFFFFFF0] =	vst v0  }
0x746: {  	v0 =	vld [tilespmem:s21+$0xFFFFFFE0];
	v5 =	vadd.f32 v8, v7;
	[tilespmem:s19+$0xFFFFFF90] =	vst v9;
	s19 =	smov.u32 s22  }
0x747: {  	v7 =	vld [tilespmem:s22+$0xFFFFFFC0];
	v1 =	vmov v3  }
0x748: {  	v8 =	vld [tilespmem:s21+$0xFFFFFFF0];
	[tilespmem:s22+$0x0] =	vst v5  }
0x749: {  	v2 =	vadd.f32 v2, v6;
	v6 =	vld [tilespmem:s22+$0xFFFFFFD0]  }
0x74a: {  	v9 =	vld [tilespmem:s21+$0x0]  }
.Ltmp58:
0x74b: {  	[tilespmem:s22+$0xFFFFFFA0] =	vst v2;
	v2 =	vadd.f32 v0, v4;
	v0 =	vld [tilespmem:s22+$0xFFFFFFE0];
	(pc) =	sbr.rel @p0 .LBB2_119-.Ltmp58, $4  }
0x74c: {  	v3 =	vld [tilespmem:s21+$0x10]  }
0x74d: {  	[tilespmem:s22+$0xFFFFFFB0] =	vst v2;
	v7 =	vadd.f32 v8, v7;
	v2 =	vld [tilespmem:s22+$0xFFFFFFF0]  }
0x74e: {  	v5 =	vld [tilespmem:s21+$0x20]  }
0x74f: {  	s22 =	sadd.s32 $0x400, s22;
	v4 =	vld [tilespmem:s19+$0xFFFFFF90];
	[tilespmem:s19+$0xFFFFFFC0] =	vst v7;
	v6 =	vadd.f32 v9, v6  }
0x750: {  	_ = 	snop  }
0x751: {  	p0 =	slt.u32 s16, $0x1E  }
.Ltmp59:
0x752: {  	v0 =	vadd.f32 v3, v0;
	(pc) =	sbr.rel @p0 .LBB2_116-.Ltmp59, $4  }
0x753: {  	[tilespmem:s19+$0xFFFFFFD0] =	vst v6;
	v2 =	vadd.f32 v5, v2  }
0x754: {  	[tilespmem:s19+$0xFFFFFFE0] =	vst v0;
	v63 =	vadd.f32 v1, v4  }
0x755: {  	s20 =	sadd.s32 $0x2, s16;
	[tilespmem:s19+$0xFFFFFFF0] =	vst v2  }
0x756: {  	s18 =	sadd.s32 $0x800, s18;
	s17 =	sadd.s32 $0x1, s17;
	s16 =	smov.u32 s20;
	[tilespmem:s19+$0xFFFFFF90] =	vst v63  }
0x757: {  	s17 =	sld [smem:$0x7EF];
	_ =	sdelay $0x1  }
0x758: {  	s16 =	simm.s32 $0x0  }
0x759: {  	[hbm4b:s17+s16] =	stream.linear.scatter [tilespmem:s10], [sflag:$0x4], $0x8000, $0x38;
	[tilespmem:$0x11480] =	vst v63  }
0x75a: {  	_ =	swait.ge [sflag:s14], $0x8000  }
0x75b: {  	s23 =	sld [smem:$0x7F2]  }
0x75c: {  	[sflag:s14] =	ssyncset.done $0x0  }
0x75d: {  	[sflag:s14] =	ssyncadd.s32 $0xFFFF8000  }
0x75e: {  	[tilespmem:s10], [sflag:$0x2] =	stream.linear.gather [hbm4b:s23+s16], $0x8000, $0x38;
	[tilespmem:$0x11480] =	vst v63  }
0x75f: {  	_ =	swait.ge [sflag:s11], $0x8000  }
0x760: {  	[sflag:s11] =	ssyncset.done $0x0  }
0x761: {  	s18 =	simm.s32 $0x0;
	s17 =	simm.s32 $0x0;
	[sflag:s11] =	ssyncadd.s32 $0xFFFF8000  }
.LBB2_122:
0x762: {  	v0 =	vld [tilespmem:s16+$0x1280];
	_ =	sdelay $0x4  }
0x763: {  	(v2sf) =	vpush v0, $0x0;
	_ =	sdelay $0xa  }
0x764: {  	s19 =	sshll.u32 s18, $0x2;
	s20 =	sand.u32 $0x3, s17  }
0x765: {  	s19 =	sand.u32 $0xFFFF8000, s19;
	s20 =	sshll.u32 s20, $0xA  }
0x766: {  	s19 =	sor.u32 s20, s19  }
0x767: {  	s19 =	sshrl.u32 s19, $0x2  }
0x768: {  	s20 =	sor.u32 $0x14C0, s19;
	s21 =	spop (v2sf)  }
0x769: {  	v1 =	vld [tilespmem:s20+$0x30];
	s22 =	sshll.u32 s21, $0xC;
	s21 =	sand.u32 $0x3, s21  }
0x76a: {  	v3 =	vld [tilespmem:s20+$0xFFFFFFD0];
	s23 =	sand.u32 $0xFFFFC000, s22;
	s21 =	sshll.u32 s21, $0x9  }
0x76b: {  	v5 =	vld [tilespmem:s20+$0xFFFFFFE0];
	s21 =	sor.u32 s21, s23  }
0x76c: {  	v7 =	vld [tilespmem:s20+$0xFFFFFFF0];
	s21 =	sshra.s32 s21, $0x2  }
0x76d: {  	v9 =	vld [tilespmem:s20+$0x0];
	s21 =	sor.u32 $0x40, s21  }
0x76e: {  	v2 =	vld [tilespmem:s21+$0x30]  }
0x76f: {  	v4 =	vld [tilespmem:s21+$0xFFFFFFD0]  }
0x770: {  	v8 =	vld [tilespmem:s21+$0xFFFFFFF0]  }
0x771: {  	v6 =	vld [tilespmem:s21+$0xFFFFFFE0]  }
0x772: {  	v0 =	vld [tilespmem:s21+$0xFFFFFFC0]  }
0x773: {  	v10 =	vld [tilespmem:s21+$0x0];
	v1 =	vadd.f32 v2, v1  }
0x774: {  	v3 =	vadd.f32 v4, v3;
	v2 =	vld [tilespmem:s20+$0x10]  }
0x775: {  	v4 =	vld [tilespmem:s21+$0x10];
	v7 =	vadd.f32 v8, v7;
	[tilespmem:s20+$0x30] =	vst v1  }
0x776: {  	v1 =	vadd.f32 v6, v5;
	[tilespmem:s20+$0xFFFFFFD0] =	vst v3;
	v3 =	vld [tilespmem:s20+$0x20]  }
0x777: {  	v6 =	vld [tilespmem:s21+$0x20];
	[tilespmem:s20+$0xFFFFFFF0] =	vst v7  }
0x778: {  	s19 =	sadd.s32 $0x1570, s19;
	s22 =	simm.s32 $0x0;
	s23 =	sadd.s32 $0x400, s20;
	v5 =	vld [tilespmem:s20+$0xFFFFFFC0];
	v7 =	vadd.f32 v10, v9;
	[tilespmem:s20+$0xFFFFFFE0] =	vst v1  }
.LBB2_123:
0x779: {  	v1 =	vld [tilespmem:s23+$0x30];
	s21 =	sadd.s32 $0x200, s21  }
0x77a: {  	s22 =	sadd.s32 $0x80, s22;
	v8 =	vld [tilespmem:s21+$0x30];
	[tilespmem:s20+$0x0] =	vst v7;
	v2 =	vadd.f32 v4, v2  }
0x77b: {  	p0 =	slt.u32 s22, $0x380;
	v4 =	vld [tilespmem:s21+$0xFFFFFFC0]  }
0x77c: {  	v7 =	vld [tilespmem:s23+$0xFFFFFFD0];
	[tilespmem:s20+$0x10] =	vst v2;
	v2 =	vadd.f32 v6, v3  }
0x77d: {  	v3 =	vld [tilespmem:s21+$0xFFFFFFD0];
	v9 =	vadd.f32 v0, v5  }
0x77e: {  	v5 =	vld [tilespmem:s23+$0xFFFFFFE0];
	[tilespmem:s20+$0x20] =	vst v2  }
0x77f: {  	v2 =	vld [tilespmem:s21+$0xFFFFFFE0];
	v1 =	vadd.f32 v8, v1;
	[tilespmem:s20+$0xFFFFFFC0] =	vst v9;
	s20 =	smov.u32 s23  }
0x780: {  	v6 =	vld [tilespmem:s23+$0xFFFFFFF0];
	v0 =	vmov v4  }
0x781: {  	v8 =	vld [tilespmem:s21+$0xFFFFFFF0];
	[tilespmem:s23+$0x30] =	vst v1  }
0x782: {  	v1 =	vadd.f32 v3, v7;
	v7 =	vld [tilespmem:s23+$0x0]  }
0x783: {  	v9 =	vld [tilespmem:s21+$0x0]  }
.Ltmp60:
0x784: {  	[tilespmem:s23+$0xFFFFFFD0] =	vst v1;
	v1 =	vadd.f32 v2, v5;
	v2 =	vld [tilespmem:s23+$0x10];
	(pc) =	sbr.rel @p0 .LBB2_123-.Ltmp60, $4  }
0x785: {  	v4 =	vld [tilespmem:s21+$0x10]  }
0x786: {  	[tilespmem:s23+$0xFFFFFFE0] =	vst v1;
	v1 =	vadd.f32 v8, v6;
	v3 =	vld [tilespmem:s23+$0x20]  }
0x787: {  	v6 =	vld [tilespmem:s21+$0x20]  }
0x788: {  	s23 =	sadd.s32 $0x400, s23;
	v5 =	vld [tilespmem:s20+$0xFFFFFFC0];
	[tilespmem:s20+$0xFFFFFFF0] =	vst v1;
	v7 =	vadd.f32 v9, v7  }
0x789: {  	v1 =	vld [tilespmem:s16+$0x1281];
	_ =	sdelay $0x4  }
0x78a: {  	(v2sf) =	vpush v1, $0x0;
	_ =	sdelay $0xe  }
0x78b: {  	s21 =	spop (v2sf)  }
0x78c: {  	v8 =	vld [tilespmem:s19+$0x0];
	s22 =	sshll.u32 s21, $0xC;
	s21 =	sand.u32 $0x3, s21  }
0x78d: {  	v10 =	vld [tilespmem:s19+$0xFFFFFFA0];
	s22 =	sand.u32 $0xFFFFC000, s22;
	s21 =	sshll.u32 s21, $0x9  }
0x78e: {  	v12 =	vld [tilespmem:s19+$0xFFFFFFB0];
	s21 =	sor.u32 s21, s22  }
0x78f: {  	v2 =	vadd.f32 v4, v2;
	v4 =	vld [tilespmem:s19+$0xFFFFFFC0];
	s21 =	sshra.s32 s21, $0x2  }
0x790: {  	[tilespmem:s20+$0x0] =	vst v7;
	v7 =	vld [tilespmem:s19+$0xFFFFFFD0];
	s21 =	sor.u32 $0x40, s21  }
0x791: {  	v9 =	vld [tilespmem:s21+$0x30]  }
0x792: {  	v11 =	vld [tilespmem:s21+$0xFFFFFFD0]  }
0x793: {  	v0 =	vadd.f32 v0, v5;
	v13 =	vld [tilespmem:s21+$0xFFFFFFE0]  }
0x794: {  	v3 =	vadd.f32 v6, v3;
	v6 =	vld [tilespmem:s21+$0xFFFFFFF0]  }
0x795: {  	[tilespmem:s20+$0xFFFFFFC0] =	vst v0;
	v0 =	vld [tilespmem:s19+$0xFFFFFFE0]  }
0x796: {  	[tilespmem:s20+$0x10] =	vst v2;
	v2 =	vadd.f32 v9, v8;
	v8 =	vld [tilespmem:s21+$0x0]  }
0x797: {  	[tilespmem:s20+$0x20] =	vst v3;
	v1 =	vld [tilespmem:s21+$0xFFFFFFC0];
	v5 =	vadd.f32 v11, v10  }
0x798: {  	v3 =	vld [tilespmem:s21+$0x10];
	v63 =	vadd.f32 v13, v12;
	[tilespmem:s19+$0x0] =	vst v2  }
0x799: {  	v6 =	vadd.f32 v6, v4;
	[tilespmem:s19+$0xFFFFFFA0] =	vst v5;
	v2 =	vld [tilespmem:s19+$0xFFFFFFF0]  }
0x79a: {  	[tilespmem:s19+$0xFFFFFFB0] =	vst v63;
	v5 =	vld [tilespmem:s21+$0x20]  }
0x79b: {  	s20 =	simm.s32 $0x0;
	s22 =	sadd.s32 $0x400, s19;
	v4 =	vld [tilespmem:s19+$0xFFFFFF90];
	[tilespmem:s19+$0xFFFFFFC0] =	vst v6;
	v6 =	vadd.f32 v8, v7  }
.LBB2_125:
0x79c: {  	v7 =	vld [tilespmem:s22+$0x0];
	s21 =	sadd.s32 $0x200, s21  }
0x79d: {  	s20 =	sadd.s32 $0x80, s20;
	v8 =	vld [tilespmem:s21+$0x30];
	[tilespmem:s19+$0xFFFFFFD0] =	vst v6;
	v0 =	vadd.f32 v3, v0  }
0x79e: {  	p0 =	slt.u32 s20, $0x380;
	v3 =	vld [tilespmem:s21+$0xFFFFFFC0]  }
0x79f: {  	v6 =	vld [tilespmem:s22+$0xFFFFFFA0];
	[tilespmem:s19+$0xFFFFFFE0] =	vst v0;
	v0 =	vadd.f32 v5, v2  }
0x7a0: {  	v2 =	vld [tilespmem:s21+$0xFFFFFFD0];
	v9 =	vadd.f32 v1, v4  }
0x7a1: {  	v4 =	vld [tilespmem:s22+$0xFFFFFFB0];
	[tilespmem:s19+$0xFFFFFFF0] =	vst v0  }
0x7a2: {  	v0 =	vld [tilespmem:s21+$0xFFFFFFE0];
	v5 =	vadd.f32 v8, v7;
	[tilespmem:s19+$0xFFFFFF90] =	vst v9;
	s19 =	smov.u32 s22  }
0x7a3: {  	v7 =	vld [tilespmem:s22+$0xFFFFFFC0];
	v1 =	vmov v3  }
0x7a4: {  	v8 =	vld [tilespmem:s21+$0xFFFFFFF0];
	[tilespmem:s22+$0x0] =	vst v5  }
0x7a5: {  	v2 =	vadd.f32 v2, v6;
	v6 =	vld [tilespmem:s22+$0xFFFFFFD0]  }
0x7a6: {  	v9 =	vld [tilespmem:s21+$0x0]  }
.Ltmp61:
0x7a7: {  	[tilespmem:s22+$0xFFFFFFA0] =	vst v2;
	v2 =	vadd.f32 v0, v4;
	v0 =	vld [tilespmem:s22+$0xFFFFFFE0];
	(pc) =	sbr.rel @p0 .LBB2_125-.Ltmp61, $4  }
0x7a8: {  	v3 =	vld [tilespmem:s21+$0x10]  }
0x7a9: {  	[tilespmem:s22+$0xFFFFFFB0] =	vst v2;
	v7 =	vadd.f32 v8, v7;
	v2 =	vld [tilespmem:s22+$0xFFFFFFF0]  }
0x7aa: {  	v5 =	vld [tilespmem:s21+$0x20]  }
0x7ab: {  	s22 =	sadd.s32 $0x400, s22;
	v4 =	vld [tilespmem:s19+$0xFFFFFF90];
	[tilespmem:s19+$0xFFFFFFC0] =	vst v7;
	v6 =	vadd.f32 v9, v6  }
0x7ac: {  	_ = 	snop  }
0x7ad: {  	p0 =	slt.u32 s16, $0x1E  }
.Ltmp62:
0x7ae: {  	v0 =	vadd.f32 v3, v0;
	(pc) =	sbr.rel @p0 .LBB2_122-.Ltmp62, $4  }
0x7af: {  	[tilespmem:s19+$0xFFFFFFD0] =	vst v6;
	v2 =	vadd.f32 v5, v2  }
0x7b0: {  	[tilespmem:s19+$0xFFFFFFE0] =	vst v0;
	v63 =	vadd.f32 v1, v4  }
0x7b1: {  	s20 =	sadd.s32 $0x2, s16;
	[tilespmem:s19+$0xFFFFFFF0] =	vst v2  }
0x7b2: {  	s18 =	sadd.s32 $0x800, s18;
	s17 =	sadd.s32 $0x1, s17;
	s16 =	smov.u32 s20;
	[tilespmem:s19+$0xFFFFFF90] =	vst v63  }
0x7b3: {  	s17 =	sld [smem:$0x7F1];
	_ =	sdelay $0x1  }
0x7b4: {  	s16 =	simm.s32 $0x0  }
0x7b5: {  	[hbm4b:s17+s16] =	stream.linear.scatter [tilespmem:s9], [sflag:$0x3], $0x8000, $0x38;
	[tilespmem:$0x11480] =	vst v63  }
0x7b6: {  	_ =	swait.ge [sflag:s12], $0x8000  }
0x7b7: {  	s23 =	sld [smem:$0x7F4]  }
0x7b8: {  	[sflag:s12] =	ssyncset.done $0x0  }
0x7b9: {  	[sflag:s12] =	ssyncadd.s32 $0xFFFF8000  }
0x7ba: {  	[tilespmem:s9], [sflag:$0x1] =	stream.linear.gather [hbm4b:s23+s16], $0x8000, $0x38;
	[tilespmem:$0x11480] =	vst v63  }
0x7bb: {  	_ =	swait.ge [sflag:s13], $0x8000  }
0x7bc: {  	[sflag:s13] =	ssyncset.done $0x0  }
0x7bd: {  	s18 =	simm.s32 $0x0;
	s17 =	simm.s32 $0x0;
	[sflag:s13] =	ssyncadd.s32 $0xFFFF8000  }
.LBB2_128:
0x7be: {  	v0 =	vld [tilespmem:s16+$0x12A0];
	_ =	sdelay $0x4  }
0x7bf: {  	(v2sf) =	vpush v0, $0x0;
	_ =	sdelay $0xa  }
0x7c0: {  	s19 =	sshll.u32 s18, $0x2;
	s20 =	sand.u32 $0x3, s17  }
0x7c1: {  	s19 =	sand.u32 $0xFFFF8000, s19;
	s20 =	sshll.u32 s20, $0xA  }
0x7c2: {  	s19 =	sor.u32 s20, s19  }
0x7c3: {  	s19 =	sshrl.u32 s19, $0x2  }
0x7c4: {  	s20 =	sadd.s32 $0x94C0, s19;
	s21 =	spop (v2sf)  }
0x7c5: {  	v1 =	vld [tilespmem:s20+$0x30];
	s22 =	sshll.u32 s21, $0xC;
	s21 =	sand.u32 $0x3, s21  }
0x7c6: {  	v3 =	vld [tilespmem:s20+$0xFFFFFFD0];
	s23 =	sand.u32 $0xFFFFC000, s22;
	s21 =	sshll.u32 s21, $0x9  }
0x7c7: {  	v5 =	vld [tilespmem:s20+$0xFFFFFFE0];
	s21 =	sor.u32 s21, s23  }
0x7c8: {  	v7 =	vld [tilespmem:s20+$0xFFFFFFF0];
	s21 =	sshra.s32 s21, $0x2  }
0x7c9: {  	v9 =	vld [tilespmem:s20+$0x0];
	s21 =	sor.u32 $0x40, s21  }
0x7ca: {  	v2 =	vld [tilespmem:s21+$0x30]  }
0x7cb: {  	v4 =	vld [tilespmem:s21+$0xFFFFFFD0]  }
0x7cc: {  	v8 =	vld [tilespmem:s21+$0xFFFFFFF0]  }
0x7cd: {  	v6 =	vld [tilespmem:s21+$0xFFFFFFE0]  }
0x7ce: {  	v0 =	vld [tilespmem:s21+$0xFFFFFFC0]  }
0x7cf: {  	v10 =	vld [tilespmem:s21+$0x0];
	v1 =	vadd.f32 v2, v1  }
0x7d0: {  	v3 =	vadd.f32 v4, v3;
	v2 =	vld [tilespmem:s20+$0x10]  }
0x7d1: {  	v4 =	vld [tilespmem:s21+$0x10];
	v7 =	vadd.f32 v8, v7;
	[tilespmem:s20+$0x30] =	vst v1  }
0x7d2: {  	v1 =	vadd.f32 v6, v5;
	[tilespmem:s20+$0xFFFFFFD0] =	vst v3;
	v3 =	vld [tilespmem:s20+$0x20]  }
0x7d3: {  	v6 =	vld [tilespmem:s21+$0x20];
	[tilespmem:s20+$0xFFFFFFF0] =	vst v7  }
0x7d4: {  	s19 =	sadd.s32 $0x9570, s19;
	s22 =	simm.s32 $0x0;
	s23 =	sadd.s32 $0x400, s20;
	v5 =	vld [tilespmem:s20+$0xFFFFFFC0];
	v7 =	vadd.f32 v10, v9;
	[tilespmem:s20+$0xFFFFFFE0] =	vst v1  }
.LBB2_129:
0x7d5: {  	v1 =	vld [tilespmem:s23+$0x30];
	s21 =	sadd.s32 $0x200, s21  }
0x7d6: {  	s22 =	sadd.s32 $0x80, s22;
	v8 =	vld [tilespmem:s21+$0x30];
	[tilespmem:s20+$0x0] =	vst v7;
	v2 =	vadd.f32 v4, v2  }
0x7d7: {  	p0 =	slt.u32 s22, $0x380;
	v4 =	vld [tilespmem:s21+$0xFFFFFFC0]  }
0x7d8: {  	v7 =	vld [tilespmem:s23+$0xFFFFFFD0];
	[tilespmem:s20+$0x10] =	vst v2;
	v2 =	vadd.f32 v6, v3  }
0x7d9: {  	v3 =	vld [tilespmem:s21+$0xFFFFFFD0];
	v9 =	vadd.f32 v0, v5  }
0x7da: {  	v5 =	vld [tilespmem:s23+$0xFFFFFFE0];
	[tilespmem:s20+$0x20] =	vst v2  }
0x7db: {  	v2 =	vld [tilespmem:s21+$0xFFFFFFE0];
	v1 =	vadd.f32 v8, v1;
	[tilespmem:s20+$0xFFFFFFC0] =	vst v9;
	s20 =	smov.u32 s23  }
0x7dc: {  	v6 =	vld [tilespmem:s23+$0xFFFFFFF0];
	v0 =	vmov v4  }
0x7dd: {  	v8 =	vld [tilespmem:s21+$0xFFFFFFF0];
	[tilespmem:s23+$0x30] =	vst v1  }
0x7de: {  	v1 =	vadd.f32 v3, v7;
	v7 =	vld [tilespmem:s23+$0x0]  }
0x7df: {  	v9 =	vld [tilespmem:s21+$0x0]  }
.Ltmp63:
0x7e0: {  	[tilespmem:s23+$0xFFFFFFD0] =	vst v1;
	v1 =	vadd.f32 v2, v5;
	v2 =	vld [tilespmem:s23+$0x10];
	(pc) =	sbr.rel @p0 .LBB2_129-.Ltmp63, $4  }
0x7e1: {  	v4 =	vld [tilespmem:s21+$0x10]  }
0x7e2: {  	[tilespmem:s23+$0xFFFFFFE0] =	vst v1;
	v1 =	vadd.f32 v8, v6;
	v3 =	vld [tilespmem:s23+$0x20]  }
0x7e3: {  	v6 =	vld [tilespmem:s21+$0x20]  }
0x7e4: {  	s23 =	sadd.s32 $0x400, s23;
	v5 =	vld [tilespmem:s20+$0xFFFFFFC0];
	[tilespmem:s20+$0xFFFFFFF0] =	vst v1;
	v7 =	vadd.f32 v9, v7  }
0x7e5: {  	v1 =	vld [tilespmem:s16+$0x12A1];
	_ =	sdelay $0x4  }
0x7e6: {  	(v2sf) =	vpush v1, $0x0;
	_ =	sdelay $0xe  }
0x7e7: {  	s21 =	spop (v2sf)  }
0x7e8: {  	v8 =	vld [tilespmem:s19+$0x0];
	s22 =	sshll.u32 s21, $0xC;
	s21 =	sand.u32 $0x3, s21  }
0x7e9: {  	v10 =	vld [tilespmem:s19+$0xFFFFFFA0];
	s22 =	sand.u32 $0xFFFFC000, s22;
	s21 =	sshll.u32 s21, $0x9  }
0x7ea: {  	v12 =	vld [tilespmem:s19+$0xFFFFFFB0];
	s21 =	sor.u32 s21, s22  }
0x7eb: {  	v2 =	vadd.f32 v4, v2;
	v4 =	vld [tilespmem:s19+$0xFFFFFFC0];
	s21 =	sshra.s32 s21, $0x2  }
0x7ec: {  	[tilespmem:s20+$0x0] =	vst v7;
	v7 =	vld [tilespmem:s19+$0xFFFFFFD0];
	s21 =	sor.u32 $0x40, s21  }
0x7ed: {  	v9 =	vld [tilespmem:s21+$0x30]  }
0x7ee: {  	v11 =	vld [tilespmem:s21+$0xFFFFFFD0]  }
0x7ef: {  	v0 =	vadd.f32 v0, v5;
	v13 =	vld [tilespmem:s21+$0xFFFFFFE0]  }
0x7f0: {  	v3 =	vadd.f32 v6, v3;
	v6 =	vld [tilespmem:s21+$0xFFFFFFF0]  }
0x7f1: {  	[tilespmem:s20+$0xFFFFFFC0] =	vst v0;
	v0 =	vld [tilespmem:s19+$0xFFFFFFE0]  }
0x7f2: {  	[tilespmem:s20+$0x10] =	vst v2;
	v2 =	vadd.f32 v9, v8;
	v8 =	vld [tilespmem:s21+$0x0]  }
0x7f3: {  	[tilespmem:s20+$0x20] =	vst v3;
	v1 =	vld [tilespmem:s21+$0xFFFFFFC0];
	v5 =	vadd.f32 v11, v10  }
0x7f4: {  	v3 =	vld [tilespmem:s21+$0x10];
	v63 =	vadd.f32 v13, v12;
	[tilespmem:s19+$0x0] =	vst v2  }
0x7f5: {  	v6 =	vadd.f32 v6, v4;
	[tilespmem:s19+$0xFFFFFFA0] =	vst v5;
	v2 =	vld [tilespmem:s19+$0xFFFFFFF0]  }
0x7f6: {  	[tilespmem:s19+$0xFFFFFFB0] =	vst v63;
	v5 =	vld [tilespmem:s21+$0x20]  }
0x7f7: {  	s20 =	simm.s32 $0x0;
	s22 =	sadd.s32 $0x400, s19;
	v4 =	vld [tilespmem:s19+$0xFFFFFF90];
	[tilespmem:s19+$0xFFFFFFC0] =	vst v6;
	v6 =	vadd.f32 v8, v7  }
.LBB2_131:
0x7f8: {  	v7 =	vld [tilespmem:s22+$0x0];
	s21 =	sadd.s32 $0x200, s21  }
0x7f9: {  	s20 =	sadd.s32 $0x80, s20;
	v8 =	vld [tilespmem:s21+$0x30];
	[tilespmem:s19+$0xFFFFFFD0] =	vst v6;
	v0 =	vadd.f32 v3, v0  }
0x7fa: {  	p0 =	slt.u32 s20, $0x380;
	v3 =	vld [tilespmem:s21+$0xFFFFFFC0]  }
0x7fb: {  	v6 =	vld [tilespmem:s22+$0xFFFFFFA0];
	[tilespmem:s19+$0xFFFFFFE0] =	vst v0;
	v0 =	vadd.f32 v5, v2  }
0x7fc: {  	v2 =	vld [tilespmem:s21+$0xFFFFFFD0];
	v9 =	vadd.f32 v1, v4  }
0x7fd: {  	v4 =	vld [tilespmem:s22+$0xFFFFFFB0];
	[tilespmem:s19+$0xFFFFFFF0] =	vst v0  }
0x7fe: {  	v0 =	vld [tilespmem:s21+$0xFFFFFFE0];
	v5 =	vadd.f32 v8, v7;
	[tilespmem:s19+$0xFFFFFF90] =	vst v9;
	s19 =	smov.u32 s22  }
0x7ff: {  	v7 =	vld [tilespmem:s22+$0xFFFFFFC0];
	v1 =	vmov v3  }
0x800: {  	v8 =	vld [tilespmem:s21+$0xFFFFFFF0];
	[tilespmem:s22+$0x0] =	vst v5  }
0x801: {  	v2 =	vadd.f32 v2, v6;
	v6 =	vld [tilespmem:s22+$0xFFFFFFD0]  }
0x802: {  	v9 =	vld [tilespmem:s21+$0x0]  }
.Ltmp64:
0x803: {  	[tilespmem:s22+$0xFFFFFFA0] =	vst v2;
	v2 =	vadd.f32 v0, v4;
	v0 =	vld [tilespmem:s22+$0xFFFFFFE0];
	(pc) =	sbr.rel @p0 .LBB2_131-.Ltmp64, $4  }
0x804: {  	v3 =	vld [tilespmem:s21+$0x10]  }
0x805: {  	[tilespmem:s22+$0xFFFFFFB0] =	vst v2;
	v7 =	vadd.f32 v8, v7;
	v2 =	vld [tilespmem:s22+$0xFFFFFFF0]  }
0x806: {  	v5 =	vld [tilespmem:s21+$0x20]  }
0x807: {  	s22 =	sadd.s32 $0x400, s22;
	v4 =	vld [tilespmem:s19+$0xFFFFFF90];
	[tilespmem:s19+$0xFFFFFFC0] =	vst v7;
	v6 =	vadd.f32 v9, v6  }
0x808: {  	_ = 	snop  }
0x809: {  	p0 =	slt.u32 s16, $0x1E  }
.Ltmp65:
0x80a: {  	v0 =	vadd.f32 v3, v0;
	(pc) =	sbr.rel @p0 .LBB2_128-.Ltmp65, $4  }
0x80b: {  	[tilespmem:s19+$0xFFFFFFD0] =	vst v6;
	v2 =	vadd.f32 v5, v2  }
0x80c: {  	[tilespmem:s19+$0xFFFFFFE0] =	vst v0;
	v63 =	vadd.f32 v1, v4  }
0x80d: {  	s20 =	sadd.s32 $0x2, s16;
	[tilespmem:s19+$0xFFFFFFF0] =	vst v2  }
0x80e: {  	s18 =	sadd.s32 $0x800, s18;
	s17 =	sadd.s32 $0x1, s17;
	s16 =	smov.u32 s20;
	[tilespmem:s19+$0xFFFFFF90] =	vst v63  }
0x80f: {  	s17 =	sld [smem:$0x7F3];
	_ =	sdelay $0x1  }
0x810: {  	s16 =	simm.s32 $0x0  }
0x811: {  	[hbm4b:s17+s16] =	stream.linear.scatter [tilespmem:s10], [sflag:$0x4], $0x8000, $0x38;
	[tilespmem:$0x11480] =	vst v63  }
0x812: {  	_ =	swait.ge [sflag:s14], $0x8000  }
0x813: {  	s23 =	sld [smem:$0x7F6]  }
0x814: {  	[sflag:s14] =	ssyncset.done $0x0  }
0x815: {  	[sflag:s14] =	ssyncadd.s32 $0xFFFF8000  }
0x816: {  	[tilespmem:s10], [sflag:$0x2] =	stream.linear.gather [hbm4b:s23+s16], $0x8000, $0x38;
	[tilespmem:$0x11480] =	vst v63  }
0x817: {  	_ =	swait.ge [sflag:s11], $0x8000  }
0x818: {  	[sflag:s11] =	ssyncset.done $0x0  }
0x819: {  	s18 =	simm.s32 $0x0;
	s17 =	simm.s32 $0x0;
	[sflag:s11] =	ssyncadd.s32 $0xFFFF8000  }
.LBB2_134:
0x81a: {  	v0 =	vld [tilespmem:s16+$0x12C0];
	_ =	sdelay $0x4  }
0x81b: {  	(v2sf) =	vpush v0, $0x0;
	_ =	sdelay $0xa  }
0x81c: {  	s19 =	sshll.u32 s18, $0x2;
	s20 =	sand.u32 $0x3, s17  }
0x81d: {  	s19 =	sand.u32 $0xFFFF8000, s19;
	s20 =	sshll.u32 s20, $0xA  }
0x81e: {  	s19 =	sor.u32 s20, s19  }
0x81f: {  	s19 =	sshrl.u32 s19, $0x2  }
0x820: {  	s20 =	sor.u32 $0x14C0, s19;
	s21 =	spop (v2sf)  }
0x821: {  	v1 =	vld [tilespmem:s20+$0x30];
	s22 =	sshll.u32 s21, $0xC;
	s21 =	sand.u32 $0x3, s21  }
0x822: {  	v3 =	vld [tilespmem:s20+$0xFFFFFFD0];
	s23 =	sand.u32 $0xFFFFC000, s22;
	s21 =	sshll.u32 s21, $0x9  }
0x823: {  	v5 =	vld [tilespmem:s20+$0xFFFFFFE0];
	s21 =	sor.u32 s21, s23  }
0x824: {  	v7 =	vld [tilespmem:s20+$0xFFFFFFF0];
	s21 =	sshra.s32 s21, $0x2  }
0x825: {  	v9 =	vld [tilespmem:s20+$0x0];
	s21 =	sor.u32 $0x40, s21  }
0x826: {  	v2 =	vld [tilespmem:s21+$0x30]  }
0x827: {  	v4 =	vld [tilespmem:s21+$0xFFFFFFD0]  }
0x828: {  	v8 =	vld [tilespmem:s21+$0xFFFFFFF0]  }
0x829: {  	v6 =	vld [tilespmem:s21+$0xFFFFFFE0]  }
0x82a: {  	v0 =	vld [tilespmem:s21+$0xFFFFFFC0]  }
0x82b: {  	v10 =	vld [tilespmem:s21+$0x0];
	v1 =	vadd.f32 v2, v1  }
0x82c: {  	v3 =	vadd.f32 v4, v3;
	v2 =	vld [tilespmem:s20+$0x10]  }
0x82d: {  	v4 =	vld [tilespmem:s21+$0x10];
	v7 =	vadd.f32 v8, v7;
	[tilespmem:s20+$0x30] =	vst v1  }
0x82e: {  	v1 =	vadd.f32 v6, v5;
	[tilespmem:s20+$0xFFFFFFD0] =	vst v3;
	v3 =	vld [tilespmem:s20+$0x20]  }
0x82f: {  	v6 =	vld [tilespmem:s21+$0x20];
	[tilespmem:s20+$0xFFFFFFF0] =	vst v7  }
0x830: {  	s19 =	sadd.s32 $0x1570, s19;
	s22 =	simm.s32 $0x0;
	s23 =	sadd.s32 $0x400, s20;
	v5 =	vld [tilespmem:s20+$0xFFFFFFC0];
	v7 =	vadd.f32 v10, v9;
	[tilespmem:s20+$0xFFFFFFE0] =	vst v1  }
.LBB2_135:
0x831: {  	v1 =	vld [tilespmem:s23+$0x30];
	s21 =	sadd.s32 $0x200, s21  }
0x832: {  	s22 =	sadd.s32 $0x80, s22;
	v8 =	vld [tilespmem:s21+$0x30];
	[tilespmem:s20+$0x0] =	vst v7;
	v2 =	vadd.f32 v4, v2  }
0x833: {  	p0 =	slt.u32 s22, $0x380;
	v4 =	vld [tilespmem:s21+$0xFFFFFFC0]  }
0x834: {  	v7 =	vld [tilespmem:s23+$0xFFFFFFD0];
	[tilespmem:s20+$0x10] =	vst v2;
	v2 =	vadd.f32 v6, v3  }
0x835: {  	v3 =	vld [tilespmem:s21+$0xFFFFFFD0];
	v9 =	vadd.f32 v0, v5  }
0x836: {  	v5 =	vld [tilespmem:s23+$0xFFFFFFE0];
	[tilespmem:s20+$0x20] =	vst v2  }
0x837: {  	v2 =	vld [tilespmem:s21+$0xFFFFFFE0];
	v1 =	vadd.f32 v8, v1;
	[tilespmem:s20+$0xFFFFFFC0] =	vst v9;
	s20 =	smov.u32 s23  }
0x838: {  	v6 =	vld [tilespmem:s23+$0xFFFFFFF0];
	v0 =	vmov v4  }
0x839: {  	v8 =	vld [tilespmem:s21+$0xFFFFFFF0];
	[tilespmem:s23+$0x30] =	vst v1  }
0x83a: {  	v1 =	vadd.f32 v3, v7;
	v7 =	vld [tilespmem:s23+$0x0]  }
0x83b: {  	v9 =	vld [tilespmem:s21+$0x0]  }
.Ltmp66:
0x83c: {  	[tilespmem:s23+$0xFFFFFFD0] =	vst v1;
	v1 =	vadd.f32 v2, v5;
	v2 =	vld [tilespmem:s23+$0x10];
	(pc) =	sbr.rel @p0 .LBB2_135-.Ltmp66, $4  }
0x83d: {  	v4 =	vld [tilespmem:s21+$0x10]  }
0x83e: {  	[tilespmem:s23+$0xFFFFFFE0] =	vst v1;
	v1 =	vadd.f32 v8, v6;
	v3 =	vld [tilespmem:s23+$0x20]  }
0x83f: {  	v6 =	vld [tilespmem:s21+$0x20]  }
0x840: {  	s23 =	sadd.s32 $0x400, s23;
	v5 =	vld [tilespmem:s20+$0xFFFFFFC0];
	[tilespmem:s20+$0xFFFFFFF0] =	vst v1;
	v7 =	vadd.f32 v9, v7  }
0x841: {  	v1 =	vld [tilespmem:s16+$0x12C1];
	_ =	sdelay $0x4  }
0x842: {  	(v2sf) =	vpush v1, $0x0;
	_ =	sdelay $0xe  }
0x843: {  	s21 =	spop (v2sf)  }
0x844: {  	v8 =	vld [tilespmem:s19+$0x0];
	s22 =	sshll.u32 s21, $0xC;
	s21 =	sand.u32 $0x3, s21  }
0x845: {  	v10 =	vld [tilespmem:s19+$0xFFFFFFA0];
	s22 =	sand.u32 $0xFFFFC000, s22;
	s21 =	sshll.u32 s21, $0x9  }
0x846: {  	v12 =	vld [tilespmem:s19+$0xFFFFFFB0];
	s21 =	sor.u32 s21, s22  }
0x847: {  	v2 =	vadd.f32 v4, v2;
	v4 =	vld [tilespmem:s19+$0xFFFFFFC0];
	s21 =	sshra.s32 s21, $0x2  }
0x848: {  	[tilespmem:s20+$0x0] =	vst v7;
	v7 =	vld [tilespmem:s19+$0xFFFFFFD0];
	s21 =	sor.u32 $0x40, s21  }
0x849: {  	v9 =	vld [tilespmem:s21+$0x30]  }
0x84a: {  	v11 =	vld [tilespmem:s21+$0xFFFFFFD0]  }
0x84b: {  	v0 =	vadd.f32 v0, v5;
	v13 =	vld [tilespmem:s21+$0xFFFFFFE0]  }
0x84c: {  	v3 =	vadd.f32 v6, v3;
	v6 =	vld [tilespmem:s21+$0xFFFFFFF0]  }
0x84d: {  	[tilespmem:s20+$0xFFFFFFC0] =	vst v0;
	v0 =	vld [tilespmem:s19+$0xFFFFFFE0]  }
0x84e: {  	[tilespmem:s20+$0x10] =	vst v2;
	v2 =	vadd.f32 v9, v8;
	v8 =	vld [tilespmem:s21+$0x0]  }
0x84f: {  	[tilespmem:s20+$0x20] =	vst v3;
	v1 =	vld [tilespmem:s21+$0xFFFFFFC0];
	v5 =	vadd.f32 v11, v10  }
0x850: {  	v3 =	vld [tilespmem:s21+$0x10];
	v63 =	vadd.f32 v13, v12;
	[tilespmem:s19+$0x0] =	vst v2  }
0x851: {  	v6 =	vadd.f32 v6, v4;
	[tilespmem:s19+$0xFFFFFFA0] =	vst v5;
	v2 =	vld [tilespmem:s19+$0xFFFFFFF0]  }
0x852: {  	[tilespmem:s19+$0xFFFFFFB0] =	vst v63;
	v5 =	vld [tilespmem:s21+$0x20]  }
0x853: {  	s20 =	simm.s32 $0x0;
	s22 =	sadd.s32 $0x400, s19;
	v4 =	vld [tilespmem:s19+$0xFFFFFF90];
	[tilespmem:s19+$0xFFFFFFC0] =	vst v6;
	v6 =	vadd.f32 v8, v7  }
.LBB2_137:
0x854: {  	v7 =	vld [tilespmem:s22+$0x0];
	s21 =	sadd.s32 $0x200, s21  }
0x855: {  	s20 =	sadd.s32 $0x80, s20;
	v8 =	vld [tilespmem:s21+$0x30];
	[tilespmem:s19+$0xFFFFFFD0] =	vst v6;
	v0 =	vadd.f32 v3, v0  }
0x856: {  	p0 =	slt.u32 s20, $0x380;
	v3 =	vld [tilespmem:s21+$0xFFFFFFC0]  }
0x857: {  	v6 =	vld [tilespmem:s22+$0xFFFFFFA0];
	[tilespmem:s19+$0xFFFFFFE0] =	vst v0;
	v0 =	vadd.f32 v5, v2  }
0x858: {  	v2 =	vld [tilespmem:s21+$0xFFFFFFD0];
	v9 =	vadd.f32 v1, v4  }
0x859: {  	v4 =	vld [tilespmem:s22+$0xFFFFFFB0];
	[tilespmem:s19+$0xFFFFFFF0] =	vst v0  }
0x85a: {  	v0 =	vld [tilespmem:s21+$0xFFFFFFE0];
	v5 =	vadd.f32 v8, v7;
	[tilespmem:s19+$0xFFFFFF90] =	vst v9;
	s19 =	smov.u32 s22  }
0x85b: {  	v7 =	vld [tilespmem:s22+$0xFFFFFFC0];
	v1 =	vmov v3  }
0x85c: {  	v8 =	vld [tilespmem:s21+$0xFFFFFFF0];
	[tilespmem:s22+$0x0] =	vst v5  }
0x85d: {  	v2 =	vadd.f32 v2, v6;
	v6 =	vld [tilespmem:s22+$0xFFFFFFD0]  }
0x85e: {  	v9 =	vld [tilespmem:s21+$0x0]  }
.Ltmp67:
0x85f: {  	[tilespmem:s22+$0xFFFFFFA0] =	vst v2;
	v2 =	vadd.f32 v0, v4;
	v0 =	vld [tilespmem:s22+$0xFFFFFFE0];
	(pc) =	sbr.rel @p0 .LBB2_137-.Ltmp67, $4  }
0x860: {  	v3 =	vld [tilespmem:s21+$0x10]  }
0x861: {  	[tilespmem:s22+$0xFFFFFFB0] =	vst v2;
	v7 =	vadd.f32 v8, v7;
	v2 =	vld [tilespmem:s22+$0xFFFFFFF0]  }
0x862: {  	v5 =	vld [tilespmem:s21+$0x20]  }
0x863: {  	s22 =	sadd.s32 $0x400, s22;
	v4 =	vld [tilespmem:s19+$0xFFFFFF90];
	[tilespmem:s19+$0xFFFFFFC0] =	vst v7;
	v6 =	vadd.f32 v9, v6  }
0x864: {  	_ = 	snop  }
0x865: {  	p0 =	slt.u32 s16, $0x1E  }
.Ltmp68:
0x866: {  	v0 =	vadd.f32 v3, v0;
	(pc) =	sbr.rel @p0 .LBB2_134-.Ltmp68, $4  }
0x867: {  	[tilespmem:s19+$0xFFFFFFD0] =	vst v6;
	v2 =	vadd.f32 v5, v2  }
0x868: {  	[tilespmem:s19+$0xFFFFFFE0] =	vst v0;
	v63 =	vadd.f32 v1, v4  }
0x869: {  	s20 =	sadd.s32 $0x2, s16;
	[tilespmem:s19+$0xFFFFFFF0] =	vst v2  }
0x86a: {  	s18 =	sadd.s32 $0x800, s18;
	s17 =	sadd.s32 $0x1, s17;
	s16 =	smov.u32 s20;
	[tilespmem:s19+$0xFFFFFF90] =	vst v63  }
0x86b: {  	s17 =	sld [smem:$0x7F5];
	_ =	sdelay $0x1  }
0x86c: {  	s16 =	simm.s32 $0x0  }
0x86d: {  	[hbm4b:s17+s16] =	stream.linear.scatter [tilespmem:s9], [sflag:$0x3], $0x8000, $0x38;
	[tilespmem:$0x11480] =	vst v63  }
0x86e: {  	_ =	swait.ge [sflag:s12], $0x8000  }
0x86f: {  	s23 =	sld [smem:$0x7F8]  }
0x870: {  	[sflag:s12] =	ssyncset.done $0x0  }
0x871: {  	[sflag:s12] =	ssyncadd.s32 $0xFFFF8000  }
0x872: {  	[tilespmem:s9], [sflag:$0x1] =	stream.linear.gather [hbm4b:s23+s16], $0x8000, $0x38;
	[tilespmem:$0x11480] =	vst v63  }
0x873: {  	_ =	swait.ge [sflag:s13], $0x8000  }
0x874: {  	[sflag:s13] =	ssyncset.done $0x0  }
0x875: {  	s18 =	simm.s32 $0x0;
	s17 =	simm.s32 $0x0;
	[sflag:s13] =	ssyncadd.s32 $0xFFFF8000  }
.LBB2_140:
0x876: {  	v0 =	vld [tilespmem:s16+$0x12E0];
	_ =	sdelay $0x4  }
0x877: {  	(v2sf) =	vpush v0, $0x0;
	_ =	sdelay $0xa  }
0x878: {  	s19 =	sshll.u32 s18, $0x2;
	s20 =	sand.u32 $0x3, s17  }
0x879: {  	s19 =	sand.u32 $0xFFFF8000, s19;
	s20 =	sshll.u32 s20, $0xA  }
0x87a: {  	s19 =	sor.u32 s20, s19  }
0x87b: {  	s19 =	sshrl.u32 s19, $0x2  }
0x87c: {  	s20 =	sadd.s32 $0x94C0, s19;
	s21 =	spop (v2sf)  }
0x87d: {  	v1 =	vld [tilespmem:s20+$0x30];
	s22 =	sshll.u32 s21, $0xC;
	s21 =	sand.u32 $0x3, s21  }
0x87e: {  	v3 =	vld [tilespmem:s20+$0xFFFFFFD0];
	s23 =	sand.u32 $0xFFFFC000, s22;
	s21 =	sshll.u32 s21, $0x9  }
0x87f: {  	v5 =	vld [tilespmem:s20+$0xFFFFFFE0];
	s21 =	sor.u32 s21, s23  }
0x880: {  	v7 =	vld [tilespmem:s20+$0xFFFFFFF0];
	s21 =	sshra.s32 s21, $0x2  }
0x881: {  	v9 =	vld [tilespmem:s20+$0x0];
	s21 =	sor.u32 $0x40, s21  }
0x882: {  	v2 =	vld [tilespmem:s21+$0x30]  }
0x883: {  	v4 =	vld [tilespmem:s21+$0xFFFFFFD0]  }
0x884: {  	v8 =	vld [tilespmem:s21+$0xFFFFFFF0]  }
0x885: {  	v6 =	vld [tilespmem:s21+$0xFFFFFFE0]  }
0x886: {  	v0 =	vld [tilespmem:s21+$0xFFFFFFC0]  }
0x887: {  	v10 =	vld [tilespmem:s21+$0x0];
	v1 =	vadd.f32 v2, v1  }
0x888: {  	v3 =	vadd.f32 v4, v3;
	v2 =	vld [tilespmem:s20+$0x10]  }
0x889: {  	v4 =	vld [tilespmem:s21+$0x10];
	v7 =	vadd.f32 v8, v7;
	[tilespmem:s20+$0x30] =	vst v1  }
0x88a: {  	v1 =	vadd.f32 v6, v5;
	[tilespmem:s20+$0xFFFFFFD0] =	vst v3;
	v3 =	vld [tilespmem:s20+$0x20]  }
0x88b: {  	v6 =	vld [tilespmem:s21+$0x20];
	[tilespmem:s20+$0xFFFFFFF0] =	vst v7  }
0x88c: {  	s19 =	sadd.s32 $0x9570, s19;
	s22 =	simm.s32 $0x0;
	s23 =	sadd.s32 $0x400, s20;
	v5 =	vld [tilespmem:s20+$0xFFFFFFC0];
	v7 =	vadd.f32 v10, v9;
	[tilespmem:s20+$0xFFFFFFE0] =	vst v1  }
.LBB2_141:
0x88d: {  	v1 =	vld [tilespmem:s23+$0x30];
	s21 =	sadd.s32 $0x200, s21  }
0x88e: {  	s22 =	sadd.s32 $0x80, s22;
	v8 =	vld [tilespmem:s21+$0x30];
	[tilespmem:s20+$0x0] =	vst v7;
	v2 =	vadd.f32 v4, v2  }
0x88f: {  	p0 =	slt.u32 s22, $0x380;
	v4 =	vld [tilespmem:s21+$0xFFFFFFC0]  }
0x890: {  	v7 =	vld [tilespmem:s23+$0xFFFFFFD0];
	[tilespmem:s20+$0x10] =	vst v2;
	v2 =	vadd.f32 v6, v3  }
0x891: {  	v3 =	vld [tilespmem:s21+$0xFFFFFFD0];
	v9 =	vadd.f32 v0, v5  }
0x892: {  	v5 =	vld [tilespmem:s23+$0xFFFFFFE0];
	[tilespmem:s20+$0x20] =	vst v2  }
0x893: {  	v2 =	vld [tilespmem:s21+$0xFFFFFFE0];
	v1 =	vadd.f32 v8, v1;
	[tilespmem:s20+$0xFFFFFFC0] =	vst v9;
	s20 =	smov.u32 s23  }
0x894: {  	v6 =	vld [tilespmem:s23+$0xFFFFFFF0];
	v0 =	vmov v4  }
0x895: {  	v8 =	vld [tilespmem:s21+$0xFFFFFFF0];
	[tilespmem:s23+$0x30] =	vst v1  }
0x896: {  	v1 =	vadd.f32 v3, v7;
	v7 =	vld [tilespmem:s23+$0x0]  }
0x897: {  	v9 =	vld [tilespmem:s21+$0x0]  }
.Ltmp69:
0x898: {  	[tilespmem:s23+$0xFFFFFFD0] =	vst v1;
	v1 =	vadd.f32 v2, v5;
	v2 =	vld [tilespmem:s23+$0x10];
	(pc) =	sbr.rel @p0 .LBB2_141-.Ltmp69, $4  }
0x899: {  	v4 =	vld [tilespmem:s21+$0x10]  }
0x89a: {  	[tilespmem:s23+$0xFFFFFFE0] =	vst v1;
	v1 =	vadd.f32 v8, v6;
	v3 =	vld [tilespmem:s23+$0x20]  }
0x89b: {  	v6 =	vld [tilespmem:s21+$0x20]  }
0x89c: {  	s23 =	sadd.s32 $0x400, s23;
	v5 =	vld [tilespmem:s20+$0xFFFFFFC0];
	[tilespmem:s20+$0xFFFFFFF0] =	vst v1;
	v7 =	vadd.f32 v9, v7  }
0x89d: {  	v1 =	vld [tilespmem:s16+$0x12E1];
	_ =	sdelay $0x4  }
0x89e: {  	(v2sf) =	vpush v1, $0x0;
	_ =	sdelay $0xe  }
0x89f: {  	s21 =	spop (v2sf)  }
0x8a0: {  	v8 =	vld [tilespmem:s19+$0x0];
	s22 =	sshll.u32 s21, $0xC;
	s21 =	sand.u32 $0x3, s21  }
0x8a1: {  	v10 =	vld [tilespmem:s19+$0xFFFFFFA0];
	s22 =	sand.u32 $0xFFFFC000, s22;
	s21 =	sshll.u32 s21, $0x9  }
0x8a2: {  	v12 =	vld [tilespmem:s19+$0xFFFFFFB0];
	s21 =	sor.u32 s21, s22  }
0x8a3: {  	v2 =	vadd.f32 v4, v2;
	v4 =	vld [tilespmem:s19+$0xFFFFFFC0];
	s21 =	sshra.s32 s21, $0x2  }
0x8a4: {  	[tilespmem:s20+$0x0] =	vst v7;
	v7 =	vld [tilespmem:s19+$0xFFFFFFD0];
	s21 =	sor.u32 $0x40, s21  }
0x8a5: {  	v9 =	vld [tilespmem:s21+$0x30]  }
0x8a6: {  	v11 =	vld [tilespmem:s21+$0xFFFFFFD0]  }
0x8a7: {  	v0 =	vadd.f32 v0, v5;
	v13 =	vld [tilespmem:s21+$0xFFFFFFE0]  }
0x8a8: {  	v3 =	vadd.f32 v6, v3;
	v6 =	vld [tilespmem:s21+$0xFFFFFFF0]  }
0x8a9: {  	[tilespmem:s20+$0xFFFFFFC0] =	vst v0;
	v0 =	vld [tilespmem:s19+$0xFFFFFFE0]  }
0x8aa: {  	[tilespmem:s20+$0x10] =	vst v2;
	v2 =	vadd.f32 v9, v8;
	v8 =	vld [tilespmem:s21+$0x0]  }
0x8ab: {  	[tilespmem:s20+$0x20] =	vst v3;
	v1 =	vld [tilespmem:s21+$0xFFFFFFC0];
	v5 =	vadd.f32 v11, v10  }
0x8ac: {  	v3 =	vld [tilespmem:s21+$0x10];
	v63 =	vadd.f32 v13, v12;
	[tilespmem:s19+$0x0] =	vst v2  }
0x8ad: {  	v6 =	vadd.f32 v6, v4;
	[tilespmem:s19+$0xFFFFFFA0] =	vst v5;
	v2 =	vld [tilespmem:s19+$0xFFFFFFF0]  }
0x8ae: {  	[tilespmem:s19+$0xFFFFFFB0] =	vst v63;
	v5 =	vld [tilespmem:s21+$0x20]  }
0x8af: {  	s20 =	simm.s32 $0x0;
	s22 =	sadd.s32 $0x400, s19;
	v4 =	vld [tilespmem:s19+$0xFFFFFF90];
	[tilespmem:s19+$0xFFFFFFC0] =	vst v6;
	v6 =	vadd.f32 v8, v7  }
.LBB2_143:
0x8b0: {  	v7 =	vld [tilespmem:s22+$0x0];
	s21 =	sadd.s32 $0x200, s21  }
0x8b1: {  	s20 =	sadd.s32 $0x80, s20;
	v8 =	vld [tilespmem:s21+$0x30];
	[tilespmem:s19+$0xFFFFFFD0] =	vst v6;
	v0 =	vadd.f32 v3, v0  }
0x8b2: {  	p0 =	slt.u32 s20, $0x380;
	v3 =	vld [tilespmem:s21+$0xFFFFFFC0]  }
0x8b3: {  	v6 =	vld [tilespmem:s22+$0xFFFFFFA0];
	[tilespmem:s19+$0xFFFFFFE0] =	vst v0;
	v0 =	vadd.f32 v5, v2  }
0x8b4: {  	v2 =	vld [tilespmem:s21+$0xFFFFFFD0];
	v9 =	vadd.f32 v1, v4  }
0x8b5: {  	v4 =	vld [tilespmem:s22+$0xFFFFFFB0];
	[tilespmem:s19+$0xFFFFFFF0] =	vst v0  }
0x8b6: {  	v0 =	vld [tilespmem:s21+$0xFFFFFFE0];
	v5 =	vadd.f32 v8, v7;
	[tilespmem:s19+$0xFFFFFF90] =	vst v9;
	s19 =	smov.u32 s22  }
0x8b7: {  	v7 =	vld [tilespmem:s22+$0xFFFFFFC0];
	v1 =	vmov v3  }
0x8b8: {  	v8 =	vld [tilespmem:s21+$0xFFFFFFF0];
	[tilespmem:s22+$0x0] =	vst v5  }
0x8b9: {  	v2 =	vadd.f32 v2, v6;
	v6 =	vld [tilespmem:s22+$0xFFFFFFD0]  }
0x8ba: {  	v9 =	vld [tilespmem:s21+$0x0]  }
.Ltmp70:
0x8bb: {  	[tilespmem:s22+$0xFFFFFFA0] =	vst v2;
	v2 =	vadd.f32 v0, v4;
	v0 =	vld [tilespmem:s22+$0xFFFFFFE0];
	(pc) =	sbr.rel @p0 .LBB2_143-.Ltmp70, $4  }
0x8bc: {  	v3 =	vld [tilespmem:s21+$0x10]  }
0x8bd: {  	[tilespmem:s22+$0xFFFFFFB0] =	vst v2;
	v7 =	vadd.f32 v8, v7;
	v2 =	vld [tilespmem:s22+$0xFFFFFFF0]  }
0x8be: {  	v5 =	vld [tilespmem:s21+$0x20]  }
0x8bf: {  	s22 =	sadd.s32 $0x400, s22;
	v4 =	vld [tilespmem:s19+$0xFFFFFF90];
	[tilespmem:s19+$0xFFFFFFC0] =	vst v7;
	v6 =	vadd.f32 v9, v6  }
0x8c0: {  	_ = 	snop  }
0x8c1: {  	p0 =	slt.u32 s16, $0x1E  }
.Ltmp71:
0x8c2: {  	v0 =	vadd.f32 v3, v0;
	(pc) =	sbr.rel @p0 .LBB2_140-.Ltmp71, $4  }
0x8c3: {  	[tilespmem:s19+$0xFFFFFFD0] =	vst v6;
	v2 =	vadd.f32 v5, v2  }
0x8c4: {  	[tilespmem:s19+$0xFFFFFFE0] =	vst v0;
	v63 =	vadd.f32 v1, v4  }
0x8c5: {  	s20 =	sadd.s32 $0x2, s16;
	[tilespmem:s19+$0xFFFFFFF0] =	vst v2  }
0x8c6: {  	s18 =	sadd.s32 $0x800, s18;
	s17 =	sadd.s32 $0x1, s17;
	s16 =	smov.u32 s20;
	[tilespmem:s19+$0xFFFFFF90] =	vst v63  }
0x8c7: {  	s17 =	sld [smem:$0x7F7];
	_ =	sdelay $0x1  }
0x8c8: {  	s16 =	simm.s32 $0x0  }
0x8c9: {  	[hbm4b:s17+s16] =	stream.linear.scatter [tilespmem:s10], [sflag:$0x4], $0x8000, $0x38;
	[tilespmem:$0x11480] =	vst v63  }
0x8ca: {  	_ =	swait.ge [sflag:s14], $0x8000  }
0x8cb: {  	s23 =	sld [smem:$0x7FA]  }
0x8cc: {  	[sflag:s14] =	ssyncset.done $0x0  }
0x8cd: {  	[sflag:s14] =	ssyncadd.s32 $0xFFFF8000  }
0x8ce: {  	[tilespmem:s10], [sflag:$0x2] =	stream.linear.gather [hbm4b:s23+s16], $0x8000, $0x38;
	[tilespmem:$0x11480] =	vst v63  }
0x8cf: {  	_ =	swait.ge [sflag:s11], $0x8000  }
0x8d0: {  	[sflag:s11] =	ssyncset.done $0x0  }
0x8d1: {  	s18 =	simm.s32 $0x0;
	s17 =	simm.s32 $0x0;
	[sflag:s11] =	ssyncadd.s32 $0xFFFF8000  }
.LBB2_146:
0x8d2: {  	v0 =	vld [tilespmem:s16+$0x1300];
	_ =	sdelay $0x4  }
0x8d3: {  	(v2sf) =	vpush v0, $0x0;
	_ =	sdelay $0xa  }
0x8d4: {  	s19 =	sshll.u32 s18, $0x2;
	s20 =	sand.u32 $0x3, s17  }
0x8d5: {  	s19 =	sand.u32 $0xFFFF8000, s19;
	s20 =	sshll.u32 s20, $0xA  }
0x8d6: {  	s19 =	sor.u32 s20, s19  }
0x8d7: {  	s19 =	sshrl.u32 s19, $0x2  }
0x8d8: {  	s20 =	sor.u32 $0x14C0, s19;
	s21 =	spop (v2sf)  }
0x8d9: {  	v1 =	vld [tilespmem:s20+$0x30];
	s22 =	sshll.u32 s21, $0xC;
	s21 =	sand.u32 $0x3, s21  }
0x8da: {  	v3 =	vld [tilespmem:s20+$0xFFFFFFD0];
	s23 =	sand.u32 $0xFFFFC000, s22;
	s21 =	sshll.u32 s21, $0x9  }
0x8db: {  	v5 =	vld [tilespmem:s20+$0xFFFFFFE0];
	s21 =	sor.u32 s21, s23  }
0x8dc: {  	v7 =	vld [tilespmem:s20+$0xFFFFFFF0];
	s21 =	sshra.s32 s21, $0x2  }
0x8dd: {  	v9 =	vld [tilespmem:s20+$0x0];
	s21 =	sor.u32 $0x40, s21  }
0x8de: {  	v2 =	vld [tilespmem:s21+$0x30]  }
0x8df: {  	v4 =	vld [tilespmem:s21+$0xFFFFFFD0]  }
0x8e0: {  	v8 =	vld [tilespmem:s21+$0xFFFFFFF0]  }
0x8e1: {  	v6 =	vld [tilespmem:s21+$0xFFFFFFE0]  }
0x8e2: {  	v0 =	vld [tilespmem:s21+$0xFFFFFFC0]  }
0x8e3: {  	v10 =	vld [tilespmem:s21+$0x0];
	v1 =	vadd.f32 v2, v1  }
0x8e4: {  	v3 =	vadd.f32 v4, v3;
	v2 =	vld [tilespmem:s20+$0x10]  }
0x8e5: {  	v4 =	vld [tilespmem:s21+$0x10];
	v7 =	vadd.f32 v8, v7;
	[tilespmem:s20+$0x30] =	vst v1  }
0x8e6: {  	v1 =	vadd.f32 v6, v5;
	[tilespmem:s20+$0xFFFFFFD0] =	vst v3;
	v3 =	vld [tilespmem:s20+$0x20]  }
0x8e7: {  	v6 =	vld [tilespmem:s21+$0x20];
	[tilespmem:s20+$0xFFFFFFF0] =	vst v7  }
0x8e8: {  	s19 =	sadd.s32 $0x1570, s19;
	s22 =	simm.s32 $0x0;
	s23 =	sadd.s32 $0x400, s20;
	v5 =	vld [tilespmem:s20+$0xFFFFFFC0];
	v7 =	vadd.f32 v10, v9;
	[tilespmem:s20+$0xFFFFFFE0] =	vst v1  }
.LBB2_147:
0x8e9: {  	v1 =	vld [tilespmem:s23+$0x30];
	s21 =	sadd.s32 $0x200, s21  }
0x8ea: {  	s22 =	sadd.s32 $0x80, s22;
	v8 =	vld [tilespmem:s21+$0x30];
	[tilespmem:s20+$0x0] =	vst v7;
	v2 =	vadd.f32 v4, v2  }
0x8eb: {  	p0 =	slt.u32 s22, $0x380;
	v4 =	vld [tilespmem:s21+$0xFFFFFFC0]  }
0x8ec: {  	v7 =	vld [tilespmem:s23+$0xFFFFFFD0];
	[tilespmem:s20+$0x10] =	vst v2;
	v2 =	vadd.f32 v6, v3  }
0x8ed: {  	v3 =	vld [tilespmem:s21+$0xFFFFFFD0];
	v9 =	vadd.f32 v0, v5  }
0x8ee: {  	v5 =	vld [tilespmem:s23+$0xFFFFFFE0];
	[tilespmem:s20+$0x20] =	vst v2  }
0x8ef: {  	v2 =	vld [tilespmem:s21+$0xFFFFFFE0];
	v1 =	vadd.f32 v8, v1;
	[tilespmem:s20+$0xFFFFFFC0] =	vst v9;
	s20 =	smov.u32 s23  }
0x8f0: {  	v6 =	vld [tilespmem:s23+$0xFFFFFFF0];
	v0 =	vmov v4  }
0x8f1: {  	v8 =	vld [tilespmem:s21+$0xFFFFFFF0];
	[tilespmem:s23+$0x30] =	vst v1  }
0x8f2: {  	v1 =	vadd.f32 v3, v7;
	v7 =	vld [tilespmem:s23+$0x0]  }
0x8f3: {  	v9 =	vld [tilespmem:s21+$0x0]  }
.Ltmp72:
0x8f4: {  	[tilespmem:s23+$0xFFFFFFD0] =	vst v1;
	v1 =	vadd.f32 v2, v5;
	v2 =	vld [tilespmem:s23+$0x10];
	(pc) =	sbr.rel @p0 .LBB2_147-.Ltmp72, $4  }
0x8f5: {  	v4 =	vld [tilespmem:s21+$0x10]  }
0x8f6: {  	[tilespmem:s23+$0xFFFFFFE0] =	vst v1;
	v1 =	vadd.f32 v8, v6;
	v3 =	vld [tilespmem:s23+$0x20]  }
0x8f7: {  	v6 =	vld [tilespmem:s21+$0x20]  }
0x8f8: {  	s23 =	sadd.s32 $0x400, s23;
	v5 =	vld [tilespmem:s20+$0xFFFFFFC0];
	[tilespmem:s20+$0xFFFFFFF0] =	vst v1;
	v7 =	vadd.f32 v9, v7  }
0x8f9: {  	v1 =	vld [tilespmem:s16+$0x1301];
	_ =	sdelay $0x4  }
0x8fa: {  	(v2sf) =	vpush v1, $0x0;
	_ =	sdelay $0xe  }
0x8fb: {  	s21 =	spop (v2sf)  }
0x8fc: {  	v8 =	vld [tilespmem:s19+$0x0];
	s22 =	sshll.u32 s21, $0xC;
	s21 =	sand.u32 $0x3, s21  }
0x8fd: {  	v10 =	vld [tilespmem:s19+$0xFFFFFFA0];
	s22 =	sand.u32 $0xFFFFC000, s22;
	s21 =	sshll.u32 s21, $0x9  }
0x8fe: {  	v12 =	vld [tilespmem:s19+$0xFFFFFFB0];
	s21 =	sor.u32 s21, s22  }
0x8ff: {  	v2 =	vadd.f32 v4, v2;
	v4 =	vld [tilespmem:s19+$0xFFFFFFC0];
	s21 =	sshra.s32 s21, $0x2  }
0x900: {  	[tilespmem:s20+$0x0] =	vst v7;
	v7 =	vld [tilespmem:s19+$0xFFFFFFD0];
	s21 =	sor.u32 $0x40, s21  }
0x901: {  	v9 =	vld [tilespmem:s21+$0x30]  }
0x902: {  	v11 =	vld [tilespmem:s21+$0xFFFFFFD0]  }
0x903: {  	v0 =	vadd.f32 v0, v5;
	v13 =	vld [tilespmem:s21+$0xFFFFFFE0]  }
0x904: {  	v3 =	vadd.f32 v6, v3;
	v6 =	vld [tilespmem:s21+$0xFFFFFFF0]  }
0x905: {  	[tilespmem:s20+$0xFFFFFFC0] =	vst v0;
	v0 =	vld [tilespmem:s19+$0xFFFFFFE0]  }
0x906: {  	[tilespmem:s20+$0x10] =	vst v2;
	v2 =	vadd.f32 v9, v8;
	v8 =	vld [tilespmem:s21+$0x0]  }
0x907: {  	[tilespmem:s20+$0x20] =	vst v3;
	v1 =	vld [tilespmem:s21+$0xFFFFFFC0];
	v5 =	vadd.f32 v11, v10  }
0x908: {  	v3 =	vld [tilespmem:s21+$0x10];
	v63 =	vadd.f32 v13, v12;
	[tilespmem:s19+$0x0] =	vst v2  }
0x909: {  	v6 =	vadd.f32 v6, v4;
	[tilespmem:s19+$0xFFFFFFA0] =	vst v5;
	v2 =	vld [tilespmem:s19+$0xFFFFFFF0]  }
0x90a: {  	[tilespmem:s19+$0xFFFFFFB0] =	vst v63;
	v5 =	vld [tilespmem:s21+$0x20]  }
0x90b: {  	s20 =	simm.s32 $0x0;
	s22 =	sadd.s32 $0x400, s19;
	v4 =	vld [tilespmem:s19+$0xFFFFFF90];
	[tilespmem:s19+$0xFFFFFFC0] =	vst v6;
	v6 =	vadd.f32 v8, v7  }
.LBB2_149:
0x90c: {  	v7 =	vld [tilespmem:s22+$0x0];
	s21 =	sadd.s32 $0x200, s21  }
0x90d: {  	s20 =	sadd.s32 $0x80, s20;
	v8 =	vld [tilespmem:s21+$0x30];
	[tilespmem:s19+$0xFFFFFFD0] =	vst v6;
	v0 =	vadd.f32 v3, v0  }
0x90e: {  	p0 =	slt.u32 s20, $0x380;
	v3 =	vld [tilespmem:s21+$0xFFFFFFC0]  }
0x90f: {  	v6 =	vld [tilespmem:s22+$0xFFFFFFA0];
	[tilespmem:s19+$0xFFFFFFE0] =	vst v0;
	v0 =	vadd.f32 v5, v2  }
0x910: {  	v2 =	vld [tilespmem:s21+$0xFFFFFFD0];
	v9 =	vadd.f32 v1, v4  }
0x911: {  	v4 =	vld [tilespmem:s22+$0xFFFFFFB0];
	[tilespmem:s19+$0xFFFFFFF0] =	vst v0  }
0x912: {  	v0 =	vld [tilespmem:s21+$0xFFFFFFE0];
	v5 =	vadd.f32 v8, v7;
	[tilespmem:s19+$0xFFFFFF90] =	vst v9;
	s19 =	smov.u32 s22  }
0x913: {  	v7 =	vld [tilespmem:s22+$0xFFFFFFC0];
	v1 =	vmov v3  }
0x914: {  	v8 =	vld [tilespmem:s21+$0xFFFFFFF0];
	[tilespmem:s22+$0x0] =	vst v5  }
0x915: {  	v2 =	vadd.f32 v2, v6;
	v6 =	vld [tilespmem:s22+$0xFFFFFFD0]  }
0x916: {  	v9 =	vld [tilespmem:s21+$0x0]  }
.Ltmp73:
0x917: {  	[tilespmem:s22+$0xFFFFFFA0] =	vst v2;
	v2 =	vadd.f32 v0, v4;
	v0 =	vld [tilespmem:s22+$0xFFFFFFE0];
	(pc) =	sbr.rel @p0 .LBB2_149-.Ltmp73, $4  }
0x918: {  	v3 =	vld [tilespmem:s21+$0x10]  }
0x919: {  	[tilespmem:s22+$0xFFFFFFB0] =	vst v2;
	v7 =	vadd.f32 v8, v7;
	v2 =	vld [tilespmem:s22+$0xFFFFFFF0]  }
0x91a: {  	v5 =	vld [tilespmem:s21+$0x20]  }
0x91b: {  	s22 =	sadd.s32 $0x400, s22;
	v4 =	vld [tilespmem:s19+$0xFFFFFF90];
	[tilespmem:s19+$0xFFFFFFC0] =	vst v7;
	v6 =	vadd.f32 v9, v6  }
0x91c: {  	_ = 	snop  }
0x91d: {  	p0 =	slt.u32 s16, $0x1E  }
.Ltmp74:
0x91e: {  	v0 =	vadd.f32 v3, v0;
	(pc) =	sbr.rel @p0 .LBB2_146-.Ltmp74, $4  }
0x91f: {  	[tilespmem:s19+$0xFFFFFFD0] =	vst v6;
	v2 =	vadd.f32 v5, v2  }
0x920: {  	[tilespmem:s19+$0xFFFFFFE0] =	vst v0;
	v63 =	vadd.f32 v1, v4  }
0x921: {  	s20 =	sadd.s32 $0x2, s16;
	[tilespmem:s19+$0xFFFFFFF0] =	vst v2  }
0x922: {  	s18 =	sadd.s32 $0x800, s18;
	s17 =	sadd.s32 $0x1, s17;
	s16 =	smov.u32 s20;
	[tilespmem:s19+$0xFFFFFF90] =	vst v63  }
0x923: {  	s17 =	sld [smem:$0x7F9];
	_ =	sdelay $0x1  }
0x924: {  	s16 =	simm.s32 $0x0  }
0x925: {  	[hbm4b:s17+s16] =	stream.linear.scatter [tilespmem:s9], [sflag:$0x3], $0x8000, $0x38;
	[tilespmem:$0x11480] =	vst v63  }
0x926: {  	_ =	swait.ge [sflag:s12], $0x8000  }
0x927: {  	s23 =	sld [smem:$0x7FC]  }
0x928: {  	[sflag:s12] =	ssyncset.done $0x0  }
0x929: {  	[sflag:s12] =	ssyncadd.s32 $0xFFFF8000  }
0x92a: {  	[tilespmem:s9], [sflag:$0x1] =	stream.linear.gather [hbm4b:s23+s16], $0x8000, $0x38;
	[tilespmem:$0x11480] =	vst v63  }
0x92b: {  	_ =	swait.ge [sflag:s13], $0x8000  }
0x92c: {  	[sflag:s13] =	ssyncset.done $0x0  }
0x92d: {  	s18 =	simm.s32 $0x0;
	s17 =	simm.s32 $0x0;
	[sflag:s13] =	ssyncadd.s32 $0xFFFF8000  }
.LBB2_152:
0x92e: {  	v0 =	vld [tilespmem:s16+$0x1320];
	_ =	sdelay $0x4  }
0x92f: {  	(v2sf) =	vpush v0, $0x0;
	_ =	sdelay $0xa  }
0x930: {  	s19 =	sshll.u32 s18, $0x2;
	s20 =	sand.u32 $0x3, s17  }
0x931: {  	s19 =	sand.u32 $0xFFFF8000, s19;
	s20 =	sshll.u32 s20, $0xA  }
0x932: {  	s19 =	sor.u32 s20, s19  }
0x933: {  	s19 =	sshrl.u32 s19, $0x2  }
0x934: {  	s20 =	sadd.s32 $0x94C0, s19;
	s21 =	spop (v2sf)  }
0x935: {  	v1 =	vld [tilespmem:s20+$0x30];
	s22 =	sshll.u32 s21, $0xC;
	s21 =	sand.u32 $0x3, s21  }
0x936: {  	v3 =	vld [tilespmem:s20+$0xFFFFFFD0];
	s23 =	sand.u32 $0xFFFFC000, s22;
	s21 =	sshll.u32 s21, $0x9  }
0x937: {  	v5 =	vld [tilespmem:s20+$0xFFFFFFE0];
	s21 =	sor.u32 s21, s23  }
0x938: {  	v7 =	vld [tilespmem:s20+$0xFFFFFFF0];
	s21 =	sshra.s32 s21, $0x2  }
0x939: {  	v9 =	vld [tilespmem:s20+$0x0];
	s21 =	sor.u32 $0x40, s21  }
0x93a: {  	v2 =	vld [tilespmem:s21+$0x30]  }
0x93b: {  	v4 =	vld [tilespmem:s21+$0xFFFFFFD0]  }
0x93c: {  	v8 =	vld [tilespmem:s21+$0xFFFFFFF0]  }
0x93d: {  	v6 =	vld [tilespmem:s21+$0xFFFFFFE0]  }
0x93e: {  	v0 =	vld [tilespmem:s21+$0xFFFFFFC0]  }
0x93f: {  	v10 =	vld [tilespmem:s21+$0x0];
	v1 =	vadd.f32 v2, v1  }
0x940: {  	v3 =	vadd.f32 v4, v3;
	v2 =	vld [tilespmem:s20+$0x10]  }
0x941: {  	v4 =	vld [tilespmem:s21+$0x10];
	v7 =	vadd.f32 v8, v7;
	[tilespmem:s20+$0x30] =	vst v1  }
0x942: {  	v1 =	vadd.f32 v6, v5;
	[tilespmem:s20+$0xFFFFFFD0] =	vst v3;
	v3 =	vld [tilespmem:s20+$0x20]  }
0x943: {  	v6 =	vld [tilespmem:s21+$0x20];
	[tilespmem:s20+$0xFFFFFFF0] =	vst v7  }
0x944: {  	s19 =	sadd.s32 $0x9570, s19;
	s22 =	simm.s32 $0x0;
	s23 =	sadd.s32 $0x400, s20;
	v5 =	vld [tilespmem:s20+$0xFFFFFFC0];
	v7 =	vadd.f32 v10, v9;
	[tilespmem:s20+$0xFFFFFFE0] =	vst v1  }
.LBB2_153:
0x945: {  	v1 =	vld [tilespmem:s23+$0x30];
	s21 =	sadd.s32 $0x200, s21  }
0x946: {  	s22 =	sadd.s32 $0x80, s22;
	v8 =	vld [tilespmem:s21+$0x30];
	[tilespmem:s20+$0x0] =	vst v7;
	v2 =	vadd.f32 v4, v2  }
0x947: {  	p0 =	slt.u32 s22, $0x380;
	v4 =	vld [tilespmem:s21+$0xFFFFFFC0]  }
0x948: {  	v7 =	vld [tilespmem:s23+$0xFFFFFFD0];
	[tilespmem:s20+$0x10] =	vst v2;
	v2 =	vadd.f32 v6, v3  }
0x949: {  	v3 =	vld [tilespmem:s21+$0xFFFFFFD0];
	v9 =	vadd.f32 v0, v5  }
0x94a: {  	v5 =	vld [tilespmem:s23+$0xFFFFFFE0];
	[tilespmem:s20+$0x20] =	vst v2  }
0x94b: {  	v2 =	vld [tilespmem:s21+$0xFFFFFFE0];
	v1 =	vadd.f32 v8, v1;
	[tilespmem:s20+$0xFFFFFFC0] =	vst v9;
	s20 =	smov.u32 s23  }
0x94c: {  	v6 =	vld [tilespmem:s23+$0xFFFFFFF0];
	v0 =	vmov v4  }
0x94d: {  	v8 =	vld [tilespmem:s21+$0xFFFFFFF0];
	[tilespmem:s23+$0x30] =	vst v1  }
0x94e: {  	v1 =	vadd.f32 v3, v7;
	v7 =	vld [tilespmem:s23+$0x0]  }
0x94f: {  	v9 =	vld [tilespmem:s21+$0x0]  }
.Ltmp75:
0x950: {  	[tilespmem:s23+$0xFFFFFFD0] =	vst v1;
	v1 =	vadd.f32 v2, v5;
	v2 =	vld [tilespmem:s23+$0x10];
	(pc) =	sbr.rel @p0 .LBB2_153-.Ltmp75, $4  }
0x951: {  	v4 =	vld [tilespmem:s21+$0x10]  }
0x952: {  	[tilespmem:s23+$0xFFFFFFE0] =	vst v1;
	v1 =	vadd.f32 v8, v6;
	v3 =	vld [tilespmem:s23+$0x20]  }
0x953: {  	v6 =	vld [tilespmem:s21+$0x20]  }
0x954: {  	s23 =	sadd.s32 $0x400, s23;
	v5 =	vld [tilespmem:s20+$0xFFFFFFC0];
	[tilespmem:s20+$0xFFFFFFF0] =	vst v1;
	v7 =	vadd.f32 v9, v7  }
0x955: {  	v1 =	vld [tilespmem:s16+$0x1321];
	_ =	sdelay $0x4  }
0x956: {  	(v2sf) =	vpush v1, $0x0;
	_ =	sdelay $0xe  }
0x957: {  	s21 =	spop (v2sf)  }
0x958: {  	v8 =	vld [tilespmem:s19+$0x0];
	s22 =	sshll.u32 s21, $0xC;
	s21 =	sand.u32 $0x3, s21  }
0x959: {  	v10 =	vld [tilespmem:s19+$0xFFFFFFA0];
	s22 =	sand.u32 $0xFFFFC000, s22;
	s21 =	sshll.u32 s21, $0x9  }
0x95a: {  	v12 =	vld [tilespmem:s19+$0xFFFFFFB0];
	s21 =	sor.u32 s21, s22  }
0x95b: {  	v2 =	vadd.f32 v4, v2;
	v4 =	vld [tilespmem:s19+$0xFFFFFFC0];
	s21 =	sshra.s32 s21, $0x2  }
0x95c: {  	[tilespmem:s20+$0x0] =	vst v7;
	v7 =	vld [tilespmem:s19+$0xFFFFFFD0];
	s21 =	sor.u32 $0x40, s21  }
0x95d: {  	v9 =	vld [tilespmem:s21+$0x30]  }
0x95e: {  	v11 =	vld [tilespmem:s21+$0xFFFFFFD0]  }
0x95f: {  	v0 =	vadd.f32 v0, v5;
	v13 =	vld [tilespmem:s21+$0xFFFFFFE0]  }
0x960: {  	v3 =	vadd.f32 v6, v3;
	v6 =	vld [tilespmem:s21+$0xFFFFFFF0]  }
0x961: {  	[tilespmem:s20+$0xFFFFFFC0] =	vst v0;
	v0 =	vld [tilespmem:s19+$0xFFFFFFE0]  }
0x962: {  	[tilespmem:s20+$0x10] =	vst v2;
	v2 =	vadd.f32 v9, v8;
	v8 =	vld [tilespmem:s21+$0x0]  }
0x963: {  	[tilespmem:s20+$0x20] =	vst v3;
	v1 =	vld [tilespmem:s21+$0xFFFFFFC0];
	v5 =	vadd.f32 v11, v10  }
0x964: {  	v3 =	vld [tilespmem:s21+$0x10];
	v63 =	vadd.f32 v13, v12;
	[tilespmem:s19+$0x0] =	vst v2  }
0x965: {  	v6 =	vadd.f32 v6, v4;
	[tilespmem:s19+$0xFFFFFFA0] =	vst v5;
	v2 =	vld [tilespmem:s19+$0xFFFFFFF0]  }
0x966: {  	[tilespmem:s19+$0xFFFFFFB0] =	vst v63;
	v5 =	vld [tilespmem:s21+$0x20]  }
0x967: {  	s20 =	simm.s32 $0x0;
	s22 =	sadd.s32 $0x400, s19;
	v4 =	vld [tilespmem:s19+$0xFFFFFF90];
	[tilespmem:s19+$0xFFFFFFC0] =	vst v6;
	v6 =	vadd.f32 v8, v7  }
.LBB2_155:
0x968: {  	v7 =	vld [tilespmem:s22+$0x0];
	s21 =	sadd.s32 $0x200, s21  }
0x969: {  	s20 =	sadd.s32 $0x80, s20;
	v8 =	vld [tilespmem:s21+$0x30];
	[tilespmem:s19+$0xFFFFFFD0] =	vst v6;
	v0 =	vadd.f32 v3, v0  }
0x96a: {  	p0 =	slt.u32 s20, $0x380;
	v3 =	vld [tilespmem:s21+$0xFFFFFFC0]  }
0x96b: {  	v6 =	vld [tilespmem:s22+$0xFFFFFFA0];
	[tilespmem:s19+$0xFFFFFFE0] =	vst v0;
	v0 =	vadd.f32 v5, v2  }
0x96c: {  	v2 =	vld [tilespmem:s21+$0xFFFFFFD0];
	v9 =	vadd.f32 v1, v4  }
0x96d: {  	v4 =	vld [tilespmem:s22+$0xFFFFFFB0];
	[tilespmem:s19+$0xFFFFFFF0] =	vst v0  }
0x96e: {  	v0 =	vld [tilespmem:s21+$0xFFFFFFE0];
	v5 =	vadd.f32 v8, v7;
	[tilespmem:s19+$0xFFFFFF90] =	vst v9;
	s19 =	smov.u32 s22  }
0x96f: {  	v7 =	vld [tilespmem:s22+$0xFFFFFFC0];
	v1 =	vmov v3  }
0x970: {  	v8 =	vld [tilespmem:s21+$0xFFFFFFF0];
	[tilespmem:s22+$0x0] =	vst v5  }
0x971: {  	v2 =	vadd.f32 v2, v6;
	v6 =	vld [tilespmem:s22+$0xFFFFFFD0]  }
0x972: {  	v9 =	vld [tilespmem:s21+$0x0]  }
.Ltmp76:
0x973: {  	[tilespmem:s22+$0xFFFFFFA0] =	vst v2;
	v2 =	vadd.f32 v0, v4;
	v0 =	vld [tilespmem:s22+$0xFFFFFFE0];
	(pc) =	sbr.rel @p0 .LBB2_155-.Ltmp76, $4  }
0x974: {  	v3 =	vld [tilespmem:s21+$0x10]  }
0x975: {  	[tilespmem:s22+$0xFFFFFFB0] =	vst v2;
	v7 =	vadd.f32 v8, v7;
	v2 =	vld [tilespmem:s22+$0xFFFFFFF0]  }
0x976: {  	v5 =	vld [tilespmem:s21+$0x20]  }
0x977: {  	s22 =	sadd.s32 $0x400, s22;
	v4 =	vld [tilespmem:s19+$0xFFFFFF90];
	[tilespmem:s19+$0xFFFFFFC0] =	vst v7;
	v6 =	vadd.f32 v9, v6  }
0x978: {  	_ = 	snop  }
0x979: {  	p0 =	slt.u32 s16, $0x1E  }
.Ltmp77:
0x97a: {  	v0 =	vadd.f32 v3, v0;
	(pc) =	sbr.rel @p0 .LBB2_152-.Ltmp77, $4  }
0x97b: {  	[tilespmem:s19+$0xFFFFFFD0] =	vst v6;
	v2 =	vadd.f32 v5, v2  }
0x97c: {  	[tilespmem:s19+$0xFFFFFFE0] =	vst v0;
	v63 =	vadd.f32 v1, v4  }
0x97d: {  	s20 =	sadd.s32 $0x2, s16;
	[tilespmem:s19+$0xFFFFFFF0] =	vst v2  }
0x97e: {  	s18 =	sadd.s32 $0x800, s18;
	s17 =	sadd.s32 $0x1, s17;
	s16 =	smov.u32 s20;
	[tilespmem:s19+$0xFFFFFF90] =	vst v63  }
0x97f: {  	s17 =	sld [smem:$0x7FB];
	_ =	sdelay $0x1  }
0x980: {  	s16 =	simm.s32 $0x0  }
0x981: {  	[hbm4b:s17+s16] =	stream.linear.scatter [tilespmem:s10], [sflag:$0x4], $0x8000, $0x38;
	[tilespmem:$0x11480] =	vst v63  }
0x982: {  	_ =	swait.ge [sflag:s14], $0x8000  }
0x983: {  	[sflag:s14] =	ssyncset.done $0x0  }
0x984: {  	[sflag:s14] =	ssyncadd.s32 $0xFFFF8000  }
0x985: {  	[tilespmem:s10], [sflag:$0x2] =	stream.linear.gather [hbm4b:s24+s16], $0x8000, $0x38;
	[tilespmem:$0x11480] =	vst v63  }
0x986: {  	_ =	swait.ge [sflag:s11], $0x8000  }
0x987: {  	[sflag:s11] =	ssyncset.done $0x0  }
0x988: {  	s18 =	simm.s32 $0x0;
	s17 =	simm.s32 $0x0;
	[sflag:s11] =	ssyncadd.s32 $0xFFFF8000  }
.LBB2_158:
0x989: {  	v0 =	vld [tilespmem:s16+$0x1340];
	_ =	sdelay $0x4  }
0x98a: {  	(v2sf) =	vpush v0, $0x0;
	_ =	sdelay $0xa  }
0x98b: {  	s19 =	sshll.u32 s18, $0x2;
	s20 =	sand.u32 $0x3, s17  }
0x98c: {  	s19 =	sand.u32 $0xFFFF8000, s19;
	s20 =	sshll.u32 s20, $0xA  }
0x98d: {  	s19 =	sor.u32 s20, s19  }
0x98e: {  	s19 =	sshrl.u32 s19, $0x2  }
0x98f: {  	s20 =	sor.u32 $0x14C0, s19;
	s21 =	spop (v2sf)  }
0x990: {  	v1 =	vld [tilespmem:s20+$0x30];
	s22 =	sshll.u32 s21, $0xC;
	s21 =	sand.u32 $0x3, s21  }
0x991: {  	v3 =	vld [tilespmem:s20+$0xFFFFFFD0];
	s23 =	sand.u32 $0xFFFFC000, s22;
	s21 =	sshll.u32 s21, $0x9  }
0x992: {  	v5 =	vld [tilespmem:s20+$0xFFFFFFE0];
	s21 =	sor.u32 s21, s23  }
0x993: {  	v7 =	vld [tilespmem:s20+$0xFFFFFFF0];
	s21 =	sshra.s32 s21, $0x2  }
0x994: {  	v9 =	vld [tilespmem:s20+$0x0];
	s21 =	sor.u32 $0x40, s21  }
0x995: {  	v2 =	vld [tilespmem:s21+$0x30]  }
0x996: {  	v4 =	vld [tilespmem:s21+$0xFFFFFFD0]  }
0x997: {  	v8 =	vld [tilespmem:s21+$0xFFFFFFF0]  }
0x998: {  	v6 =	vld [tilespmem:s21+$0xFFFFFFE0]  }
0x999: {  	v0 =	vld [tilespmem:s21+$0xFFFFFFC0]  }
0x99a: {  	v10 =	vld [tilespmem:s21+$0x0];
	v1 =	vadd.f32 v2, v1  }
0x99b: {  	v3 =	vadd.f32 v4, v3;
	v2 =	vld [tilespmem:s20+$0x10]  }
0x99c: {  	v4 =	vld [tilespmem:s21+$0x10];
	v7 =	vadd.f32 v8, v7;
	[tilespmem:s20+$0x30] =	vst v1  }
0x99d: {  	v1 =	vadd.f32 v6, v5;
	[tilespmem:s20+$0xFFFFFFD0] =	vst v3;
	v3 =	vld [tilespmem:s20+$0x20]  }
0x99e: {  	v6 =	vld [tilespmem:s21+$0x20];
	[tilespmem:s20+$0xFFFFFFF0] =	vst v7  }
0x99f: {  	s19 =	sadd.s32 $0x1570, s19;
	s22 =	simm.s32 $0x0;
	s23 =	sadd.s32 $0x400, s20;
	v5 =	vld [tilespmem:s20+$0xFFFFFFC0];
	v7 =	vadd.f32 v10, v9;
	[tilespmem:s20+$0xFFFFFFE0] =	vst v1  }
.LBB2_159:
0x9a0: {  	v1 =	vld [tilespmem:s23+$0x30];
	s21 =	sadd.s32 $0x200, s21  }
0x9a1: {  	s22 =	sadd.s32 $0x80, s22;
	v8 =	vld [tilespmem:s21+$0x30];
	[tilespmem:s20+$0x0] =	vst v7;
	v2 =	vadd.f32 v4, v2  }
0x9a2: {  	p0 =	slt.u32 s22, $0x380;
	v4 =	vld [tilespmem:s21+$0xFFFFFFC0]  }
0x9a3: {  	v7 =	vld [tilespmem:s23+$0xFFFFFFD0];
	[tilespmem:s20+$0x10] =	vst v2;
	v2 =	vadd.f32 v6, v3  }
0x9a4: {  	v3 =	vld [tilespmem:s21+$0xFFFFFFD0];
	v9 =	vadd.f32 v0, v5  }
0x9a5: {  	v5 =	vld [tilespmem:s23+$0xFFFFFFE0];
	[tilespmem:s20+$0x20] =	vst v2  }
0x9a6: {  	v2 =	vld [tilespmem:s21+$0xFFFFFFE0];
	v1 =	vadd.f32 v8, v1;
	[tilespmem:s20+$0xFFFFFFC0] =	vst v9;
	s20 =	smov.u32 s23  }
0x9a7: {  	v6 =	vld [tilespmem:s23+$0xFFFFFFF0];
	v0 =	vmov v4  }
0x9a8: {  	v8 =	vld [tilespmem:s21+$0xFFFFFFF0];
	[tilespmem:s23+$0x30] =	vst v1  }
0x9a9: {  	v1 =	vadd.f32 v3, v7;
	v7 =	vld [tilespmem:s23+$0x0]  }
0x9aa: {  	v9 =	vld [tilespmem:s21+$0x0]  }
.Ltmp78:
0x9ab: {  	[tilespmem:s23+$0xFFFFFFD0] =	vst v1;
	v1 =	vadd.f32 v2, v5;
	v2 =	vld [tilespmem:s23+$0x10];
	(pc) =	sbr.rel @p0 .LBB2_159-.Ltmp78, $4  }
0x9ac: {  	v4 =	vld [tilespmem:s21+$0x10]  }
0x9ad: {  	[tilespmem:s23+$0xFFFFFFE0] =	vst v1;
	v1 =	vadd.f32 v8, v6;
	v3 =	vld [tilespmem:s23+$0x20]  }
0x9ae: {  	v6 =	vld [tilespmem:s21+$0x20]  }
0x9af: {  	s23 =	sadd.s32 $0x400, s23;
	v5 =	vld [tilespmem:s20+$0xFFFFFFC0];
	[tilespmem:s20+$0xFFFFFFF0] =	vst v1;
	v7 =	vadd.f32 v9, v7  }
0x9b0: {  	v1 =	vld [tilespmem:s16+$0x1341];
	_ =	sdelay $0x4  }
0x9b1: {  	(v2sf) =	vpush v1, $0x0;
	_ =	sdelay $0xe  }
0x9b2: {  	s21 =	spop (v2sf)  }
0x9b3: {  	v8 =	vld [tilespmem:s19+$0x0];
	s22 =	sshll.u32 s21, $0xC;
	s21 =	sand.u32 $0x3, s21  }
0x9b4: {  	v10 =	vld [tilespmem:s19+$0xFFFFFFA0];
	s22 =	sand.u32 $0xFFFFC000, s22;
	s21 =	sshll.u32 s21, $0x9  }
0x9b5: {  	v12 =	vld [tilespmem:s19+$0xFFFFFFB0];
	s21 =	sor.u32 s21, s22  }
0x9b6: {  	v2 =	vadd.f32 v4, v2;
	v4 =	vld [tilespmem:s19+$0xFFFFFFC0];
	s21 =	sshra.s32 s21, $0x2  }
0x9b7: {  	[tilespmem:s20+$0x0] =	vst v7;
	v7 =	vld [tilespmem:s19+$0xFFFFFFD0];
	s21 =	sor.u32 $0x40, s21  }
0x9b8: {  	v9 =	vld [tilespmem:s21+$0x30]  }
0x9b9: {  	v11 =	vld [tilespmem:s21+$0xFFFFFFD0]  }
0x9ba: {  	v0 =	vadd.f32 v0, v5;
	v13 =	vld [tilespmem:s21+$0xFFFFFFE0]  }
0x9bb: {  	v3 =	vadd.f32 v6, v3;
	v6 =	vld [tilespmem:s21+$0xFFFFFFF0]  }
0x9bc: {  	[tilespmem:s20+$0xFFFFFFC0] =	vst v0;
	v0 =	vld [tilespmem:s19+$0xFFFFFFE0]  }
0x9bd: {  	[tilespmem:s20+$0x10] =	vst v2;
	v2 =	vadd.f32 v9, v8;
	v8 =	vld [tilespmem:s21+$0x0]  }
0x9be: {  	[tilespmem:s20+$0x20] =	vst v3;
	v1 =	vld [tilespmem:s21+$0xFFFFFFC0];
	v5 =	vadd.f32 v11, v10  }
0x9bf: {  	v3 =	vld [tilespmem:s21+$0x10];
	v63 =	vadd.f32 v13, v12;
	[tilespmem:s19+$0x0] =	vst v2  }
0x9c0: {  	v6 =	vadd.f32 v6, v4;
	[tilespmem:s19+$0xFFFFFFA0] =	vst v5;
	v2 =	vld [tilespmem:s19+$0xFFFFFFF0]  }
0x9c1: {  	[tilespmem:s19+$0xFFFFFFB0] =	vst v63;
	v5 =	vld [tilespmem:s21+$0x20]  }
0x9c2: {  	s20 =	simm.s32 $0x0;
	s22 =	sadd.s32 $0x400, s19;
	v4 =	vld [tilespmem:s19+$0xFFFFFF90];
	[tilespmem:s19+$0xFFFFFFC0] =	vst v6;
	v6 =	vadd.f32 v8, v7  }
.LBB2_161:
0x9c3: {  	v7 =	vld [tilespmem:s22+$0x0];
	s21 =	sadd.s32 $0x200, s21  }
0x9c4: {  	s20 =	sadd.s32 $0x80, s20;
	v8 =	vld [tilespmem:s21+$0x30];
	[tilespmem:s19+$0xFFFFFFD0] =	vst v6;
	v0 =	vadd.f32 v3, v0  }
0x9c5: {  	p0 =	slt.u32 s20, $0x380;
	v3 =	vld [tilespmem:s21+$0xFFFFFFC0]  }
0x9c6: {  	v6 =	vld [tilespmem:s22+$0xFFFFFFA0];
	[tilespmem:s19+$0xFFFFFFE0] =	vst v0;
	v0 =	vadd.f32 v5, v2  }
0x9c7: {  	v2 =	vld [tilespmem:s21+$0xFFFFFFD0];
	v9 =	vadd.f32 v1, v4  }
0x9c8: {  	v4 =	vld [tilespmem:s22+$0xFFFFFFB0];
	[tilespmem:s19+$0xFFFFFFF0] =	vst v0  }
0x9c9: {  	v0 =	vld [tilespmem:s21+$0xFFFFFFE0];
	v5 =	vadd.f32 v8, v7;
	[tilespmem:s19+$0xFFFFFF90] =	vst v9;
	s19 =	smov.u32 s22  }
0x9ca: {  	v7 =	vld [tilespmem:s22+$0xFFFFFFC0];
	v1 =	vmov v3  }
0x9cb: {  	v8 =	vld [tilespmem:s21+$0xFFFFFFF0];
	[tilespmem:s22+$0x0] =	vst v5  }
0x9cc: {  	v2 =	vadd.f32 v2, v6;
	v6 =	vld [tilespmem:s22+$0xFFFFFFD0]  }
0x9cd: {  	v9 =	vld [tilespmem:s21+$0x0]  }
.Ltmp79:
0x9ce: {  	[tilespmem:s22+$0xFFFFFFA0] =	vst v2;
	v2 =	vadd.f32 v0, v4;
	v0 =	vld [tilespmem:s22+$0xFFFFFFE0];
	(pc) =	sbr.rel @p0 .LBB2_161-.Ltmp79, $4  }
0x9cf: {  	v3 =	vld [tilespmem:s21+$0x10]  }
0x9d0: {  	[tilespmem:s22+$0xFFFFFFB0] =	vst v2;
	v7 =	vadd.f32 v8, v7;
	v2 =	vld [tilespmem:s22+$0xFFFFFFF0]  }
0x9d1: {  	v5 =	vld [tilespmem:s21+$0x20]  }
0x9d2: {  	s22 =	sadd.s32 $0x400, s22;
	v4 =	vld [tilespmem:s19+$0xFFFFFF90];
	[tilespmem:s19+$0xFFFFFFC0] =	vst v7;
	v6 =	vadd.f32 v9, v6  }
0x9d3: {  	_ = 	snop  }
0x9d4: {  	p0 =	slt.u32 s16, $0x1E  }
.Ltmp80:
0x9d5: {  	v0 =	vadd.f32 v3, v0;
	(pc) =	sbr.rel @p0 .LBB2_158-.Ltmp80, $4  }
0x9d6: {  	[tilespmem:s19+$0xFFFFFFD0] =	vst v6;
	v2 =	vadd.f32 v5, v2  }
0x9d7: {  	[tilespmem:s19+$0xFFFFFFE0] =	vst v0;
	v63 =	vadd.f32 v1, v4  }
0x9d8: {  	s20 =	sadd.s32 $0x2, s16;
	[tilespmem:s19+$0xFFFFFFF0] =	vst v2  }
0x9d9: {  	s18 =	sadd.s32 $0x800, s18;
	s17 =	sadd.s32 $0x1, s17;
	s16 =	smov.u32 s20;
	[tilespmem:s19+$0xFFFFFF90] =	vst v63  }
0x9da: {  	s17 =	sld [smem:$0x7FD];
	_ =	sdelay $0x1  }
0x9db: {  	s16 =	simm.s32 $0x0  }
0x9dc: {  	[hbm4b:s17+s16] =	stream.linear.scatter [tilespmem:s9], [sflag:$0x3], $0x8000, $0x38;
	[tilespmem:$0x11480] =	vst v63  }
0x9dd: {  	_ =	swait.ge [sflag:s12], $0x8000  }
0x9de: {  	[sflag:s12] =	ssyncset.done $0x0  }
0x9df: {  	[sflag:s12] =	ssyncadd.s32 $0xFFFF8000  }
0x9e0: {  	[tilespmem:s9], [sflag:$0x1] =	stream.linear.gather [hbm4b:s26+s16], $0x8000, $0x38;
	[tilespmem:$0x11480] =	vst v63  }
0x9e1: {  	_ =	swait.ge [sflag:s13], $0x8000  }
0x9e2: {  	[sflag:s13] =	ssyncset.done $0x0  }
0x9e3: {  	s18 =	simm.s32 $0x0;
	s17 =	simm.s32 $0x0;
	[sflag:s13] =	ssyncadd.s32 $0xFFFF8000  }
.LBB2_164:
0x9e4: {  	v0 =	vld [tilespmem:s16+$0x1360];
	_ =	sdelay $0x4  }
0x9e5: {  	(v2sf) =	vpush v0, $0x0;
	_ =	sdelay $0xa  }
0x9e6: {  	s19 =	sshll.u32 s18, $0x2;
	s20 =	sand.u32 $0x3, s17  }
0x9e7: {  	s19 =	sand.u32 $0xFFFF8000, s19;
	s20 =	sshll.u32 s20, $0xA  }
0x9e8: {  	s19 =	sor.u32 s20, s19  }
0x9e9: {  	s19 =	sshrl.u32 s19, $0x2  }
0x9ea: {  	s20 =	sadd.s32 $0x94C0, s19;
	s21 =	spop (v2sf)  }
0x9eb: {  	v1 =	vld [tilespmem:s20+$0x30];
	s22 =	sshll.u32 s21, $0xC;
	s21 =	sand.u32 $0x3, s21  }
0x9ec: {  	v3 =	vld [tilespmem:s20+$0xFFFFFFD0];
	s23 =	sand.u32 $0xFFFFC000, s22;
	s21 =	sshll.u32 s21, $0x9  }
0x9ed: {  	v5 =	vld [tilespmem:s20+$0xFFFFFFE0];
	s21 =	sor.u32 s21, s23  }
0x9ee: {  	v7 =	vld [tilespmem:s20+$0xFFFFFFF0];
	s21 =	sshra.s32 s21, $0x2  }
0x9ef: {  	v9 =	vld [tilespmem:s20+$0x0];
	s21 =	sor.u32 $0x40, s21  }
0x9f0: {  	v2 =	vld [tilespmem:s21+$0x30]  }
0x9f1: {  	v4 =	vld [tilespmem:s21+$0xFFFFFFD0]  }
0x9f2: {  	v8 =	vld [tilespmem:s21+$0xFFFFFFF0]  }
0x9f3: {  	v6 =	vld [tilespmem:s21+$0xFFFFFFE0]  }
0x9f4: {  	v0 =	vld [tilespmem:s21+$0xFFFFFFC0]  }
0x9f5: {  	v10 =	vld [tilespmem:s21+$0x0];
	v1 =	vadd.f32 v2, v1  }
0x9f6: {  	v3 =	vadd.f32 v4, v3;
	v2 =	vld [tilespmem:s20+$0x10]  }
0x9f7: {  	v4 =	vld [tilespmem:s21+$0x10];
	v7 =	vadd.f32 v8, v7;
	[tilespmem:s20+$0x30] =	vst v1  }
0x9f8: {  	v1 =	vadd.f32 v6, v5;
	[tilespmem:s20+$0xFFFFFFD0] =	vst v3;
	v3 =	vld [tilespmem:s20+$0x20]  }
0x9f9: {  	v6 =	vld [tilespmem:s21+$0x20];
	[tilespmem:s20+$0xFFFFFFF0] =	vst v7  }
0x9fa: {  	s19 =	sadd.s32 $0x9570, s19;
	s22 =	simm.s32 $0x0;
	s23 =	sadd.s32 $0x400, s20;
	v5 =	vld [tilespmem:s20+$0xFFFFFFC0];
	v7 =	vadd.f32 v10, v9;
	[tilespmem:s20+$0xFFFFFFE0] =	vst v1  }
.LBB2_165:
0x9fb: {  	v1 =	vld [tilespmem:s23+$0x30];
	s21 =	sadd.s32 $0x200, s21  }
0x9fc: {  	s22 =	sadd.s32 $0x80, s22;
	v8 =	vld [tilespmem:s21+$0x30];
	[tilespmem:s20+$0x0] =	vst v7;
	v2 =	vadd.f32 v4, v2  }
0x9fd: {  	p0 =	slt.u32 s22, $0x380;
	v4 =	vld [tilespmem:s21+$0xFFFFFFC0]  }
0x9fe: {  	v7 =	vld [tilespmem:s23+$0xFFFFFFD0];
	[tilespmem:s20+$0x10] =	vst v2;
	v2 =	vadd.f32 v6, v3  }
0x9ff: {  	v3 =	vld [tilespmem:s21+$0xFFFFFFD0];
	v9 =	vadd.f32 v0, v5  }
0xa00: {  	v5 =	vld [tilespmem:s23+$0xFFFFFFE0];
	[tilespmem:s20+$0x20] =	vst v2  }
0xa01: {  	v2 =	vld [tilespmem:s21+$0xFFFFFFE0];
	v1 =	vadd.f32 v8, v1;
	[tilespmem:s20+$0xFFFFFFC0] =	vst v9;
	s20 =	smov.u32 s23  }
0xa02: {  	v6 =	vld [tilespmem:s23+$0xFFFFFFF0];
	v0 =	vmov v4  }
0xa03: {  	v8 =	vld [tilespmem:s21+$0xFFFFFFF0];
	[tilespmem:s23+$0x30] =	vst v1  }
0xa04: {  	v1 =	vadd.f32 v3, v7;
	v7 =	vld [tilespmem:s23+$0x0]  }
0xa05: {  	v9 =	vld [tilespmem:s21+$0x0]  }
.Ltmp81:
0xa06: {  	[tilespmem:s23+$0xFFFFFFD0] =	vst v1;
	v1 =	vadd.f32 v2, v5;
	v2 =	vld [tilespmem:s23+$0x10];
	(pc) =	sbr.rel @p0 .LBB2_165-.Ltmp81, $4  }
0xa07: {  	v4 =	vld [tilespmem:s21+$0x10]  }
0xa08: {  	[tilespmem:s23+$0xFFFFFFE0] =	vst v1;
	v1 =	vadd.f32 v8, v6;
	v3 =	vld [tilespmem:s23+$0x20]  }
0xa09: {  	v6 =	vld [tilespmem:s21+$0x20]  }
0xa0a: {  	s23 =	sadd.s32 $0x400, s23;
	v5 =	vld [tilespmem:s20+$0xFFFFFFC0];
	[tilespmem:s20+$0xFFFFFFF0] =	vst v1;
	v7 =	vadd.f32 v9, v7  }
0xa0b: {  	v1 =	vld [tilespmem:s16+$0x1361];
	_ =	sdelay $0x4  }
0xa0c: {  	(v2sf) =	vpush v1, $0x0;
	_ =	sdelay $0xe  }
0xa0d: {  	s21 =	spop (v2sf)  }
0xa0e: {  	v8 =	vld [tilespmem:s19+$0x0];
	s22 =	sshll.u32 s21, $0xC;
	s21 =	sand.u32 $0x3, s21  }
0xa0f: {  	v10 =	vld [tilespmem:s19+$0xFFFFFFA0];
	s22 =	sand.u32 $0xFFFFC000, s22;
	s21 =	sshll.u32 s21, $0x9  }
0xa10: {  	v12 =	vld [tilespmem:s19+$0xFFFFFFB0];
	s21 =	sor.u32 s21, s22  }
0xa11: {  	v2 =	vadd.f32 v4, v2;
	v4 =	vld [tilespmem:s19+$0xFFFFFFC0];
	s21 =	sshra.s32 s21, $0x2  }
0xa12: {  	[tilespmem:s20+$0x0] =	vst v7;
	v7 =	vld [tilespmem:s19+$0xFFFFFFD0];
	s21 =	sor.u32 $0x40, s21  }
0xa13: {  	v9 =	vld [tilespmem:s21+$0x30]  }
0xa14: {  	v11 =	vld [tilespmem:s21+$0xFFFFFFD0]  }
0xa15: {  	v0 =	vadd.f32 v0, v5;
	v13 =	vld [tilespmem:s21+$0xFFFFFFE0]  }
0xa16: {  	v3 =	vadd.f32 v6, v3;
	v6 =	vld [tilespmem:s21+$0xFFFFFFF0]  }
0xa17: {  	[tilespmem:s20+$0xFFFFFFC0] =	vst v0;
	v0 =	vld [tilespmem:s19+$0xFFFFFFE0]  }
0xa18: {  	[tilespmem:s20+$0x10] =	vst v2;
	v2 =	vadd.f32 v9, v8;
	v8 =	vld [tilespmem:s21+$0x0]  }
0xa19: {  	[tilespmem:s20+$0x20] =	vst v3;
	v1 =	vld [tilespmem:s21+$0xFFFFFFC0];
	v5 =	vadd.f32 v11, v10  }
0xa1a: {  	v3 =	vld [tilespmem:s21+$0x10];
	v63 =	vadd.f32 v13, v12;
	[tilespmem:s19+$0x0] =	vst v2  }
0xa1b: {  	v6 =	vadd.f32 v6, v4;
	[tilespmem:s19+$0xFFFFFFA0] =	vst v5;
	v2 =	vld [tilespmem:s19+$0xFFFFFFF0]  }
0xa1c: {  	[tilespmem:s19+$0xFFFFFFB0] =	vst v63;
	v5 =	vld [tilespmem:s21+$0x20]  }
0xa1d: {  	s20 =	simm.s32 $0x0;
	s22 =	sadd.s32 $0x400, s19;
	v4 =	vld [tilespmem:s19+$0xFFFFFF90];
	[tilespmem:s19+$0xFFFFFFC0] =	vst v6;
	v6 =	vadd.f32 v8, v7  }
.LBB2_167:
0xa1e: {  	v7 =	vld [tilespmem:s22+$0x0];
	s21 =	sadd.s32 $0x200, s21  }
0xa1f: {  	s20 =	sadd.s32 $0x80, s20;
	v8 =	vld [tilespmem:s21+$0x30];
	[tilespmem:s19+$0xFFFFFFD0] =	vst v6;
	v0 =	vadd.f32 v3, v0  }
0xa20: {  	p0 =	slt.u32 s20, $0x380;
	v3 =	vld [tilespmem:s21+$0xFFFFFFC0]  }
0xa21: {  	v6 =	vld [tilespmem:s22+$0xFFFFFFA0];
	[tilespmem:s19+$0xFFFFFFE0] =	vst v0;
	v0 =	vadd.f32 v5, v2  }
0xa22: {  	v2 =	vld [tilespmem:s21+$0xFFFFFFD0];
	v9 =	vadd.f32 v1, v4  }
0xa23: {  	v4 =	vld [tilespmem:s22+$0xFFFFFFB0];
	[tilespmem:s19+$0xFFFFFFF0] =	vst v0  }
0xa24: {  	v0 =	vld [tilespmem:s21+$0xFFFFFFE0];
	v5 =	vadd.f32 v8, v7;
	[tilespmem:s19+$0xFFFFFF90] =	vst v9;
	s19 =	smov.u32 s22  }
0xa25: {  	v7 =	vld [tilespmem:s22+$0xFFFFFFC0];
	v1 =	vmov v3  }
0xa26: {  	v8 =	vld [tilespmem:s21+$0xFFFFFFF0];
	[tilespmem:s22+$0x0] =	vst v5  }
0xa27: {  	v2 =	vadd.f32 v2, v6;
	v6 =	vld [tilespmem:s22+$0xFFFFFFD0]  }
0xa28: {  	v9 =	vld [tilespmem:s21+$0x0]  }
.Ltmp82:
0xa29: {  	[tilespmem:s22+$0xFFFFFFA0] =	vst v2;
	v2 =	vadd.f32 v0, v4;
	v0 =	vld [tilespmem:s22+$0xFFFFFFE0];
	(pc) =	sbr.rel @p0 .LBB2_167-.Ltmp82, $4  }
0xa2a: {  	v3 =	vld [tilespmem:s21+$0x10]  }
0xa2b: {  	[tilespmem:s22+$0xFFFFFFB0] =	vst v2;
	v7 =	vadd.f32 v8, v7;
	v2 =	vld [tilespmem:s22+$0xFFFFFFF0]  }
0xa2c: {  	v5 =	vld [tilespmem:s21+$0x20]  }
0xa2d: {  	s22 =	sadd.s32 $0x400, s22;
	v4 =	vld [tilespmem:s19+$0xFFFFFF90];
	[tilespmem:s19+$0xFFFFFFC0] =	vst v7;
	v6 =	vadd.f32 v9, v6  }
0xa2e: {  	_ = 	snop  }
0xa2f: {  	p0 =	slt.u32 s16, $0x1E  }
.Ltmp83:
0xa30: {  	v0 =	vadd.f32 v3, v0;
	(pc) =	sbr.rel @p0 .LBB2_164-.Ltmp83, $4  }
0xa31: {  	[tilespmem:s19+$0xFFFFFFD0] =	vst v6;
	v2 =	vadd.f32 v5, v2  }
0xa32: {  	[tilespmem:s19+$0xFFFFFFE0] =	vst v0;
	v63 =	vadd.f32 v1, v4  }
0xa33: {  	s20 =	sadd.s32 $0x2, s16;
	[tilespmem:s19+$0xFFFFFFF0] =	vst v2  }
0xa34: {  	s18 =	sadd.s32 $0x800, s18;
	s17 =	sadd.s32 $0x1, s17;
	s16 =	smov.u32 s20;
	[tilespmem:s19+$0xFFFFFF90] =	vst v63  }
0xa35: {  	s16 =	simm.s32 $0x0  }
0xa36: {  	[hbm4b:s25+s16] =	stream.linear.scatter [tilespmem:s10], [sflag:$0x4], $0x8000, $0x38;
	[tilespmem:$0x11480] =	vst v63  }
0xa37: {  	_ =	swait.ge [sflag:s14], $0x8000  }
0xa38: {  	[sflag:s14] =	ssyncset.done $0x0  }
0xa39: {  	[sflag:s14] =	ssyncadd.s32 $0xFFFF8000  }
0xa3a: {  	[tilespmem:s10], [sflag:$0x2] =	stream.linear.gather [hbm4b:s29+s16], $0x8000, $0x38;
	[tilespmem:$0x11480] =	vst v63  }
0xa3b: {  	_ =	swait.ge [sflag:s11], $0x8000  }
0xa3c: {  	[sflag:s11] =	ssyncset.done $0x0  }
0xa3d: {  	s17 =	simm.s32 $0x0;
	s18 =	simm.s32 $0x0;
	[sflag:s11] =	ssyncadd.s32 $0xFFFF8000  }
.LBB2_170:
0xa3e: {  	v0 =	vld [tilespmem:s16+$0x1380];
	_ =	sdelay $0x4  }
0xa3f: {  	(v2sf) =	vpush v0, $0x0;
	_ =	sdelay $0xa  }
0xa40: {  	s19 =	sshll.u32 s18, $0x2;
	s20 =	sand.u32 $0x3, s17  }
0xa41: {  	s19 =	sand.u32 $0xFFFF8000, s19;
	s20 =	sshll.u32 s20, $0xA  }
0xa42: {  	s19 =	sor.u32 s20, s19  }
0xa43: {  	s19 =	sshrl.u32 s19, $0x2  }
0xa44: {  	s20 =	sor.u32 $0x14C0, s19;
	s21 =	spop (v2sf)  }
0xa45: {  	v1 =	vld [tilespmem:s20+$0x30];
	s22 =	sshll.u32 s21, $0xC;
	s21 =	sand.u32 $0x3, s21  }
0xa46: {  	v3 =	vld [tilespmem:s20+$0xFFFFFFD0];
	s23 =	sand.u32 $0xFFFFC000, s22;
	s21 =	sshll.u32 s21, $0x9  }
0xa47: {  	v5 =	vld [tilespmem:s20+$0xFFFFFFE0];
	s21 =	sor.u32 s21, s23  }
0xa48: {  	v7 =	vld [tilespmem:s20+$0xFFFFFFF0];
	s21 =	sshra.s32 s21, $0x2  }
0xa49: {  	v9 =	vld [tilespmem:s20+$0x0];
	s21 =	sor.u32 $0x40, s21  }
0xa4a: {  	v2 =	vld [tilespmem:s21+$0x30]  }
0xa4b: {  	v4 =	vld [tilespmem:s21+$0xFFFFFFD0]  }
0xa4c: {  	v8 =	vld [tilespmem:s21+$0xFFFFFFF0]  }
0xa4d: {  	v6 =	vld [tilespmem:s21+$0xFFFFFFE0]  }
0xa4e: {  	v0 =	vld [tilespmem:s21+$0xFFFFFFC0]  }
0xa4f: {  	v10 =	vld [tilespmem:s21+$0x0];
	v1 =	vadd.f32 v2, v1  }
0xa50: {  	v3 =	vadd.f32 v4, v3;
	v2 =	vld [tilespmem:s20+$0x10]  }
0xa51: {  	v4 =	vld [tilespmem:s21+$0x10];
	v7 =	vadd.f32 v8, v7;
	[tilespmem:s20+$0x30] =	vst v1  }
0xa52: {  	v1 =	vadd.f32 v6, v5;
	[tilespmem:s20+$0xFFFFFFD0] =	vst v3;
	v3 =	vld [tilespmem:s20+$0x20]  }
0xa53: {  	v6 =	vld [tilespmem:s21+$0x20];
	[tilespmem:s20+$0xFFFFFFF0] =	vst v7  }
0xa54: {  	s19 =	sadd.s32 $0x1570, s19;
	s22 =	simm.s32 $0x0;
	s23 =	sadd.s32 $0x400, s20;
	v5 =	vld [tilespmem:s20+$0xFFFFFFC0];
	v7 =	vadd.f32 v10, v9;
	[tilespmem:s20+$0xFFFFFFE0] =	vst v1  }
.LBB2_171:
0xa55: {  	v1 =	vld [tilespmem:s23+$0x30];
	s21 =	sadd.s32 $0x200, s21  }
0xa56: {  	s22 =	sadd.s32 $0x80, s22;
	v8 =	vld [tilespmem:s21+$0x30];
	[tilespmem:s20+$0x0] =	vst v7;
	v2 =	vadd.f32 v4, v2  }
0xa57: {  	p0 =	slt.u32 s22, $0x380;
	v4 =	vld [tilespmem:s21+$0xFFFFFFC0]  }
0xa58: {  	v7 =	vld [tilespmem:s23+$0xFFFFFFD0];
	[tilespmem:s20+$0x10] =	vst v2;
	v2 =	vadd.f32 v6, v3  }
0xa59: {  	v3 =	vld [tilespmem:s21+$0xFFFFFFD0];
	v9 =	vadd.f32 v0, v5  }
0xa5a: {  	v5 =	vld [tilespmem:s23+$0xFFFFFFE0];
	[tilespmem:s20+$0x20] =	vst v2  }
0xa5b: {  	v2 =	vld [tilespmem:s21+$0xFFFFFFE0];
	v1 =	vadd.f32 v8, v1;
	[tilespmem:s20+$0xFFFFFFC0] =	vst v9;
	s20 =	smov.u32 s23  }
0xa5c: {  	v6 =	vld [tilespmem:s23+$0xFFFFFFF0];
	v0 =	vmov v4  }
0xa5d: {  	v8 =	vld [tilespmem:s21+$0xFFFFFFF0];
	[tilespmem:s23+$0x30] =	vst v1  }
0xa5e: {  	v1 =	vadd.f32 v3, v7;
	v7 =	vld [tilespmem:s23+$0x0]  }
0xa5f: {  	v9 =	vld [tilespmem:s21+$0x0]  }
.Ltmp84:
0xa60: {  	[tilespmem:s23+$0xFFFFFFD0] =	vst v1;
	v1 =	vadd.f32 v2, v5;
	v2 =	vld [tilespmem:s23+$0x10];
	(pc) =	sbr.rel @p0 .LBB2_171-.Ltmp84, $4  }
0xa61: {  	v4 =	vld [tilespmem:s21+$0x10]  }
0xa62: {  	[tilespmem:s23+$0xFFFFFFE0] =	vst v1;
	v1 =	vadd.f32 v8, v6;
	v3 =	vld [tilespmem:s23+$0x20]  }
0xa63: {  	v6 =	vld [tilespmem:s21+$0x20]  }
0xa64: {  	s23 =	sadd.s32 $0x400, s23;
	v5 =	vld [tilespmem:s20+$0xFFFFFFC0];
	[tilespmem:s20+$0xFFFFFFF0] =	vst v1;
	v7 =	vadd.f32 v9, v7  }
0xa65: {  	v1 =	vld [tilespmem:s16+$0x1381];
	_ =	sdelay $0x4  }
0xa66: {  	(v2sf) =	vpush v1, $0x0;
	_ =	sdelay $0xe  }
0xa67: {  	s21 =	spop (v2sf)  }
0xa68: {  	v8 =	vld [tilespmem:s19+$0x0];
	s22 =	sshll.u32 s21, $0xC;
	s21 =	sand.u32 $0x3, s21  }
0xa69: {  	v10 =	vld [tilespmem:s19+$0xFFFFFFA0];
	s22 =	sand.u32 $0xFFFFC000, s22;
	s21 =	sshll.u32 s21, $0x9  }
0xa6a: {  	v12 =	vld [tilespmem:s19+$0xFFFFFFB0];
	s21 =	sor.u32 s21, s22  }
0xa6b: {  	v2 =	vadd.f32 v4, v2;
	v4 =	vld [tilespmem:s19+$0xFFFFFFC0];
	s21 =	sshra.s32 s21, $0x2  }
0xa6c: {  	[tilespmem:s20+$0x0] =	vst v7;
	v7 =	vld [tilespmem:s19+$0xFFFFFFD0];
	s21 =	sor.u32 $0x40, s21  }
0xa6d: {  	v9 =	vld [tilespmem:s21+$0x30]  }
0xa6e: {  	v11 =	vld [tilespmem:s21+$0xFFFFFFD0]  }
0xa6f: {  	v0 =	vadd.f32 v0, v5;
	v13 =	vld [tilespmem:s21+$0xFFFFFFE0]  }
0xa70: {  	v3 =	vadd.f32 v6, v3;
	v6 =	vld [tilespmem:s21+$0xFFFFFFF0]  }
0xa71: {  	[tilespmem:s20+$0xFFFFFFC0] =	vst v0;
	v0 =	vld [tilespmem:s19+$0xFFFFFFE0]  }
0xa72: {  	[tilespmem:s20+$0x10] =	vst v2;
	v2 =	vadd.f32 v9, v8;
	v8 =	vld [tilespmem:s21+$0x0]  }
0xa73: {  	[tilespmem:s20+$0x20] =	vst v3;
	v1 =	vld [tilespmem:s21+$0xFFFFFFC0];
	v5 =	vadd.f32 v11, v10  }
0xa74: {  	v3 =	vld [tilespmem:s21+$0x10];
	v63 =	vadd.f32 v13, v12;
	[tilespmem:s19+$0x0] =	vst v2  }
0xa75: {  	v6 =	vadd.f32 v6, v4;
	[tilespmem:s19+$0xFFFFFFA0] =	vst v5;
	v2 =	vld [tilespmem:s19+$0xFFFFFFF0]  }
0xa76: {  	[tilespmem:s19+$0xFFFFFFB0] =	vst v63;
	v5 =	vld [tilespmem:s21+$0x20]  }
0xa77: {  	s20 =	simm.s32 $0x0;
	s22 =	sadd.s32 $0x400, s19;
	v4 =	vld [tilespmem:s19+$0xFFFFFF90];
	[tilespmem:s19+$0xFFFFFFC0] =	vst v6;
	v6 =	vadd.f32 v8, v7  }
.LBB2_173:
0xa78: {  	v7 =	vld [tilespmem:s22+$0x0];
	s21 =	sadd.s32 $0x200, s21  }
0xa79: {  	s20 =	sadd.s32 $0x80, s20;
	v8 =	vld [tilespmem:s21+$0x30];
	[tilespmem:s19+$0xFFFFFFD0] =	vst v6;
	v0 =	vadd.f32 v3, v0  }
0xa7a: {  	p0 =	slt.u32 s20, $0x380;
	v3 =	vld [tilespmem:s21+$0xFFFFFFC0]  }
0xa7b: {  	v6 =	vld [tilespmem:s22+$0xFFFFFFA0];
	[tilespmem:s19+$0xFFFFFFE0] =	vst v0;
	v0 =	vadd.f32 v5, v2  }
0xa7c: {  	v2 =	vld [tilespmem:s21+$0xFFFFFFD0];
	v9 =	vadd.f32 v1, v4  }
0xa7d: {  	v4 =	vld [tilespmem:s22+$0xFFFFFFB0];
	[tilespmem:s19+$0xFFFFFFF0] =	vst v0  }
0xa7e: {  	v0 =	vld [tilespmem:s21+$0xFFFFFFE0];
	v5 =	vadd.f32 v8, v7;
	[tilespmem:s19+$0xFFFFFF90] =	vst v9;
	s19 =	smov.u32 s22  }
0xa7f: {  	v7 =	vld [tilespmem:s22+$0xFFFFFFC0];
	v1 =	vmov v3  }
0xa80: {  	v8 =	vld [tilespmem:s21+$0xFFFFFFF0];
	[tilespmem:s22+$0x0] =	vst v5  }
0xa81: {  	v2 =	vadd.f32 v2, v6;
	v6 =	vld [tilespmem:s22+$0xFFFFFFD0]  }
0xa82: {  	v9 =	vld [tilespmem:s21+$0x0]  }
.Ltmp85:
0xa83: {  	[tilespmem:s22+$0xFFFFFFA0] =	vst v2;
	v2 =	vadd.f32 v0, v4;
	v0 =	vld [tilespmem:s22+$0xFFFFFFE0];
	(pc) =	sbr.rel @p0 .LBB2_173-.Ltmp85, $4  }
0xa84: {  	v3 =	vld [tilespmem:s21+$0x10]  }
0xa85: {  	[tilespmem:s22+$0xFFFFFFB0] =	vst v2;
	v7 =	vadd.f32 v8, v7;
	v2 =	vld [tilespmem:s22+$0xFFFFFFF0]  }
0xa86: {  	v5 =	vld [tilespmem:s21+$0x20]  }
0xa87: {  	s22 =	sadd.s32 $0x400, s22;
	v4 =	vld [tilespmem:s19+$0xFFFFFF90];
	[tilespmem:s19+$0xFFFFFFC0] =	vst v7;
	v6 =	vadd.f32 v9, v6  }
0xa88: {  	_ = 	snop  }
0xa89: {  	p0 =	slt.u32 s16, $0x1E  }
.Ltmp86:
0xa8a: {  	v0 =	vadd.f32 v3, v0;
	(pc) =	sbr.rel @p0 .LBB2_170-.Ltmp86, $4  }
0xa8b: {  	[tilespmem:s19+$0xFFFFFFD0] =	vst v6;
	v2 =	vadd.f32 v5, v2  }
0xa8c: {  	[tilespmem:s19+$0xFFFFFFE0] =	vst v0;
	v63 =	vadd.f32 v1, v4  }
0xa8d: {  	s20 =	sadd.s32 $0x2, s16;
	[tilespmem:s19+$0xFFFFFFF0] =	vst v2  }
0xa8e: {  	s18 =	sadd.s32 $0x800, s18;
	s17 =	sadd.s32 $0x1, s17;
	s16 =	smov.u32 s20;
	[tilespmem:s19+$0xFFFFFF90] =	vst v63  }
0xa8f: {  	s16 =	simm.s32 $0x0  }
0xa90: {  	[hbm4b:s28+s16] =	stream.linear.scatter [tilespmem:s9], [sflag:$0x3], $0x8000, $0x38;
	[tilespmem:$0x11480] =	vst v63  }
0xa91: {  	_ =	swait.ge [sflag:s12], $0x8000  }
0xa92: {  	[sflag:s12] =	ssyncset.done $0x0  }
0xa93: {  	[sflag:s12] =	ssyncadd.s32 $0xFFFF8000  }
0xa94: {  	[tilespmem:s9], [sflag:$0x1] =	stream.linear.gather [hbm4b:s2+s16], $0x8000, $0x38;
	[tilespmem:$0x11480] =	vst v63  }
0xa95: {  	_ =	swait.ge [sflag:s13], $0x8000  }
0xa96: {  	[sflag:s13] =	ssyncset.done $0x0  }
0xa97: {  	s17 =	simm.s32 $0x0;
	s18 =	simm.s32 $0x0;
	[sflag:s13] =	ssyncadd.s32 $0xFFFF8000  }
.LBB2_176:
0xa98: {  	v0 =	vld [tilespmem:s16+$0x13A0];
	_ =	sdelay $0x4  }
0xa99: {  	(v2sf) =	vpush v0, $0x0;
	_ =	sdelay $0xa  }
0xa9a: {  	s19 =	sshll.u32 s18, $0x2;
	s20 =	sand.u32 $0x3, s17  }
0xa9b: {  	s19 =	sand.u32 $0xFFFF8000, s19;
	s20 =	sshll.u32 s20, $0xA  }
0xa9c: {  	s19 =	sor.u32 s20, s19  }
0xa9d: {  	s19 =	sshrl.u32 s19, $0x2  }
0xa9e: {  	s20 =	sadd.s32 $0x94C0, s19;
	s21 =	spop (v2sf)  }
0xa9f: {  	v1 =	vld [tilespmem:s20+$0x30];
	s22 =	sshll.u32 s21, $0xC;
	s21 =	sand.u32 $0x3, s21  }
0xaa0: {  	v3 =	vld [tilespmem:s20+$0xFFFFFFD0];
	s23 =	sand.u32 $0xFFFFC000, s22;
	s21 =	sshll.u32 s21, $0x9  }
0xaa1: {  	v5 =	vld [tilespmem:s20+$0xFFFFFFE0];
	s21 =	sor.u32 s21, s23  }
0xaa2: {  	v7 =	vld [tilespmem:s20+$0xFFFFFFF0];
	s21 =	sshra.s32 s21, $0x2  }
0xaa3: {  	v9 =	vld [tilespmem:s20+$0x0];
	s21 =	sor.u32 $0x40, s21  }
0xaa4: {  	v2 =	vld [tilespmem:s21+$0x30]  }
0xaa5: {  	v4 =	vld [tilespmem:s21+$0xFFFFFFD0]  }
0xaa6: {  	v8 =	vld [tilespmem:s21+$0xFFFFFFF0]  }
0xaa7: {  	v6 =	vld [tilespmem:s21+$0xFFFFFFE0]  }
0xaa8: {  	v0 =	vld [tilespmem:s21+$0xFFFFFFC0]  }
0xaa9: {  	v10 =	vld [tilespmem:s21+$0x0];
	v1 =	vadd.f32 v2, v1  }
0xaaa: {  	v3 =	vadd.f32 v4, v3;
	v2 =	vld [tilespmem:s20+$0x10]  }
0xaab: {  	v4 =	vld [tilespmem:s21+$0x10];
	v7 =	vadd.f32 v8, v7;
	[tilespmem:s20+$0x30] =	vst v1  }
0xaac: {  	v1 =	vadd.f32 v6, v5;
	[tilespmem:s20+$0xFFFFFFD0] =	vst v3;
	v3 =	vld [tilespmem:s20+$0x20]  }
0xaad: {  	v6 =	vld [tilespmem:s21+$0x20];
	[tilespmem:s20+$0xFFFFFFF0] =	vst v7  }
0xaae: {  	s19 =	sadd.s32 $0x9570, s19;
	s22 =	simm.s32 $0x0;
	s23 =	sadd.s32 $0x400, s20;
	v5 =	vld [tilespmem:s20+$0xFFFFFFC0];
	v7 =	vadd.f32 v10, v9;
	[tilespmem:s20+$0xFFFFFFE0] =	vst v1  }
.LBB2_177:
0xaaf: {  	v1 =	vld [tilespmem:s23+$0x30];
	s21 =	sadd.s32 $0x200, s21  }
0xab0: {  	s22 =	sadd.s32 $0x80, s22;
	v8 =	vld [tilespmem:s21+$0x30];
	[tilespmem:s20+$0x0] =	vst v7;
	v2 =	vadd.f32 v4, v2  }
0xab1: {  	p0 =	slt.u32 s22, $0x380;
	v4 =	vld [tilespmem:s21+$0xFFFFFFC0]  }
0xab2: {  	v7 =	vld [tilespmem:s23+$0xFFFFFFD0];
	[tilespmem:s20+$0x10] =	vst v2;
	v2 =	vadd.f32 v6, v3  }
0xab3: {  	v3 =	vld [tilespmem:s21+$0xFFFFFFD0];
	v9 =	vadd.f32 v0, v5  }
0xab4: {  	v5 =	vld [tilespmem:s23+$0xFFFFFFE0];
	[tilespmem:s20+$0x20] =	vst v2  }
0xab5: {  	v2 =	vld [tilespmem:s21+$0xFFFFFFE0];
	v1 =	vadd.f32 v8, v1;
	[tilespmem:s20+$0xFFFFFFC0] =	vst v9;
	s20 =	smov.u32 s23  }
0xab6: {  	v6 =	vld [tilespmem:s23+$0xFFFFFFF0];
	v0 =	vmov v4  }
0xab7: {  	v8 =	vld [tilespmem:s21+$0xFFFFFFF0];
	[tilespmem:s23+$0x30] =	vst v1  }
0xab8: {  	v1 =	vadd.f32 v3, v7;
	v7 =	vld [tilespmem:s23+$0x0]  }
0xab9: {  	v9 =	vld [tilespmem:s21+$0x0]  }
.Ltmp87:
0xaba: {  	[tilespmem:s23+$0xFFFFFFD0] =	vst v1;
	v1 =	vadd.f32 v2, v5;
	v2 =	vld [tilespmem:s23+$0x10];
	(pc) =	sbr.rel @p0 .LBB2_177-.Ltmp87, $4  }
0xabb: {  	v4 =	vld [tilespmem:s21+$0x10]  }
0xabc: {  	[tilespmem:s23+$0xFFFFFFE0] =	vst v1;
	v1 =	vadd.f32 v8, v6;
	v3 =	vld [tilespmem:s23+$0x20]  }
0xabd: {  	v6 =	vld [tilespmem:s21+$0x20]  }
0xabe: {  	s23 =	sadd.s32 $0x400, s23;
	v5 =	vld [tilespmem:s20+$0xFFFFFFC0];
	[tilespmem:s20+$0xFFFFFFF0] =	vst v1;
	v7 =	vadd.f32 v9, v7  }
0xabf: {  	v1 =	vld [tilespmem:s16+$0x13A1];
	_ =	sdelay $0x4  }
0xac0: {  	(v2sf) =	vpush v1, $0x0;
	_ =	sdelay $0xe  }
0xac1: {  	s21 =	spop (v2sf)  }
0xac2: {  	v8 =	vld [tilespmem:s19+$0x0];
	s22 =	sshll.u32 s21, $0xC;
	s21 =	sand.u32 $0x3, s21  }
0xac3: {  	v10 =	vld [tilespmem:s19+$0xFFFFFFA0];
	s22 =	sand.u32 $0xFFFFC000, s22;
	s21 =	sshll.u32 s21, $0x9  }
0xac4: {  	v12 =	vld [tilespmem:s19+$0xFFFFFFB0];
	s21 =	sor.u32 s21, s22  }
0xac5: {  	v2 =	vadd.f32 v4, v2;
	v4 =	vld [tilespmem:s19+$0xFFFFFFC0];
	s21 =	sshra.s32 s21, $0x2  }
0xac6: {  	[tilespmem:s20+$0x0] =	vst v7;
	v7 =	vld [tilespmem:s19+$0xFFFFFFD0];
	s21 =	sor.u32 $0x40, s21  }
0xac7: {  	v9 =	vld [tilespmem:s21+$0x30]  }
0xac8: {  	v11 =	vld [tilespmem:s21+$0xFFFFFFD0]  }
0xac9: {  	v0 =	vadd.f32 v0, v5;
	v13 =	vld [tilespmem:s21+$0xFFFFFFE0]  }
0xaca: {  	v3 =	vadd.f32 v6, v3;
	v6 =	vld [tilespmem:s21+$0xFFFFFFF0]  }
0xacb: {  	[tilespmem:s20+$0xFFFFFFC0] =	vst v0;
	v0 =	vld [tilespmem:s19+$0xFFFFFFE0]  }
0xacc: {  	[tilespmem:s20+$0x10] =	vst v2;
	v2 =	vadd.f32 v9, v8;
	v8 =	vld [tilespmem:s21+$0x0]  }
0xacd: {  	[tilespmem:s20+$0x20] =	vst v3;
	v1 =	vld [tilespmem:s21+$0xFFFFFFC0];
	v5 =	vadd.f32 v11, v10  }
0xace: {  	v3 =	vld [tilespmem:s21+$0x10];
	v63 =	vadd.f32 v13, v12;
	[tilespmem:s19+$0x0] =	vst v2  }
0xacf: {  	v6 =	vadd.f32 v6, v4;
	[tilespmem:s19+$0xFFFFFFA0] =	vst v5;
	v2 =	vld [tilespmem:s19+$0xFFFFFFF0]  }
0xad0: {  	[tilespmem:s19+$0xFFFFFFB0] =	vst v63;
	v5 =	vld [tilespmem:s21+$0x20]  }
0xad1: {  	s20 =	simm.s32 $0x0;
	s22 =	sadd.s32 $0x400, s19;
	v4 =	vld [tilespmem:s19+$0xFFFFFF90];
	[tilespmem:s19+$0xFFFFFFC0] =	vst v6;
	v6 =	vadd.f32 v8, v7  }
.LBB2_179:
0xad2: {  	v7 =	vld [tilespmem:s22+$0x0];
	s21 =	sadd.s32 $0x200, s21  }
0xad3: {  	s20 =	sadd.s32 $0x80, s20;
	v8 =	vld [tilespmem:s21+$0x30];
	[tilespmem:s19+$0xFFFFFFD0] =	vst v6;
	v0 =	vadd.f32 v3, v0  }
0xad4: {  	p0 =	slt.u32 s20, $0x380;
	v3 =	vld [tilespmem:s21+$0xFFFFFFC0]  }
0xad5: {  	v6 =	vld [tilespmem:s22+$0xFFFFFFA0];
	[tilespmem:s19+$0xFFFFFFE0] =	vst v0;
	v0 =	vadd.f32 v5, v2  }
0xad6: {  	v2 =	vld [tilespmem:s21+$0xFFFFFFD0];
	v9 =	vadd.f32 v1, v4  }
0xad7: {  	v4 =	vld [tilespmem:s22+$0xFFFFFFB0];
	[tilespmem:s19+$0xFFFFFFF0] =	vst v0  }
0xad8: {  	v0 =	vld [tilespmem:s21+$0xFFFFFFE0];
	v5 =	vadd.f32 v8, v7;
	[tilespmem:s19+$0xFFFFFF90] =	vst v9;
	s19 =	smov.u32 s22  }
0xad9: {  	v7 =	vld [tilespmem:s22+$0xFFFFFFC0];
	v1 =	vmov v3  }
0xada: {  	v8 =	vld [tilespmem:s21+$0xFFFFFFF0];
	[tilespmem:s22+$0x0] =	vst v5  }
0xadb: {  	v2 =	vadd.f32 v2, v6;
	v6 =	vld [tilespmem:s22+$0xFFFFFFD0]  }
0xadc: {  	v9 =	vld [tilespmem:s21+$0x0]  }
.Ltmp88:
0xadd: {  	[tilespmem:s22+$0xFFFFFFA0] =	vst v2;
	v2 =	vadd.f32 v0, v4;
	v0 =	vld [tilespmem:s22+$0xFFFFFFE0];
	(pc) =	sbr.rel @p0 .LBB2_179-.Ltmp88, $4  }
0xade: {  	v3 =	vld [tilespmem:s21+$0x10]  }
0xadf: {  	[tilespmem:s22+$0xFFFFFFB0] =	vst v2;
	v7 =	vadd.f32 v8, v7;
	v2 =	vld [tilespmem:s22+$0xFFFFFFF0]  }
0xae0: {  	v5 =	vld [tilespmem:s21+$0x20]  }
0xae1: {  	s22 =	sadd.s32 $0x400, s22;
	v4 =	vld [tilespmem:s19+$0xFFFFFF90];
	[tilespmem:s19+$0xFFFFFFC0] =	vst v7;
	v6 =	vadd.f32 v9, v6  }
0xae2: {  	_ = 	snop  }
0xae3: {  	p0 =	slt.u32 s16, $0x1E  }
.Ltmp89:
0xae4: {  	v0 =	vadd.f32 v3, v0;
	(pc) =	sbr.rel @p0 .LBB2_176-.Ltmp89, $4  }
0xae5: {  	[tilespmem:s19+$0xFFFFFFD0] =	vst v6;
	v2 =	vadd.f32 v5, v2  }
0xae6: {  	[tilespmem:s19+$0xFFFFFFE0] =	vst v0;
	v63 =	vadd.f32 v1, v4  }
0xae7: {  	s20 =	sadd.s32 $0x2, s16;
	[tilespmem:s19+$0xFFFFFFF0] =	vst v2  }
0xae8: {  	s18 =	sadd.s32 $0x800, s18;
	s17 =	sadd.s32 $0x1, s17;
	s16 =	smov.u32 s20;
	[tilespmem:s19+$0xFFFFFF90] =	vst v63  }
0xae9: {  	s16 =	simm.s32 $0x0  }
0xaea: {  	[hbm4b:s30+s16] =	stream.linear.scatter [tilespmem:s10], [sflag:$0x4], $0x8000, $0x38;
	[tilespmem:$0x11480] =	vst v63  }
0xaeb: {  	_ =	swait.ge [sflag:s14], $0x8000  }
0xaec: {  	[sflag:s14] =	ssyncset.done $0x0  }
0xaed: {  	[sflag:s14] =	ssyncadd.s32 $0xFFFF8000  }
0xaee: {  	[tilespmem:s10], [sflag:$0x2] =	stream.linear.gather [hbm4b:s3+s16], $0x8000, $0x38;
	[tilespmem:$0x11480] =	vst v63  }
0xaef: {  	_ =	swait.ge [sflag:s11], $0x8000  }
0xaf0: {  	[sflag:s11] =	ssyncset.done $0x0  }
0xaf1: {  	s17 =	simm.s32 $0x0;
	s18 =	simm.s32 $0x0;
	[sflag:s11] =	ssyncadd.s32 $0xFFFF8000  }
.LBB2_182:
0xaf2: {  	v0 =	vld [tilespmem:s16+$0x13C0];
	_ =	sdelay $0x4  }
0xaf3: {  	(v2sf) =	vpush v0, $0x0;
	_ =	sdelay $0xa  }
0xaf4: {  	s19 =	sshll.u32 s18, $0x2;
	s20 =	sand.u32 $0x3, s17  }
0xaf5: {  	s19 =	sand.u32 $0xFFFF8000, s19;
	s20 =	sshll.u32 s20, $0xA  }
0xaf6: {  	s19 =	sor.u32 s20, s19  }
0xaf7: {  	s19 =	sshrl.u32 s19, $0x2  }
0xaf8: {  	s20 =	sor.u32 $0x14C0, s19;
	s21 =	spop (v2sf)  }
0xaf9: {  	v1 =	vld [tilespmem:s20+$0x30];
	s22 =	sshll.u32 s21, $0xC;
	s21 =	sand.u32 $0x3, s21  }
0xafa: {  	v3 =	vld [tilespmem:s20+$0xFFFFFFD0];
	s23 =	sand.u32 $0xFFFFC000, s22;
	s21 =	sshll.u32 s21, $0x9  }
0xafb: {  	v5 =	vld [tilespmem:s20+$0xFFFFFFE0];
	s21 =	sor.u32 s21, s23  }
0xafc: {  	v7 =	vld [tilespmem:s20+$0xFFFFFFF0];
	s21 =	sshra.s32 s21, $0x2  }
0xafd: {  	v9 =	vld [tilespmem:s20+$0x0];
	s21 =	sor.u32 $0x40, s21  }
0xafe: {  	v2 =	vld [tilespmem:s21+$0x30]  }
0xaff: {  	v4 =	vld [tilespmem:s21+$0xFFFFFFD0]  }
0xb00: {  	v8 =	vld [tilespmem:s21+$0xFFFFFFF0]  }
0xb01: {  	v6 =	vld [tilespmem:s21+$0xFFFFFFE0]  }
0xb02: {  	v0 =	vld [tilespmem:s21+$0xFFFFFFC0]  }
0xb03: {  	v10 =	vld [tilespmem:s21+$0x0];
	v1 =	vadd.f32 v2, v1  }
0xb04: {  	v3 =	vadd.f32 v4, v3;
	v2 =	vld [tilespmem:s20+$0x10]  }
0xb05: {  	v4 =	vld [tilespmem:s21+$0x10];
	v7 =	vadd.f32 v8, v7;
	[tilespmem:s20+$0x30] =	vst v1  }
0xb06: {  	v1 =	vadd.f32 v6, v5;
	[tilespmem:s20+$0xFFFFFFD0] =	vst v3;
	v3 =	vld [tilespmem:s20+$0x20]  }
0xb07: {  	v6 =	vld [tilespmem:s21+$0x20];
	[tilespmem:s20+$0xFFFFFFF0] =	vst v7  }
0xb08: {  	s19 =	sadd.s32 $0x1570, s19;
	s22 =	simm.s32 $0x0;
	s23 =	sadd.s32 $0x400, s20;
	v5 =	vld [tilespmem:s20+$0xFFFFFFC0];
	v7 =	vadd.f32 v10, v9;
	[tilespmem:s20+$0xFFFFFFE0] =	vst v1  }
.LBB2_183:
0xb09: {  	v1 =	vld [tilespmem:s23+$0x30];
	s21 =	sadd.s32 $0x200, s21  }
0xb0a: {  	s22 =	sadd.s32 $0x80, s22;
	v8 =	vld [tilespmem:s21+$0x30];
	[tilespmem:s20+$0x0] =	vst v7;
	v2 =	vadd.f32 v4, v2  }
0xb0b: {  	p0 =	slt.u32 s22, $0x380;
	v4 =	vld [tilespmem:s21+$0xFFFFFFC0]  }
0xb0c: {  	v7 =	vld [tilespmem:s23+$0xFFFFFFD0];
	[tilespmem:s20+$0x10] =	vst v2;
	v2 =	vadd.f32 v6, v3  }
0xb0d: {  	v3 =	vld [tilespmem:s21+$0xFFFFFFD0];
	v9 =	vadd.f32 v0, v5  }
0xb0e: {  	v5 =	vld [tilespmem:s23+$0xFFFFFFE0];
	[tilespmem:s20+$0x20] =	vst v2  }
0xb0f: {  	v2 =	vld [tilespmem:s21+$0xFFFFFFE0];
	v1 =	vadd.f32 v8, v1;
	[tilespmem:s20+$0xFFFFFFC0] =	vst v9;
	s20 =	smov.u32 s23  }
0xb10: {  	v6 =	vld [tilespmem:s23+$0xFFFFFFF0];
	v0 =	vmov v4  }
0xb11: {  	v8 =	vld [tilespmem:s21+$0xFFFFFFF0];
	[tilespmem:s23+$0x30] =	vst v1  }
0xb12: {  	v1 =	vadd.f32 v3, v7;
	v7 =	vld [tilespmem:s23+$0x0]  }
0xb13: {  	v9 =	vld [tilespmem:s21+$0x0]  }
.Ltmp90:
0xb14: {  	[tilespmem:s23+$0xFFFFFFD0] =	vst v1;
	v1 =	vadd.f32 v2, v5;
	v2 =	vld [tilespmem:s23+$0x10];
	(pc) =	sbr.rel @p0 .LBB2_183-.Ltmp90, $4  }
0xb15: {  	v4 =	vld [tilespmem:s21+$0x10]  }
0xb16: {  	[tilespmem:s23+$0xFFFFFFE0] =	vst v1;
	v1 =	vadd.f32 v8, v6;
	v3 =	vld [tilespmem:s23+$0x20]  }
0xb17: {  	v6 =	vld [tilespmem:s21+$0x20]  }
0xb18: {  	s23 =	sadd.s32 $0x400, s23;
	v5 =	vld [tilespmem:s20+$0xFFFFFFC0];
	[tilespmem:s20+$0xFFFFFFF0] =	vst v1;
	v7 =	vadd.f32 v9, v7  }
0xb19: {  	v1 =	vld [tilespmem:s16+$0x13C1];
	_ =	sdelay $0x4  }
0xb1a: {  	(v2sf) =	vpush v1, $0x0;
	_ =	sdelay $0xe  }
0xb1b: {  	s21 =	spop (v2sf)  }
0xb1c: {  	v8 =	vld [tilespmem:s19+$0x0];
	s22 =	sshll.u32 s21, $0xC;
	s21 =	sand.u32 $0x3, s21  }
0xb1d: {  	v10 =	vld [tilespmem:s19+$0xFFFFFFA0];
	s22 =	sand.u32 $0xFFFFC000, s22;
	s21 =	sshll.u32 s21, $0x9  }
0xb1e: {  	v12 =	vld [tilespmem:s19+$0xFFFFFFB0];
	s21 =	sor.u32 s21, s22  }
0xb1f: {  	v2 =	vadd.f32 v4, v2;
	v4 =	vld [tilespmem:s19+$0xFFFFFFC0];
	s21 =	sshra.s32 s21, $0x2  }
0xb20: {  	[tilespmem:s20+$0x0] =	vst v7;
	v7 =	vld [tilespmem:s19+$0xFFFFFFD0];
	s21 =	sor.u32 $0x40, s21  }
0xb21: {  	v9 =	vld [tilespmem:s21+$0x30]  }
0xb22: {  	v11 =	vld [tilespmem:s21+$0xFFFFFFD0]  }
0xb23: {  	v0 =	vadd.f32 v0, v5;
	v13 =	vld [tilespmem:s21+$0xFFFFFFE0]  }
0xb24: {  	v3 =	vadd.f32 v6, v3;
	v6 =	vld [tilespmem:s21+$0xFFFFFFF0]  }
0xb25: {  	[tilespmem:s20+$0xFFFFFFC0] =	vst v0;
	v0 =	vld [tilespmem:s19+$0xFFFFFFE0]  }
0xb26: {  	[tilespmem:s20+$0x10] =	vst v2;
	v2 =	vadd.f32 v9, v8;
	v8 =	vld [tilespmem:s21+$0x0]  }
0xb27: {  	[tilespmem:s20+$0x20] =	vst v3;
	v1 =	vld [tilespmem:s21+$0xFFFFFFC0];
	v5 =	vadd.f32 v11, v10  }
0xb28: {  	v3 =	vld [tilespmem:s21+$0x10];
	v63 =	vadd.f32 v13, v12;
	[tilespmem:s19+$0x0] =	vst v2  }
0xb29: {  	v6 =	vadd.f32 v6, v4;
	[tilespmem:s19+$0xFFFFFFA0] =	vst v5;
	v2 =	vld [tilespmem:s19+$0xFFFFFFF0]  }
0xb2a: {  	[tilespmem:s19+$0xFFFFFFB0] =	vst v63;
	v5 =	vld [tilespmem:s21+$0x20]  }
0xb2b: {  	s20 =	simm.s32 $0x0;
	s22 =	sadd.s32 $0x400, s19;
	v4 =	vld [tilespmem:s19+$0xFFFFFF90];
	[tilespmem:s19+$0xFFFFFFC0] =	vst v6;
	v6 =	vadd.f32 v8, v7  }
.LBB2_185:
0xb2c: {  	v7 =	vld [tilespmem:s22+$0x0];
	s21 =	sadd.s32 $0x200, s21  }
0xb2d: {  	s20 =	sadd.s32 $0x80, s20;
	v8 =	vld [tilespmem:s21+$0x30];
	[tilespmem:s19+$0xFFFFFFD0] =	vst v6;
	v0 =	vadd.f32 v3, v0  }
0xb2e: {  	p0 =	slt.u32 s20, $0x380;
	v3 =	vld [tilespmem:s21+$0xFFFFFFC0]  }
0xb2f: {  	v6 =	vld [tilespmem:s22+$0xFFFFFFA0];
	[tilespmem:s19+$0xFFFFFFE0] =	vst v0;
	v0 =	vadd.f32 v5, v2  }
0xb30: {  	v2 =	vld [tilespmem:s21+$0xFFFFFFD0];
	v9 =	vadd.f32 v1, v4  }
0xb31: {  	v4 =	vld [tilespmem:s22+$0xFFFFFFB0];
	[tilespmem:s19+$0xFFFFFFF0] =	vst v0  }
0xb32: {  	v0 =	vld [tilespmem:s21+$0xFFFFFFE0];
	v5 =	vadd.f32 v8, v7;
	[tilespmem:s19+$0xFFFFFF90] =	vst v9;
	s19 =	smov.u32 s22  }
0xb33: {  	v7 =	vld [tilespmem:s22+$0xFFFFFFC0];
	v1 =	vmov v3  }
0xb34: {  	v8 =	vld [tilespmem:s21+$0xFFFFFFF0];
	[tilespmem:s22+$0x0] =	vst v5  }
0xb35: {  	v2 =	vadd.f32 v2, v6;
	v6 =	vld [tilespmem:s22+$0xFFFFFFD0]  }
0xb36: {  	v9 =	vld [tilespmem:s21+$0x0]  }
.Ltmp91:
0xb37: {  	[tilespmem:s22+$0xFFFFFFA0] =	vst v2;
	v2 =	vadd.f32 v0, v4;
	v0 =	vld [tilespmem:s22+$0xFFFFFFE0];
	(pc) =	sbr.rel @p0 .LBB2_185-.Ltmp91, $4  }
0xb38: {  	v3 =	vld [tilespmem:s21+$0x10]  }
0xb39: {  	[tilespmem:s22+$0xFFFFFFB0] =	vst v2;
	v7 =	vadd.f32 v8, v7;
	v2 =	vld [tilespmem:s22+$0xFFFFFFF0]  }
0xb3a: {  	v5 =	vld [tilespmem:s21+$0x20]  }
0xb3b: {  	s22 =	sadd.s32 $0x400, s22;
	v4 =	vld [tilespmem:s19+$0xFFFFFF90];
	[tilespmem:s19+$0xFFFFFFC0] =	vst v7;
	v6 =	vadd.f32 v9, v6  }
0xb3c: {  	_ = 	snop  }
0xb3d: {  	p0 =	slt.u32 s16, $0x1E  }
.Ltmp92:
0xb3e: {  	v0 =	vadd.f32 v3, v0;
	(pc) =	sbr.rel @p0 .LBB2_182-.Ltmp92, $4  }
0xb3f: {  	[tilespmem:s19+$0xFFFFFFD0] =	vst v6;
	v2 =	vadd.f32 v5, v2  }
0xb40: {  	[tilespmem:s19+$0xFFFFFFE0] =	vst v0;
	v63 =	vadd.f32 v1, v4  }
0xb41: {  	s20 =	sadd.s32 $0x2, s16;
	[tilespmem:s19+$0xFFFFFFF0] =	vst v2  }
0xb42: {  	s18 =	sadd.s32 $0x800, s18;
	s17 =	sadd.s32 $0x1, s17;
	s16 =	smov.u32 s20;
	[tilespmem:s19+$0xFFFFFF90] =	vst v63  }
0xb43: {  	s16 =	simm.s32 $0x0  }
0xb44: {  	[hbm4b:s4+s16] =	stream.linear.scatter [tilespmem:s9], [sflag:$0x3], $0x8000, $0x38;
	[tilespmem:$0x11480] =	vst v63  }
0xb45: {  	_ =	swait.ge [sflag:s13], $0x8000  }
0xb46: {  	[sflag:s13] =	ssyncset.done $0x0  }
0xb47: {  	s17 =	simm.s32 $0x0;
	s18 =	simm.s32 $0x0;
	[sflag:s13] =	ssyncadd.s32 $0xFFFF8000  }
.LBB2_188:
0xb48: {  	v0 =	vld [tilespmem:s16+$0x13E0];
	_ =	sdelay $0x4  }
0xb49: {  	(v2sf) =	vpush v0, $0x0;
	_ =	sdelay $0xa  }
0xb4a: {  	s19 =	sshll.u32 s18, $0x2;
	s20 =	sand.u32 $0x3, s17  }
0xb4b: {  	s19 =	sand.u32 $0xFFFF8000, s19;
	s20 =	sshll.u32 s20, $0xA  }
0xb4c: {  	s19 =	sor.u32 s20, s19  }
0xb4d: {  	s19 =	sshrl.u32 s19, $0x2  }
0xb4e: {  	s20 =	sadd.s32 $0x94C0, s19;
	s21 =	spop (v2sf)  }
0xb4f: {  	v1 =	vld [tilespmem:s20+$0x30];
	s22 =	sshll.u32 s21, $0xC;
	s21 =	sand.u32 $0x3, s21  }
0xb50: {  	v3 =	vld [tilespmem:s20+$0xFFFFFFD0];
	s23 =	sand.u32 $0xFFFFC000, s22;
	s21 =	sshll.u32 s21, $0x9  }
0xb51: {  	v5 =	vld [tilespmem:s20+$0xFFFFFFE0];
	s21 =	sor.u32 s21, s23  }
0xb52: {  	v7 =	vld [tilespmem:s20+$0xFFFFFFF0];
	s21 =	sshra.s32 s21, $0x2  }
0xb53: {  	v9 =	vld [tilespmem:s20+$0x0];
	s21 =	sor.u32 $0x40, s21  }
0xb54: {  	v2 =	vld [tilespmem:s21+$0x30]  }
0xb55: {  	v4 =	vld [tilespmem:s21+$0xFFFFFFD0]  }
0xb56: {  	v8 =	vld [tilespmem:s21+$0xFFFFFFF0]  }
0xb57: {  	v6 =	vld [tilespmem:s21+$0xFFFFFFE0]  }
0xb58: {  	v0 =	vld [tilespmem:s21+$0xFFFFFFC0]  }
0xb59: {  	v10 =	vld [tilespmem:s21+$0x0];
	v1 =	vadd.f32 v2, v1  }
0xb5a: {  	v3 =	vadd.f32 v4, v3;
	v2 =	vld [tilespmem:s20+$0x10]  }
0xb5b: {  	v4 =	vld [tilespmem:s21+$0x10];
	v7 =	vadd.f32 v8, v7;
	[tilespmem:s20+$0x30] =	vst v1  }
0xb5c: {  	v1 =	vadd.f32 v6, v5;
	[tilespmem:s20+$0xFFFFFFD0] =	vst v3;
	v3 =	vld [tilespmem:s20+$0x20]  }
0xb5d: {  	v6 =	vld [tilespmem:s21+$0x20];
	[tilespmem:s20+$0xFFFFFFF0] =	vst v7  }
0xb5e: {  	s19 =	sadd.s32 $0x9570, s19;
	s22 =	simm.s32 $0x0;
	s23 =	sadd.s32 $0x400, s20;
	v5 =	vld [tilespmem:s20+$0xFFFFFFC0];
	v7 =	vadd.f32 v10, v9;
	[tilespmem:s20+$0xFFFFFFE0] =	vst v1  }
.LBB2_189:
0xb5f: {  	v1 =	vld [tilespmem:s23+$0x30];
	s21 =	sadd.s32 $0x200, s21  }
0xb60: {  	s22 =	sadd.s32 $0x80, s22;
	v8 =	vld [tilespmem:s21+$0x30];
	[tilespmem:s20+$0x0] =	vst v7;
	v2 =	vadd.f32 v4, v2  }
0xb61: {  	p0 =	slt.u32 s22, $0x380;
	v4 =	vld [tilespmem:s21+$0xFFFFFFC0]  }
0xb62: {  	v7 =	vld [tilespmem:s23+$0xFFFFFFD0];
	[tilespmem:s20+$0x10] =	vst v2;
	v2 =	vadd.f32 v6, v3  }
0xb63: {  	v3 =	vld [tilespmem:s21+$0xFFFFFFD0];
	v9 =	vadd.f32 v0, v5  }
0xb64: {  	v5 =	vld [tilespmem:s23+$0xFFFFFFE0];
	[tilespmem:s20+$0x20] =	vst v2  }
0xb65: {  	v2 =	vld [tilespmem:s21+$0xFFFFFFE0];
	v1 =	vadd.f32 v8, v1;
	[tilespmem:s20+$0xFFFFFFC0] =	vst v9;
	s20 =	smov.u32 s23  }
0xb66: {  	v6 =	vld [tilespmem:s23+$0xFFFFFFF0];
	v0 =	vmov v4  }
0xb67: {  	v8 =	vld [tilespmem:s21+$0xFFFFFFF0];
	[tilespmem:s23+$0x30] =	vst v1  }
0xb68: {  	v1 =	vadd.f32 v3, v7;
	v7 =	vld [tilespmem:s23+$0x0]  }
0xb69: {  	v9 =	vld [tilespmem:s21+$0x0]  }
.Ltmp93:
0xb6a: {  	[tilespmem:s23+$0xFFFFFFD0] =	vst v1;
	v1 =	vadd.f32 v2, v5;
	v2 =	vld [tilespmem:s23+$0x10];
	(pc) =	sbr.rel @p0 .LBB2_189-.Ltmp93, $4  }
0xb6b: {  	v4 =	vld [tilespmem:s21+$0x10]  }
0xb6c: {  	[tilespmem:s23+$0xFFFFFFE0] =	vst v1;
	v1 =	vadd.f32 v8, v6;
	v3 =	vld [tilespmem:s23+$0x20]  }
0xb6d: {  	v6 =	vld [tilespmem:s21+$0x20]  }
0xb6e: {  	s23 =	sadd.s32 $0x400, s23;
	v5 =	vld [tilespmem:s20+$0xFFFFFFC0];
	[tilespmem:s20+$0xFFFFFFF0] =	vst v1;
	v7 =	vadd.f32 v9, v7  }
0xb6f: {  	v1 =	vld [tilespmem:s16+$0x13E1];
	_ =	sdelay $0x4  }
0xb70: {  	(v2sf) =	vpush v1, $0x0;
	_ =	sdelay $0xe  }
0xb71: {  	s21 =	spop (v2sf)  }
0xb72: {  	v8 =	vld [tilespmem:s19+$0x0];
	s22 =	sshll.u32 s21, $0xC;
	s21 =	sand.u32 $0x3, s21  }
0xb73: {  	v10 =	vld [tilespmem:s19+$0xFFFFFFA0];
	s22 =	sand.u32 $0xFFFFC000, s22;
	s21 =	sshll.u32 s21, $0x9  }
0xb74: {  	v12 =	vld [tilespmem:s19+$0xFFFFFFB0];
	s21 =	sor.u32 s21, s22  }
0xb75: {  	v2 =	vadd.f32 v4, v2;
	v4 =	vld [tilespmem:s19+$0xFFFFFFC0];
	s21 =	sshra.s32 s21, $0x2  }
0xb76: {  	[tilespmem:s20+$0x0] =	vst v7;
	v7 =	vld [tilespmem:s19+$0xFFFFFFD0];
	s21 =	sor.u32 $0x40, s21  }
0xb77: {  	v9 =	vld [tilespmem:s21+$0x30]  }
0xb78: {  	v11 =	vld [tilespmem:s21+$0xFFFFFFD0]  }
0xb79: {  	v0 =	vadd.f32 v0, v5;
	v13 =	vld [tilespmem:s21+$0xFFFFFFE0]  }
0xb7a: {  	v3 =	vadd.f32 v6, v3;
	v6 =	vld [tilespmem:s21+$0xFFFFFFF0]  }
0xb7b: {  	[tilespmem:s20+$0xFFFFFFC0] =	vst v0;
	v0 =	vld [tilespmem:s19+$0xFFFFFFE0]  }
0xb7c: {  	[tilespmem:s20+$0x10] =	vst v2;
	v2 =	vadd.f32 v9, v8;
	v8 =	vld [tilespmem:s21+$0x0]  }
0xb7d: {  	[tilespmem:s20+$0x20] =	vst v3;
	v1 =	vld [tilespmem:s21+$0xFFFFFFC0];
	v5 =	vadd.f32 v11, v10  }
0xb7e: {  	v3 =	vld [tilespmem:s21+$0x10];
	v63 =	vadd.f32 v13, v12;
	[tilespmem:s19+$0x0] =	vst v2  }
0xb7f: {  	v6 =	vadd.f32 v6, v4;
	[tilespmem:s19+$0xFFFFFFA0] =	vst v5;
	v2 =	vld [tilespmem:s19+$0xFFFFFFF0]  }
0xb80: {  	[tilespmem:s19+$0xFFFFFFB0] =	vst v63;
	v5 =	vld [tilespmem:s21+$0x20]  }
0xb81: {  	s20 =	simm.s32 $0x0;
	s22 =	sadd.s32 $0x400, s19;
	v4 =	vld [tilespmem:s19+$0xFFFFFF90];
	[tilespmem:s19+$0xFFFFFFC0] =	vst v6;
	v6 =	vadd.f32 v8, v7  }
.LBB2_191:
0xb82: {  	v7 =	vld [tilespmem:s22+$0x0];
	s21 =	sadd.s32 $0x200, s21  }
0xb83: {  	s20 =	sadd.s32 $0x80, s20;
	v8 =	vld [tilespmem:s21+$0x30];
	[tilespmem:s19+$0xFFFFFFD0] =	vst v6;
	v0 =	vadd.f32 v3, v0  }
0xb84: {  	p0 =	slt.u32 s20, $0x380;
	v3 =	vld [tilespmem:s21+$0xFFFFFFC0]  }
0xb85: {  	v6 =	vld [tilespmem:s22+$0xFFFFFFA0];
	[tilespmem:s19+$0xFFFFFFE0] =	vst v0;
	v0 =	vadd.f32 v5, v2  }
0xb86: {  	v2 =	vld [tilespmem:s21+$0xFFFFFFD0];
	v9 =	vadd.f32 v1, v4  }
0xb87: {  	v4 =	vld [tilespmem:s22+$0xFFFFFFB0];
	[tilespmem:s19+$0xFFFFFFF0] =	vst v0  }
0xb88: {  	v0 =	vld [tilespmem:s21+$0xFFFFFFE0];
	v5 =	vadd.f32 v8, v7;
	[tilespmem:s19+$0xFFFFFF90] =	vst v9;
	s19 =	smov.u32 s22  }
0xb89: {  	v7 =	vld [tilespmem:s22+$0xFFFFFFC0];
	v1 =	vmov v3  }
0xb8a: {  	v8 =	vld [tilespmem:s21+$0xFFFFFFF0];
	[tilespmem:s22+$0x0] =	vst v5  }
0xb8b: {  	v2 =	vadd.f32 v2, v6;
	v6 =	vld [tilespmem:s22+$0xFFFFFFD0]  }
0xb8c: {  	v9 =	vld [tilespmem:s21+$0x0]  }
.Ltmp94:
0xb8d: {  	[tilespmem:s22+$0xFFFFFFA0] =	vst v2;
	v2 =	vadd.f32 v0, v4;
	v0 =	vld [tilespmem:s22+$0xFFFFFFE0];
	(pc) =	sbr.rel @p0 .LBB2_191-.Ltmp94, $4  }
0xb8e: {  	v3 =	vld [tilespmem:s21+$0x10]  }
0xb8f: {  	[tilespmem:s22+$0xFFFFFFB0] =	vst v2;
	v7 =	vadd.f32 v8, v7;
	v2 =	vld [tilespmem:s22+$0xFFFFFFF0]  }
0xb90: {  	v5 =	vld [tilespmem:s21+$0x20]  }
0xb91: {  	s22 =	sadd.s32 $0x400, s22;
	v4 =	vld [tilespmem:s19+$0xFFFFFF90];
	[tilespmem:s19+$0xFFFFFFC0] =	vst v7;
	v6 =	vadd.f32 v9, v6  }
0xb92: {  	_ = 	snop  }
0xb93: {  	p0 =	slt.u32 s16, $0x1E  }
.Ltmp95:
0xb94: {  	v0 =	vadd.f32 v3, v0;
	(pc) =	sbr.rel @p0 .LBB2_188-.Ltmp95, $4  }
0xb95: {  	[tilespmem:s19+$0xFFFFFFD0] =	vst v6;
	v2 =	vadd.f32 v5, v2  }
0xb96: {  	[tilespmem:s19+$0xFFFFFFE0] =	vst v0;
	v63 =	vadd.f32 v1, v4  }
0xb97: {  	s20 =	sadd.s32 $0x2, s16;
	[tilespmem:s19+$0xFFFFFFF0] =	vst v2  }
0xb98: {  	s18 =	sadd.s32 $0x800, s18;
	s17 =	sadd.s32 $0x1, s17;
	s16 =	smov.u32 s20;
	[tilespmem:s19+$0xFFFFFF90] =	vst v63  }
0xb99: {  	[hbm4b:s5+s1] =	stream.linear.scatter [tilespmem:s10], [sflag:$0x4], $0x8000, $0x38;
	[tilespmem:$0x11480] =	vst v63  }
0xb9a: {  	s15 =	sadd.s32 $0x1, s15  }
0xb9b: {  	_ =	swait.ge [sflag:s12], $0x8000;
	p0 =	sne.s32 s15, s7  }
.Ltmp96:
0xb9c: {  	[sflag:s12] =	ssyncset.done $0x0;
	(pc) =	sbr.rel @p0 .LBB2_1-.Ltmp96, $4  }
0xb9d: {  	[sflag:s12] =	ssyncadd.s32 $0xFFFF8000  }
0xb9e: {  	_ =	swait.ge [sflag:s14], $0x8000  }
0xb9f: {  	[sflag:s14] =	ssyncset.done $0x0  }
0xba0: {  	[sflag:s14] =	ssyncadd.s32 $0xFFFF8000  }
0xba1: {  	_ =	sfence.sel $0x180000  }
0xba2: {  	[bflag:$0x0] =	sbarrier.arrive $0xFFFF  }
0xba3: {  	_ =	strace $0x90000047  }
0xba4: {  	s0 =	stileid.u32;
	[bflag:$0x2] =	sbarrier.arrive $0xFFFF  }
0xba5: {  	p0 =	sne.s32 s0, $0x0;
	s0 =	rddreg [dreg:$0x4]  }
0xba6: {  	s0 =	sadd.s32 @!p0 $0x100000, s0  }
0xba7: {  	[sflag:s0] =	ssyncadd.tile.s32 @!p0 $0x1;
	_ =	shalt  }
.Lfunc_end2:
_tile_overlayer_lowered:
.L_overlay_start_2:
0xba8: {  	(tag) =	ssettag $0x2  }
0xba9: {  	s0 =	rddreg [dreg:$0x0];
	s2 =	stileid.u32  }
0xbaa: {  	s1 =	rddreg [dreg:$0x1];
	p0 =	sne.s32 s2, $0x0  }
0xbab: {  	s3 =	rddreg [dreg:$0x2];
	[bflag:$0x3] =	sbarrier.arrive $0xFFFF;
	s2 =	simm.s32 @!p0 $0x1C05  }
0xbac: {  	[timem:s3], [sflag:s2] =	dma.local @!p0 [hbm:s0], s1  }
0xbad: {  	s0 =	simm.s32 @!p0 $0x5  }
0xbae: {  	_ =	swait.ge @!p0 [sflag:s0], s1  }
0xbaf: {  	s1 =	ssub.s32 @!p0 $0x0, s1;
	[sflag:s0] =	ssyncset.done @!p0 $0x0  }
0xbb0: {  	[sflag:s0] =	ssyncadd.s32 @!p0 s1  }
0xbb1: {  	[bflag:$0x3] =	sbarrier.arrive $0xFFFF  }
0xbb2: {  	_ =	shalt  }

</sc_bundles>
